<compile_context>
chip_gen: v7x
topology: tpu7x:2x2x1
jax: 0.10.2.dev20260603
libtpu: 0.0.44.dev20260713+nightly
codegen_flags: <defaults>
</compile_context>

<pallas_src>
import functools

import jax
import jax.numpy as jnp
from jax import lax
from jax.experimental import pallas as pl
from jax.experimental.pallas import tpu as pltpu
from jax.experimental.pallas import tpu_sc as plsc

N = 10000
E = 160000
R = 10240
NR = 2 * R
EP = 163840
D = 256
HALF = 128
EMB = 64
BLK = 512
GRID = NR // BLK
GBLK = R // BLK
NSUB = 16
EDGE_W = EP // NSUB
NBLK_E = EDGE_W // 128
SLICE = R // NSUB
ROWS_W = NR // NSUB

f32 = jnp.float32
bf16 = jnp.bfloat16
i32 = jnp.int32



def _prep_body(utab, btab, ui, bi, dstp, ones_hbm, zeros128,
               u_out, b_out, deg_out,
               idx_v, rows_v, ones_v, deg_sh, sem):
    c = lax.axis_index("c")
    s = lax.axis_index("s")

    @pl.when(c == 1)
    def _emb():
        for blk in range(ROWS_W // 128):
            base = pl.multiple_of(s * ROWS_W + blk * 128, 128)
            pltpu.sync_copy(ui.at[pl.ds(base, 128)], idx_v)
            pltpu.async_copy(utab.at[idx_v], rows_v, sem).wait()
            pltpu.sync_copy(rows_v, u_out.at[pl.ds(base, 128)])
            pltpu.sync_copy(bi.at[pl.ds(base, 128)], idx_v)
            pltpu.async_copy(btab.at[idx_v], rows_v, sem).wait()
            pltpu.sync_copy(rows_v, b_out.at[pl.ds(base, 128)])

    @pl.when(c == 0)
    def _deg():
        sbase = pl.multiple_of(s * SLICE, 128)
        pltpu.sync_copy(zeros128, deg_sh.at[pl.ds(sbase, SLICE)])
        pltpu.sync_copy(ones_hbm, ones_v)
        plsc.subcore_barrier()

        def body(blk, carry):
            base = pl.multiple_of(s * EDGE_W + blk * 128, 128)
            pltpu.sync_copy(dstp.at[pl.ds(base, 128)], idx_v)
            pltpu.sync_copy(ones_v, deg_sh.at[idx_v], add=True)
            return carry

        lax.fori_loop(0, NBLK_E, body, 0)
        plsc.subcore_barrier()
        pltpu.sync_copy(deg_sh.at[pl.ds(sbase, SLICE)],
                        deg_out.at[pl.ds(sbase, SLICE)])


TILE_E = 64
NT = EDGE_W // TILE_E
NSLOT = 4
LAG = 2


def _spmm_body(hsa, hsb, src2, dst3, zeros128,
               scata, scatb,
               src_big, dst_ring, rows_v, out_sh, *sems):
    gsems = sems[0:NSLOT]
    ssems = sems[NSLOT:2 * NSLOT]
    isems = sems[2 * NSLOT:3 * NSLOT]
    g = lax.axis_index("c")
    s = lax.axis_index("s")
    sbase = pl.multiple_of(s * SLICE, 128)
    ebase = pl.multiple_of(g * EP + s * EDGE_W, 128)
    pltpu.sync_copy(src2.at[pl.ds(ebase, EDGE_W)], src_big)

    for hs_ref, scat_ref in ((hsa, scata), (hsb, scatb)):
        pltpu.sync_copy(zeros128, out_sh.at[pl.ds(sbase, SLICE)])

        def fire(t, j, hs_ref=hs_ref):
            pltpu.async_copy(dst3.at[s * NT + t], dst_ring.at[j], isems[j])
            eoff = pl.multiple_of(t * TILE_E, 8)
            pltpu.async_copy(
                hs_ref.at[src_big.at[pl.ds(eoff, TILE_E)]],
                rows_v.at[pl.ds(j * TILE_E, TILE_E)], gsems[j])

        def drain_g(j, hs_ref=hs_ref):
            pltpu.make_async_copy(hs_ref.at[pl.ds(0, TILE_E)],
                                  rows_v.at[pl.ds(j * TILE_E, TILE_E)],
                                  gsems[j]).wait()
            pltpu.make_async_copy(dst3.at[0], dst_ring.at[j],
                                  isems[j]).wait()

        def scat(j):
            pltpu.async_copy(rows_v.at[pl.ds(j * TILE_E, TILE_E)],
                             out_sh.at[dst_ring.at[j]], ssems[j], add=True)

        def drain_s(j, hs_ref=hs_ref):
            pltpu.make_async_copy(hs_ref.at[pl.ds(0, TILE_E)],
                                  rows_v.at[pl.ds(j * TILE_E, TILE_E)],
                                  ssems[j]).wait()

        for t0 in range(LAG):
            fire(t0, t0)
        plsc.subcore_barrier()

        def body(u, carry):
            for j in range(NSLOT):
                t = NSLOT * u + j

                @pl.when(t - LAG >= 0)
                def _():
                    drain_s((j + NSLOT - LAG) % NSLOT)

                @pl.when(t + LAG < NT)
                def _():
                    fire(t + LAG, (j + LAG) % NSLOT)

                drain_g(j)
                scat(j)
            return carry

        lax.fori_loop(0, NT // NSLOT, body, 0)
        for d in range(LAG):
            drain_s((NT - LAG + d) % NSLOT)
        plsc.subcore_barrier()
        obase = pl.multiple_of(g * R + sbase, 128)
        pltpu.sync_copy(out_sh.at[pl.ds(sbase, SLICE)],
                        scat_ref.at[pl.ds(obase, SLICE)])


def _sc_mesh():
    return plsc.VectorSubcoreMesh(core_axis_name="c", subcore_axis_name="s")



def _dot3(a, b):
    ah = a.astype(bf16)
    al = (a - ah.astype(f32)).astype(bf16)
    bh = b.astype(bf16)
    bl = (b - bh.astype(f32)).astype(bf16)
    return (jnp.dot(ah, bh, preferred_element_type=f32)
            + jnp.dot(ah, bl, preferred_element_type=f32)
            + jnp.dot(al, bh, preferred_element_type=f32))


def _dinv(deg_ref, i):
    d = deg_ref[:, 0:1] + 1.0
    rows = lax.broadcasted_iota(i32, (BLK, 1), 0) + lax.rem(i, GBLK) * BLK
    return jnp.where(rows < N, 1.0 / jnp.sqrt(d), 0.0)


def _mm1_body(xn_ref, u_ref, b_ref, wa_ref, we_ref, deg_ref,
              hsa_ref, hsb_ref):
    i = pl.program_id(0)
    dinv = _dinv(deg_ref, i)
    emb = u_ref[...] + b_ref[...]
    h = (_dot3(xn_ref[...], wa_ref[...]) + _dot3(emb, we_ref[...])) * dinv
    hsa_ref[...] = h[:, :HALF]
    hsb_ref[...] = h[:, HALF:]


def _mm2_body(hsa_ref, hsb_ref, sca_ref, scb_ref, deg_ref, b1_ref, w_ref,
              oa_ref, ob_ref):
    i = pl.program_id(0)
    dinv = _dinv(deg_ref, i)
    hs = jnp.concatenate([hsa_ref[...], hsb_ref[...]], axis=1)
    sc = jnp.concatenate([sca_ref[...], scb_ref[...]], axis=1)
    t = jnp.maximum(dinv * (hs + sc) + b1_ref[...], 0.0)
    h2 = _dot3(t, w_ref[...]) * dinv
    oa_ref[...] = h2[:, :HALF]
    ob_ref[...] = h2[:, HALF:]


def _mm3_body(hsa_ref, hsb_ref, sca_ref, scb_ref, deg_ref, b2_ref,
              g_ref, s1_ref):
    i = pl.program_id(0)
    dinv = _dinv(deg_ref, i)
    hs = jnp.concatenate([hsa_ref[...], hsb_ref[...]], axis=1)
    sc = jnp.concatenate([sca_ref[...], scb_ref[...]], axis=1)
    gval = jnp.maximum(dinv * (hs + sc) + b2_ref[...], 0.0)
    g_ref[...] = gval
    rows_g = lax.broadcasted_iota(i32, (BLK, 1), 0) + i * BLK
    contrib = jnp.sum(jnp.where(rows_g < N, gval, 0.0), axis=0, keepdims=True)

    @pl.when(i == 0)
    def _():
        s1_ref[...] = jnp.zeros_like(s1_ref)

    s1_ref[...] += contrib


def _read_body(g_ref, s1_ref, wd_ref, bd_ref, out_ref):
    c = jax.nn.sigmoid(s1_ref[...] * (1.0 / N))
    p = _dot3(g_ref[...], wd_ref[...])
    out_ref[...] = jnp.sum(p * c, axis=1, keepdims=True) + bd_ref[:, :1]



def _full(shape):
    return pl.BlockSpec(shape, lambda i: (0, 0))


def _rows(shape):
    return pl.BlockSpec(shape, lambda i: (i, 0))


def _degspec():
    return pl.BlockSpec((BLK, HALF), lambda i: (lax.rem(i, GBLK), 0))


def kernel(x_num, uniprot_idx, bin_idx, shuf_num, shuf_uniprot, shuf_bin,
           edge_index, uniprot_table, bin_table, W1, b1, W2, b2, Wd, bd):
    src = edge_index[0]
    dst = edge_index[1]
    pe = EP - E
    srcp = jnp.concatenate([src, jnp.full((pe,), N, i32)])
    dstp = jnp.concatenate([dst, jnp.full((pe,), N, i32)])
    src2 = jnp.concatenate([srcp, srcp + R])
    pad_n = R - N
    ui2 = jnp.concatenate([uniprot_idx, jnp.zeros((pad_n,), i32),
                           shuf_uniprot, jnp.zeros((pad_n,), i32)])
    bi2 = jnp.concatenate([bin_idx, jnp.zeros((pad_n,), i32),
                           shuf_bin, jnp.zeros((pad_n,), i32)])
    xn2 = jnp.concatenate([jnp.pad(x_num, ((0, pad_n), (0, 0))),
                           jnp.pad(shuf_num, ((0, pad_n), (0, 0)))], axis=0)
    ones128 = jnp.ones((128, HALF), f32)
    zeros128 = jnp.zeros((SLICE, HALF), f32)
    utab_p = jnp.pad(uniprot_table, ((0, 0), (0, HALF - EMB)))
    btab_p = jnp.pad(bin_table, ((0, 0), (HALF - EMB, 0)))

    prep = pl.kernel(
        _prep_body,
        out_type=[jax.ShapeDtypeStruct((NR, HALF), f32),
                  jax.ShapeDtypeStruct((NR, HALF), f32),
                  jax.ShapeDtypeStruct((R, HALF), f32)],
        mesh=_sc_mesh(),
        scratch_types=[pltpu.VMEM((128,), i32),
                       pltpu.VMEM((128, HALF), f32),
                       pltpu.VMEM((128, HALF), f32),
                       pltpu.VMEM_SHARED((R, HALF), f32),
                       pltpu.SemaphoreType.DMA],
    )
    u_out, b_out, deg = prep(utab_p, btab_p, ui2, bi2, dstp,
                             ones128, zeros128)

    spmm = pl.kernel(
        _spmm_body,
        out_type=[jax.ShapeDtypeStruct((NR, HALF), f32),
                  jax.ShapeDtypeStruct((NR, HALF), f32)],
        mesh=_sc_mesh(),
        scratch_types=[pltpu.VMEM((EDGE_W,), i32),
                       pltpu.VMEM((NSLOT, TILE_E), i32),
                       pltpu.VMEM((NSLOT * TILE_E, HALF), f32),
                       pltpu.VMEM_SHARED((R, HALF), f32)]
                      + [pltpu.SemaphoreType.DMA] * (3 * NSLOT),
    )

    hsa, hsb = pl.pallas_call(
        _mm1_body,
        grid=(GRID,),
        in_specs=[_rows((BLK, HALF))] * 3 + [_full((HALF, D)),
                                             _full((HALF, D)), _degspec()],
        out_specs=[_rows((BLK, HALF)), _rows((BLK, HALF))],
        out_shape=[jax.ShapeDtypeStruct((NR, HALF), f32)] * 2,
    )(xn2, u_out, b_out, W1[:HALF], W1[HALF:], deg)

    dst3 = dstp.reshape(EP // TILE_E, TILE_E)
    sca, scb = spmm(hsa, hsb, src2, dst3, zeros128)

    h2a, h2b = pl.pallas_call(
        _mm2_body,
        grid=(GRID,),
        in_specs=[_rows((BLK, HALF))] * 4 + [_degspec(), _full((1, D)),
                                             _full((D, D))],
        out_specs=[_rows((BLK, HALF)), _rows((BLK, HALF))],
        out_shape=[jax.ShapeDtypeStruct((NR, HALF), f32)] * 2,
    )(hsa, hsb, sca, scb, deg, b1.reshape(1, D), W2)

    s2a, s2b = spmm(h2a, h2b, src2, dst3, zeros128)

    G, s1 = pl.pallas_call(
        _mm3_body,
        grid=(GRID,),
        in_specs=[_rows((BLK, HALF))] * 4 + [_degspec(), _full((1, D))],
        out_specs=[_rows((BLK, D)), pl.BlockSpec((1, D), lambda i: (0, 0))],
        out_shape=[jax.ShapeDtypeStruct((NR, D), f32),
                   jax.ShapeDtypeStruct((1, D), f32)],
    )(h2a, h2b, s2a, s2b, deg, b2.reshape(1, D))

    out = pl.pallas_call(
        _read_body,
        grid=(GRID,),
        in_specs=[_rows((BLK, D)), _full((1, D)), _full((D, D)),
                  _full((1, HALF))],
        out_specs=pl.BlockSpec((BLK, 1), lambda i: (i, 0)),
        out_shape=jax.ShapeDtypeStruct((NR, 1), f32),
    )(G, s1, Wd, jnp.full((1, HALF), bd, f32))

    lo = out[:, 0]
    return jnp.concatenate([lo[:N], lo[R:R + N]])

# --- scband reference (transcript-rebuilt; emitter-appended) ---
"""Pipeline reference for scband-dgi-53549652246802 (READ-ONLY COPY).

The authoritative reference and input builder live on the scoring server;
editing this copy changes nothing except your own understanding.
"""

import jax, jax.numpy as jnp
import numpy as np

N = 10000
E = 160000
D_NUM = 128
N_UNIPROT = 20000
N_BIN = 50
EMB_U = 64
EMB_B = 64
D_IN = D_NUM + EMB_U + EMB_B
H = 256


def setup_inputs(seed: int = 0) -> dict:
    key = jax.random.key(seed)
    ks = jax.random.split(key, 16)
    x_num = jax.random.normal(ks[0], (N, D_NUM), dtype=jnp.float32)
    uniprot_idx = jax.random.randint(ks[1], (N,), 0, N_UNIPROT, dtype=jnp.int32)
    bin_idx = jax.random.randint(ks[2], (N,), 0, N_BIN, dtype=jnp.int32)
    shuf_num = jax.random.normal(ks[3], (N, D_NUM), dtype=jnp.float32)
    shuf_uniprot = jax.random.randint(ks[4], (N,), 0, N_UNIPROT, dtype=jnp.int32)
    shuf_bin = jax.random.randint(ks[5], (N,), 0, N_BIN, dtype=jnp.int32)
    edge_index = jax.random.randint(ks[6], (2, E), 0, N, dtype=jnp.int32)
    uniprot_table = jax.random.normal(ks[7], (N_UNIPROT, EMB_U), dtype=jnp.float32) * 0.02
    bin_table = jax.random.normal(ks[8], (N_BIN, EMB_B), dtype=jnp.float32) * 0.02
    W1 = jax.random.normal(ks[9], (D_IN, H), dtype=jnp.float32) * (1.0 / np.sqrt(D_IN))
    b1 = jnp.zeros((H,), dtype=jnp.float32)
    W2 = jax.random.normal(ks[10], (H, H), dtype=jnp.float32) * (1.0 / np.sqrt(H))
    b2 = jnp.zeros((H,), dtype=jnp.float32)
    Wd = jax.random.normal(ks[11], (H, H), dtype=jnp.float32) * (1.0 / np.sqrt(H))
    bd = jnp.zeros((), dtype=jnp.float32)
    return {"x_num": x_num, "uniprot_idx": uniprot_idx, "bin_idx": bin_idx,
            "shuf_num": shuf_num, "shuf_uniprot": shuf_uniprot, "shuf_bin": shuf_bin,
            "edge_index": edge_index, "uniprot_table": uniprot_table, "bin_table": bin_table,
            "W1": W1, "b1": b1, "W2": W2, "b2": b2, "Wd": Wd, "bd": bd}


def reference(x_num, uniprot_idx, bin_idx, shuf_num, shuf_uniprot, shuf_bin,
              edge_index, uniprot_table, bin_table, W1, b1, W2, b2, Wd, bd):
    src = edge_index[0]
    dst = edge_index[1]
    loop = jnp.arange(N, dtype=src.dtype)
    src2 = jnp.concatenate([src, loop])
    dst2 = jnp.concatenate([dst, loop])
    deg = jax.ops.segment_sum(jnp.ones_like(src2, dtype=jnp.float32), dst2, num_segments=N)
    dinv = jnp.where(deg > 0, 1.0 / jnp.sqrt(jnp.maximum(deg, 1e-12)), 0.0)
    norm = dinv[src2] * dinv[dst2]

    def combine(xn, ui, bi):
        u_emb = jnp.take(uniprot_table, ui, axis=0)
        b_emb = jnp.take(bin_table, bi, axis=0)
        return jnp.concatenate([xn, u_emb, b_emb], axis=1)

    def gcn(x):
        h = x @ W1
        h = jax.ops.segment_sum(h[src2] * norm[:, None], dst2, num_segments=N) + b1
        h = jax.nn.relu(h)
        h = h @ W2
        h = jax.ops.segment_sum(h[src2] * norm[:, None], dst2, num_segments=N) + b2
        h = jax.nn.relu(h)
        return h

    x = combine(x_num, uniprot_idx, bin_idx)
    shuf_x = combine(shuf_num, shuf_uniprot, shuf_bin)
    h1 = gcn(x)
    c = jax.nn.sigmoid(jnp.mean(h1, axis=0))
    h2 = gcn(shuf_x)
    c_exp = jnp.broadcast_to(c, h1.shape)
    sc1 = jnp.sum((h1 @ Wd) * c_exp, axis=1) + bd
    sc2 = jnp.sum((h2 @ Wd) * c_exp, axis=1) + bd
    logits = jnp.concatenate([sc1, sc2], axis=0)
    return logits

if __name__ == "__main__":
    import jax
    _d = setup_inputs()
    print(jax.jit(kernel)(*tuple(_d.values())))

</pallas_src>

<mosaic_0001>
#map = affine_map<(d0, d1) -> (0, 0)>
#map1 = affine_map<(d0, d1) -> (0)>
module attributes {stable_mosaic.version = 14 : i64} {
  func.func @_prep_body(%arg0: i32, %arg1: i32, %arg2: memref<20000x128xf32, #tpu.memory_space<hbm>>, %arg3: memref<50x128xf32, #tpu.memory_space<hbm>>, %arg4: memref<20480xi32, #tpu.memory_space<hbm>>, %arg5: memref<20480xi32, #tpu.memory_space<hbm>>, %arg6: memref<163840xi32, #tpu.memory_space<hbm>>, %arg7: memref<128x128xf32, #tpu.memory_space<hbm>>, %arg8: memref<640x128xf32, #tpu.memory_space<hbm>>, %arg9: memref<20480x128xf32, #tpu.memory_space<hbm>>, %arg10: memref<20480x128xf32, #tpu.memory_space<hbm>>, %arg11: memref<10240x128xf32, #tpu.memory_space<hbm>>, %arg12: memref<128xi32, #tpu.memory_space<vmem>>, %arg13: memref<128x128xf32, #tpu.memory_space<vmem>>, %arg14: memref<128x128xf32, #tpu.memory_space<vmem>>, %arg15: memref<10240x128xf32, #tpu.memory_space<vmem_shared>>, %arg16: memref<!tpu.dma_semaphore, #tpu.memory_space<semaphore_mem>>) attributes {dimension_semantics = [#tpu.dimension_semantics<core_parallel>, #tpu.dimension_semantics<subcore_parallel>], iteration_bounds = array<i64: 2, 16>, scalar_prefetch = 0 : i64, scratch_operands = 5 : i64, tpu.core_type = #tpu.core_type<sc_vector_subcore>, window_params = [{transform_indices = #map}, {transform_indices = #map}, {transform_indices = #map1}, {transform_indices = #map1}, {transform_indices = #map1}, {transform_indices = #map}, {transform_indices = #map}, {transform_indices = #map}, {transform_indices = #map}, {transform_indices = #map}]} {
    %eq3A = arith.constant 1 : i32
    %eq3A_0 = arith.cmpi eq, %arg0, %eq3A : i32
    %convert_element_type3A = arith.extui %eq3A_0 : i1 to i32
    %cond3A = arith.constant 0 : i32
    %cond3A_1 = arith.cmpi ne, %convert_element_type3A, %cond3A : i32
    scf.if %cond3A_1 {
      %mul3A = arith.constant 1280 : i32
      %mul3A_7 = arith.muli %arg1, %mul3A : i32
      %add3A = arith.constant 0 : i32
      %add3A_8 = arith.addi %mul3A_7, %add3A : i32
      %multiple_of3A = tpu.assume_multiple %add3A_8, 128 : i32
      "tpu.region"() ({
        %run_scoped3A = tpu.sem_alloc : memref<!tpu.dma_semaphore, #tpu.memory_space<semaphore_mem>>
        %dma_start3A_172 = tpu.memref_slice %arg4[%multiple_of3A] : memref<20480xi32, #tpu.memory_space<hbm>> -> memref<128xi32, #tpu.memory_space<hbm>>
        %dma_start3A_173 = tpu.memref_slice %arg4[%multiple_of3A] : memref<20480xi32, #tpu.memory_space<hbm>> -> memref<128xi32, #tpu.memory_space<hbm>>
        tpu.enqueue_dma source(%dma_start3A_173 : memref<128xi32, #tpu.memory_space<hbm>>) target(%arg12 : memref<128xi32, #tpu.memory_space<vmem>>) target_semaphore(%run_scoped3A : memref<!tpu.dma_semaphore, #tpu.memory_space<semaphore_mem>>)
        %dma_wait3A_174 = tpu.memref_slice %arg4[%multiple_of3A] : memref<20480xi32, #tpu.memory_space<hbm>> -> memref<128xi32, #tpu.memory_space<hbm>>
        %dma_wait3A_175 = tpu.memref_slice %arg4[%multiple_of3A] : memref<20480xi32, #tpu.memory_space<hbm>> -> memref<128xi32, #tpu.memory_space<hbm>>
        tpu.wait_dma2 semaphore(%run_scoped3A : memref<!tpu.dma_semaphore, #tpu.memory_space<semaphore_mem>>) src(%dma_wait3A_175 : memref<128xi32, #tpu.memory_space<hbm>>) dst(%arg12 : memref<128xi32, #tpu.memory_space<vmem>>)
        tpu.yield
      }) : () -> ()
      %dma_start3A = arith.constant 0 : i32
      %dma_start3A_9 = arith.constant 0 : i32
      %dma_start3A_10 = tpu.memref_slice %arg2[%dma_start3A, %dma_start3A_9] : memref<20000x128xf32, #tpu.memory_space<hbm>> -> memref<20000x128xf32, #tpu.memory_space<hbm>>
      tpu.enqueue_indirect_dma source(%dma_start3A_10 : memref<20000x128xf32, #tpu.memory_space<hbm>>) target(%arg13 : memref<128x128xf32, #tpu.memory_space<vmem>>) offsets(%arg12 : memref<128xi32, #tpu.memory_space<vmem>>) semaphore(%arg16 : memref<!tpu.dma_semaphore, #tpu.memory_space<semaphore_mem>>)
      %dma_wait3A = arith.constant 0 : i32
      %dma_wait3A_11 = arith.constant 0 : i32
      %dma_wait3A_12 = tpu.memref_slice %arg2[%dma_wait3A, %dma_wait3A_11] : memref<20000x128xf32, #tpu.memory_space<hbm>> -> memref<20000x128xf32, #tpu.memory_space<hbm>>
      tpu.wait_indirect_dma semaphore(%arg16 : memref<!tpu.dma_semaphore, #tpu.memory_space<semaphore_mem>>) src(%dma_wait3A_12 : memref<20000x128xf32, #tpu.memory_space<hbm>>) dst(%arg13 : memref<128x128xf32, #tpu.memory_space<vmem>>)
      "tpu.region"() ({
        %run_scoped3A = tpu.sem_alloc : memref<!tpu.dma_semaphore, #tpu.memory_space<semaphore_mem>>
        %dma_start3A_172 = arith.constant 0 : i32
        %dma_start3A_173 = tpu.memref_slice %arg9[%multiple_of3A, %dma_start3A_172] : memref<20480x128xf32, #tpu.memory_space<hbm>> -> memref<128x128xf32, #tpu.memory_space<hbm>>
        %dma_start3A_174 = arith.constant 0 : i32
        %dma_start3A_175 = tpu.memref_slice %arg9[%multiple_of3A, %dma_start3A_174] : memref<20480x128xf32, #tpu.memory_space<hbm>> -> memref<128x128xf32, #tpu.memory_space<hbm>>
        tpu.enqueue_dma source(%arg13 : memref<128x128xf32, #tpu.memory_space<vmem>>) target(%dma_start3A_175 : memref<128x128xf32, #tpu.memory_space<hbm>>) target_semaphore(%run_scoped3A : memref<!tpu.dma_semaphore, #tpu.memory_space<semaphore_mem>>)
        %dma_wait3A_176 = arith.constant 0 : i32
        %dma_wait3A_177 = tpu.memref_slice %arg9[%multiple_of3A, %dma_wait3A_176] : memref<20480x128xf32, #tpu.memory_space<hbm>> -> memref<128x128xf32, #tpu.memory_space<hbm>>
        %dma_wait3A_178 = arith.constant 0 : i32
        %dma_wait3A_179 = tpu.memref_slice %arg9[%multiple_of3A, %dma_wait3A_178] : memref<20480x128xf32, #tpu.memory_space<hbm>> -> memref<128x128xf32, #tpu.memory_space<hbm>>
        tpu.wait_dma2 semaphore(%run_scoped3A : memref<!tpu.dma_semaphore, #tpu.memory_space<semaphore_mem>>) src(%arg13 : memref<128x128xf32, #tpu.memory_space<vmem>>) dst(%dma_wait3A_179 : memref<128x128xf32, #tpu.memory_space<hbm>>)
        tpu.yield
      }) : () -> ()
      "tpu.region"() ({
        %run_scoped3A = tpu.sem_alloc : memref<!tpu.dma_semaphore, #tpu.memory_space<semaphore_mem>>
        %dma_start3A_172 = tpu.memref_slice %arg5[%multiple_of3A] : memref<20480xi32, #tpu.memory_space<hbm>> -> memref<128xi32, #tpu.memory_space<hbm>>
        %dma_start3A_173 = tpu.memref_slice %arg5[%multiple_of3A] : memref<20480xi32, #tpu.memory_space<hbm>> -> memref<128xi32, #tpu.memory_space<hbm>>
        tpu.enqueue_dma source(%dma_start3A_173 : memref<128xi32, #tpu.memory_space<hbm>>) target(%arg12 : memref<128xi32, #tpu.memory_space<vmem>>) target_semaphore(%run_scoped3A : memref<!tpu.dma_semaphore, #tpu.memory_space<semaphore_mem>>)
        %dma_wait3A_174 = tpu.memref_slice %arg5[%multiple_of3A] : memref<20480xi32, #tpu.memory_space<hbm>> -> memref<128xi32, #tpu.memory_space<hbm>>
        %dma_wait3A_175 = tpu.memref_slice %arg5[%multiple_of3A] : memref<20480xi32, #tpu.memory_space<hbm>> -> memref<128xi32, #tpu.memory_space<hbm>>
        tpu.wait_dma2 semaphore(%run_scoped3A : memref<!tpu.dma_semaphore, #tpu.memory_space<semaphore_mem>>) src(%dma_wait3A_175 : memref<128xi32, #tpu.memory_space<hbm>>) dst(%arg12 : memref<128xi32, #tpu.memory_space<vmem>>)
        tpu.yield
      }) : () -> ()
      %dma_start3A_13 = arith.constant 0 : i32
      %dma_start3A_14 = arith.constant 0 : i32
      %dma_start3A_15 = tpu.memref_slice %arg3[%dma_start3A_13, %dma_start3A_14] : memref<50x128xf32, #tpu.memory_space<hbm>> -> memref<50x128xf32, #tpu.memory_space<hbm>>
      tpu.enqueue_indirect_dma source(%dma_start3A_15 : memref<50x128xf32, #tpu.memory_space<hbm>>) target(%arg13 : memref<128x128xf32, #tpu.memory_space<vmem>>) offsets(%arg12 : memref<128xi32, #tpu.memory_space<vmem>>) semaphore(%arg16 : memref<!tpu.dma_semaphore, #tpu.memory_space<semaphore_mem>>)
      %dma_wait3A_16 = arith.constant 0 : i32
      %dma_wait3A_17 = arith.constant 0 : i32
      %dma_wait3A_18 = tpu.memref_slice %arg3[%dma_wait3A_16, %dma_wait3A_17] : memref<50x128xf32, #tpu.memory_space<hbm>> -> memref<50x128xf32, #tpu.memory_space<hbm>>
      tpu.wait_indirect_dma semaphore(%arg16 : memref<!tpu.dma_semaphore, #tpu.memory_space<semaphore_mem>>) src(%dma_wait3A_18 : memref<50x128xf32, #tpu.memory_space<hbm>>) dst(%arg13 : memref<128x128xf32, #tpu.memory_space<vmem>>)
      "tpu.region"() ({
        %run_scoped3A = tpu.sem_alloc : memref<!tpu.dma_semaphore, #tpu.memory_space<semaphore_mem>>
        %dma_start3A_172 = arith.constant 0 : i32
        %dma_start3A_173 = tpu.memref_slice %arg10[%multiple_of3A, %dma_start3A_172] : memref<20480x128xf32, #tpu.memory_space<hbm>> -> memref<128x128xf32, #tpu.memory_space<hbm>>
        %dma_start3A_174 = arith.constant 0 : i32
        %dma_start3A_175 = tpu.memref_slice %arg10[%multiple_of3A, %dma_start3A_174] : memref<20480x128xf32, #tpu.memory_space<hbm>> -> memref<128x128xf32, #tpu.memory_space<hbm>>
        tpu.enqueue_dma source(%arg13 : memref<128x128xf32, #tpu.memory_space<vmem>>) target(%dma_start3A_175 : memref<128x128xf32, #tpu.memory_space<hbm>>) target_semaphore(%run_scoped3A : memref<!tpu.dma_semaphore, #tpu.memory_space<semaphore_mem>>)
        %dma_wait3A_176 = arith.constant 0 : i32
        %dma_wait3A_177 = tpu.memref_slice %arg10[%multiple_of3A, %dma_wait3A_176] : memref<20480x128xf32, #tpu.memory_space<hbm>> -> memref<128x128xf32, #tpu.memory_space<hbm>>
        %dma_wait3A_178 = arith.constant 0 : i32
        %dma_wait3A_179 = tpu.memref_slice %arg10[%multiple_of3A, %dma_wait3A_178] : memref<20480x128xf32, #tpu.memory_space<hbm>> -> memref<128x128xf32, #tpu.memory_space<hbm>>
        tpu.wait_dma2 semaphore(%run_scoped3A : memref<!tpu.dma_semaphore, #tpu.memory_space<semaphore_mem>>) src(%arg13 : memref<128x128xf32, #tpu.memory_space<vmem>>) dst(%dma_wait3A_179 : memref<128x128xf32, #tpu.memory_space<hbm>>)
        tpu.yield
      }) : () -> ()
      %mul3A_19 = arith.constant 1280 : i32
      %mul3A_20 = arith.muli %arg1, %mul3A_19 : i32
      %add3A_21 = arith.constant 128 : i32
      %add3A_22 = arith.addi %mul3A_20, %add3A_21 : i32
      %multiple_of3A_23 = tpu.assume_multiple %add3A_22, 128 : i32
      "tpu.region"() ({
        %run_scoped3A = tpu.sem_alloc : memref<!tpu.dma_semaphore, #tpu.memory_space<semaphore_mem>>
        %dma_start3A_172 = tpu.memref_slice %arg4[%multiple_of3A_23] : memref<20480xi32, #tpu.memory_space<hbm>> -> memref<128xi32, #tpu.memory_space<hbm>>
        %dma_start3A_173 = tpu.memref_slice %arg4[%multiple_of3A_23] : memref<20480xi32, #tpu.memory_space<hbm>> -> memref<128xi32, #tpu.memory_space<hbm>>
        tpu.enqueue_dma source(%dma_start3A_173 : memref<128xi32, #tpu.memory_space<hbm>>) target(%arg12 : memref<128xi32, #tpu.memory_space<vmem>>) target_semaphore(%run_scoped3A : memref<!tpu.dma_semaphore, #tpu.memory_space<semaphore_mem>>)
        %dma_wait3A_174 = tpu.memref_slice %arg4[%multiple_of3A_23] : memref<20480xi32, #tpu.memory_space<hbm>> -> memref<128xi32, #tpu.memory_space<hbm>>
        %dma_wait3A_175 = tpu.memref_slice %arg4[%multiple_of3A_23] : memref<20480xi32, #tpu.memory_space<hbm>> -> memref<128xi32, #tpu.memory_space<hbm>>
        tpu.wait_dma2 semaphore(%run_scoped3A : memref<!tpu.dma_semaphore, #tpu.memory_space<semaphore_mem>>) src(%dma_wait3A_175 : memref<128xi32, #tpu.memory_space<hbm>>) dst(%arg12 : memref<128xi32, #tpu.memory_space<vmem>>)
        tpu.yield
      }) : () -> ()
      %dma_start3A_24 = arith.constant 0 : i32
      %dma_start3A_25 = arith.constant 0 : i32
      %dma_start3A_26 = tpu.memref_slice %arg2[%dma_start3A_24, %dma_start3A_25] : memref<20000x128xf32, #tpu.memory_space<hbm>> -> memref<20000x128xf32, #tpu.memory_space<hbm>>
      tpu.enqueue_indirect_dma source(%dma_start3A_26 : memref<20000x128xf32, #tpu.memory_space<hbm>>) target(%arg13 : memref<128x128xf32, #tpu.memory_space<vmem>>) offsets(%arg12 : memref<128xi32, #tpu.memory_space<vmem>>) semaphore(%arg16 : memref<!tpu.dma_semaphore, #tpu.memory_space<semaphore_mem>>)
      %dma_wait3A_27 = arith.constant 0 : i32
      %dma_wait3A_28 = arith.constant 0 : i32
      %dma_wait3A_29 = tpu.memref_slice %arg2[%dma_wait3A_27, %dma_wait3A_28] : memref<20000x128xf32, #tpu.memory_space<hbm>> -> memref<20000x128xf32, #tpu.memory_space<hbm>>
      tpu.wait_indirect_dma semaphore(%arg16 : memref<!tpu.dma_semaphore, #tpu.memory_space<semaphore_mem>>) src(%dma_wait3A_29 : memref<20000x128xf32, #tpu.memory_space<hbm>>) dst(%arg13 : memref<128x128xf32, #tpu.memory_space<vmem>>)
      "tpu.region"() ({
        %run_scoped3A = tpu.sem_alloc : memref<!tpu.dma_semaphore, #tpu.memory_space<semaphore_mem>>
        %dma_start3A_172 = arith.constant 0 : i32
        %dma_start3A_173 = tpu.memref_slice %arg9[%multiple_of3A_23, %dma_start3A_172] : memref<20480x128xf32, #tpu.memory_space<hbm>> -> memref<128x128xf32, #tpu.memory_space<hbm>>
        %dma_start3A_174 = arith.constant 0 : i32
        %dma_start3A_175 = tpu.memref_slice %arg9[%multiple_of3A_23, %dma_start3A_174] : memref<20480x128xf32, #tpu.memory_space<hbm>> -> memref<128x128xf32, #tpu.memory_space<hbm>>
        tpu.enqueue_dma source(%arg13 : memref<128x128xf32, #tpu.memory_space<vmem>>) target(%dma_start3A_175 : memref<128x128xf32, #tpu.memory_space<hbm>>) target_semaphore(%run_scoped3A : memref<!tpu.dma_semaphore, #tpu.memory_space<semaphore_mem>>)
        %dma_wait3A_176 = arith.constant 0 : i32
        %dma_wait3A_177 = tpu.memref_slice %arg9[%multiple_of3A_23, %dma_wait3A_176] : memref<20480x128xf32, #tpu.memory_space<hbm>> -> memref<128x128xf32, #tpu.memory_space<hbm>>
        %dma_wait3A_178 = arith.constant 0 : i32
        %dma_wait3A_179 = tpu.memref_slice %arg9[%multiple_of3A_23, %dma_wait3A_178] : memref<20480x128xf32, #tpu.memory_space<hbm>> -> memref<128x128xf32, #tpu.memory_space<hbm>>
        tpu.wait_dma2 semaphore(%run_scoped3A : memref<!tpu.dma_semaphore, #tpu.memory_space<semaphore_mem>>) src(%arg13 : memref<128x128xf32, #tpu.memory_space<vmem>>) dst(%dma_wait3A_179 : memref<128x128xf32, #tpu.memory_space<hbm>>)
        tpu.yield
      }) : () -> ()
      "tpu.region"() ({
        %run_scoped3A = tpu.sem_alloc : memref<!tpu.dma_semaphore, #tpu.memory_space<semaphore_mem>>
        %dma_start3A_172 = tpu.memref_slice %arg5[%multiple_of3A_23] : memref<20480xi32, #tpu.memory_space<hbm>> -> memref<128xi32, #tpu.memory_space<hbm>>
        %dma_start3A_173 = tpu.memref_slice %arg5[%multiple_of3A_23] : memref<20480xi32, #tpu.memory_space<hbm>> -> memref<128xi32, #tpu.memory_space<hbm>>
        tpu.enqueue_dma source(%dma_start3A_173 : memref<128xi32, #tpu.memory_space<hbm>>) target(%arg12 : memref<128xi32, #tpu.memory_space<vmem>>) target_semaphore(%run_scoped3A : memref<!tpu.dma_semaphore, #tpu.memory_space<semaphore_mem>>)
        %dma_wait3A_174 = tpu.memref_slice %arg5[%multiple_of3A_23] : memref<20480xi32, #tpu.memory_space<hbm>> -> memref<128xi32, #tpu.memory_space<hbm>>
        %dma_wait3A_175 = tpu.memref_slice %arg5[%multiple_of3A_23] : memref<20480xi32, #tpu.memory_space<hbm>> -> memref<128xi32, #tpu.memory_space<hbm>>
        tpu.wait_dma2 semaphore(%run_scoped3A : memref<!tpu.dma_semaphore, #tpu.memory_space<semaphore_mem>>) src(%dma_wait3A_175 : memref<128xi32, #tpu.memory_space<hbm>>) dst(%arg12 : memref<128xi32, #tpu.memory_space<vmem>>)
        tpu.yield
      }) : () -> ()
      %dma_start3A_30 = arith.constant 0 : i32
      %dma_start3A_31 = arith.constant 0 : i32
      %dma_start3A_32 = tpu.memref_slice %arg3[%dma_start3A_30, %dma_start3A_31] : memref<50x128xf32, #tpu.memory_space<hbm>> -> memref<50x128xf32, #tpu.memory_space<hbm>>
      tpu.enqueue_indirect_dma source(%dma_start3A_32 : memref<50x128xf32, #tpu.memory_space<hbm>>) target(%arg13 : memref<128x128xf32, #tpu.memory_space<vmem>>) offsets(%arg12 : memref<128xi32, #tpu.memory_space<vmem>>) semaphore(%arg16 : memref<!tpu.dma_semaphore, #tpu.memory_space<semaphore_mem>>)
      %dma_wait3A_33 = arith.constant 0 : i32
      %dma_wait3A_34 = arith.constant 0 : i32
      %dma_wait3A_35 = tpu.memref_slice %arg3[%dma_wait3A_33, %dma_wait3A_34] : memref<50x128xf32, #tpu.memory_space<hbm>> -> memref<50x128xf32, #tpu.memory_space<hbm>>
      tpu.wait_indirect_dma semaphore(%arg16 : memref<!tpu.dma_semaphore, #tpu.memory_space<semaphore_mem>>) src(%dma_wait3A_35 : memref<50x128xf32, #tpu.memory_space<hbm>>) dst(%arg13 : memref<128x128xf32, #tpu.memory_space<vmem>>)
      "tpu.region"() ({
        %run_scoped3A = tpu.sem_alloc : memref<!tpu.dma_semaphore, #tpu.memory_space<semaphore_mem>>
        %dma_start3A_172 = arith.constant 0 : i32
        %dma_start3A_173 = tpu.memref_slice %arg10[%multiple_of3A_23, %dma_start3A_172] : memref<20480x128xf32, #tpu.memory_space<hbm>> -> memref<128x128xf32, #tpu.memory_space<hbm>>
        %dma_start3A_174 = arith.constant 0 : i32
        %dma_start3A_175 = tpu.memref_slice %arg10[%multiple_of3A_23, %dma_start3A_174] : memref<20480x128xf32, #tpu.memory_space<hbm>> -> memref<128x128xf32, #tpu.memory_space<hbm>>
        tpu.enqueue_dma source(%arg13 : memref<128x128xf32, #tpu.memory_space<vmem>>) target(%dma_start3A_175 : memref<128x128xf32, #tpu.memory_space<hbm>>) target_semaphore(%run_scoped3A : memref<!tpu.dma_semaphore, #tpu.memory_space<semaphore_mem>>)
        %dma_wait3A_176 = arith.constant 0 : i32
        %dma_wait3A_177 = tpu.memref_slice %arg10[%multiple_of3A_23, %dma_wait3A_176] : memref<20480x128xf32, #tpu.memory_space<hbm>> -> memref<128x128xf32, #tpu.memory_space<hbm>>
        %dma_wait3A_178 = arith.constant 0 : i32
        %dma_wait3A_179 = tpu.memref_slice %arg10[%multiple_of3A_23, %dma_wait3A_178] : memref<20480x128xf32, #tpu.memory_space<hbm>> -> memref<128x128xf32, #tpu.memory_space<hbm>>
        tpu.wait_dma2 semaphore(%run_scoped3A : memref<!tpu.dma_semaphore, #tpu.memory_space<semaphore_mem>>) src(%arg13 : memref<128x128xf32, #tpu.memory_space<vmem>>) dst(%dma_wait3A_179 : memref<128x128xf32, #tpu.memory_space<hbm>>)
        tpu.yield
      }) : () -> ()
      %mul3A_36 = arith.constant 1280 : i32
      %mul3A_37 = arith.muli %arg1, %mul3A_36 : i32
      %add3A_38 = arith.constant 256 : i32
      %add3A_39 = arith.addi %mul3A_37, %add3A_38 : i32
      %multiple_of3A_40 = tpu.assume_multiple %add3A_39, 128 : i32
      "tpu.region"() ({
        %run_scoped3A = tpu.sem_alloc : memref<!tpu.dma_semaphore, #tpu.memory_space<semaphore_mem>>
        %dma_start3A_172 = tpu.memref_slice %arg4[%multiple_of3A_40] : memref<20480xi32, #tpu.memory_space<hbm>> -> memref<128xi32, #tpu.memory_space<hbm>>
        %dma_start3A_173 = tpu.memref_slice %arg4[%multiple_of3A_40] : memref<20480xi32, #tpu.memory_space<hbm>> -> memref<128xi32, #tpu.memory_space<hbm>>
        tpu.enqueue_dma source(%dma_start3A_173 : memref<128xi32, #tpu.memory_space<hbm>>) target(%arg12 : memref<128xi32, #tpu.memory_space<vmem>>) target_semaphore(%run_scoped3A : memref<!tpu.dma_semaphore, #tpu.memory_space<semaphore_mem>>)
        %dma_wait3A_174 = tpu.memref_slice %arg4[%multiple_of3A_40] : memref<20480xi32, #tpu.memory_space<hbm>> -> memref<128xi32, #tpu.memory_space<hbm>>
        %dma_wait3A_175 = tpu.memref_slice %arg4[%multiple_of3A_40] : memref<20480xi32, #tpu.memory_space<hbm>> -> memref<128xi32, #tpu.memory_space<hbm>>
        tpu.wait_dma2 semaphore(%run_scoped3A : memref<!tpu.dma_semaphore, #tpu.memory_space<semaphore_mem>>) src(%dma_wait3A_175 : memref<128xi32, #tpu.memory_space<hbm>>) dst(%arg12 : memref<128xi32, #tpu.memory_space<vmem>>)
        tpu.yield
      }) : () -> ()
      %dma_start3A_41 = arith.constant 0 : i32
      %dma_start3A_42 = arith.constant 0 : i32
      %dma_start3A_43 = tpu.memref_slice %arg2[%dma_start3A_41, %dma_start3A_42] : memref<20000x128xf32, #tpu.memory_space<hbm>> -> memref<20000x128xf32, #tpu.memory_space<hbm>>
      tpu.enqueue_indirect_dma source(%dma_start3A_43 : memref<20000x128xf32, #tpu.memory_space<hbm>>) target(%arg13 : memref<128x128xf32, #tpu.memory_space<vmem>>) offsets(%arg12 : memref<128xi32, #tpu.memory_space<vmem>>) semaphore(%arg16 : memref<!tpu.dma_semaphore, #tpu.memory_space<semaphore_mem>>)
      %dma_wait3A_44 = arith.constant 0 : i32
      %dma_wait3A_45 = arith.constant 0 : i32
      %dma_wait3A_46 = tpu.memref_slice %arg2[%dma_wait3A_44, %dma_wait3A_45] : memref<20000x128xf32, #tpu.memory_space<hbm>> -> memref<20000x128xf32, #tpu.memory_space<hbm>>
      tpu.wait_indirect_dma semaphore(%arg16 : memref<!tpu.dma_semaphore, #tpu.memory_space<semaphore_mem>>) src(%dma_wait3A_46 : memref<20000x128xf32, #tpu.memory_space<hbm>>) dst(%arg13 : memref<128x128xf32, #tpu.memory_space<vmem>>)
      "tpu.region"() ({
        %run_scoped3A = tpu.sem_alloc : memref<!tpu.dma_semaphore, #tpu.memory_space<semaphore_mem>>
        %dma_start3A_172 = arith.constant 0 : i32
        %dma_start3A_173 = tpu.memref_slice %arg9[%multiple_of3A_40, %dma_start3A_172] : memref<20480x128xf32, #tpu.memory_space<hbm>> -> memref<128x128xf32, #tpu.memory_space<hbm>>
        %dma_start3A_174 = arith.constant 0 : i32
        %dma_start3A_175 = tpu.memref_slice %arg9[%multiple_of3A_40, %dma_start3A_174] : memref<20480x128xf32, #tpu.memory_space<hbm>> -> memref<128x128xf32, #tpu.memory_space<hbm>>
        tpu.enqueue_dma source(%arg13 : memref<128x128xf32, #tpu.memory_space<vmem>>) target(%dma_start3A_175 : memref<128x128xf32, #tpu.memory_space<hbm>>) target_semaphore(%run_scoped3A : memref<!tpu.dma_semaphore, #tpu.memory_space<semaphore_mem>>)
        %dma_wait3A_176 = arith.constant 0 : i32
        %dma_wait3A_177 = tpu.memref_slice %arg9[%multiple_of3A_40, %dma_wait3A_176] : memref<20480x128xf32, #tpu.memory_space<hbm>> -> memref<128x128xf32, #tpu.memory_space<hbm>>
        %dma_wait3A_178 = arith.constant 0 : i32
        %dma_wait3A_179 = tpu.memref_slice %arg9[%multiple_of3A_40, %dma_wait3A_178] : memref<20480x128xf32, #tpu.memory_space<hbm>> -> memref<128x128xf32, #tpu.memory_space<hbm>>
        tpu.wait_dma2 semaphore(%run_scoped3A : memref<!tpu.dma_semaphore, #tpu.memory_space<semaphore_mem>>) src(%arg13 : memref<128x128xf32, #tpu.memory_space<vmem>>) dst(%dma_wait3A_179 : memref<128x128xf32, #tpu.memory_space<hbm>>)
        tpu.yield
      }) : () -> ()
      "tpu.region"() ({
        %run_scoped3A = tpu.sem_alloc : memref<!tpu.dma_semaphore, #tpu.memory_space<semaphore_mem>>
        %dma_start3A_172 = tpu.memref_slice %arg5[%multiple_of3A_40] : memref<20480xi32, #tpu.memory_space<hbm>> -> memref<128xi32, #tpu.memory_space<hbm>>
        %dma_start3A_173 = tpu.memref_slice %arg5[%multiple_of3A_40] : memref<20480xi32, #tpu.memory_space<hbm>> -> memref<128xi32, #tpu.memory_space<hbm>>
        tpu.enqueue_dma source(%dma_start3A_173 : memref<128xi32, #tpu.memory_space<hbm>>) target(%arg12 : memref<128xi32, #tpu.memory_space<vmem>>) target_semaphore(%run_scoped3A : memref<!tpu.dma_semaphore, #tpu.memory_space<semaphore_mem>>)
        %dma_wait3A_174 = tpu.memref_slice %arg5[%multiple_of3A_40] : memref<20480xi32, #tpu.memory_space<hbm>> -> memref<128xi32, #tpu.memory_space<hbm>>
        %dma_wait3A_175 = tpu.memref_slice %arg5[%multiple_of3A_40] : memref<20480xi32, #tpu.memory_space<hbm>> -> memref<128xi32, #tpu.memory_space<hbm>>
        tpu.wait_dma2 semaphore(%run_scoped3A : memref<!tpu.dma_semaphore, #tpu.memory_space<semaphore_mem>>) src(%dma_wait3A_175 : memref<128xi32, #tpu.memory_space<hbm>>) dst(%arg12 : memref<128xi32, #tpu.memory_space<vmem>>)
        tpu.yield
      }) : () -> ()
      %dma_start3A_47 = arith.constant 0 : i32
      %dma_start3A_48 = arith.constant 0 : i32
      %dma_start3A_49 = tpu.memref_slice %arg3[%dma_start3A_47, %dma_start3A_48] : memref<50x128xf32, #tpu.memory_space<hbm>> -> memref<50x128xf32, #tpu.memory_space<hbm>>
      tpu.enqueue_indirect_dma source(%dma_start3A_49 : memref<50x128xf32, #tpu.memory_space<hbm>>) target(%arg13 : memref<128x128xf32, #tpu.memory_space<vmem>>) offsets(%arg12 : memref<128xi32, #tpu.memory_space<vmem>>) semaphore(%arg16 : memref<!tpu.dma_semaphore, #tpu.memory_space<semaphore_mem>>)
      %dma_wait3A_50 = arith.constant 0 : i32
      %dma_wait3A_51 = arith.constant 0 : i32
      %dma_wait3A_52 = tpu.memref_slice %arg3[%dma_wait3A_50, %dma_wait3A_51] : memref<50x128xf32, #tpu.memory_space<hbm>> -> memref<50x128xf32, #tpu.memory_space<hbm>>
      tpu.wait_indirect_dma semaphore(%arg16 : memref<!tpu.dma_semaphore, #tpu.memory_space<semaphore_mem>>) src(%dma_wait3A_52 : memref<50x128xf32, #tpu.memory_space<hbm>>) dst(%arg13 : memref<128x128xf32, #tpu.memory_space<vmem>>)
      "tpu.region"() ({
        %run_scoped3A = tpu.sem_alloc : memref<!tpu.dma_semaphore, #tpu.memory_space<semaphore_mem>>
        %dma_start3A_172 = arith.constant 0 : i32
        %dma_start3A_173 = tpu.memref_slice %arg10[%multiple_of3A_40, %dma_start3A_172] : memref<20480x128xf32, #tpu.memory_space<hbm>> -> memref<128x128xf32, #tpu.memory_space<hbm>>
        %dma_start3A_174 = arith.constant 0 : i32
        %dma_start3A_175 = tpu.memref_slice %arg10[%multiple_of3A_40, %dma_start3A_174] : memref<20480x128xf32, #tpu.memory_space<hbm>> -> memref<128x128xf32, #tpu.memory_space<hbm>>
        tpu.enqueue_dma source(%arg13 : memref<128x128xf32, #tpu.memory_space<vmem>>) target(%dma_start3A_175 : memref<128x128xf32, #tpu.memory_space<hbm>>) target_semaphore(%run_scoped3A : memref<!tpu.dma_semaphore, #tpu.memory_space<semaphore_mem>>)
        %dma_wait3A_176 = arith.constant 0 : i32
        %dma_wait3A_177 = tpu.memref_slice %arg10[%multiple_of3A_40, %dma_wait3A_176] : memref<20480x128xf32, #tpu.memory_space<hbm>> -> memref<128x128xf32, #tpu.memory_space<hbm>>
        %dma_wait3A_178 = arith.constant 0 : i32
        %dma_wait3A_179 = tpu.memref_slice %arg10[%multiple_of3A_40, %dma_wait3A_178] : memref<20480x128xf32, #tpu.memory_space<hbm>> -> memref<128x128xf32, #tpu.memory_space<hbm>>
        tpu.wait_dma2 semaphore(%run_scoped3A : memref<!tpu.dma_semaphore, #tpu.memory_space<semaphore_mem>>) src(%arg13 : memref<128x128xf32, #tpu.memory_space<vmem>>) dst(%dma_wait3A_179 : memref<128x128xf32, #tpu.memory_space<hbm>>)
        tpu.yield
      }) : () -> ()
      %mul3A_53 = arith.constant 1280 : i32
      %mul3A_54 = arith.muli %arg1, %mul3A_53 : i32
      %add3A_55 = arith.constant 384 : i32
      %add3A_56 = arith.addi %mul3A_54, %add3A_55 : i32
      %multiple_of3A_57 = tpu.assume_multiple %add3A_56, 128 : i32
      "tpu.region"() ({
        %run_scoped3A = tpu.sem_alloc : memref<!tpu.dma_semaphore, #tpu.memory_space<semaphore_mem>>
        %dma_start3A_172 = tpu.memref_slice %arg4[%multiple_of3A_57] : memref<20480xi32, #tpu.memory_space<hbm>> -> memref<128xi32, #tpu.memory_space<hbm>>
        %dma_start3A_173 = tpu.memref_slice %arg4[%multiple_of3A_57] : memref<20480xi32, #tpu.memory_space<hbm>> -> memref<128xi32, #tpu.memory_space<hbm>>
        tpu.enqueue_dma source(%dma_start3A_173 : memref<128xi32, #tpu.memory_space<hbm>>) target(%arg12 : memref<128xi32, #tpu.memory_space<vmem>>) target_semaphore(%run_scoped3A : memref<!tpu.dma_semaphore, #tpu.memory_space<semaphore_mem>>)
        %dma_wait3A_174 = tpu.memref_slice %arg4[%multiple_of3A_57] : memref<20480xi32, #tpu.memory_space<hbm>> -> memref<128xi32, #tpu.memory_space<hbm>>
        %dma_wait3A_175 = tpu.memref_slice %arg4[%multiple_of3A_57] : memref<20480xi32, #tpu.memory_space<hbm>> -> memref<128xi32, #tpu.memory_space<hbm>>
        tpu.wait_dma2 semaphore(%run_scoped3A : memref<!tpu.dma_semaphore, #tpu.memory_space<semaphore_mem>>) src(%dma_wait3A_175 : memref<128xi32, #tpu.memory_space<hbm>>) dst(%arg12 : memref<128xi32, #tpu.memory_space<vmem>>)
        tpu.yield
      }) : () -> ()
      %dma_start3A_58 = arith.constant 0 : i32
      %dma_start3A_59 = arith.constant 0 : i32
      %dma_start3A_60 = tpu.memref_slice %arg2[%dma_start3A_58, %dma_start3A_59] : memref<20000x128xf32, #tpu.memory_space<hbm>> -> memref<20000x128xf32, #tpu.memory_space<hbm>>
      tpu.enqueue_indirect_dma source(%dma_start3A_60 : memref<20000x128xf32, #tpu.memory_space<hbm>>) target(%arg13 : memref<128x128xf32, #tpu.memory_space<vmem>>) offsets(%arg12 : memref<128xi32, #tpu.memory_space<vmem>>) semaphore(%arg16 : memref<!tpu.dma_semaphore, #tpu.memory_space<semaphore_mem>>)
      %dma_wait3A_61 = arith.constant 0 : i32
      %dma_wait3A_62 = arith.constant 0 : i32
      %dma_wait3A_63 = tpu.memref_slice %arg2[%dma_wait3A_61, %dma_wait3A_62] : memref<20000x128xf32, #tpu.memory_space<hbm>> -> memref<20000x128xf32, #tpu.memory_space<hbm>>
      tpu.wait_indirect_dma semaphore(%arg16 : memref<!tpu.dma_semaphore, #tpu.memory_space<semaphore_mem>>) src(%dma_wait3A_63 : memref<20000x128xf32, #tpu.memory_space<hbm>>) dst(%arg13 : memref<128x128xf32, #tpu.memory_space<vmem>>)
      "tpu.region"() ({
        %run_scoped3A = tpu.sem_alloc : memref<!tpu.dma_semaphore, #tpu.memory_space<semaphore_mem>>
        %dma_start3A_172 = arith.constant 0 : i32
        %dma_start3A_173 = tpu.memref_slice %arg9[%multiple_of3A_57, %dma_start3A_172] : memref<20480x128xf32, #tpu.memory_space<hbm>> -> memref<128x128xf32, #tpu.memory_space<hbm>>
        %dma_start3A_174 = arith.constant 0 : i32
        %dma_start3A_175 = tpu.memref_slice %arg9[%multiple_of3A_57, %dma_start3A_174] : memref<20480x128xf32, #tpu.memory_space<hbm>> -> memref<128x128xf32, #tpu.memory_space<hbm>>
        tpu.enqueue_dma source(%arg13 : memref<128x128xf32, #tpu.memory_space<vmem>>) target(%dma_start3A_175 : memref<128x128xf32, #tpu.memory_space<hbm>>) target_semaphore(%run_scoped3A : memref<!tpu.dma_semaphore, #tpu.memory_space<semaphore_mem>>)
        %dma_wait3A_176 = arith.constant 0 : i32
        %dma_wait3A_177 = tpu.memref_slice %arg9[%multiple_of3A_57, %dma_wait3A_176] : memref<20480x128xf32, #tpu.memory_space<hbm>> -> memref<128x128xf32, #tpu.memory_space<hbm>>
        %dma_wait3A_178 = arith.constant 0 : i32
        %dma_wait3A_179 = tpu.memref_slice %arg9[%multiple_of3A_57, %dma_wait3A_178] : memref<20480x128xf32, #tpu.memory_space<hbm>> -> memref<128x128xf32, #tpu.memory_space<hbm>>
        tpu.wait_dma2 semaphore(%run_scoped3A : memref<!tpu.dma_semaphore, #tpu.memory_space<semaphore_mem>>) src(%arg13 : memref<128x128xf32, #tpu.memory_space<vmem>>) dst(%dma_wait3A_179 : memref<128x128xf32, #tpu.memory_space<hbm>>)
        tpu.yield
      }) : () -> ()
      "tpu.region"() ({
        %run_scoped3A = tpu.sem_alloc : memref<!tpu.dma_semaphore, #tpu.memory_space<semaphore_mem>>
        %dma_start3A_172 = tpu.memref_slice %arg5[%multiple_of3A_57] : memref<20480xi32, #tpu.memory_space<hbm>> -> memref<128xi32, #tpu.memory_space<hbm>>
        %dma_start3A_173 = tpu.memref_slice %arg5[%multiple_of3A_57] : memref<20480xi32, #tpu.memory_space<hbm>> -> memref<128xi32, #tpu.memory_space<hbm>>
        tpu.enqueue_dma source(%dma_start3A_173 : memref<128xi32, #tpu.memory_space<hbm>>) target(%arg12 : memref<128xi32, #tpu.memory_space<vmem>>) target_semaphore(%run_scoped3A : memref<!tpu.dma_semaphore, #tpu.memory_space<semaphore_mem>>)
        %dma_wait3A_174 = tpu.memref_slice %arg5[%multiple_of3A_57] : memref<20480xi32, #tpu.memory_space<hbm>> -> memref<128xi32, #tpu.memory_space<hbm>>
        %dma_wait3A_175 = tpu.memref_slice %arg5[%multiple_of3A_57] : memref<20480xi32, #tpu.memory_space<hbm>> -> memref<128xi32, #tpu.memory_space<hbm>>
        tpu.wait_dma2 semaphore(%run_scoped3A : memref<!tpu.dma_semaphore, #tpu.memory_space<semaphore_mem>>) src(%dma_wait3A_175 : memref<128xi32, #tpu.memory_space<hbm>>) dst(%arg12 : memref<128xi32, #tpu.memory_space<vmem>>)
        tpu.yield
      }) : () -> ()
      %dma_start3A_64 = arith.constant 0 : i32
      %dma_start3A_65 = arith.constant 0 : i32
      %dma_start3A_66 = tpu.memref_slice %arg3[%dma_start3A_64, %dma_start3A_65] : memref<50x128xf32, #tpu.memory_space<hbm>> -> memref<50x128xf32, #tpu.memory_space<hbm>>
      tpu.enqueue_indirect_dma source(%dma_start3A_66 : memref<50x128xf32, #tpu.memory_space<hbm>>) target(%arg13 : memref<128x128xf32, #tpu.memory_space<vmem>>) offsets(%arg12 : memref<128xi32, #tpu.memory_space<vmem>>) semaphore(%arg16 : memref<!tpu.dma_semaphore, #tpu.memory_space<semaphore_mem>>)
      %dma_wait3A_67 = arith.constant 0 : i32
      %dma_wait3A_68 = arith.constant 0 : i32
      %dma_wait3A_69 = tpu.memref_slice %arg3[%dma_wait3A_67, %dma_wait3A_68] : memref<50x128xf32, #tpu.memory_space<hbm>> -> memref<50x128xf32, #tpu.memory_space<hbm>>
      tpu.wait_indirect_dma semaphore(%arg16 : memref<!tpu.dma_semaphore, #tpu.memory_space<semaphore_mem>>) src(%dma_wait3A_69 : memref<50x128xf32, #tpu.memory_space<hbm>>) dst(%arg13 : memref<128x128xf32, #tpu.memory_space<vmem>>)
      "tpu.region"() ({
        %run_scoped3A = tpu.sem_alloc : memref<!tpu.dma_semaphore, #tpu.memory_space<semaphore_mem>>
        %dma_start3A_172 = arith.constant 0 : i32
        %dma_start3A_173 = tpu.memref_slice %arg10[%multiple_of3A_57, %dma_start3A_172] : memref<20480x128xf32, #tpu.memory_space<hbm>> -> memref<128x128xf32, #tpu.memory_space<hbm>>
        %dma_start3A_174 = arith.constant 0 : i32
        %dma_start3A_175 = tpu.memref_slice %arg10[%multiple_of3A_57, %dma_start3A_174] : memref<20480x128xf32, #tpu.memory_space<hbm>> -> memref<128x128xf32, #tpu.memory_space<hbm>>
        tpu.enqueue_dma source(%arg13 : memref<128x128xf32, #tpu.memory_space<vmem>>) target(%dma_start3A_175 : memref<128x128xf32, #tpu.memory_space<hbm>>) target_semaphore(%run_scoped3A : memref<!tpu.dma_semaphore, #tpu.memory_space<semaphore_mem>>)
        %dma_wait3A_176 = arith.constant 0 : i32
        %dma_wait3A_177 = tpu.memref_slice %arg10[%multiple_of3A_57, %dma_wait3A_176] : memref<20480x128xf32, #tpu.memory_space<hbm>> -> memref<128x128xf32, #tpu.memory_space<hbm>>
        %dma_wait3A_178 = arith.constant 0 : i32
        %dma_wait3A_179 = tpu.memref_slice %arg10[%multiple_of3A_57, %dma_wait3A_178] : memref<20480x128xf32, #tpu.memory_space<hbm>> -> memref<128x128xf32, #tpu.memory_space<hbm>>
        tpu.wait_dma2 semaphore(%run_scoped3A : memref<!tpu.dma_semaphore, #tpu.memory_space<semaphore_mem>>) src(%arg13 : memref<128x128xf32, #tpu.memory_space<vmem>>) dst(%dma_wait3A_179 : memref<128x128xf32, #tpu.memory_space<hbm>>)
        tpu.yield
      }) : () -> ()
      %mul3A_70 = arith.constant 1280 : i32
      %mul3A_71 = arith.muli %arg1, %mul3A_70 : i32
      %add3A_72 = arith.constant 512 : i32
      %add3A_73 = arith.addi %mul3A_71, %add3A_72 : i32
      %multiple_of3A_74 = tpu.assume_multiple %add3A_73, 128 : i32
      "tpu.region"() ({
        %run_scoped3A = tpu.sem_alloc : memref<!tpu.dma_semaphore, #tpu.memory_space<semaphore_mem>>
        %dma_start3A_172 = tpu.memref_slice %arg4[%multiple_of3A_74] : memref<20480xi32, #tpu.memory_space<hbm>> -> memref<128xi32, #tpu.memory_space<hbm>>
        %dma_start3A_173 = tpu.memref_slice %arg4[%multiple_of3A_74] : memref<20480xi32, #tpu.memory_space<hbm>> -> memref<128xi32, #tpu.memory_space<hbm>>
        tpu.enqueue_dma source(%dma_start3A_173 : memref<128xi32, #tpu.memory_space<hbm>>) target(%arg12 : memref<128xi32, #tpu.memory_space<vmem>>) target_semaphore(%run_scoped3A : memref<!tpu.dma_semaphore, #tpu.memory_space<semaphore_mem>>)
        %dma_wait3A_174 = tpu.memref_slice %arg4[%multiple_of3A_74] : memref<20480xi32, #tpu.memory_space<hbm>> -> memref<128xi32, #tpu.memory_space<hbm>>
        %dma_wait3A_175 = tpu.memref_slice %arg4[%multiple_of3A_74] : memref<20480xi32, #tpu.memory_space<hbm>> -> memref<128xi32, #tpu.memory_space<hbm>>
        tpu.wait_dma2 semaphore(%run_scoped3A : memref<!tpu.dma_semaphore, #tpu.memory_space<semaphore_mem>>) src(%dma_wait3A_175 : memref<128xi32, #tpu.memory_space<hbm>>) dst(%arg12 : memref<128xi32, #tpu.memory_space<vmem>>)
        tpu.yield
      }) : () -> ()
      %dma_start3A_75 = arith.constant 0 : i32
      %dma_start3A_76 = arith.constant 0 : i32
      %dma_start3A_77 = tpu.memref_slice %arg2[%dma_start3A_75, %dma_start3A_76] : memref<20000x128xf32, #tpu.memory_space<hbm>> -> memref<20000x128xf32, #tpu.memory_space<hbm>>
      tpu.enqueue_indirect_dma source(%dma_start3A_77 : memref<20000x128xf32, #tpu.memory_space<hbm>>) target(%arg13 : memref<128x128xf32, #tpu.memory_space<vmem>>) offsets(%arg12 : memref<128xi32, #tpu.memory_space<vmem>>) semaphore(%arg16 : memref<!tpu.dma_semaphore, #tpu.memory_space<semaphore_mem>>)
      %dma_wait3A_78 = arith.constant 0 : i32
      %dma_wait3A_79 = arith.constant 0 : i32
      %dma_wait3A_80 = tpu.memref_slice %arg2[%dma_wait3A_78, %dma_wait3A_79] : memref<20000x128xf32, #tpu.memory_space<hbm>> -> memref<20000x128xf32, #tpu.memory_space<hbm>>
      tpu.wait_indirect_dma semaphore(%arg16 : memref<!tpu.dma_semaphore, #tpu.memory_space<semaphore_mem>>) src(%dma_wait3A_80 : memref<20000x128xf32, #tpu.memory_space<hbm>>) dst(%arg13 : memref<128x128xf32, #tpu.memory_space<vmem>>)
      "tpu.region"() ({
        %run_scoped3A = tpu.sem_alloc : memref<!tpu.dma_semaphore, #tpu.memory_space<semaphore_mem>>
        %dma_start3A_172 = arith.constant 0 : i32
        %dma_start3A_173 = tpu.memref_slice %arg9[%multiple_of3A_74, %dma_start3A_172] : memref<20480x128xf32, #tpu.memory_space<hbm>> -> memref<128x128xf32, #tpu.memory_space<hbm>>
        %dma_start3A_174 = arith.constant 0 : i32
        %dma_start3A_175 = tpu.memref_slice %arg9[%multiple_of3A_74, %dma_start3A_174] : memref<20480x128xf32, #tpu.memory_space<hbm>> -> memref<128x128xf32, #tpu.memory_space<hbm>>
        tpu.enqueue_dma source(%arg13 : memref<128x128xf32, #tpu.memory_space<vmem>>) target(%dma_start3A_175 : memref<128x128xf32, #tpu.memory_space<hbm>>) target_semaphore(%run_scoped3A : memref<!tpu.dma_semaphore, #tpu.memory_space<semaphore_mem>>)
        %dma_wait3A_176 = arith.constant 0 : i32
        %dma_wait3A_177 = tpu.memref_slice %arg9[%multiple_of3A_74, %dma_wait3A_176] : memref<20480x128xf32, #tpu.memory_space<hbm>> -> memref<128x128xf32, #tpu.memory_space<hbm>>
        %dma_wait3A_178 = arith.constant 0 : i32
        %dma_wait3A_179 = tpu.memref_slice %arg9[%multiple_of3A_74, %dma_wait3A_178] : memref<20480x128xf32, #tpu.memory_space<hbm>> -> memref<128x128xf32, #tpu.memory_space<hbm>>
        tpu.wait_dma2 semaphore(%run_scoped3A : memref<!tpu.dma_semaphore, #tpu.memory_space<semaphore_mem>>) src(%arg13 : memref<128x128xf32, #tpu.memory_space<vmem>>) dst(%dma_wait3A_179 : memref<128x128xf32, #tpu.memory_space<hbm>>)
        tpu.yield
      }) : () -> ()
      "tpu.region"() ({
        %run_scoped3A = tpu.sem_alloc : memref<!tpu.dma_semaphore, #tpu.memory_space<semaphore_mem>>
        %dma_start3A_172 = tpu.memref_slice %arg5[%multiple_of3A_74] : memref<20480xi32, #tpu.memory_space<hbm>> -> memref<128xi32, #tpu.memory_space<hbm>>
        %dma_start3A_173 = tpu.memref_slice %arg5[%multiple_of3A_74] : memref<20480xi32, #tpu.memory_space<hbm>> -> memref<128xi32, #tpu.memory_space<hbm>>
        tpu.enqueue_dma source(%dma_start3A_173 : memref<128xi32, #tpu.memory_space<hbm>>) target(%arg12 : memref<128xi32, #tpu.memory_space<vmem>>) target_semaphore(%run_scoped3A : memref<!tpu.dma_semaphore, #tpu.memory_space<semaphore_mem>>)
        %dma_wait3A_174 = tpu.memref_slice %arg5[%multiple_of3A_74] : memref<20480xi32, #tpu.memory_space<hbm>> -> memref<128xi32, #tpu.memory_space<hbm>>
        %dma_wait3A_175 = tpu.memref_slice %arg5[%multiple_of3A_74] : memref<20480xi32, #tpu.memory_space<hbm>> -> memref<128xi32, #tpu.memory_space<hbm>>
        tpu.wait_dma2 semaphore(%run_scoped3A : memref<!tpu.dma_semaphore, #tpu.memory_space<semaphore_mem>>) src(%dma_wait3A_175 : memref<128xi32, #tpu.memory_space<hbm>>) dst(%arg12 : memref<128xi32, #tpu.memory_space<vmem>>)
        tpu.yield
      }) : () -> ()
      %dma_start3A_81 = arith.constant 0 : i32
      %dma_start3A_82 = arith.constant 0 : i32
      %dma_start3A_83 = tpu.memref_slice %arg3[%dma_start3A_81, %dma_start3A_82] : memref<50x128xf32, #tpu.memory_space<hbm>> -> memref<50x128xf32, #tpu.memory_space<hbm>>
      tpu.enqueue_indirect_dma source(%dma_start3A_83 : memref<50x128xf32, #tpu.memory_space<hbm>>) target(%arg13 : memref<128x128xf32, #tpu.memory_space<vmem>>) offsets(%arg12 : memref<128xi32, #tpu.memory_space<vmem>>) semaphore(%arg16 : memref<!tpu.dma_semaphore, #tpu.memory_space<semaphore_mem>>)
      %dma_wait3A_84 = arith.constant 0 : i32
      %dma_wait3A_85 = arith.constant 0 : i32
      %dma_wait3A_86 = tpu.memref_slice %arg3[%dma_wait3A_84, %dma_wait3A_85] : memref<50x128xf32, #tpu.memory_space<hbm>> -> memref<50x128xf32, #tpu.memory_space<hbm>>
      tpu.wait_indirect_dma semaphore(%arg16 : memref<!tpu.dma_semaphore, #tpu.memory_space<semaphore_mem>>) src(%dma_wait3A_86 : memref<50x128xf32, #tpu.memory_space<hbm>>) dst(%arg13 : memref<128x128xf32, #tpu.memory_space<vmem>>)
      "tpu.region"() ({
        %run_scoped3A = tpu.sem_alloc : memref<!tpu.dma_semaphore, #tpu.memory_space<semaphore_mem>>
        %dma_start3A_172 = arith.constant 0 : i32
        %dma_start3A_173 = tpu.memref_slice %arg10[%multiple_of3A_74, %dma_start3A_172] : memref<20480x128xf32, #tpu.memory_space<hbm>> -> memref<128x128xf32, #tpu.memory_space<hbm>>
        %dma_start3A_174 = arith.constant 0 : i32
        %dma_start3A_175 = tpu.memref_slice %arg10[%multiple_of3A_74, %dma_start3A_174] : memref<20480x128xf32, #tpu.memory_space<hbm>> -> memref<128x128xf32, #tpu.memory_space<hbm>>
        tpu.enqueue_dma source(%arg13 : memref<128x128xf32, #tpu.memory_space<vmem>>) target(%dma_start3A_175 : memref<128x128xf32, #tpu.memory_space<hbm>>) target_semaphore(%run_scoped3A : memref<!tpu.dma_semaphore, #tpu.memory_space<semaphore_mem>>)
        %dma_wait3A_176 = arith.constant 0 : i32
        %dma_wait3A_177 = tpu.memref_slice %arg10[%multiple_of3A_74, %dma_wait3A_176] : memref<20480x128xf32, #tpu.memory_space<hbm>> -> memref<128x128xf32, #tpu.memory_space<hbm>>
        %dma_wait3A_178 = arith.constant 0 : i32
        %dma_wait3A_179 = tpu.memref_slice %arg10[%multiple_of3A_74, %dma_wait3A_178] : memref<20480x128xf32, #tpu.memory_space<hbm>> -> memref<128x128xf32, #tpu.memory_space<hbm>>
        tpu.wait_dma2 semaphore(%run_scoped3A : memref<!tpu.dma_semaphore, #tpu.memory_space<semaphore_mem>>) src(%arg13 : memref<128x128xf32, #tpu.memory_space<vmem>>) dst(%dma_wait3A_179 : memref<128x128xf32, #tpu.memory_space<hbm>>)
        tpu.yield
      }) : () -> ()
      %mul3A_87 = arith.constant 1280 : i32
      %mul3A_88 = arith.muli %arg1, %mul3A_87 : i32
      %add3A_89 = arith.constant 640 : i32
      %add3A_90 = arith.addi %mul3A_88, %add3A_89 : i32
      %multiple_of3A_91 = tpu.assume_multiple %add3A_90, 128 : i32
      "tpu.region"() ({
        %run_scoped3A = tpu.sem_alloc : memref<!tpu.dma_semaphore, #tpu.memory_space<semaphore_mem>>
        %dma_start3A_172 = tpu.memref_slice %arg4[%multiple_of3A_91] : memref<20480xi32, #tpu.memory_space<hbm>> -> memref<128xi32, #tpu.memory_space<hbm>>
        %dma_start3A_173 = tpu.memref_slice %arg4[%multiple_of3A_91] : memref<20480xi32, #tpu.memory_space<hbm>> -> memref<128xi32, #tpu.memory_space<hbm>>
        tpu.enqueue_dma source(%dma_start3A_173 : memref<128xi32, #tpu.memory_space<hbm>>) target(%arg12 : memref<128xi32, #tpu.memory_space<vmem>>) target_semaphore(%run_scoped3A : memref<!tpu.dma_semaphore, #tpu.memory_space<semaphore_mem>>)
        %dma_wait3A_174 = tpu.memref_slice %arg4[%multiple_of3A_91] : memref<20480xi32, #tpu.memory_space<hbm>> -> memref<128xi32, #tpu.memory_space<hbm>>
        %dma_wait3A_175 = tpu.memref_slice %arg4[%multiple_of3A_91] : memref<20480xi32, #tpu.memory_space<hbm>> -> memref<128xi32, #tpu.memory_space<hbm>>
        tpu.wait_dma2 semaphore(%run_scoped3A : memref<!tpu.dma_semaphore, #tpu.memory_space<semaphore_mem>>) src(%dma_wait3A_175 : memref<128xi32, #tpu.memory_space<hbm>>) dst(%arg12 : memref<128xi32, #tpu.memory_space<vmem>>)
        tpu.yield
      }) : () -> ()
      %dma_start3A_92 = arith.constant 0 : i32
      %dma_start3A_93 = arith.constant 0 : i32
      %dma_start3A_94 = tpu.memref_slice %arg2[%dma_start3A_92, %dma_start3A_93] : memref<20000x128xf32, #tpu.memory_space<hbm>> -> memref<20000x128xf32, #tpu.memory_space<hbm>>
      tpu.enqueue_indirect_dma source(%dma_start3A_94 : memref<20000x128xf32, #tpu.memory_space<hbm>>) target(%arg13 : memref<128x128xf32, #tpu.memory_space<vmem>>) offsets(%arg12 : memref<128xi32, #tpu.memory_space<vmem>>) semaphore(%arg16 : memref<!tpu.dma_semaphore, #tpu.memory_space<semaphore_mem>>)
      %dma_wait3A_95 = arith.constant 0 : i32
      %dma_wait3A_96 = arith.constant 0 : i32
      %dma_wait3A_97 = tpu.memref_slice %arg2[%dma_wait3A_95, %dma_wait3A_96] : memref<20000x128xf32, #tpu.memory_space<hbm>> -> memref<20000x128xf32, #tpu.memory_space<hbm>>
      tpu.wait_indirect_dma semaphore(%arg16 : memref<!tpu.dma_semaphore, #tpu.memory_space<semaphore_mem>>) src(%dma_wait3A_97 : memref<20000x128xf32, #tpu.memory_space<hbm>>) dst(%arg13 : memref<128x128xf32, #tpu.memory_space<vmem>>)
      "tpu.region"() ({
        %run_scoped3A = tpu.sem_alloc : memref<!tpu.dma_semaphore, #tpu.memory_space<semaphore_mem>>
        %dma_start3A_172 = arith.constant 0 : i32
        %dma_start3A_173 = tpu.memref_slice %arg9[%multiple_of3A_91, %dma_start3A_172] : memref<20480x128xf32, #tpu.memory_space<hbm>> -> memref<128x128xf32, #tpu.memory_space<hbm>>
        %dma_start3A_174 = arith.constant 0 : i32
        %dma_start3A_175 = tpu.memref_slice %arg9[%multiple_of3A_91, %dma_start3A_174] : memref<20480x128xf32, #tpu.memory_space<hbm>> -> memref<128x128xf32, #tpu.memory_space<hbm>>
        tpu.enqueue_dma source(%arg13 : memref<128x128xf32, #tpu.memory_space<vmem>>) target(%dma_start3A_175 : memref<128x128xf32, #tpu.memory_space<hbm>>) target_semaphore(%run_scoped3A : memref<!tpu.dma_semaphore, #tpu.memory_space<semaphore_mem>>)
        %dma_wait3A_176 = arith.constant 0 : i32
        %dma_wait3A_177 = tpu.memref_slice %arg9[%multiple_of3A_91, %dma_wait3A_176] : memref<20480x128xf32, #tpu.memory_space<hbm>> -> memref<128x128xf32, #tpu.memory_space<hbm>>
        %dma_wait3A_178 = arith.constant 0 : i32
        %dma_wait3A_179 = tpu.memref_slice %arg9[%multiple_of3A_91, %dma_wait3A_178] : memref<20480x128xf32, #tpu.memory_space<hbm>> -> memref<128x128xf32, #tpu.memory_space<hbm>>
        tpu.wait_dma2 semaphore(%run_scoped3A : memref<!tpu.dma_semaphore, #tpu.memory_space<semaphore_mem>>) src(%arg13 : memref<128x128xf32, #tpu.memory_space<vmem>>) dst(%dma_wait3A_179 : memref<128x128xf32, #tpu.memory_space<hbm>>)
        tpu.yield
      }) : () -> ()
      "tpu.region"() ({
        %run_scoped3A = tpu.sem_alloc : memref<!tpu.dma_semaphore, #tpu.memory_space<semaphore_mem>>
        %dma_start3A_172 = tpu.memref_slice %arg5[%multiple_of3A_91] : memref<20480xi32, #tpu.memory_space<hbm>> -> memref<128xi32, #tpu.memory_space<hbm>>
        %dma_start3A_173 = tpu.memref_slice %arg5[%multiple_of3A_91] : memref<20480xi32, #tpu.memory_space<hbm>> -> memref<128xi32, #tpu.memory_space<hbm>>
        tpu.enqueue_dma source(%dma_start3A_173 : memref<128xi32, #tpu.memory_space<hbm>>) target(%arg12 : memref<128xi32, #tpu.memory_space<vmem>>) target_semaphore(%run_scoped3A : memref<!tpu.dma_semaphore, #tpu.memory_space<semaphore_mem>>)
        %dma_wait3A_174 = tpu.memref_slice %arg5[%multiple_of3A_91] : memref<20480xi32, #tpu.memory_space<hbm>> -> memref<128xi32, #tpu.memory_space<hbm>>
        %dma_wait3A_175 = tpu.memref_slice %arg5[%multiple_of3A_91] : memref<20480xi32, #tpu.memory_space<hbm>> -> memref<128xi32, #tpu.memory_space<hbm>>
        tpu.wait_dma2 semaphore(%run_scoped3A : memref<!tpu.dma_semaphore, #tpu.memory_space<semaphore_mem>>) src(%dma_wait3A_175 : memref<128xi32, #tpu.memory_space<hbm>>) dst(%arg12 : memref<128xi32, #tpu.memory_space<vmem>>)
        tpu.yield
      }) : () -> ()
      %dma_start3A_98 = arith.constant 0 : i32
      %dma_start3A_99 = arith.constant 0 : i32
      %dma_start3A_100 = tpu.memref_slice %arg3[%dma_start3A_98, %dma_start3A_99] : memref<50x128xf32, #tpu.memory_space<hbm>> -> memref<50x128xf32, #tpu.memory_space<hbm>>
      tpu.enqueue_indirect_dma source(%dma_start3A_100 : memref<50x128xf32, #tpu.memory_space<hbm>>) target(%arg13 : memref<128x128xf32, #tpu.memory_space<vmem>>) offsets(%arg12 : memref<128xi32, #tpu.memory_space<vmem>>) semaphore(%arg16 : memref<!tpu.dma_semaphore, #tpu.memory_space<semaphore_mem>>)
      %dma_wait3A_101 = arith.constant 0 : i32
      %dma_wait3A_102 = arith.constant 0 : i32
      %dma_wait3A_103 = tpu.memref_slice %arg3[%dma_wait3A_101, %dma_wait3A_102] : memref<50x128xf32, #tpu.memory_space<hbm>> -> memref<50x128xf32, #tpu.memory_space<hbm>>
      tpu.wait_indirect_dma semaphore(%arg16 : memref<!tpu.dma_semaphore, #tpu.memory_space<semaphore_mem>>) src(%dma_wait3A_103 : memref<50x128xf32, #tpu.memory_space<hbm>>) dst(%arg13 : memref<128x128xf32, #tpu.memory_space<vmem>>)
      "tpu.region"() ({
        %run_scoped3A = tpu.sem_alloc : memref<!tpu.dma_semaphore, #tpu.memory_space<semaphore_mem>>
        %dma_start3A_172 = arith.constant 0 : i32
        %dma_start3A_173 = tpu.memref_slice %arg10[%multiple_of3A_91, %dma_start3A_172] : memref<20480x128xf32, #tpu.memory_space<hbm>> -> memref<128x128xf32, #tpu.memory_space<hbm>>
        %dma_start3A_174 = arith.constant 0 : i32
        %dma_start3A_175 = tpu.memref_slice %arg10[%multiple_of3A_91, %dma_start3A_174] : memref<20480x128xf32, #tpu.memory_space<hbm>> -> memref<128x128xf32, #tpu.memory_space<hbm>>
        tpu.enqueue_dma source(%arg13 : memref<128x128xf32, #tpu.memory_space<vmem>>) target(%dma_start3A_175 : memref<128x128xf32, #tpu.memory_space<hbm>>) target_semaphore(%run_scoped3A : memref<!tpu.dma_semaphore, #tpu.memory_space<semaphore_mem>>)
        %dma_wait3A_176 = arith.constant 0 : i32
        %dma_wait3A_177 = tpu.memref_slice %arg10[%multiple_of3A_91, %dma_wait3A_176] : memref<20480x128xf32, #tpu.memory_space<hbm>> -> memref<128x128xf32, #tpu.memory_space<hbm>>
        %dma_wait3A_178 = arith.constant 0 : i32
        %dma_wait3A_179 = tpu.memref_slice %arg10[%multiple_of3A_91, %dma_wait3A_178] : memref<20480x128xf32, #tpu.memory_space<hbm>> -> memref<128x128xf32, #tpu.memory_space<hbm>>
        tpu.wait_dma2 semaphore(%run_scoped3A : memref<!tpu.dma_semaphore, #tpu.memory_space<semaphore_mem>>) src(%arg13 : memref<128x128xf32, #tpu.memory_space<vmem>>) dst(%dma_wait3A_179 : memref<128x128xf32, #tpu.memory_space<hbm>>)
        tpu.yield
      }) : () -> ()
      %mul3A_104 = arith.constant 1280 : i32
      %mul3A_105 = arith.muli %arg1, %mul3A_104 : i32
      %add3A_106 = arith.constant 768 : i32
      %add3A_107 = arith.addi %mul3A_105, %add3A_106 : i32
      %multiple_of3A_108 = tpu.assume_multiple %add3A_107, 128 : i32
      "tpu.region"() ({
        %run_scoped3A = tpu.sem_alloc : memref<!tpu.dma_semaphore, #tpu.memory_space<semaphore_mem>>
        %dma_start3A_172 = tpu.memref_slice %arg4[%multiple_of3A_108] : memref<20480xi32, #tpu.memory_space<hbm>> -> memref<128xi32, #tpu.memory_space<hbm>>
        %dma_start3A_173 = tpu.memref_slice %arg4[%multiple_of3A_108] : memref<20480xi32, #tpu.memory_space<hbm>> -> memref<128xi32, #tpu.memory_space<hbm>>
        tpu.enqueue_dma source(%dma_start3A_173 : memref<128xi32, #tpu.memory_space<hbm>>) target(%arg12 : memref<128xi32, #tpu.memory_space<vmem>>) target_semaphore(%run_scoped3A : memref<!tpu.dma_semaphore, #tpu.memory_space<semaphore_mem>>)
        %dma_wait3A_174 = tpu.memref_slice %arg4[%multiple_of3A_108] : memref<20480xi32, #tpu.memory_space<hbm>> -> memref<128xi32, #tpu.memory_space<hbm>>
        %dma_wait3A_175 = tpu.memref_slice %arg4[%multiple_of3A_108] : memref<20480xi32, #tpu.memory_space<hbm>> -> memref<128xi32, #tpu.memory_space<hbm>>
        tpu.wait_dma2 semaphore(%run_scoped3A : memref<!tpu.dma_semaphore, #tpu.memory_space<semaphore_mem>>) src(%dma_wait3A_175 : memref<128xi32, #tpu.memory_space<hbm>>) dst(%arg12 : memref<128xi32, #tpu.memory_space<vmem>>)
        tpu.yield
      }) : () -> ()
      %dma_start3A_109 = arith.constant 0 : i32
      %dma_start3A_110 = arith.constant 0 : i32
      %dma_start3A_111 = tpu.memref_slice %arg2[%dma_start3A_109, %dma_start3A_110] : memref<20000x128xf32, #tpu.memory_space<hbm>> -> memref<20000x128xf32, #tpu.memory_space<hbm>>
      tpu.enqueue_indirect_dma source(%dma_start3A_111 : memref<20000x128xf32, #tpu.memory_space<hbm>>) target(%arg13 : memref<128x128xf32, #tpu.memory_space<vmem>>) offsets(%arg12 : memref<128xi32, #tpu.memory_space<vmem>>) semaphore(%arg16 : memref<!tpu.dma_semaphore, #tpu.memory_space<semaphore_mem>>)
      %dma_wait3A_112 = arith.constant 0 : i32
      %dma_wait3A_113 = arith.constant 0 : i32
      %dma_wait3A_114 = tpu.memref_slice %arg2[%dma_wait3A_112, %dma_wait3A_113] : memref<20000x128xf32, #tpu.memory_space<hbm>> -> memref<20000x128xf32, #tpu.memory_space<hbm>>
      tpu.wait_indirect_dma semaphore(%arg16 : memref<!tpu.dma_semaphore, #tpu.memory_space<semaphore_mem>>) src(%dma_wait3A_114 : memref<20000x128xf32, #tpu.memory_space<hbm>>) dst(%arg13 : memref<128x128xf32, #tpu.memory_space<vmem>>)
      "tpu.region"() ({
        %run_scoped3A = tpu.sem_alloc : memref<!tpu.dma_semaphore, #tpu.memory_space<semaphore_mem>>
        %dma_start3A_172 = arith.constant 0 : i32
        %dma_start3A_173 = tpu.memref_slice %arg9[%multiple_of3A_108, %dma_start3A_172] : memref<20480x128xf32, #tpu.memory_space<hbm>> -> memref<128x128xf32, #tpu.memory_space<hbm>>
        %dma_start3A_174 = arith.constant 0 : i32
        %dma_start3A_175 = tpu.memref_slice %arg9[%multiple_of3A_108, %dma_start3A_174] : memref<20480x128xf32, #tpu.memory_space<hbm>> -> memref<128x128xf32, #tpu.memory_space<hbm>>
        tpu.enqueue_dma source(%arg13 : memref<128x128xf32, #tpu.memory_space<vmem>>) target(%dma_start3A_175 : memref<128x128xf32, #tpu.memory_space<hbm>>) target_semaphore(%run_scoped3A : memref<!tpu.dma_semaphore, #tpu.memory_space<semaphore_mem>>)
        %dma_wait3A_176 = arith.constant 0 : i32
        %dma_wait3A_177 = tpu.memref_slice %arg9[%multiple_of3A_108, %dma_wait3A_176] : memref<20480x128xf32, #tpu.memory_space<hbm>> -> memref<128x128xf32, #tpu.memory_space<hbm>>
        %dma_wait3A_178 = arith.constant 0 : i32
        %dma_wait3A_179 = tpu.memref_slice %arg9[%multiple_of3A_108, %dma_wait3A_178] : memref<20480x128xf32, #tpu.memory_space<hbm>> -> memref<128x128xf32, #tpu.memory_space<hbm>>
        tpu.wait_dma2 semaphore(%run_scoped3A : memref<!tpu.dma_semaphore, #tpu.memory_space<semaphore_mem>>) src(%arg13 : memref<128x128xf32, #tpu.memory_space<vmem>>) dst(%dma_wait3A_179 : memref<128x128xf32, #tpu.memory_space<hbm>>)
        tpu.yield
      }) : () -> ()
      "tpu.region"() ({
        %run_scoped3A = tpu.sem_alloc : memref<!tpu.dma_semaphore, #tpu.memory_space<semaphore_mem>>
        %dma_start3A_172 = tpu.memref_slice %arg5[%multiple_of3A_108] : memref<20480xi32, #tpu.memory_space<hbm>> -> memref<128xi32, #tpu.memory_space<hbm>>
        %dma_start3A_173 = tpu.memref_slice %arg5[%multiple_of3A_108] : memref<20480xi32, #tpu.memory_space<hbm>> -> memref<128xi32, #tpu.memory_space<hbm>>
        tpu.enqueue_dma source(%dma_start3A_173 : memref<128xi32, #tpu.memory_space<hbm>>) target(%arg12 : memref<128xi32, #tpu.memory_space<vmem>>) target_semaphore(%run_scoped3A : memref<!tpu.dma_semaphore, #tpu.memory_space<semaphore_mem>>)
        %dma_wait3A_174 = tpu.memref_slice %arg5[%multiple_of3A_108] : memref<20480xi32, #tpu.memory_space<hbm>> -> memref<128xi32, #tpu.memory_space<hbm>>
        %dma_wait3A_175 = tpu.memref_slice %arg5[%multiple_of3A_108] : memref<20480xi32, #tpu.memory_space<hbm>> -> memref<128xi32, #tpu.memory_space<hbm>>
        tpu.wait_dma2 semaphore(%run_scoped3A : memref<!tpu.dma_semaphore, #tpu.memory_space<semaphore_mem>>) src(%dma_wait3A_175 : memref<128xi32, #tpu.memory_space<hbm>>) dst(%arg12 : memref<128xi32, #tpu.memory_space<vmem>>)
        tpu.yield
      }) : () -> ()
      %dma_start3A_115 = arith.constant 0 : i32
      %dma_start3A_116 = arith.constant 0 : i32
      %dma_start3A_117 = tpu.memref_slice %arg3[%dma_start3A_115, %dma_start3A_116] : memref<50x128xf32, #tpu.memory_space<hbm>> -> memref<50x128xf32, #tpu.memory_space<hbm>>
      tpu.enqueue_indirect_dma source(%dma_start3A_117 : memref<50x128xf32, #tpu.memory_space<hbm>>) target(%arg13 : memref<128x128xf32, #tpu.memory_space<vmem>>) offsets(%arg12 : memref<128xi32, #tpu.memory_space<vmem>>) semaphore(%arg16 : memref<!tpu.dma_semaphore, #tpu.memory_space<semaphore_mem>>)
      %dma_wait3A_118 = arith.constant 0 : i32
      %dma_wait3A_119 = arith.constant 0 : i32
      %dma_wait3A_120 = tpu.memref_slice %arg3[%dma_wait3A_118, %dma_wait3A_119] : memref<50x128xf32, #tpu.memory_space<hbm>> -> memref<50x128xf32, #tpu.memory_space<hbm>>
      tpu.wait_indirect_dma semaphore(%arg16 : memref<!tpu.dma_semaphore, #tpu.memory_space<semaphore_mem>>) src(%dma_wait3A_120 : memref<50x128xf32, #tpu.memory_space<hbm>>) dst(%arg13 : memref<128x128xf32, #tpu.memory_space<vmem>>)
      "tpu.region"() ({
        %run_scoped3A = tpu.sem_alloc : memref<!tpu.dma_semaphore, #tpu.memory_space<semaphore_mem>>
        %dma_start3A_172 = arith.constant 0 : i32
        %dma_start3A_173 = tpu.memref_slice %arg10[%multiple_of3A_108, %dma_start3A_172] : memref<20480x128xf32, #tpu.memory_space<hbm>> -> memref<128x128xf32, #tpu.memory_space<hbm>>
        %dma_start3A_174 = arith.constant 0 : i32
        %dma_start3A_175 = tpu.memref_slice %arg10[%multiple_of3A_108, %dma_start3A_174] : memref<20480x128xf32, #tpu.memory_space<hbm>> -> memref<128x128xf32, #tpu.memory_space<hbm>>
        tpu.enqueue_dma source(%arg13 : memref<128x128xf32, #tpu.memory_space<vmem>>) target(%dma_start3A_175 : memref<128x128xf32, #tpu.memory_space<hbm>>) target_semaphore(%run_scoped3A : memref<!tpu.dma_semaphore, #tpu.memory_space<semaphore_mem>>)
        %dma_wait3A_176 = arith.constant 0 : i32
        %dma_wait3A_177 = tpu.memref_slice %arg10[%multiple_of3A_108, %dma_wait3A_176] : memref<20480x128xf32, #tpu.memory_space<hbm>> -> memref<128x128xf32, #tpu.memory_space<hbm>>
        %dma_wait3A_178 = arith.constant 0 : i32
        %dma_wait3A_179 = tpu.memref_slice %arg10[%multiple_of3A_108, %dma_wait3A_178] : memref<20480x128xf32, #tpu.memory_space<hbm>> -> memref<128x128xf32, #tpu.memory_space<hbm>>
        tpu.wait_dma2 semaphore(%run_scoped3A : memref<!tpu.dma_semaphore, #tpu.memory_space<semaphore_mem>>) src(%arg13 : memref<128x128xf32, #tpu.memory_space<vmem>>) dst(%dma_wait3A_179 : memref<128x128xf32, #tpu.memory_space<hbm>>)
        tpu.yield
      }) : () -> ()
      %mul3A_121 = arith.constant 1280 : i32
      %mul3A_122 = arith.muli %arg1, %mul3A_121 : i32
      %add3A_123 = arith.constant 896 : i32
      %add3A_124 = arith.addi %mul3A_122, %add3A_123 : i32
      %multiple_of3A_125 = tpu.assume_multiple %add3A_124, 128 : i32
      "tpu.region"() ({
        %run_scoped3A = tpu.sem_alloc : memref<!tpu.dma_semaphore, #tpu.memory_space<semaphore_mem>>
        %dma_start3A_172 = tpu.memref_slice %arg4[%multiple_of3A_125] : memref<20480xi32, #tpu.memory_space<hbm>> -> memref<128xi32, #tpu.memory_space<hbm>>
        %dma_start3A_173 = tpu.memref_slice %arg4[%multiple_of3A_125] : memref<20480xi32, #tpu.memory_space<hbm>> -> memref<128xi32, #tpu.memory_space<hbm>>
        tpu.enqueue_dma source(%dma_start3A_173 : memref<128xi32, #tpu.memory_space<hbm>>) target(%arg12 : memref<128xi32, #tpu.memory_space<vmem>>) target_semaphore(%run_scoped3A : memref<!tpu.dma_semaphore, #tpu.memory_space<semaphore_mem>>)
        %dma_wait3A_174 = tpu.memref_slice %arg4[%multiple_of3A_125] : memref<20480xi32, #tpu.memory_space<hbm>> -> memref<128xi32, #tpu.memory_space<hbm>>
        %dma_wait3A_175 = tpu.memref_slice %arg4[%multiple_of3A_125] : memref<20480xi32, #tpu.memory_space<hbm>> -> memref<128xi32, #tpu.memory_space<hbm>>
        tpu.wait_dma2 semaphore(%run_scoped3A : memref<!tpu.dma_semaphore, #tpu.memory_space<semaphore_mem>>) src(%dma_wait3A_175 : memref<128xi32, #tpu.memory_space<hbm>>) dst(%arg12 : memref<128xi32, #tpu.memory_space<vmem>>)
        tpu.yield
      }) : () -> ()
      %dma_start3A_126 = arith.constant 0 : i32
      %dma_start3A_127 = arith.constant 0 : i32
      %dma_start3A_128 = tpu.memref_slice %arg2[%dma_start3A_126, %dma_start3A_127] : memref<20000x128xf32, #tpu.memory_space<hbm>> -> memref<20000x128xf32, #tpu.memory_space<hbm>>
      tpu.enqueue_indirect_dma source(%dma_start3A_128 : memref<20000x128xf32, #tpu.memory_space<hbm>>) target(%arg13 : memref<128x128xf32, #tpu.memory_space<vmem>>) offsets(%arg12 : memref<128xi32, #tpu.memory_space<vmem>>) semaphore(%arg16 : memref<!tpu.dma_semaphore, #tpu.memory_space<semaphore_mem>>)
      %dma_wait3A_129 = arith.constant 0 : i32
      %dma_wait3A_130 = arith.constant 0 : i32
      %dma_wait3A_131 = tpu.memref_slice %arg2[%dma_wait3A_129, %dma_wait3A_130] : memref<20000x128xf32, #tpu.memory_space<hbm>> -> memref<20000x128xf32, #tpu.memory_space<hbm>>
      tpu.wait_indirect_dma semaphore(%arg16 : memref<!tpu.dma_semaphore, #tpu.memory_space<semaphore_mem>>) src(%dma_wait3A_131 : memref<20000x128xf32, #tpu.memory_space<hbm>>) dst(%arg13 : memref<128x128xf32, #tpu.memory_space<vmem>>)
      "tpu.region"() ({
        %run_scoped3A = tpu.sem_alloc : memref<!tpu.dma_semaphore, #tpu.memory_space<semaphore_mem>>
        %dma_start3A_172 = arith.constant 0 : i32
        %dma_start3A_173 = tpu.memref_slice %arg9[%multiple_of3A_125, %dma_start3A_172] : memref<20480x128xf32, #tpu.memory_space<hbm>> -> memref<128x128xf32, #tpu.memory_space<hbm>>
        %dma_start3A_174 = arith.constant 0 : i32
        %dma_start3A_175 = tpu.memref_slice %arg9[%multiple_of3A_125, %dma_start3A_174] : memref<20480x128xf32, #tpu.memory_space<hbm>> -> memref<128x128xf32, #tpu.memory_space<hbm>>
        tpu.enqueue_dma source(%arg13 : memref<128x128xf32, #tpu.memory_space<vmem>>) target(%dma_start3A_175 : memref<128x128xf32, #tpu.memory_space<hbm>>) target_semaphore(%run_scoped3A : memref<!tpu.dma_semaphore, #tpu.memory_space<semaphore_mem>>)
        %dma_wait3A_176 = arith.constant 0 : i32
        %dma_wait3A_177 = tpu.memref_slice %arg9[%multiple_of3A_125, %dma_wait3A_176] : memref<20480x128xf32, #tpu.memory_space<hbm>> -> memref<128x128xf32, #tpu.memory_space<hbm>>
        %dma_wait3A_178 = arith.constant 0 : i32
        %dma_wait3A_179 = tpu.memref_slice %arg9[%multiple_of3A_125, %dma_wait3A_178] : memref<20480x128xf32, #tpu.memory_space<hbm>> -> memref<128x128xf32, #tpu.memory_space<hbm>>
        tpu.wait_dma2 semaphore(%run_scoped3A : memref<!tpu.dma_semaphore, #tpu.memory_space<semaphore_mem>>) src(%arg13 : memref<128x128xf32, #tpu.memory_space<vmem>>) dst(%dma_wait3A_179 : memref<128x128xf32, #tpu.memory_space<hbm>>)
        tpu.yield
      }) : () -> ()
      "tpu.region"() ({
        %run_scoped3A = tpu.sem_alloc : memref<!tpu.dma_semaphore, #tpu.memory_space<semaphore_mem>>
        %dma_start3A_172 = tpu.memref_slice %arg5[%multiple_of3A_125] : memref<20480xi32, #tpu.memory_space<hbm>> -> memref<128xi32, #tpu.memory_space<hbm>>
        %dma_start3A_173 = tpu.memref_slice %arg5[%multiple_of3A_125] : memref<20480xi32, #tpu.memory_space<hbm>> -> memref<128xi32, #tpu.memory_space<hbm>>
        tpu.enqueue_dma source(%dma_start3A_173 : memref<128xi32, #tpu.memory_space<hbm>>) target(%arg12 : memref<128xi32, #tpu.memory_space<vmem>>) target_semaphore(%run_scoped3A : memref<!tpu.dma_semaphore, #tpu.memory_space<semaphore_mem>>)
        %dma_wait3A_174 = tpu.memref_slice %arg5[%multiple_of3A_125] : memref<20480xi32, #tpu.memory_space<hbm>> -> memref<128xi32, #tpu.memory_space<hbm>>
        %dma_wait3A_175 = tpu.memref_slice %arg5[%multiple_of3A_125] : memref<20480xi32, #tpu.memory_space<hbm>> -> memref<128xi32, #tpu.memory_space<hbm>>
        tpu.wait_dma2 semaphore(%run_scoped3A : memref<!tpu.dma_semaphore, #tpu.memory_space<semaphore_mem>>) src(%dma_wait3A_175 : memref<128xi32, #tpu.memory_space<hbm>>) dst(%arg12 : memref<128xi32, #tpu.memory_space<vmem>>)
        tpu.yield
      }) : () -> ()
      %dma_start3A_132 = arith.constant 0 : i32
      %dma_start3A_133 = arith.constant 0 : i32
      %dma_start3A_134 = tpu.memref_slice %arg3[%dma_start3A_132, %dma_start3A_133] : memref<50x128xf32, #tpu.memory_space<hbm>> -> memref<50x128xf32, #tpu.memory_space<hbm>>
      tpu.enqueue_indirect_dma source(%dma_start3A_134 : memref<50x128xf32, #tpu.memory_space<hbm>>) target(%arg13 : memref<128x128xf32, #tpu.memory_space<vmem>>) offsets(%arg12 : memref<128xi32, #tpu.memory_space<vmem>>) semaphore(%arg16 : memref<!tpu.dma_semaphore, #tpu.memory_space<semaphore_mem>>)
      %dma_wait3A_135 = arith.constant 0 : i32
      %dma_wait3A_136 = arith.constant 0 : i32
      %dma_wait3A_137 = tpu.memref_slice %arg3[%dma_wait3A_135, %dma_wait3A_136] : memref<50x128xf32, #tpu.memory_space<hbm>> -> memref<50x128xf32, #tpu.memory_space<hbm>>
      tpu.wait_indirect_dma semaphore(%arg16 : memref<!tpu.dma_semaphore, #tpu.memory_space<semaphore_mem>>) src(%dma_wait3A_137 : memref<50x128xf32, #tpu.memory_space<hbm>>) dst(%arg13 : memref<128x128xf32, #tpu.memory_space<vmem>>)
      "tpu.region"() ({
        %run_scoped3A = tpu.sem_alloc : memref<!tpu.dma_semaphore, #tpu.memory_space<semaphore_mem>>
        %dma_start3A_172 = arith.constant 0 : i32
        %dma_start3A_173 = tpu.memref_slice %arg10[%multiple_of3A_125, %dma_start3A_172] : memref<20480x128xf32, #tpu.memory_space<hbm>> -> memref<128x128xf32, #tpu.memory_space<hbm>>
        %dma_start3A_174 = arith.constant 0 : i32
        %dma_start3A_175 = tpu.memref_slice %arg10[%multiple_of3A_125, %dma_start3A_174] : memref<20480x128xf32, #tpu.memory_space<hbm>> -> memref<128x128xf32, #tpu.memory_space<hbm>>
        tpu.enqueue_dma source(%arg13 : memref<128x128xf32, #tpu.memory_space<vmem>>) target(%dma_start3A_175 : memref<128x128xf32, #tpu.memory_space<hbm>>) target_semaphore(%run_scoped3A : memref<!tpu.dma_semaphore, #tpu.memory_space<semaphore_mem>>)
        %dma_wait3A_176 = arith.constant 0 : i32
        %dma_wait3A_177 = tpu.memref_slice %arg10[%multiple_of3A_125, %dma_wait3A_176] : memref<20480x128xf32, #tpu.memory_space<hbm>> -> memref<128x128xf32, #tpu.memory_space<hbm>>
        %dma_wait3A_178 = arith.constant 0 : i32
        %dma_wait3A_179 = tpu.memref_slice %arg10[%multiple_of3A_125, %dma_wait3A_178] : memref<20480x128xf32, #tpu.memory_space<hbm>> -> memref<128x128xf32, #tpu.memory_space<hbm>>
        tpu.wait_dma2 semaphore(%run_scoped3A : memref<!tpu.dma_semaphore, #tpu.memory_space<semaphore_mem>>) src(%arg13 : memref<128x128xf32, #tpu.memory_space<vmem>>) dst(%dma_wait3A_179 : memref<128x128xf32, #tpu.memory_space<hbm>>)
        tpu.yield
      }) : () -> ()
      %mul3A_138 = arith.constant 1280 : i32
      %mul3A_139 = arith.muli %arg1, %mul3A_138 : i32
      %add3A_140 = arith.constant 1024 : i32
      %add3A_141 = arith.addi %mul3A_139, %add3A_140 : i32
      %multiple_of3A_142 = tpu.assume_multiple %add3A_141, 128 : i32
      "tpu.region"() ({
        %run_scoped3A = tpu.sem_alloc : memref<!tpu.dma_semaphore, #tpu.memory_space<semaphore_mem>>
        %dma_start3A_172 = tpu.memref_slice %arg4[%multiple_of3A_142] : memref<20480xi32, #tpu.memory_space<hbm>> -> memref<128xi32, #tpu.memory_space<hbm>>
        %dma_start3A_173 = tpu.memref_slice %arg4[%multiple_of3A_142] : memref<20480xi32, #tpu.memory_space<hbm>> -> memref<128xi32, #tpu.memory_space<hbm>>
        tpu.enqueue_dma source(%dma_start3A_173 : memref<128xi32, #tpu.memory_space<hbm>>) target(%arg12 : memref<128xi32, #tpu.memory_space<vmem>>) target_semaphore(%run_scoped3A : memref<!tpu.dma_semaphore, #tpu.memory_space<semaphore_mem>>)
        %dma_wait3A_174 = tpu.memref_slice %arg4[%multiple_of3A_142] : memref<20480xi32, #tpu.memory_space<hbm>> -> memref<128xi32, #tpu.memory_space<hbm>>
        %dma_wait3A_175 = tpu.memref_slice %arg4[%multiple_of3A_142] : memref<20480xi32, #tpu.memory_space<hbm>> -> memref<128xi32, #tpu.memory_space<hbm>>
        tpu.wait_dma2 semaphore(%run_scoped3A : memref<!tpu.dma_semaphore, #tpu.memory_space<semaphore_mem>>) src(%dma_wait3A_175 : memref<128xi32, #tpu.memory_space<hbm>>) dst(%arg12 : memref<128xi32, #tpu.memory_space<vmem>>)
        tpu.yield
      }) : () -> ()
      %dma_start3A_143 = arith.constant 0 : i32
      %dma_start3A_144 = arith.constant 0 : i32
      %dma_start3A_145 = tpu.memref_slice %arg2[%dma_start3A_143, %dma_start3A_144] : memref<20000x128xf32, #tpu.memory_space<hbm>> -> memref<20000x128xf32, #tpu.memory_space<hbm>>
      tpu.enqueue_indirect_dma source(%dma_start3A_145 : memref<20000x128xf32, #tpu.memory_space<hbm>>) target(%arg13 : memref<128x128xf32, #tpu.memory_space<vmem>>) offsets(%arg12 : memref<128xi32, #tpu.memory_space<vmem>>) semaphore(%arg16 : memref<!tpu.dma_semaphore, #tpu.memory_space<semaphore_mem>>)
      %dma_wait3A_146 = arith.constant 0 : i32
      %dma_wait3A_147 = arith.constant 0 : i32
      %dma_wait3A_148 = tpu.memref_slice %arg2[%dma_wait3A_146, %dma_wait3A_147] : memref<20000x128xf32, #tpu.memory_space<hbm>> -> memref<20000x128xf32, #tpu.memory_space<hbm>>
      tpu.wait_indirect_dma semaphore(%arg16 : memref<!tpu.dma_semaphore, #tpu.memory_space<semaphore_mem>>) src(%dma_wait3A_148 : memref<20000x128xf32, #tpu.memory_space<hbm>>) dst(%arg13 : memref<128x128xf32, #tpu.memory_space<vmem>>)
      "tpu.region"() ({
        %run_scoped3A = tpu.sem_alloc : memref<!tpu.dma_semaphore, #tpu.memory_space<semaphore_mem>>
        %dma_start3A_172 = arith.constant 0 : i32
        %dma_start3A_173 = tpu.memref_slice %arg9[%multiple_of3A_142, %dma_start3A_172] : memref<20480x128xf32, #tpu.memory_space<hbm>> -> memref<128x128xf32, #tpu.memory_space<hbm>>
        %dma_start3A_174 = arith.constant 0 : i32
        %dma_start3A_175 = tpu.memref_slice %arg9[%multiple_of3A_142, %dma_start3A_174] : memref<20480x128xf32, #tpu.memory_space<hbm>> -> memref<128x128xf32, #tpu.memory_space<hbm>>
        tpu.enqueue_dma source(%arg13 : memref<128x128xf32, #tpu.memory_space<vmem>>) target(%dma_start3A_175 : memref<128x128xf32, #tpu.memory_space<hbm>>) target_semaphore(%run_scoped3A : memref<!tpu.dma_semaphore, #tpu.memory_space<semaphore_mem>>)
        %dma_wait3A_176 = arith.constant 0 : i32
        %dma_wait3A_177 = tpu.memref_slice %arg9[%multiple_of3A_142, %dma_wait3A_176] : memref<20480x128xf32, #tpu.memory_space<hbm>> -> memref<128x128xf32, #tpu.memory_space<hbm>>
        %dma_wait3A_178 = arith.constant 0 : i32
        %dma_wait3A_179 = tpu.memref_slice %arg9[%multiple_of3A_142, %dma_wait3A_178] : memref<20480x128xf32, #tpu.memory_space<hbm>> -> memref<128x128xf32, #tpu.memory_space<hbm>>
        tpu.wait_dma2 semaphore(%run_scoped3A : memref<!tpu.dma_semaphore, #tpu.memory_space<semaphore_mem>>) src(%arg13 : memref<128x128xf32, #tpu.memory_space<vmem>>) dst(%dma_wait3A_179 : memref<128x128xf32, #tpu.memory_space<hbm>>)
        tpu.yield
      }) : () -> ()
      "tpu.region"() ({
        %run_scoped3A = tpu.sem_alloc : memref<!tpu.dma_semaphore, #tpu.memory_space<semaphore_mem>>
        %dma_start3A_172 = tpu.memref_slice %arg5[%multiple_of3A_142] : memref<20480xi32, #tpu.memory_space<hbm>> -> memref<128xi32, #tpu.memory_space<hbm>>
        %dma_start3A_173 = tpu.memref_slice %arg5[%multiple_of3A_142] : memref<20480xi32, #tpu.memory_space<hbm>> -> memref<128xi32, #tpu.memory_space<hbm>>
        tpu.enqueue_dma source(%dma_start3A_173 : memref<128xi32, #tpu.memory_space<hbm>>) target(%arg12 : memref<128xi32, #tpu.memory_space<vmem>>) target_semaphore(%run_scoped3A : memref<!tpu.dma_semaphore, #tpu.memory_space<semaphore_mem>>)
        %dma_wait3A_174 = tpu.memref_slice %arg5[%multiple_of3A_142] : memref<20480xi32, #tpu.memory_space<hbm>> -> memref<128xi32, #tpu.memory_space<hbm>>
        %dma_wait3A_175 = tpu.memref_slice %arg5[%multiple_of3A_142] : memref<20480xi32, #tpu.memory_space<hbm>> -> memref<128xi32, #tpu.memory_space<hbm>>
        tpu.wait_dma2 semaphore(%run_scoped3A : memref<!tpu.dma_semaphore, #tpu.memory_space<semaphore_mem>>) src(%dma_wait3A_175 : memref<128xi32, #tpu.memory_space<hbm>>) dst(%arg12 : memref<128xi32, #tpu.memory_space<vmem>>)
        tpu.yield
      }) : () -> ()
      %dma_start3A_149 = arith.constant 0 : i32
      %dma_start3A_150 = arith.constant 0 : i32
      %dma_start3A_151 = tpu.memref_slice %arg3[%dma_start3A_149, %dma_start3A_150] : memref<50x128xf32, #tpu.memory_space<hbm>> -> memref<50x128xf32, #tpu.memory_space<hbm>>
      tpu.enqueue_indirect_dma source(%dma_start3A_151 : memref<50x128xf32, #tpu.memory_space<hbm>>) target(%arg13 : memref<128x128xf32, #tpu.memory_space<vmem>>) offsets(%arg12 : memref<128xi32, #tpu.memory_space<vmem>>) semaphore(%arg16 : memref<!tpu.dma_semaphore, #tpu.memory_space<semaphore_mem>>)
      %dma_wait3A_152 = arith.constant 0 : i32
      %dma_wait3A_153 = arith.constant 0 : i32
      %dma_wait3A_154 = tpu.memref_slice %arg3[%dma_wait3A_152, %dma_wait3A_153] : memref<50x128xf32, #tpu.memory_space<hbm>> -> memref<50x128xf32, #tpu.memory_space<hbm>>
      tpu.wait_indirect_dma semaphore(%arg16 : memref<!tpu.dma_semaphore, #tpu.memory_space<semaphore_mem>>) src(%dma_wait3A_154 : memref<50x128xf32, #tpu.memory_space<hbm>>) dst(%arg13 : memref<128x128xf32, #tpu.memory_space<vmem>>)
      "tpu.region"() ({
        %run_scoped3A = tpu.sem_alloc : memref<!tpu.dma_semaphore, #tpu.memory_space<semaphore_mem>>
        %dma_start3A_172 = arith.constant 0 : i32
        %dma_start3A_173 = tpu.memref_slice %arg10[%multiple_of3A_142, %dma_start3A_172] : memref<20480x128xf32, #tpu.memory_space<hbm>> -> memref<128x128xf32, #tpu.memory_space<hbm>>
        %dma_start3A_174 = arith.constant 0 : i32
        %dma_start3A_175 = tpu.memref_slice %arg10[%multiple_of3A_142, %dma_start3A_174] : memref<20480x128xf32, #tpu.memory_space<hbm>> -> memref<128x128xf32, #tpu.memory_space<hbm>>
        tpu.enqueue_dma source(%arg13 : memref<128x128xf32, #tpu.memory_space<vmem>>) target(%dma_start3A_175 : memref<128x128xf32, #tpu.memory_space<hbm>>) target_semaphore(%run_scoped3A : memref<!tpu.dma_semaphore, #tpu.memory_space<semaphore_mem>>)
        %dma_wait3A_176 = arith.constant 0 : i32
        %dma_wait3A_177 = tpu.memref_slice %arg10[%multiple_of3A_142, %dma_wait3A_176] : memref<20480x128xf32, #tpu.memory_space<hbm>> -> memref<128x128xf32, #tpu.memory_space<hbm>>
        %dma_wait3A_178 = arith.constant 0 : i32
        %dma_wait3A_179 = tpu.memref_slice %arg10[%multiple_of3A_142, %dma_wait3A_178] : memref<20480x128xf32, #tpu.memory_space<hbm>> -> memref<128x128xf32, #tpu.memory_space<hbm>>
        tpu.wait_dma2 semaphore(%run_scoped3A : memref<!tpu.dma_semaphore, #tpu.memory_space<semaphore_mem>>) src(%arg13 : memref<128x128xf32, #tpu.memory_space<vmem>>) dst(%dma_wait3A_179 : memref<128x128xf32, #tpu.memory_space<hbm>>)
        tpu.yield
      }) : () -> ()
      %mul3A_155 = arith.constant 1280 : i32
      %mul3A_156 = arith.muli %arg1, %mul3A_155 : i32
      %add3A_157 = arith.constant 1152 : i32
      %add3A_158 = arith.addi %mul3A_156, %add3A_157 : i32
      %multiple_of3A_159 = tpu.assume_multiple %add3A_158, 128 : i32
      "tpu.region"() ({
        %run_scoped3A = tpu.sem_alloc : memref<!tpu.dma_semaphore, #tpu.memory_space<semaphore_mem>>
        %dma_start3A_172 = tpu.memref_slice %arg4[%multiple_of3A_159] : memref<20480xi32, #tpu.memory_space<hbm>> -> memref<128xi32, #tpu.memory_space<hbm>>
        %dma_start3A_173 = tpu.memref_slice %arg4[%multiple_of3A_159] : memref<20480xi32, #tpu.memory_space<hbm>> -> memref<128xi32, #tpu.memory_space<hbm>>
        tpu.enqueue_dma source(%dma_start3A_173 : memref<128xi32, #tpu.memory_space<hbm>>) target(%arg12 : memref<128xi32, #tpu.memory_space<vmem>>) target_semaphore(%run_scoped3A : memref<!tpu.dma_semaphore, #tpu.memory_space<semaphore_mem>>)
        %dma_wait3A_174 = tpu.memref_slice %arg4[%multiple_of3A_159] : memref<20480xi32, #tpu.memory_space<hbm>> -> memref<128xi32, #tpu.memory_space<hbm>>
        %dma_wait3A_175 = tpu.memref_slice %arg4[%multiple_of3A_159] : memref<20480xi32, #tpu.memory_space<hbm>> -> memref<128xi32, #tpu.memory_space<hbm>>
        tpu.wait_dma2 semaphore(%run_scoped3A : memref<!tpu.dma_semaphore, #tpu.memory_space<semaphore_mem>>) src(%dma_wait3A_175 : memref<128xi32, #tpu.memory_space<hbm>>) dst(%arg12 : memref<128xi32, #tpu.memory_space<vmem>>)
        tpu.yield
      }) : () -> ()
      %dma_start3A_160 = arith.constant 0 : i32
      %dma_start3A_161 = arith.constant 0 : i32
      %dma_start3A_162 = tpu.memref_slice %arg2[%dma_start3A_160, %dma_start3A_161] : memref<20000x128xf32, #tpu.memory_space<hbm>> -> memref<20000x128xf32, #tpu.memory_space<hbm>>
      tpu.enqueue_indirect_dma source(%dma_start3A_162 : memref<20000x128xf32, #tpu.memory_space<hbm>>) target(%arg13 : memref<128x128xf32, #tpu.memory_space<vmem>>) offsets(%arg12 : memref<128xi32, #tpu.memory_space<vmem>>) semaphore(%arg16 : memref<!tpu.dma_semaphore, #tpu.memory_space<semaphore_mem>>)
      %dma_wait3A_163 = arith.constant 0 : i32
      %dma_wait3A_164 = arith.constant 0 : i32
      %dma_wait3A_165 = tpu.memref_slice %arg2[%dma_wait3A_163, %dma_wait3A_164] : memref<20000x128xf32, #tpu.memory_space<hbm>> -> memref<20000x128xf32, #tpu.memory_space<hbm>>
      tpu.wait_indirect_dma semaphore(%arg16 : memref<!tpu.dma_semaphore, #tpu.memory_space<semaphore_mem>>) src(%dma_wait3A_165 : memref<20000x128xf32, #tpu.memory_space<hbm>>) dst(%arg13 : memref<128x128xf32, #tpu.memory_space<vmem>>)
      "tpu.region"() ({
        %run_scoped3A = tpu.sem_alloc : memref<!tpu.dma_semaphore, #tpu.memory_space<semaphore_mem>>
        %dma_start3A_172 = arith.constant 0 : i32
        %dma_start3A_173 = tpu.memref_slice %arg9[%multiple_of3A_159, %dma_start3A_172] : memref<20480x128xf32, #tpu.memory_space<hbm>> -> memref<128x128xf32, #tpu.memory_space<hbm>>
        %dma_start3A_174 = arith.constant 0 : i32
        %dma_start3A_175 = tpu.memref_slice %arg9[%multiple_of3A_159, %dma_start3A_174] : memref<20480x128xf32, #tpu.memory_space<hbm>> -> memref<128x128xf32, #tpu.memory_space<hbm>>
        tpu.enqueue_dma source(%arg13 : memref<128x128xf32, #tpu.memory_space<vmem>>) target(%dma_start3A_175 : memref<128x128xf32, #tpu.memory_space<hbm>>) target_semaphore(%run_scoped3A : memref<!tpu.dma_semaphore, #tpu.memory_space<semaphore_mem>>)
        %dma_wait3A_176 = arith.constant 0 : i32
        %dma_wait3A_177 = tpu.memref_slice %arg9[%multiple_of3A_159, %dma_wait3A_176] : memref<20480x128xf32, #tpu.memory_space<hbm>> -> memref<128x128xf32, #tpu.memory_space<hbm>>
        %dma_wait3A_178 = arith.constant 0 : i32
        %dma_wait3A_179 = tpu.memref_slice %arg9[%multiple_of3A_159, %dma_wait3A_178] : memref<20480x128xf32, #tpu.memory_space<hbm>> -> memref<128x128xf32, #tpu.memory_space<hbm>>
        tpu.wait_dma2 semaphore(%run_scoped3A : memref<!tpu.dma_semaphore, #tpu.memory_space<semaphore_mem>>) src(%arg13 : memref<128x128xf32, #tpu.memory_space<vmem>>) dst(%dma_wait3A_179 : memref<128x128xf32, #tpu.memory_space<hbm>>)
        tpu.yield
      }) : () -> ()
      "tpu.region"() ({
        %run_scoped3A = tpu.sem_alloc : memref<!tpu.dma_semaphore, #tpu.memory_space<semaphore_mem>>
        %dma_start3A_172 = tpu.memref_slice %arg5[%multiple_of3A_159] : memref<20480xi32, #tpu.memory_space<hbm>> -> memref<128xi32, #tpu.memory_space<hbm>>
        %dma_start3A_173 = tpu.memref_slice %arg5[%multiple_of3A_159] : memref<20480xi32, #tpu.memory_space<hbm>> -> memref<128xi32, #tpu.memory_space<hbm>>
        tpu.enqueue_dma source(%dma_start3A_173 : memref<128xi32, #tpu.memory_space<hbm>>) target(%arg12 : memref<128xi32, #tpu.memory_space<vmem>>) target_semaphore(%run_scoped3A : memref<!tpu.dma_semaphore, #tpu.memory_space<semaphore_mem>>)
        %dma_wait3A_174 = tpu.memref_slice %arg5[%multiple_of3A_159] : memref<20480xi32, #tpu.memory_space<hbm>> -> memref<128xi32, #tpu.memory_space<hbm>>
        %dma_wait3A_175 = tpu.memref_slice %arg5[%multiple_of3A_159] : memref<20480xi32, #tpu.memory_space<hbm>> -> memref<128xi32, #tpu.memory_space<hbm>>
        tpu.wait_dma2 semaphore(%run_scoped3A : memref<!tpu.dma_semaphore, #tpu.memory_space<semaphore_mem>>) src(%dma_wait3A_175 : memref<128xi32, #tpu.memory_space<hbm>>) dst(%arg12 : memref<128xi32, #tpu.memory_space<vmem>>)
        tpu.yield
      }) : () -> ()
      %dma_start3A_166 = arith.constant 0 : i32
      %dma_start3A_167 = arith.constant 0 : i32
      %dma_start3A_168 = tpu.memref_slice %arg3[%dma_start3A_166, %dma_start3A_167] : memref<50x128xf32, #tpu.memory_space<hbm>> -> memref<50x128xf32, #tpu.memory_space<hbm>>
      tpu.enqueue_indirect_dma source(%dma_start3A_168 : memref<50x128xf32, #tpu.memory_space<hbm>>) target(%arg13 : memref<128x128xf32, #tpu.memory_space<vmem>>) offsets(%arg12 : memref<128xi32, #tpu.memory_space<vmem>>) semaphore(%arg16 : memref<!tpu.dma_semaphore, #tpu.memory_space<semaphore_mem>>)
      %dma_wait3A_169 = arith.constant 0 : i32
      %dma_wait3A_170 = arith.constant 0 : i32
      %dma_wait3A_171 = tpu.memref_slice %arg3[%dma_wait3A_169, %dma_wait3A_170] : memref<50x128xf32, #tpu.memory_space<hbm>> -> memref<50x128xf32, #tpu.memory_space<hbm>>
      tpu.wait_indirect_dma semaphore(%arg16 : memref<!tpu.dma_semaphore, #tpu.memory_space<semaphore_mem>>) src(%dma_wait3A_171 : memref<50x128xf32, #tpu.memory_space<hbm>>) dst(%arg13 : memref<128x128xf32, #tpu.memory_space<vmem>>)
      "tpu.region"() ({
        %run_scoped3A = tpu.sem_alloc : memref<!tpu.dma_semaphore, #tpu.memory_space<semaphore_mem>>
        %dma_start3A_172 = arith.constant 0 : i32
        %dma_start3A_173 = tpu.memref_slice %arg10[%multiple_of3A_159, %dma_start3A_172] : memref<20480x128xf32, #tpu.memory_space<hbm>> -> memref<128x128xf32, #tpu.memory_space<hbm>>
        %dma_start3A_174 = arith.constant 0 : i32
        %dma_start3A_175 = tpu.memref_slice %arg10[%multiple_of3A_159, %dma_start3A_174] : memref<20480x128xf32, #tpu.memory_space<hbm>> -> memref<128x128xf32, #tpu.memory_space<hbm>>
        tpu.enqueue_dma source(%arg13 : memref<128x128xf32, #tpu.memory_space<vmem>>) target(%dma_start3A_175 : memref<128x128xf32, #tpu.memory_space<hbm>>) target_semaphore(%run_scoped3A : memref<!tpu.dma_semaphore, #tpu.memory_space<semaphore_mem>>)
        %dma_wait3A_176 = arith.constant 0 : i32
        %dma_wait3A_177 = tpu.memref_slice %arg10[%multiple_of3A_159, %dma_wait3A_176] : memref<20480x128xf32, #tpu.memory_space<hbm>> -> memref<128x128xf32, #tpu.memory_space<hbm>>
        %dma_wait3A_178 = arith.constant 0 : i32
        %dma_wait3A_179 = tpu.memref_slice %arg10[%multiple_of3A_159, %dma_wait3A_178] : memref<20480x128xf32, #tpu.memory_space<hbm>> -> memref<128x128xf32, #tpu.memory_space<hbm>>
        tpu.wait_dma2 semaphore(%run_scoped3A : memref<!tpu.dma_semaphore, #tpu.memory_space<semaphore_mem>>) src(%arg13 : memref<128x128xf32, #tpu.memory_space<vmem>>) dst(%dma_wait3A_179 : memref<128x128xf32, #tpu.memory_space<hbm>>)
        tpu.yield
      }) : () -> ()
    } else {
    }
    %eq3A_2 = arith.constant 0 : i32
    %eq3A_3 = arith.cmpi eq, %arg0, %eq3A_2 : i32
    %convert_element_type3A_4 = arith.extui %eq3A_3 : i1 to i32
    %cond3A_5 = arith.constant 0 : i32
    %cond3A_6 = arith.cmpi ne, %convert_element_type3A_4, %cond3A_5 : i32
    scf.if %cond3A_6 {
      %mul3A = arith.constant 640 : i32
      %mul3A_7 = arith.muli %arg1, %mul3A : i32
      %multiple_of3A = tpu.assume_multiple %mul3A_7, 128 : i32
      "tpu.region"() ({
        %run_scoped3A = tpu.sem_alloc : memref<!tpu.dma_semaphore, #tpu.memory_space<semaphore_mem>>
        %dma_start3A = arith.constant 0 : i32
        %dma_start3A_14 = tpu.memref_slice %arg15[%multiple_of3A, %dma_start3A] : memref<10240x128xf32, #tpu.memory_space<vmem_shared>> -> memref<640x128xf32, #tpu.memory_space<vmem_shared>>
        tpu.enqueue_dma source(%arg8 : memref<640x128xf32, #tpu.memory_space<hbm>>) target(%dma_start3A_14 : memref<640x128xf32, #tpu.memory_space<vmem_shared>>) target_semaphore(%run_scoped3A : memref<!tpu.dma_semaphore, #tpu.memory_space<semaphore_mem>>)
        %dma_wait3A = arith.constant 0 : i32
        %dma_wait3A_15 = tpu.memref_slice %arg15[%multiple_of3A, %dma_wait3A] : memref<10240x128xf32, #tpu.memory_space<vmem_shared>> -> memref<640x128xf32, #tpu.memory_space<vmem_shared>>
        tpu.wait_dma2 semaphore(%run_scoped3A : memref<!tpu.dma_semaphore, #tpu.memory_space<semaphore_mem>>) src(%arg8 : memref<640x128xf32, #tpu.memory_space<hbm>>) dst(%dma_wait3A_15 : memref<640x128xf32, #tpu.memory_space<vmem_shared>>)
        tpu.yield
      }) : () -> ()
      "tpu.region"() ({
        %run_scoped3A = tpu.sem_alloc : memref<!tpu.dma_semaphore, #tpu.memory_space<semaphore_mem>>
        tpu.enqueue_dma source(%arg7 : memref<128x128xf32, #tpu.memory_space<hbm>>) target(%arg14 : memref<128x128xf32, #tpu.memory_space<vmem>>) target_semaphore(%run_scoped3A : memref<!tpu.dma_semaphore, #tpu.memory_space<semaphore_mem>>)
        tpu.wait_dma2 semaphore(%run_scoped3A : memref<!tpu.dma_semaphore, #tpu.memory_space<semaphore_mem>>) src(%arg7 : memref<128x128xf32, #tpu.memory_space<hbm>>) dst(%arg14 : memref<128x128xf32, #tpu.memory_space<vmem>>)
        tpu.yield
      }) : () -> ()
      %barrier3A = arith.constant 0 : index
      tpu.barrier barrier_id(%barrier3A)
      %scan3A = arith.constant 0 : i32
      %scan3A_8 = arith.constant 0 : i32
      %scan3A_9 = arith.constant 80 : i32
      %scan3A_10 = arith.addi %scan3A_8, %scan3A_9 : i32
      %scan3A_11 = arith.constant 1 : i32
      scf.for %scan3A_14 = %scan3A_8 to %scan3A_10 step %scan3A_11  : i32 {
        %mul3A_15 = arith.constant 10240 : i32
        %mul3A_16 = arith.muli %arg1, %mul3A_15 : i32
        %mul3A_17 = arith.constant 128 : i32
        %mul3A_18 = arith.muli %scan3A_14, %mul3A_17 : i32
        %add3A = arith.addi %mul3A_16, %mul3A_18 : i32
        %multiple_of3A_19 = tpu.assume_multiple %add3A, 128 : i32
        "tpu.region"() ({
          %run_scoped3A = tpu.sem_alloc : memref<!tpu.dma_semaphore, #tpu.memory_space<semaphore_mem>>
          %dma_start3A = tpu.memref_slice %arg6[%multiple_of3A_19] : memref<163840xi32, #tpu.memory_space<hbm>> -> memref<128xi32, #tpu.memory_space<hbm>>
          %dma_start3A_20 = tpu.memref_slice %arg6[%multiple_of3A_19] : memref<163840xi32, #tpu.memory_space<hbm>> -> memref<128xi32, #tpu.memory_space<hbm>>
          tpu.enqueue_dma source(%dma_start3A_20 : memref<128xi32, #tpu.memory_space<hbm>>) target(%arg12 : memref<128xi32, #tpu.memory_space<vmem>>) target_semaphore(%run_scoped3A : memref<!tpu.dma_semaphore, #tpu.memory_space<semaphore_mem>>)
          %dma_wait3A = tpu.memref_slice %arg6[%multiple_of3A_19] : memref<163840xi32, #tpu.memory_space<hbm>> -> memref<128xi32, #tpu.memory_space<hbm>>
          %dma_wait3A_21 = tpu.memref_slice %arg6[%multiple_of3A_19] : memref<163840xi32, #tpu.memory_space<hbm>> -> memref<128xi32, #tpu.memory_space<hbm>>
          tpu.wait_dma2 semaphore(%run_scoped3A : memref<!tpu.dma_semaphore, #tpu.memory_space<semaphore_mem>>) src(%dma_wait3A_21 : memref<128xi32, #tpu.memory_space<hbm>>) dst(%arg12 : memref<128xi32, #tpu.memory_space<vmem>>)
          tpu.yield
        }) : () -> ()
        "tpu.region"() ({
          %run_scoped3A = tpu.sem_alloc : memref<!tpu.dma_semaphore, #tpu.memory_space<semaphore_mem>>
          %dma_start3A = arith.constant 0 : i32
          %dma_start3A_20 = arith.constant 0 : i32
          %dma_start3A_21 = tpu.memref_slice %arg15[%dma_start3A, %dma_start3A_20] : memref<10240x128xf32, #tpu.memory_space<vmem_shared>> -> memref<10240x128xf32, #tpu.memory_space<vmem_shared>>
          tpu.enqueue_indirect_dma source(%arg14 : memref<128x128xf32, #tpu.memory_space<vmem>>) target(%dma_start3A_21 : memref<10240x128xf32, #tpu.memory_space<vmem_shared>>) offsets(%arg12 : memref<128xi32, #tpu.memory_space<vmem>>) semaphore(%run_scoped3A : memref<!tpu.dma_semaphore, #tpu.memory_space<semaphore_mem>>) {add = true}
          %dma_wait3A = arith.constant 0 : i32
          %dma_wait3A_22 = arith.constant 0 : i32
          %dma_wait3A_23 = tpu.memref_slice %arg15[%dma_wait3A, %dma_wait3A_22] : memref<10240x128xf32, #tpu.memory_space<vmem_shared>> -> memref<10240x128xf32, #tpu.memory_space<vmem_shared>>
          tpu.wait_indirect_dma semaphore(%run_scoped3A : memref<!tpu.dma_semaphore, #tpu.memory_space<semaphore_mem>>) src(%arg14 : memref<128x128xf32, #tpu.memory_space<vmem>>) dst(%dma_wait3A_23 : memref<10240x128xf32, #tpu.memory_space<vmem_shared>>)
          tpu.yield
        }) : () -> ()
      }
      %scan3A_12 = arith.constant 80 : i32
      %barrier3A_13 = arith.constant 0 : index
      tpu.barrier barrier_id(%barrier3A_13)
      "tpu.region"() ({
        %run_scoped3A = tpu.sem_alloc : memref<!tpu.dma_semaphore, #tpu.memory_space<semaphore_mem>>
        %dma_start3A = arith.constant 0 : i32
        %dma_start3A_14 = tpu.memref_slice %arg11[%multiple_of3A, %dma_start3A] : memref<10240x128xf32, #tpu.memory_space<hbm>> -> memref<640x128xf32, #tpu.memory_space<hbm>>
        %dma_start3A_15 = arith.constant 0 : i32
        %dma_start3A_16 = tpu.memref_slice %arg15[%multiple_of3A, %dma_start3A_15] : memref<10240x128xf32, #tpu.memory_space<vmem_shared>> -> memref<640x128xf32, #tpu.memory_space<vmem_shared>>
        tpu.enqueue_dma source(%dma_start3A_16 : memref<640x128xf32, #tpu.memory_space<vmem_shared>>) target(%dma_start3A_14 : memref<640x128xf32, #tpu.memory_space<hbm>>) target_semaphore(%run_scoped3A : memref<!tpu.dma_semaphore, #tpu.memory_space<semaphore_mem>>)
        %dma_wait3A = arith.constant 0 : i32
        %dma_wait3A_17 = tpu.memref_slice %arg11[%multiple_of3A, %dma_wait3A] : memref<10240x128xf32, #tpu.memory_space<hbm>> -> memref<640x128xf32, #tpu.memory_space<hbm>>
        %dma_wait3A_18 = arith.constant 0 : i32
        %dma_wait3A_19 = tpu.memref_slice %arg15[%multiple_of3A, %dma_wait3A_18] : memref<10240x128xf32, #tpu.memory_space<vmem_shared>> -> memref<640x128xf32, #tpu.memory_space<vmem_shared>>
        tpu.wait_dma2 semaphore(%run_scoped3A : memref<!tpu.dma_semaphore, #tpu.memory_space<semaphore_mem>>) src(%dma_wait3A_19 : memref<640x128xf32, #tpu.memory_space<vmem_shared>>) dst(%dma_wait3A_17 : memref<640x128xf32, #tpu.memory_space<hbm>>)
        tpu.yield
      }) : () -> ()
    } else {
    }
    return
  }
}

#map = affine_map<(d0, d1) -> (0, 0)>
#map1 = affine_map<(d0, d1) -> (0)>
module attributes {stable_mosaic.version = 14 : i64} {
  func.func @_spmm_body(%arg0: i32, %arg1: i32, %arg2: memref<20480x128xf32, #tpu.memory_space<hbm>>, %arg3: memref<20480x128xf32, #tpu.memory_space<hbm>>, %arg4: memref<327680xi32, #tpu.memory_space<hbm>>, %arg5: memref<2560x64xi32, #tpu.memory_space<hbm>>, %arg6: memref<640x128xf32, #tpu.memory_space<hbm>>, %arg7: memref<20480x128xf32, #tpu.memory_space<hbm>>, %arg8: memref<20480x128xf32, #tpu.memory_space<hbm>>, %arg9: memref<10240xi32, #tpu.memory_space<vmem>>, %arg10: memref<4x64xi32, #tpu.memory_space<vmem>>, %arg11: memref<256x128xf32, #tpu.memory_space<vmem>>, %arg12: memref<10240x128xf32, #tpu.memory_space<vmem_shared>>, %arg13: memref<!tpu.dma_semaphore, #tpu.memory_space<semaphore_mem>>, %arg14: memref<!tpu.dma_semaphore, #tpu.memory_space<semaphore_mem>>, %arg15: memref<!tpu.dma_semaphore, #tpu.memory_space<semaphore_mem>>, %arg16: memref<!tpu.dma_semaphore, #tpu.memory_space<semaphore_mem>>, %arg17: memref<!tpu.dma_semaphore, #tpu.memory_space<semaphore_mem>>, %arg18: memref<!tpu.dma_semaphore, #tpu.memory_space<semaphore_mem>>, %arg19: memref<!tpu.dma_semaphore, #tpu.memory_space<semaphore_mem>>, %arg20: memref<!tpu.dma_semaphore, #tpu.memory_space<semaphore_mem>>, %arg21: memref<!tpu.dma_semaphore, #tpu.memory_space<semaphore_mem>>, %arg22: memref<!tpu.dma_semaphore, #tpu.memory_space<semaphore_mem>>, %arg23: memref<!tpu.dma_semaphore, #tpu.memory_space<semaphore_mem>>, %arg24: memref<!tpu.dma_semaphore, #tpu.memory_space<semaphore_mem>>) attributes {dimension_semantics = [#tpu.dimension_semantics<core_parallel>, #tpu.dimension_semantics<subcore_parallel>], iteration_bounds = array<i64: 2, 16>, scalar_prefetch = 0 : i64, scratch_operands = 16 : i64, tpu.core_type = #tpu.core_type<sc_vector_subcore>, window_params = [{transform_indices = #map}, {transform_indices = #map}, {transform_indices = #map1}, {transform_indices = #map}, {transform_indices = #map}, {transform_indices = #map}, {transform_indices = #map}]} {
    %mul3A = arith.constant 640 : i32
    %mul3A_0 = arith.muli %arg1, %mul3A : i32
    %multiple_of3A = tpu.assume_multiple %mul3A_0, 128 : i32
    %mul3A_1 = arith.constant 163840 : i32
    %mul3A_2 = arith.muli %arg0, %mul3A_1 : i32
    %mul3A_3 = arith.constant 10240 : i32
    %mul3A_4 = arith.muli %arg1, %mul3A_3 : i32
    %add3A = arith.addi %mul3A_2, %mul3A_4 : i32
    %multiple_of3A_5 = tpu.assume_multiple %add3A, 128 : i32
    "tpu.region"() ({
      %run_scoped3A = tpu.sem_alloc : memref<!tpu.dma_semaphore, #tpu.memory_space<semaphore_mem>>
      %dma_start3A_178 = tpu.memref_slice %arg4[%multiple_of3A_5] : memref<327680xi32, #tpu.memory_space<hbm>> -> memref<10240xi32, #tpu.memory_space<hbm>>
      %dma_start3A_179 = tpu.memref_slice %arg4[%multiple_of3A_5] : memref<327680xi32, #tpu.memory_space<hbm>> -> memref<10240xi32, #tpu.memory_space<hbm>>
      tpu.enqueue_dma source(%dma_start3A_179 : memref<10240xi32, #tpu.memory_space<hbm>>) target(%arg9 : memref<10240xi32, #tpu.memory_space<vmem>>) target_semaphore(%run_scoped3A : memref<!tpu.dma_semaphore, #tpu.memory_space<semaphore_mem>>)
      %dma_wait3A_180 = tpu.memref_slice %arg4[%multiple_of3A_5] : memref<327680xi32, #tpu.memory_space<hbm>> -> memref<10240xi32, #tpu.memory_space<hbm>>
      %dma_wait3A_181 = tpu.memref_slice %arg4[%multiple_of3A_5] : memref<327680xi32, #tpu.memory_space<hbm>> -> memref<10240xi32, #tpu.memory_space<hbm>>
      tpu.wait_dma2 semaphore(%run_scoped3A : memref<!tpu.dma_semaphore, #tpu.memory_space<semaphore_mem>>) src(%dma_wait3A_181 : memref<10240xi32, #tpu.memory_space<hbm>>) dst(%arg9 : memref<10240xi32, #tpu.memory_space<vmem>>)
      tpu.yield
    }) : () -> ()
    "tpu.region"() ({
      %run_scoped3A = tpu.sem_alloc : memref<!tpu.dma_semaphore, #tpu.memory_space<semaphore_mem>>
      %dma_start3A_178 = arith.constant 0 : i32
      %dma_start3A_179 = tpu.memref_slice %arg12[%multiple_of3A, %dma_start3A_178] : memref<10240x128xf32, #tpu.memory_space<vmem_shared>> -> memref<640x128xf32, #tpu.memory_space<vmem_shared>>
      tpu.enqueue_dma source(%arg6 : memref<640x128xf32, #tpu.memory_space<hbm>>) target(%dma_start3A_179 : memref<640x128xf32, #tpu.memory_space<vmem_shared>>) target_semaphore(%run_scoped3A : memref<!tpu.dma_semaphore, #tpu.memory_space<semaphore_mem>>)
      %dma_wait3A_180 = arith.constant 0 : i32
      %dma_wait3A_181 = tpu.memref_slice %arg12[%multiple_of3A, %dma_wait3A_180] : memref<10240x128xf32, #tpu.memory_space<vmem_shared>> -> memref<640x128xf32, #tpu.memory_space<vmem_shared>>
      tpu.wait_dma2 semaphore(%run_scoped3A : memref<!tpu.dma_semaphore, #tpu.memory_space<semaphore_mem>>) src(%arg6 : memref<640x128xf32, #tpu.memory_space<hbm>>) dst(%dma_wait3A_181 : memref<640x128xf32, #tpu.memory_space<vmem_shared>>)
      tpu.yield
    }) : () -> ()
    %mul3A_6 = arith.constant 160 : i32
    %mul3A_7 = arith.muli %arg1, %mul3A_6 : i32
    %add3A_8 = arith.constant 0 : i32
    %add3A_9 = arith.addi %mul3A_7, %add3A_8 : i32
    %dma_start3A = arith.constant 0 : i32
    %dma_start3A_10 = arith.constant 0 : i32
    %dma_start3A_11 = tpu.memref_slice %arg10[%dma_start3A, %dma_start3A_10] : memref<4x64xi32, #tpu.memory_space<vmem>> -> memref<1x64xi32, #tpu.memory_space<vmem>>
    %dma_start3A_12 = tpu.memref_squeeze %dma_start3A_11 : memref<1x64xi32, #tpu.memory_space<vmem>> -> memref<64xi32, #tpu.memory_space<vmem>>
    %dma_start3A_13 = arith.constant 0 : i32
    %dma_start3A_14 = tpu.memref_slice %arg5[%add3A_9, %dma_start3A_13] : memref<2560x64xi32, #tpu.memory_space<hbm>> -> memref<1x64xi32, #tpu.memory_space<hbm>>
    %dma_start3A_15 = tpu.memref_squeeze %dma_start3A_14 : memref<1x64xi32, #tpu.memory_space<hbm>> -> memref<64xi32, #tpu.memory_space<hbm>>
    %dma_start3A_16 = arith.constant 0 : i32
    %dma_start3A_17 = tpu.memref_slice %arg10[%dma_start3A, %dma_start3A_16] : memref<4x64xi32, #tpu.memory_space<vmem>> -> memref<1x64xi32, #tpu.memory_space<vmem>>
    %dma_start3A_18 = tpu.memref_squeeze %dma_start3A_17 : memref<1x64xi32, #tpu.memory_space<vmem>> -> memref<64xi32, #tpu.memory_space<vmem>>
    %dma_start3A_19 = arith.constant 0 : i32
    %dma_start3A_20 = tpu.memref_slice %arg5[%add3A_9, %dma_start3A_19] : memref<2560x64xi32, #tpu.memory_space<hbm>> -> memref<1x64xi32, #tpu.memory_space<hbm>>
    %dma_start3A_21 = tpu.memref_squeeze %dma_start3A_20 : memref<1x64xi32, #tpu.memory_space<hbm>> -> memref<64xi32, #tpu.memory_space<hbm>>
    tpu.enqueue_dma source(%dma_start3A_21 : memref<64xi32, #tpu.memory_space<hbm>>) target(%dma_start3A_18 : memref<64xi32, #tpu.memory_space<vmem>>) target_semaphore(%arg21 : memref<!tpu.dma_semaphore, #tpu.memory_space<semaphore_mem>>)
    %multiple_of3A_22 = arith.constant 0 : i32
    %multiple_of3A_23 = tpu.assume_multiple %multiple_of3A_22, 8 : i32
    %dma_start3A_24 = arith.constant 0 : i32
    %dma_start3A_25 = arith.constant 0 : i32
    %dma_start3A_26 = tpu.memref_slice %arg11[%dma_start3A_24, %dma_start3A_25] : memref<256x128xf32, #tpu.memory_space<vmem>> -> memref<64x128xf32, #tpu.memory_space<vmem>>
    %dma_start3A_27 = tpu.memref_slice %arg9[%multiple_of3A_23] : memref<10240xi32, #tpu.memory_space<vmem>> -> memref<64xi32, #tpu.memory_space<vmem>>
    %dma_start3A_28 = arith.constant 0 : i32
    %dma_start3A_29 = arith.constant 0 : i32
    %dma_start3A_30 = tpu.memref_slice %arg2[%dma_start3A_28, %dma_start3A_29] : memref<20480x128xf32, #tpu.memory_space<hbm>> -> memref<20480x128xf32, #tpu.memory_space<hbm>>
    tpu.enqueue_indirect_dma source(%dma_start3A_30 : memref<20480x128xf32, #tpu.memory_space<hbm>>) target(%dma_start3A_26 : memref<64x128xf32, #tpu.memory_space<vmem>>) offsets(%dma_start3A_27 : memref<64xi32, #tpu.memory_space<vmem>>) semaphore(%arg13 : memref<!tpu.dma_semaphore, #tpu.memory_space<semaphore_mem>>)
    %mul3A_31 = arith.constant 160 : i32
    %mul3A_32 = arith.muli %arg1, %mul3A_31 : i32
    %add3A_33 = arith.constant 1 : i32
    %add3A_34 = arith.addi %mul3A_32, %add3A_33 : i32
    %dma_start3A_35 = arith.constant 1 : i32
    %dma_start3A_36 = arith.constant 0 : i32
    %dma_start3A_37 = tpu.memref_slice %arg10[%dma_start3A_35, %dma_start3A_36] : memref<4x64xi32, #tpu.memory_space<vmem>> -> memref<1x64xi32, #tpu.memory_space<vmem>>
    %dma_start3A_38 = tpu.memref_squeeze %dma_start3A_37 : memref<1x64xi32, #tpu.memory_space<vmem>> -> memref<64xi32, #tpu.memory_space<vmem>>
    %dma_start3A_39 = arith.constant 0 : i32
    %dma_start3A_40 = tpu.memref_slice %arg5[%add3A_34, %dma_start3A_39] : memref<2560x64xi32, #tpu.memory_space<hbm>> -> memref<1x64xi32, #tpu.memory_space<hbm>>
    %dma_start3A_41 = tpu.memref_squeeze %dma_start3A_40 : memref<1x64xi32, #tpu.memory_space<hbm>> -> memref<64xi32, #tpu.memory_space<hbm>>
    %dma_start3A_42 = arith.constant 0 : i32
    %dma_start3A_43 = tpu.memref_slice %arg10[%dma_start3A_35, %dma_start3A_42] : memref<4x64xi32, #tpu.memory_space<vmem>> -> memref<1x64xi32, #tpu.memory_space<vmem>>
    %dma_start3A_44 = tpu.memref_squeeze %dma_start3A_43 : memref<1x64xi32, #tpu.memory_space<vmem>> -> memref<64xi32, #tpu.memory_space<vmem>>
    %dma_start3A_45 = arith.constant 0 : i32
    %dma_start3A_46 = tpu.memref_slice %arg5[%add3A_34, %dma_start3A_45] : memref<2560x64xi32, #tpu.memory_space<hbm>> -> memref<1x64xi32, #tpu.memory_space<hbm>>
    %dma_start3A_47 = tpu.memref_squeeze %dma_start3A_46 : memref<1x64xi32, #tpu.memory_space<hbm>> -> memref<64xi32, #tpu.memory_space<hbm>>
    tpu.enqueue_dma source(%dma_start3A_47 : memref<64xi32, #tpu.memory_space<hbm>>) target(%dma_start3A_44 : memref<64xi32, #tpu.memory_space<vmem>>) target_semaphore(%arg22 : memref<!tpu.dma_semaphore, #tpu.memory_space<semaphore_mem>>)
    %multiple_of3A_48 = arith.constant 64 : i32
    %multiple_of3A_49 = tpu.assume_multiple %multiple_of3A_48, 8 : i32
    %dma_start3A_50 = arith.constant 64 : i32
    %dma_start3A_51 = arith.constant 0 : i32
    %dma_start3A_52 = tpu.memref_slice %arg11[%dma_start3A_50, %dma_start3A_51] : memref<256x128xf32, #tpu.memory_space<vmem>> -> memref<64x128xf32, #tpu.memory_space<vmem>>
    %dma_start3A_53 = tpu.memref_slice %arg9[%multiple_of3A_49] : memref<10240xi32, #tpu.memory_space<vmem>> -> memref<64xi32, #tpu.memory_space<vmem>>
    %dma_start3A_54 = arith.constant 0 : i32
    %dma_start3A_55 = arith.constant 0 : i32
    %dma_start3A_56 = tpu.memref_slice %arg2[%dma_start3A_54, %dma_start3A_55] : memref<20480x128xf32, #tpu.memory_space<hbm>> -> memref<20480x128xf32, #tpu.memory_space<hbm>>
    tpu.enqueue_indirect_dma source(%dma_start3A_56 : memref<20480x128xf32, #tpu.memory_space<hbm>>) target(%dma_start3A_52 : memref<64x128xf32, #tpu.memory_space<vmem>>) offsets(%dma_start3A_53 : memref<64xi32, #tpu.memory_space<vmem>>) semaphore(%arg14 : memref<!tpu.dma_semaphore, #tpu.memory_space<semaphore_mem>>)
    %barrier3A = arith.constant 0 : index
    tpu.barrier barrier_id(%barrier3A)
    %scan3A = arith.constant 0 : i32
    %scan3A_57 = arith.constant 0 : i32
    %scan3A_58 = arith.constant 40 : i32
    %scan3A_59 = arith.addi %scan3A_57, %scan3A_58 : i32
    %scan3A_60 = arith.constant 1 : i32
    scf.for %scan3A_178 = %scan3A_57 to %scan3A_59 step %scan3A_60  : i32 {
      %mul3A_179 = arith.constant 4 : i32
      %mul3A_180 = arith.muli %mul3A_179, %scan3A_178 : i32
      %add3A_181 = arith.constant 0 : i32
      %add3A_182 = arith.addi %mul3A_180, %add3A_181 : i32
      %sub3A = arith.constant 2 : i32
      %sub3A_183 = arith.subi %add3A_182, %sub3A : i32
      %ge3A = arith.constant 0 : i32
      %ge3A_184 = arith.cmpi sge, %sub3A_183, %ge3A : i32
      %convert_element_type3A = arith.extui %ge3A_184 : i1 to i32
      %cond3A = arith.constant 0 : i32
      %cond3A_185 = arith.cmpi ne, %convert_element_type3A, %cond3A : i32
      scf.if %cond3A_185 {
        %dma_wait3A_390 = arith.constant 128 : i32
        %dma_wait3A_391 = arith.constant 0 : i32
        %dma_wait3A_392 = tpu.memref_slice %arg11[%dma_wait3A_390, %dma_wait3A_391] : memref<256x128xf32, #tpu.memory_space<vmem>> -> memref<64x128xf32, #tpu.memory_space<vmem>>
        %dma_wait3A_393 = arith.constant 0 : i32
        %dma_wait3A_394 = arith.constant 0 : i32
        %dma_wait3A_395 = tpu.memref_slice %arg2[%dma_wait3A_393, %dma_wait3A_394] : memref<20480x128xf32, #tpu.memory_space<hbm>> -> memref<64x128xf32, #tpu.memory_space<hbm>>
        %dma_wait3A_396 = arith.constant 128 : i32
        %dma_wait3A_397 = arith.constant 0 : i32
        %dma_wait3A_398 = tpu.memref_slice %arg11[%dma_wait3A_396, %dma_wait3A_397] : memref<256x128xf32, #tpu.memory_space<vmem>> -> memref<64x128xf32, #tpu.memory_space<vmem>>
        %dma_wait3A_399 = arith.constant 0 : i32
        %dma_wait3A_400 = arith.constant 0 : i32
        %dma_wait3A_401 = tpu.memref_slice %arg2[%dma_wait3A_399, %dma_wait3A_400] : memref<20480x128xf32, #tpu.memory_space<hbm>> -> memref<64x128xf32, #tpu.memory_space<hbm>>
        tpu.wait_dma2 semaphore(%arg19 : memref<!tpu.dma_semaphore, #tpu.memory_space<semaphore_mem>>) src(%dma_wait3A_401 : memref<64x128xf32, #tpu.memory_space<hbm>>) dst(%dma_wait3A_398 : memref<64x128xf32, #tpu.memory_space<vmem>>)
      } else {
      }
      %add3A_186 = arith.constant 2 : i32
      %add3A_187 = arith.addi %add3A_182, %add3A_186 : i32
      %lt3A = arith.constant 160 : i32
      %lt3A_188 = arith.cmpi slt, %add3A_187, %lt3A : i32
      %convert_element_type3A_189 = arith.extui %lt3A_188 : i1 to i32
      %cond3A_190 = arith.constant 0 : i32
      %cond3A_191 = arith.cmpi ne, %convert_element_type3A_189, %cond3A_190 : i32
      scf.if %cond3A_191 {
        %add3A_390 = arith.constant 2 : i32
        %add3A_391 = arith.addi %add3A_182, %add3A_390 : i32
        %mul3A_392 = arith.constant 160 : i32
        %mul3A_393 = arith.muli %arg1, %mul3A_392 : i32
        %add3A_394 = arith.addi %mul3A_393, %add3A_391 : i32
        %dma_start3A_395 = arith.constant 2 : i32
        %dma_start3A_396 = arith.constant 0 : i32
        %dma_start3A_397 = tpu.memref_slice %arg10[%dma_start3A_395, %dma_start3A_396] : memref<4x64xi32, #tpu.memory_space<vmem>> -> memref<1x64xi32, #tpu.memory_space<vmem>>
        %dma_start3A_398 = tpu.memref_squeeze %dma_start3A_397 : memref<1x64xi32, #tpu.memory_space<vmem>> -> memref<64xi32, #tpu.memory_space<vmem>>
        %dma_start3A_399 = arith.constant 0 : i32
        %dma_start3A_400 = tpu.memref_slice %arg5[%add3A_394, %dma_start3A_399] : memref<2560x64xi32, #tpu.memory_space<hbm>> -> memref<1x64xi32, #tpu.memory_space<hbm>>
        %dma_start3A_401 = tpu.memref_squeeze %dma_start3A_400 : memref<1x64xi32, #tpu.memory_space<hbm>> -> memref<64xi32, #tpu.memory_space<hbm>>
        %dma_start3A_402 = arith.constant 0 : i32
        %dma_start3A_403 = tpu.memref_slice %arg10[%dma_start3A_395, %dma_start3A_402] : memref<4x64xi32, #tpu.memory_space<vmem>> -> memref<1x64xi32, #tpu.memory_space<vmem>>
        %dma_start3A_404 = tpu.memref_squeeze %dma_start3A_403 : memref<1x64xi32, #tpu.memory_space<vmem>> -> memref<64xi32, #tpu.memory_space<vmem>>
        %dma_start3A_405 = arith.constant 0 : i32
        %dma_start3A_406 = tpu.memref_slice %arg5[%add3A_394, %dma_start3A_405] : memref<2560x64xi32, #tpu.memory_space<hbm>> -> memref<1x64xi32, #tpu.memory_space<hbm>>
        %dma_start3A_407 = tpu.memref_squeeze %dma_start3A_406 : memref<1x64xi32, #tpu.memory_space<hbm>> -> memref<64xi32, #tpu.memory_space<hbm>>
        tpu.enqueue_dma source(%dma_start3A_407 : memref<64xi32, #tpu.memory_space<hbm>>) target(%dma_start3A_404 : memref<64xi32, #tpu.memory_space<vmem>>) target_semaphore(%arg23 : memref<!tpu.dma_semaphore, #tpu.memory_space<semaphore_mem>>)
        %mul3A_408 = arith.constant 64 : i32
        %mul3A_409 = arith.muli %add3A_391, %mul3A_408 : i32
        %multiple_of3A_410 = tpu.assume_multiple %mul3A_409, 8 : i32
        %dma_start3A_411 = arith.constant 128 : i32
        %dma_start3A_412 = arith.constant 0 : i32
        %dma_start3A_413 = tpu.memref_slice %arg11[%dma_start3A_411, %dma_start3A_412] : memref<256x128xf32, #tpu.memory_space<vmem>> -> memref<64x128xf32, #tpu.memory_space<vmem>>
        %dma_start3A_414 = tpu.memref_slice %arg9[%multiple_of3A_410] : memref<10240xi32, #tpu.memory_space<vmem>> -> memref<64xi32, #tpu.memory_space<vmem>>
        %dma_start3A_415 = arith.constant 0 : i32
        %dma_start3A_416 = arith.constant 0 : i32
        %dma_start3A_417 = tpu.memref_slice %arg2[%dma_start3A_415, %dma_start3A_416] : memref<20480x128xf32, #tpu.memory_space<hbm>> -> memref<20480x128xf32, #tpu.memory_space<hbm>>
        tpu.enqueue_indirect_dma source(%dma_start3A_417 : memref<20480x128xf32, #tpu.memory_space<hbm>>) target(%dma_start3A_413 : memref<64x128xf32, #tpu.memory_space<vmem>>) offsets(%dma_start3A_414 : memref<64xi32, #tpu.memory_space<vmem>>) semaphore(%arg15 : memref<!tpu.dma_semaphore, #tpu.memory_space<semaphore_mem>>)
      } else {
      }
      %dma_wait3A_192 = arith.constant 0 : i32
      %dma_wait3A_193 = arith.constant 0 : i32
      %dma_wait3A_194 = tpu.memref_slice %arg11[%dma_wait3A_192, %dma_wait3A_193] : memref<256x128xf32, #tpu.memory_space<vmem>> -> memref<64x128xf32, #tpu.memory_space<vmem>>
      %dma_wait3A_195 = arith.constant 0 : i32
      %dma_wait3A_196 = arith.constant 0 : i32
      %dma_wait3A_197 = tpu.memref_slice %arg2[%dma_wait3A_195, %dma_wait3A_196] : memref<20480x128xf32, #tpu.memory_space<hbm>> -> memref<64x128xf32, #tpu.memory_space<hbm>>
      %dma_wait3A_198 = arith.constant 0 : i32
      %dma_wait3A_199 = arith.constant 0 : i32
      %dma_wait3A_200 = tpu.memref_slice %arg11[%dma_wait3A_198, %dma_wait3A_199] : memref<256x128xf32, #tpu.memory_space<vmem>> -> memref<64x128xf32, #tpu.memory_space<vmem>>
      %dma_wait3A_201 = arith.constant 0 : i32
      %dma_wait3A_202 = arith.constant 0 : i32
      %dma_wait3A_203 = tpu.memref_slice %arg2[%dma_wait3A_201, %dma_wait3A_202] : memref<20480x128xf32, #tpu.memory_space<hbm>> -> memref<64x128xf32, #tpu.memory_space<hbm>>
      tpu.wait_dma2 semaphore(%arg13 : memref<!tpu.dma_semaphore, #tpu.memory_space<semaphore_mem>>) src(%dma_wait3A_203 : memref<64x128xf32, #tpu.memory_space<hbm>>) dst(%dma_wait3A_200 : memref<64x128xf32, #tpu.memory_space<vmem>>)
      %dma_wait3A_204 = arith.constant 0 : i32
      %dma_wait3A_205 = arith.constant 0 : i32
      %dma_wait3A_206 = arith.constant 0 : i32
      %dma_wait3A_207 = tpu.memref_slice %arg10[%dma_wait3A_205, %dma_wait3A_206] : memref<4x64xi32, #tpu.memory_space<vmem>> -> memref<1x64xi32, #tpu.memory_space<vmem>>
      %dma_wait3A_208 = tpu.memref_squeeze %dma_wait3A_207 : memref<1x64xi32, #tpu.memory_space<vmem>> -> memref<64xi32, #tpu.memory_space<vmem>>
      %dma_wait3A_209 = arith.constant 0 : i32
      %dma_wait3A_210 = tpu.memref_slice %arg5[%dma_wait3A_204, %dma_wait3A_209] : memref<2560x64xi32, #tpu.memory_space<hbm>> -> memref<1x64xi32, #tpu.memory_space<hbm>>
      %dma_wait3A_211 = tpu.memref_squeeze %dma_wait3A_210 : memref<1x64xi32, #tpu.memory_space<hbm>> -> memref<64xi32, #tpu.memory_space<hbm>>
      %dma_wait3A_212 = arith.constant 0 : i32
      %dma_wait3A_213 = tpu.memref_slice %arg10[%dma_wait3A_205, %dma_wait3A_212] : memref<4x64xi32, #tpu.memory_space<vmem>> -> memref<1x64xi32, #tpu.memory_space<vmem>>
      %dma_wait3A_214 = tpu.memref_squeeze %dma_wait3A_213 : memref<1x64xi32, #tpu.memory_space<vmem>> -> memref<64xi32, #tpu.memory_space<vmem>>
      %dma_wait3A_215 = arith.constant 0 : i32
      %dma_wait3A_216 = tpu.memref_slice %arg5[%dma_wait3A_204, %dma_wait3A_215] : memref<2560x64xi32, #tpu.memory_space<hbm>> -> memref<1x64xi32, #tpu.memory_space<hbm>>
      %dma_wait3A_217 = tpu.memref_squeeze %dma_wait3A_216 : memref<1x64xi32, #tpu.memory_space<hbm>> -> memref<64xi32, #tpu.memory_space<hbm>>
      tpu.wait_dma2 semaphore(%arg21 : memref<!tpu.dma_semaphore, #tpu.memory_space<semaphore_mem>>) src(%dma_wait3A_217 : memref<64xi32, #tpu.memory_space<hbm>>) dst(%dma_wait3A_214 : memref<64xi32, #tpu.memory_space<vmem>>)
      %dma_start3A_218 = arith.constant 0 : i32
      %dma_start3A_219 = arith.constant 0 : i32
      %dma_start3A_220 = arith.constant 0 : i32
      %dma_start3A_221 = tpu.memref_slice %arg11[%dma_start3A_219, %dma_start3A_220] : memref<256x128xf32, #tpu.memory_space<vmem>> -> memref<64x128xf32, #tpu.memory_space<vmem>>
      %dma_start3A_222 = arith.constant 0 : i32
      %dma_start3A_223 = tpu.memref_slice %arg10[%dma_start3A_218, %dma_start3A_222] : memref<4x64xi32, #tpu.memory_space<vmem>> -> memref<1x64xi32, #tpu.memory_space<vmem>>
      %dma_start3A_224 = tpu.memref_squeeze %dma_start3A_223 : memref<1x64xi32, #tpu.memory_space<vmem>> -> memref<64xi32, #tpu.memory_space<vmem>>
      %dma_start3A_225 = arith.constant 0 : i32
      %dma_start3A_226 = arith.constant 0 : i32
      %dma_start3A_227 = tpu.memref_slice %arg12[%dma_start3A_225, %dma_start3A_226] : memref<10240x128xf32, #tpu.memory_space<vmem_shared>> -> memref<10240x128xf32, #tpu.memory_space<vmem_shared>>
      tpu.enqueue_indirect_dma source(%dma_start3A_221 : memref<64x128xf32, #tpu.memory_space<vmem>>) target(%dma_start3A_227 : memref<10240x128xf32, #tpu.memory_space<vmem_shared>>) offsets(%dma_start3A_224 : memref<64xi32, #tpu.memory_space<vmem>>) semaphore(%arg17 : memref<!tpu.dma_semaphore, #tpu.memory_space<semaphore_mem>>) {add = true}
      %mul3A_228 = arith.constant 4 : i32
      %mul3A_229 = arith.muli %mul3A_228, %scan3A_178 : i32
      %add3A_230 = arith.constant 1 : i32
      %add3A_231 = arith.addi %mul3A_229, %add3A_230 : i32
      %sub3A_232 = arith.constant 2 : i32
      %sub3A_233 = arith.subi %add3A_231, %sub3A_232 : i32
      %ge3A_234 = arith.constant 0 : i32
      %ge3A_235 = arith.cmpi sge, %sub3A_233, %ge3A_234 : i32
      %convert_element_type3A_236 = arith.extui %ge3A_235 : i1 to i32
      %cond3A_237 = arith.constant 0 : i32
      %cond3A_238 = arith.cmpi ne, %convert_element_type3A_236, %cond3A_237 : i32
      scf.if %cond3A_238 {
        %dma_wait3A_390 = arith.constant 192 : i32
        %dma_wait3A_391 = arith.constant 0 : i32
        %dma_wait3A_392 = tpu.memref_slice %arg11[%dma_wait3A_390, %dma_wait3A_391] : memref<256x128xf32, #tpu.memory_space<vmem>> -> memref<64x128xf32, #tpu.memory_space<vmem>>
        %dma_wait3A_393 = arith.constant 0 : i32
        %dma_wait3A_394 = arith.constant 0 : i32
        %dma_wait3A_395 = tpu.memref_slice %arg2[%dma_wait3A_393, %dma_wait3A_394] : memref<20480x128xf32, #tpu.memory_space<hbm>> -> memref<64x128xf32, #tpu.memory_space<hbm>>
        %dma_wait3A_396 = arith.constant 192 : i32
        %dma_wait3A_397 = arith.constant 0 : i32
        %dma_wait3A_398 = tpu.memref_slice %arg11[%dma_wait3A_396, %dma_wait3A_397] : memref<256x128xf32, #tpu.memory_space<vmem>> -> memref<64x128xf32, #tpu.memory_space<vmem>>
        %dma_wait3A_399 = arith.constant 0 : i32
        %dma_wait3A_400 = arith.constant 0 : i32
        %dma_wait3A_401 = tpu.memref_slice %arg2[%dma_wait3A_399, %dma_wait3A_400] : memref<20480x128xf32, #tpu.memory_space<hbm>> -> memref<64x128xf32, #tpu.memory_space<hbm>>
        tpu.wait_dma2 semaphore(%arg20 : memref<!tpu.dma_semaphore, #tpu.memory_space<semaphore_mem>>) src(%dma_wait3A_401 : memref<64x128xf32, #tpu.memory_space<hbm>>) dst(%dma_wait3A_398 : memref<64x128xf32, #tpu.memory_space<vmem>>)
      } else {
      }
      %add3A_239 = arith.constant 2 : i32
      %add3A_240 = arith.addi %add3A_231, %add3A_239 : i32
      %lt3A_241 = arith.constant 160 : i32
      %lt3A_242 = arith.cmpi slt, %add3A_240, %lt3A_241 : i32
      %convert_element_type3A_243 = arith.extui %lt3A_242 : i1 to i32
      %cond3A_244 = arith.constant 0 : i32
      %cond3A_245 = arith.cmpi ne, %convert_element_type3A_243, %cond3A_244 : i32
      scf.if %cond3A_245 {
        %add3A_390 = arith.constant 2 : i32
        %add3A_391 = arith.addi %add3A_231, %add3A_390 : i32
        %mul3A_392 = arith.constant 160 : i32
        %mul3A_393 = arith.muli %arg1, %mul3A_392 : i32
        %add3A_394 = arith.addi %mul3A_393, %add3A_391 : i32
        %dma_start3A_395 = arith.constant 3 : i32
        %dma_start3A_396 = arith.constant 0 : i32
        %dma_start3A_397 = tpu.memref_slice %arg10[%dma_start3A_395, %dma_start3A_396] : memref<4x64xi32, #tpu.memory_space<vmem>> -> memref<1x64xi32, #tpu.memory_space<vmem>>
        %dma_start3A_398 = tpu.memref_squeeze %dma_start3A_397 : memref<1x64xi32, #tpu.memory_space<vmem>> -> memref<64xi32, #tpu.memory_space<vmem>>
        %dma_start3A_399 = arith.constant 0 : i32
        %dma_start3A_400 = tpu.memref_slice %arg5[%add3A_394, %dma_start3A_399] : memref<2560x64xi32, #tpu.memory_space<hbm>> -> memref<1x64xi32, #tpu.memory_space<hbm>>
        %dma_start3A_401 = tpu.memref_squeeze %dma_start3A_400 : memref<1x64xi32, #tpu.memory_space<hbm>> -> memref<64xi32, #tpu.memory_space<hbm>>
        %dma_start3A_402 = arith.constant 0 : i32
        %dma_start3A_403 = tpu.memref_slice %arg10[%dma_start3A_395, %dma_start3A_402] : memref<4x64xi32, #tpu.memory_space<vmem>> -> memref<1x64xi32, #tpu.memory_space<vmem>>
        %dma_start3A_404 = tpu.memref_squeeze %dma_start3A_403 : memref<1x64xi32, #tpu.memory_space<vmem>> -> memref<64xi32, #tpu.memory_space<vmem>>
        %dma_start3A_405 = arith.constant 0 : i32
        %dma_start3A_406 = tpu.memref_slice %arg5[%add3A_394, %dma_start3A_405] : memref<2560x64xi32, #tpu.memory_space<hbm>> -> memref<1x64xi32, #tpu.memory_space<hbm>>
        %dma_start3A_407 = tpu.memref_squeeze %dma_start3A_406 : memref<1x64xi32, #tpu.memory_space<hbm>> -> memref<64xi32, #tpu.memory_space<hbm>>
        tpu.enqueue_dma source(%dma_start3A_407 : memref<64xi32, #tpu.memory_space<hbm>>) target(%dma_start3A_404 : memref<64xi32, #tpu.memory_space<vmem>>) target_semaphore(%arg24 : memref<!tpu.dma_semaphore, #tpu.memory_space<semaphore_mem>>)
        %mul3A_408 = arith.constant 64 : i32
        %mul3A_409 = arith.muli %add3A_391, %mul3A_408 : i32
        %multiple_of3A_410 = tpu.assume_multiple %mul3A_409, 8 : i32
        %dma_start3A_411 = arith.constant 192 : i32
        %dma_start3A_412 = arith.constant 0 : i32
        %dma_start3A_413 = tpu.memref_slice %arg11[%dma_start3A_411, %dma_start3A_412] : memref<256x128xf32, #tpu.memory_space<vmem>> -> memref<64x128xf32, #tpu.memory_space<vmem>>
        %dma_start3A_414 = tpu.memref_slice %arg9[%multiple_of3A_410] : memref<10240xi32, #tpu.memory_space<vmem>> -> memref<64xi32, #tpu.memory_space<vmem>>
        %dma_start3A_415 = arith.constant 0 : i32
        %dma_start3A_416 = arith.constant 0 : i32
        %dma_start3A_417 = tpu.memref_slice %arg2[%dma_start3A_415, %dma_start3A_416] : memref<20480x128xf32, #tpu.memory_space<hbm>> -> memref<20480x128xf32, #tpu.memory_space<hbm>>
        tpu.enqueue_indirect_dma source(%dma_start3A_417 : memref<20480x128xf32, #tpu.memory_space<hbm>>) target(%dma_start3A_413 : memref<64x128xf32, #tpu.memory_space<vmem>>) offsets(%dma_start3A_414 : memref<64xi32, #tpu.memory_space<vmem>>) semaphore(%arg16 : memref<!tpu.dma_semaphore, #tpu.memory_space<semaphore_mem>>)
      } else {
      }
      %dma_wait3A_246 = arith.constant 64 : i32
      %dma_wait3A_247 = arith.constant 0 : i32
      %dma_wait3A_248 = tpu.memref_slice %arg11[%dma_wait3A_246, %dma_wait3A_247] : memref<256x128xf32, #tpu.memory_space<vmem>> -> memref<64x128xf32, #tpu.memory_space<vmem>>
      %dma_wait3A_249 = arith.constant 0 : i32
      %dma_wait3A_250 = arith.constant 0 : i32
      %dma_wait3A_251 = tpu.memref_slice %arg2[%dma_wait3A_249, %dma_wait3A_250] : memref<20480x128xf32, #tpu.memory_space<hbm>> -> memref<64x128xf32, #tpu.memory_space<hbm>>
      %dma_wait3A_252 = arith.constant 64 : i32
      %dma_wait3A_253 = arith.constant 0 : i32
      %dma_wait3A_254 = tpu.memref_slice %arg11[%dma_wait3A_252, %dma_wait3A_253] : memref<256x128xf32, #tpu.memory_space<vmem>> -> memref<64x128xf32, #tpu.memory_space<vmem>>
      %dma_wait3A_255 = arith.constant 0 : i32
      %dma_wait3A_256 = arith.constant 0 : i32
      %dma_wait3A_257 = tpu.memref_slice %arg2[%dma_wait3A_255, %dma_wait3A_256] : memref<20480x128xf32, #tpu.memory_space<hbm>> -> memref<64x128xf32, #tpu.memory_space<hbm>>
      tpu.wait_dma2 semaphore(%arg14 : memref<!tpu.dma_semaphore, #tpu.memory_space<semaphore_mem>>) src(%dma_wait3A_257 : memref<64x128xf32, #tpu.memory_space<hbm>>) dst(%dma_wait3A_254 : memref<64x128xf32, #tpu.memory_space<vmem>>)
      %dma_wait3A_258 = arith.constant 0 : i32
      %dma_wait3A_259 = arith.constant 1 : i32
      %dma_wait3A_260 = arith.constant 0 : i32
      %dma_wait3A_261 = tpu.memref_slice %arg10[%dma_wait3A_259, %dma_wait3A_260] : memref<4x64xi32, #tpu.memory_space<vmem>> -> memref<1x64xi32, #tpu.memory_space<vmem>>
      %dma_wait3A_262 = tpu.memref_squeeze %dma_wait3A_261 : memref<1x64xi32, #tpu.memory_space<vmem>> -> memref<64xi32, #tpu.memory_space<vmem>>
      %dma_wait3A_263 = arith.constant 0 : i32
      %dma_wait3A_264 = tpu.memref_slice %arg5[%dma_wait3A_258, %dma_wait3A_263] : memref<2560x64xi32, #tpu.memory_space<hbm>> -> memref<1x64xi32, #tpu.memory_space<hbm>>
      %dma_wait3A_265 = tpu.memref_squeeze %dma_wait3A_264 : memref<1x64xi32, #tpu.memory_space<hbm>> -> memref<64xi32, #tpu.memory_space<hbm>>
      %dma_wait3A_266 = arith.constant 0 : i32
      %dma_wait3A_267 = tpu.memref_slice %arg10[%dma_wait3A_259, %dma_wait3A_266] : memref<4x64xi32, #tpu.memory_space<vmem>> -> memref<1x64xi32, #tpu.memory_space<vmem>>
      %dma_wait3A_268 = tpu.memref_squeeze %dma_wait3A_267 : memref<1x64xi32, #tpu.memory_space<vmem>> -> memref<64xi32, #tpu.memory_space<vmem>>
      %dma_wait3A_269 = arith.constant 0 : i32
      %dma_wait3A_270 = tpu.memref_slice %arg5[%dma_wait3A_258, %dma_wait3A_269] : memref<2560x64xi32, #tpu.memory_space<hbm>> -> memref<1x64xi32, #tpu.memory_space<hbm>>
      %dma_wait3A_271 = tpu.memref_squeeze %dma_wait3A_270 : memref<1x64xi32, #tpu.memory_space<hbm>> -> memref<64xi32, #tpu.memory_space<hbm>>
      tpu.wait_dma2 semaphore(%arg22 : memref<!tpu.dma_semaphore, #tpu.memory_space<semaphore_mem>>) src(%dma_wait3A_271 : memref<64xi32, #tpu.memory_space<hbm>>) dst(%dma_wait3A_268 : memref<64xi32, #tpu.memory_space<vmem>>)
      %dma_start3A_272 = arith.constant 1 : i32
      %dma_start3A_273 = arith.constant 64 : i32
      %dma_start3A_274 = arith.constant 0 : i32
      %dma_start3A_275 = tpu.memref_slice %arg11[%dma_start3A_273, %dma_start3A_274] : memref<256x128xf32, #tpu.memory_space<vmem>> -> memref<64x128xf32, #tpu.memory_space<vmem>>
      %dma_start3A_276 = arith.constant 0 : i32
      %dma_start3A_277 = tpu.memref_slice %arg10[%dma_start3A_272, %dma_start3A_276] : memref<4x64xi32, #tpu.memory_space<vmem>> -> memref<1x64xi32, #tpu.memory_space<vmem>>
      %dma_start3A_278 = tpu.memref_squeeze %dma_start3A_277 : memref<1x64xi32, #tpu.memory_space<vmem>> -> memref<64xi32, #tpu.memory_space<vmem>>
      %dma_start3A_279 = arith.constant 0 : i32
      %dma_start3A_280 = arith.constant 0 : i32
      %dma_start3A_281 = tpu.memref_slice %arg12[%dma_start3A_279, %dma_start3A_280] : memref<10240x128xf32, #tpu.memory_space<vmem_shared>> -> memref<10240x128xf32, #tpu.memory_space<vmem_shared>>
      tpu.enqueue_indirect_dma source(%dma_start3A_275 : memref<64x128xf32, #tpu.memory_space<vmem>>) target(%dma_start3A_281 : memref<10240x128xf32, #tpu.memory_space<vmem_shared>>) offsets(%dma_start3A_278 : memref<64xi32, #tpu.memory_space<vmem>>) semaphore(%arg18 : memref<!tpu.dma_semaphore, #tpu.memory_space<semaphore_mem>>) {add = true}
      %mul3A_282 = arith.constant 4 : i32
      %mul3A_283 = arith.muli %mul3A_282, %scan3A_178 : i32
      %add3A_284 = arith.constant 2 : i32
      %add3A_285 = arith.addi %mul3A_283, %add3A_284 : i32
      %sub3A_286 = arith.constant 2 : i32
      %sub3A_287 = arith.subi %add3A_285, %sub3A_286 : i32
      %ge3A_288 = arith.constant 0 : i32
      %ge3A_289 = arith.cmpi sge, %sub3A_287, %ge3A_288 : i32
      %convert_element_type3A_290 = arith.extui %ge3A_289 : i1 to i32
      %cond3A_291 = arith.constant 0 : i32
      %cond3A_292 = arith.cmpi ne, %convert_element_type3A_290, %cond3A_291 : i32
      scf.if %cond3A_292 {
        %dma_wait3A_390 = arith.constant 0 : i32
        %dma_wait3A_391 = arith.constant 0 : i32
        %dma_wait3A_392 = tpu.memref_slice %arg11[%dma_wait3A_390, %dma_wait3A_391] : memref<256x128xf32, #tpu.memory_space<vmem>> -> memref<64x128xf32, #tpu.memory_space<vmem>>
        %dma_wait3A_393 = arith.constant 0 : i32
        %dma_wait3A_394 = arith.constant 0 : i32
        %dma_wait3A_395 = tpu.memref_slice %arg2[%dma_wait3A_393, %dma_wait3A_394] : memref<20480x128xf32, #tpu.memory_space<hbm>> -> memref<64x128xf32, #tpu.memory_space<hbm>>
        %dma_wait3A_396 = arith.constant 0 : i32
        %dma_wait3A_397 = arith.constant 0 : i32
        %dma_wait3A_398 = tpu.memref_slice %arg11[%dma_wait3A_396, %dma_wait3A_397] : memref<256x128xf32, #tpu.memory_space<vmem>> -> memref<64x128xf32, #tpu.memory_space<vmem>>
        %dma_wait3A_399 = arith.constant 0 : i32
        %dma_wait3A_400 = arith.constant 0 : i32
        %dma_wait3A_401 = tpu.memref_slice %arg2[%dma_wait3A_399, %dma_wait3A_400] : memref<20480x128xf32, #tpu.memory_space<hbm>> -> memref<64x128xf32, #tpu.memory_space<hbm>>
        tpu.wait_dma2 semaphore(%arg17 : memref<!tpu.dma_semaphore, #tpu.memory_space<semaphore_mem>>) src(%dma_wait3A_401 : memref<64x128xf32, #tpu.memory_space<hbm>>) dst(%dma_wait3A_398 : memref<64x128xf32, #tpu.memory_space<vmem>>)
      } else {
      }
      %add3A_293 = arith.constant 2 : i32
      %add3A_294 = arith.addi %add3A_285, %add3A_293 : i32
      %lt3A_295 = arith.constant 160 : i32
      %lt3A_296 = arith.cmpi slt, %add3A_294, %lt3A_295 : i32
      %convert_element_type3A_297 = arith.extui %lt3A_296 : i1 to i32
      %cond3A_298 = arith.constant 0 : i32
      %cond3A_299 = arith.cmpi ne, %convert_element_type3A_297, %cond3A_298 : i32
      scf.if %cond3A_299 {
        %add3A_390 = arith.constant 2 : i32
        %add3A_391 = arith.addi %add3A_285, %add3A_390 : i32
        %mul3A_392 = arith.constant 160 : i32
        %mul3A_393 = arith.muli %arg1, %mul3A_392 : i32
        %add3A_394 = arith.addi %mul3A_393, %add3A_391 : i32
        %dma_start3A_395 = arith.constant 0 : i32
        %dma_start3A_396 = arith.constant 0 : i32
        %dma_start3A_397 = tpu.memref_slice %arg10[%dma_start3A_395, %dma_start3A_396] : memref<4x64xi32, #tpu.memory_space<vmem>> -> memref<1x64xi32, #tpu.memory_space<vmem>>
        %dma_start3A_398 = tpu.memref_squeeze %dma_start3A_397 : memref<1x64xi32, #tpu.memory_space<vmem>> -> memref<64xi32, #tpu.memory_space<vmem>>
        %dma_start3A_399 = arith.constant 0 : i32
        %dma_start3A_400 = tpu.memref_slice %arg5[%add3A_394, %dma_start3A_399] : memref<2560x64xi32, #tpu.memory_space<hbm>> -> memref<1x64xi32, #tpu.memory_space<hbm>>
        %dma_start3A_401 = tpu.memref_squeeze %dma_start3A_400 : memref<1x64xi32, #tpu.memory_space<hbm>> -> memref<64xi32, #tpu.memory_space<hbm>>
        %dma_start3A_402 = arith.constant 0 : i32
        %dma_start3A_403 = tpu.memref_slice %arg10[%dma_start3A_395, %dma_start3A_402] : memref<4x64xi32, #tpu.memory_space<vmem>> -> memref<1x64xi32, #tpu.memory_space<vmem>>
        %dma_start3A_404 = tpu.memref_squeeze %dma_start3A_403 : memref<1x64xi32, #tpu.memory_space<vmem>> -> memref<64xi32, #tpu.memory_space<vmem>>
        %dma_start3A_405 = arith.constant 0 : i32
        %dma_start3A_406 = tpu.memref_slice %arg5[%add3A_394, %dma_start3A_405] : memref<2560x64xi32, #tpu.memory_space<hbm>> -> memref<1x64xi32, #tpu.memory_space<hbm>>
        %dma_start3A_407 = tpu.memref_squeeze %dma_start3A_406 : memref<1x64xi32, #tpu.memory_space<hbm>> -> memref<64xi32, #tpu.memory_space<hbm>>
        tpu.enqueue_dma source(%dma_start3A_407 : memref<64xi32, #tpu.memory_space<hbm>>) target(%dma_start3A_404 : memref<64xi32, #tpu.memory_space<vmem>>) target_semaphore(%arg21 : memref<!tpu.dma_semaphore, #tpu.memory_space<semaphore_mem>>)
        %mul3A_408 = arith.constant 64 : i32
        %mul3A_409 = arith.muli %add3A_391, %mul3A_408 : i32
        %multiple_of3A_410 = tpu.assume_multiple %mul3A_409, 8 : i32
        %dma_start3A_411 = arith.constant 0 : i32
        %dma_start3A_412 = arith.constant 0 : i32
        %dma_start3A_413 = tpu.memref_slice %arg11[%dma_start3A_411, %dma_start3A_412] : memref<256x128xf32, #tpu.memory_space<vmem>> -> memref<64x128xf32, #tpu.memory_space<vmem>>
        %dma_start3A_414 = tpu.memref_slice %arg9[%multiple_of3A_410] : memref<10240xi32, #tpu.memory_space<vmem>> -> memref<64xi32, #tpu.memory_space<vmem>>
        %dma_start3A_415 = arith.constant 0 : i32
        %dma_start3A_416 = arith.constant 0 : i32
        %dma_start3A_417 = tpu.memref_slice %arg2[%dma_start3A_415, %dma_start3A_416] : memref<20480x128xf32, #tpu.memory_space<hbm>> -> memref<20480x128xf32, #tpu.memory_space<hbm>>
        tpu.enqueue_indirect_dma source(%dma_start3A_417 : memref<20480x128xf32, #tpu.memory_space<hbm>>) target(%dma_start3A_413 : memref<64x128xf32, #tpu.memory_space<vmem>>) offsets(%dma_start3A_414 : memref<64xi32, #tpu.memory_space<vmem>>) semaphore(%arg13 : memref<!tpu.dma_semaphore, #tpu.memory_space<semaphore_mem>>)
      } else {
      }
      %dma_wait3A_300 = arith.constant 128 : i32
      %dma_wait3A_301 = arith.constant 0 : i32
      %dma_wait3A_302 = tpu.memref_slice %arg11[%dma_wait3A_300, %dma_wait3A_301] : memref<256x128xf32, #tpu.memory_space<vmem>> -> memref<64x128xf32, #tpu.memory_space<vmem>>
      %dma_wait3A_303 = arith.constant 0 : i32
      %dma_wait3A_304 = arith.constant 0 : i32
      %dma_wait3A_305 = tpu.memref_slice %arg2[%dma_wait3A_303, %dma_wait3A_304] : memref<20480x128xf32, #tpu.memory_space<hbm>> -> memref<64x128xf32, #tpu.memory_space<hbm>>
      %dma_wait3A_306 = arith.constant 128 : i32
      %dma_wait3A_307 = arith.constant 0 : i32
      %dma_wait3A_308 = tpu.memref_slice %arg11[%dma_wait3A_306, %dma_wait3A_307] : memref<256x128xf32, #tpu.memory_space<vmem>> -> memref<64x128xf32, #tpu.memory_space<vmem>>
      %dma_wait3A_309 = arith.constant 0 : i32
      %dma_wait3A_310 = arith.constant 0 : i32
      %dma_wait3A_311 = tpu.memref_slice %arg2[%dma_wait3A_309, %dma_wait3A_310] : memref<20480x128xf32, #tpu.memory_space<hbm>> -> memref<64x128xf32, #tpu.memory_space<hbm>>
      tpu.wait_dma2 semaphore(%arg15 : memref<!tpu.dma_semaphore, #tpu.memory_space<semaphore_mem>>) src(%dma_wait3A_311 : memref<64x128xf32, #tpu.memory_space<hbm>>) dst(%dma_wait3A_308 : memref<64x128xf32, #tpu.memory_space<vmem>>)
      %dma_wait3A_312 = arith.constant 0 : i32
      %dma_wait3A_313 = arith.constant 2 : i32
      %dma_wait3A_314 = arith.constant 0 : i32
      %dma_wait3A_315 = tpu.memref_slice %arg10[%dma_wait3A_313, %dma_wait3A_314] : memref<4x64xi32, #tpu.memory_space<vmem>> -> memref<1x64xi32, #tpu.memory_space<vmem>>
      %dma_wait3A_316 = tpu.memref_squeeze %dma_wait3A_315 : memref<1x64xi32, #tpu.memory_space<vmem>> -> memref<64xi32, #tpu.memory_space<vmem>>
      %dma_wait3A_317 = arith.constant 0 : i32
      %dma_wait3A_318 = tpu.memref_slice %arg5[%dma_wait3A_312, %dma_wait3A_317] : memref<2560x64xi32, #tpu.memory_space<hbm>> -> memref<1x64xi32, #tpu.memory_space<hbm>>
      %dma_wait3A_319 = tpu.memref_squeeze %dma_wait3A_318 : memref<1x64xi32, #tpu.memory_space<hbm>> -> memref<64xi32, #tpu.memory_space<hbm>>
      %dma_wait3A_320 = arith.constant 0 : i32
      %dma_wait3A_321 = tpu.memref_slice %arg10[%dma_wait3A_313, %dma_wait3A_320] : memref<4x64xi32, #tpu.memory_space<vmem>> -> memref<1x64xi32, #tpu.memory_space<vmem>>
      %dma_wait3A_322 = tpu.memref_squeeze %dma_wait3A_321 : memref<1x64xi32, #tpu.memory_space<vmem>> -> memref<64xi32, #tpu.memory_space<vmem>>
      %dma_wait3A_323 = arith.constant 0 : i32
      %dma_wait3A_324 = tpu.memref_slice %arg5[%dma_wait3A_312, %dma_wait3A_323] : memref<2560x64xi32, #tpu.memory_space<hbm>> -> memref<1x64xi32, #tpu.memory_space<hbm>>
      %dma_wait3A_325 = tpu.memref_squeeze %dma_wait3A_324 : memref<1x64xi32, #tpu.memory_space<hbm>> -> memref<64xi32, #tpu.memory_space<hbm>>
      tpu.wait_dma2 semaphore(%arg23 : memref<!tpu.dma_semaphore, #tpu.memory_space<semaphore_mem>>) src(%dma_wait3A_325 : memref<64xi32, #tpu.memory_space<hbm>>) dst(%dma_wait3A_322 : memref<64xi32, #tpu.memory_space<vmem>>)
      %dma_start3A_326 = arith.constant 2 : i32
      %dma_start3A_327 = arith.constant 128 : i32
      %dma_start3A_328 = arith.constant 0 : i32
      %dma_start3A_329 = tpu.memref_slice %arg11[%dma_start3A_327, %dma_start3A_328] : memref<256x128xf32, #tpu.memory_space<vmem>> -> memref<64x128xf32, #tpu.memory_space<vmem>>
      %dma_start3A_330 = arith.constant 0 : i32
      %dma_start3A_331 = tpu.memref_slice %arg10[%dma_start3A_326, %dma_start3A_330] : memref<4x64xi32, #tpu.memory_space<vmem>> -> memref<1x64xi32, #tpu.memory_space<vmem>>
      %dma_start3A_332 = tpu.memref_squeeze %dma_start3A_331 : memref<1x64xi32, #tpu.memory_space<vmem>> -> memref<64xi32, #tpu.memory_space<vmem>>
      %dma_start3A_333 = arith.constant 0 : i32
      %dma_start3A_334 = arith.constant 0 : i32
      %dma_start3A_335 = tpu.memref_slice %arg12[%dma_start3A_333, %dma_start3A_334] : memref<10240x128xf32, #tpu.memory_space<vmem_shared>> -> memref<10240x128xf32, #tpu.memory_space<vmem_shared>>
      tpu.enqueue_indirect_dma source(%dma_start3A_329 : memref<64x128xf32, #tpu.memory_space<vmem>>) target(%dma_start3A_335 : memref<10240x128xf32, #tpu.memory_space<vmem_shared>>) offsets(%dma_start3A_332 : memref<64xi32, #tpu.memory_space<vmem>>) semaphore(%arg19 : memref<!tpu.dma_semaphore, #tpu.memory_space<semaphore_mem>>) {add = true}
      %mul3A_336 = arith.constant 4 : i32
      %mul3A_337 = arith.muli %mul3A_336, %scan3A_178 : i32
      %add3A_338 = arith.constant 3 : i32
      %add3A_339 = arith.addi %mul3A_337, %add3A_338 : i32
      %sub3A_340 = arith.constant 2 : i32
      %sub3A_341 = arith.subi %add3A_339, %sub3A_340 : i32
      %ge3A_342 = arith.constant 0 : i32
      %ge3A_343 = arith.cmpi sge, %sub3A_341, %ge3A_342 : i32
      %convert_element_type3A_344 = arith.extui %ge3A_343 : i1 to i32
      %cond3A_345 = arith.constant 0 : i32
      %cond3A_346 = arith.cmpi ne, %convert_element_type3A_344, %cond3A_345 : i32
      scf.if %cond3A_346 {
        %dma_wait3A_390 = arith.constant 64 : i32
        %dma_wait3A_391 = arith.constant 0 : i32
        %dma_wait3A_392 = tpu.memref_slice %arg11[%dma_wait3A_390, %dma_wait3A_391] : memref<256x128xf32, #tpu.memory_space<vmem>> -> memref<64x128xf32, #tpu.memory_space<vmem>>
        %dma_wait3A_393 = arith.constant 0 : i32
        %dma_wait3A_394 = arith.constant 0 : i32
        %dma_wait3A_395 = tpu.memref_slice %arg2[%dma_wait3A_393, %dma_wait3A_394] : memref<20480x128xf32, #tpu.memory_space<hbm>> -> memref<64x128xf32, #tpu.memory_space<hbm>>
        %dma_wait3A_396 = arith.constant 64 : i32
        %dma_wait3A_397 = arith.constant 0 : i32
        %dma_wait3A_398 = tpu.memref_slice %arg11[%dma_wait3A_396, %dma_wait3A_397] : memref<256x128xf32, #tpu.memory_space<vmem>> -> memref<64x128xf32, #tpu.memory_space<vmem>>
        %dma_wait3A_399 = arith.constant 0 : i32
        %dma_wait3A_400 = arith.constant 0 : i32
        %dma_wait3A_401 = tpu.memref_slice %arg2[%dma_wait3A_399, %dma_wait3A_400] : memref<20480x128xf32, #tpu.memory_space<hbm>> -> memref<64x128xf32, #tpu.memory_space<hbm>>
        tpu.wait_dma2 semaphore(%arg18 : memref<!tpu.dma_semaphore, #tpu.memory_space<semaphore_mem>>) src(%dma_wait3A_401 : memref<64x128xf32, #tpu.memory_space<hbm>>) dst(%dma_wait3A_398 : memref<64x128xf32, #tpu.memory_space<vmem>>)
      } else {
      }
      %add3A_347 = arith.constant 2 : i32
      %add3A_348 = arith.addi %add3A_339, %add3A_347 : i32
      %lt3A_349 = arith.constant 160 : i32
      %lt3A_350 = arith.cmpi slt, %add3A_348, %lt3A_349 : i32
      %convert_element_type3A_351 = arith.extui %lt3A_350 : i1 to i32
      %cond3A_352 = arith.constant 0 : i32
      %cond3A_353 = arith.cmpi ne, %convert_element_type3A_351, %cond3A_352 : i32
      scf.if %cond3A_353 {
        %add3A_390 = arith.constant 2 : i32
        %add3A_391 = arith.addi %add3A_339, %add3A_390 : i32
        %mul3A_392 = arith.constant 160 : i32
        %mul3A_393 = arith.muli %arg1, %mul3A_392 : i32
        %add3A_394 = arith.addi %mul3A_393, %add3A_391 : i32
        %dma_start3A_395 = arith.constant 1 : i32
        %dma_start3A_396 = arith.constant 0 : i32
        %dma_start3A_397 = tpu.memref_slice %arg10[%dma_start3A_395, %dma_start3A_396] : memref<4x64xi32, #tpu.memory_space<vmem>> -> memref<1x64xi32, #tpu.memory_space<vmem>>
        %dma_start3A_398 = tpu.memref_squeeze %dma_start3A_397 : memref<1x64xi32, #tpu.memory_space<vmem>> -> memref<64xi32, #tpu.memory_space<vmem>>
        %dma_start3A_399 = arith.constant 0 : i32
        %dma_start3A_400 = tpu.memref_slice %arg5[%add3A_394, %dma_start3A_399] : memref<2560x64xi32, #tpu.memory_space<hbm>> -> memref<1x64xi32, #tpu.memory_space<hbm>>
        %dma_start3A_401 = tpu.memref_squeeze %dma_start3A_400 : memref<1x64xi32, #tpu.memory_space<hbm>> -> memref<64xi32, #tpu.memory_space<hbm>>
        %dma_start3A_402 = arith.constant 0 : i32
        %dma_start3A_403 = tpu.memref_slice %arg10[%dma_start3A_395, %dma_start3A_402] : memref<4x64xi32, #tpu.memory_space<vmem>> -> memref<1x64xi32, #tpu.memory_space<vmem>>
        %dma_start3A_404 = tpu.memref_squeeze %dma_start3A_403 : memref<1x64xi32, #tpu.memory_space<vmem>> -> memref<64xi32, #tpu.memory_space<vmem>>
        %dma_start3A_405 = arith.constant 0 : i32
        %dma_start3A_406 = tpu.memref_slice %arg5[%add3A_394, %dma_start3A_405] : memref<2560x64xi32, #tpu.memory_space<hbm>> -> memref<1x64xi32, #tpu.memory_space<hbm>>
        %dma_start3A_407 = tpu.memref_squeeze %dma_start3A_406 : memref<1x64xi32, #tpu.memory_space<hbm>> -> memref<64xi32, #tpu.memory_space<hbm>>
        tpu.enqueue_dma source(%dma_start3A_407 : memref<64xi32, #tpu.memory_space<hbm>>) target(%dma_start3A_404 : memref<64xi32, #tpu.memory_space<vmem>>) target_semaphore(%arg22 : memref<!tpu.dma_semaphore, #tpu.memory_space<semaphore_mem>>)
        %mul3A_408 = arith.constant 64 : i32
        %mul3A_409 = arith.muli %add3A_391, %mul3A_408 : i32
        %multiple_of3A_410 = tpu.assume_multiple %mul3A_409, 8 : i32
        %dma_start3A_411 = arith.constant 64 : i32
        %dma_start3A_412 = arith.constant 0 : i32
        %dma_start3A_413 = tpu.memref_slice %arg11[%dma_start3A_411, %dma_start3A_412] : memref<256x128xf32, #tpu.memory_space<vmem>> -> memref<64x128xf32, #tpu.memory_space<vmem>>
        %dma_start3A_414 = tpu.memref_slice %arg9[%multiple_of3A_410] : memref<10240xi32, #tpu.memory_space<vmem>> -> memref<64xi32, #tpu.memory_space<vmem>>
        %dma_start3A_415 = arith.constant 0 : i32
        %dma_start3A_416 = arith.constant 0 : i32
        %dma_start3A_417 = tpu.memref_slice %arg2[%dma_start3A_415, %dma_start3A_416] : memref<20480x128xf32, #tpu.memory_space<hbm>> -> memref<20480x128xf32, #tpu.memory_space<hbm>>
        tpu.enqueue_indirect_dma source(%dma_start3A_417 : memref<20480x128xf32, #tpu.memory_space<hbm>>) target(%dma_start3A_413 : memref<64x128xf32, #tpu.memory_space<vmem>>) offsets(%dma_start3A_414 : memref<64xi32, #tpu.memory_space<vmem>>) semaphore(%arg14 : memref<!tpu.dma_semaphore, #tpu.memory_space<semaphore_mem>>)
      } else {
      }
      %dma_wait3A_354 = arith.constant 192 : i32
      %dma_wait3A_355 = arith.constant 0 : i32
      %dma_wait3A_356 = tpu.memref_slice %arg11[%dma_wait3A_354, %dma_wait3A_355] : memref<256x128xf32, #tpu.memory_space<vmem>> -> memref<64x128xf32, #tpu.memory_space<vmem>>
      %dma_wait3A_357 = arith.constant 0 : i32
      %dma_wait3A_358 = arith.constant 0 : i32
      %dma_wait3A_359 = tpu.memref_slice %arg2[%dma_wait3A_357, %dma_wait3A_358] : memref<20480x128xf32, #tpu.memory_space<hbm>> -> memref<64x128xf32, #tpu.memory_space<hbm>>
      %dma_wait3A_360 = arith.constant 192 : i32
      %dma_wait3A_361 = arith.constant 0 : i32
      %dma_wait3A_362 = tpu.memref_slice %arg11[%dma_wait3A_360, %dma_wait3A_361] : memref<256x128xf32, #tpu.memory_space<vmem>> -> memref<64x128xf32, #tpu.memory_space<vmem>>
      %dma_wait3A_363 = arith.constant 0 : i32
      %dma_wait3A_364 = arith.constant 0 : i32
      %dma_wait3A_365 = tpu.memref_slice %arg2[%dma_wait3A_363, %dma_wait3A_364] : memref<20480x128xf32, #tpu.memory_space<hbm>> -> memref<64x128xf32, #tpu.memory_space<hbm>>
      tpu.wait_dma2 semaphore(%arg16 : memref<!tpu.dma_semaphore, #tpu.memory_space<semaphore_mem>>) src(%dma_wait3A_365 : memref<64x128xf32, #tpu.memory_space<hbm>>) dst(%dma_wait3A_362 : memref<64x128xf32, #tpu.memory_space<vmem>>)
      %dma_wait3A_366 = arith.constant 0 : i32
      %dma_wait3A_367 = arith.constant 3 : i32
      %dma_wait3A_368 = arith.constant 0 : i32
      %dma_wait3A_369 = tpu.memref_slice %arg10[%dma_wait3A_367, %dma_wait3A_368] : memref<4x64xi32, #tpu.memory_space<vmem>> -> memref<1x64xi32, #tpu.memory_space<vmem>>
      %dma_wait3A_370 = tpu.memref_squeeze %dma_wait3A_369 : memref<1x64xi32, #tpu.memory_space<vmem>> -> memref<64xi32, #tpu.memory_space<vmem>>
      %dma_wait3A_371 = arith.constant 0 : i32
      %dma_wait3A_372 = tpu.memref_slice %arg5[%dma_wait3A_366, %dma_wait3A_371] : memref<2560x64xi32, #tpu.memory_space<hbm>> -> memref<1x64xi32, #tpu.memory_space<hbm>>
      %dma_wait3A_373 = tpu.memref_squeeze %dma_wait3A_372 : memref<1x64xi32, #tpu.memory_space<hbm>> -> memref<64xi32, #tpu.memory_space<hbm>>
      %dma_wait3A_374 = arith.constant 0 : i32
      %dma_wait3A_375 = tpu.memref_slice %arg10[%dma_wait3A_367, %dma_wait3A_374] : memref<4x64xi32, #tpu.memory_space<vmem>> -> memref<1x64xi32, #tpu.memory_space<vmem>>
      %dma_wait3A_376 = tpu.memref_squeeze %dma_wait3A_375 : memref<1x64xi32, #tpu.memory_space<vmem>> -> memref<64xi32, #tpu.memory_space<vmem>>
      %dma_wait3A_377 = arith.constant 0 : i32
      %dma_wait3A_378 = tpu.memref_slice %arg5[%dma_wait3A_366, %dma_wait3A_377] : memref<2560x64xi32, #tpu.memory_space<hbm>> -> memref<1x64xi32, #tpu.memory_space<hbm>>
      %dma_wait3A_379 = tpu.memref_squeeze %dma_wait3A_378 : memref<1x64xi32, #tpu.memory_space<hbm>> -> memref<64xi32, #tpu.memory_space<hbm>>
      tpu.wait_dma2 semaphore(%arg24 : memref<!tpu.dma_semaphore, #tpu.memory_space<semaphore_mem>>) src(%dma_wait3A_379 : memref<64xi32, #tpu.memory_space<hbm>>) dst(%dma_wait3A_376 : memref<64xi32, #tpu.memory_space<vmem>>)
      %dma_start3A_380 = arith.constant 3 : i32
      %dma_start3A_381 = arith.constant 192 : i32
      %dma_start3A_382 = arith.constant 0 : i32
      %dma_start3A_383 = tpu.memref_slice %arg11[%dma_start3A_381, %dma_start3A_382] : memref<256x128xf32, #tpu.memory_space<vmem>> -> memref<64x128xf32, #tpu.memory_space<vmem>>
      %dma_start3A_384 = arith.constant 0 : i32
      %dma_start3A_385 = tpu.memref_slice %arg10[%dma_start3A_380, %dma_start3A_384] : memref<4x64xi32, #tpu.memory_space<vmem>> -> memref<1x64xi32, #tpu.memory_space<vmem>>
      %dma_start3A_386 = tpu.memref_squeeze %dma_start3A_385 : memref<1x64xi32, #tpu.memory_space<vmem>> -> memref<64xi32, #tpu.memory_space<vmem>>
      %dma_start3A_387 = arith.constant 0 : i32
      %dma_start3A_388 = arith.constant 0 : i32
      %dma_start3A_389 = tpu.memref_slice %arg12[%dma_start3A_387, %dma_start3A_388] : memref<10240x128xf32, #tpu.memory_space<vmem_shared>> -> memref<10240x128xf32, #tpu.memory_space<vmem_shared>>
      tpu.enqueue_indirect_dma source(%dma_start3A_383 : memref<64x128xf32, #tpu.memory_space<vmem>>) target(%dma_start3A_389 : memref<10240x128xf32, #tpu.memory_space<vmem_shared>>) offsets(%dma_start3A_386 : memref<64xi32, #tpu.memory_space<vmem>>) semaphore(%arg20 : memref<!tpu.dma_semaphore, #tpu.memory_space<semaphore_mem>>) {add = true}
    }
    %scan3A_61 = arith.constant 40 : i32
    %dma_wait3A = arith.constant 128 : i32
    %dma_wait3A_62 = arith.constant 0 : i32
    %dma_wait3A_63 = tpu.memref_slice %arg11[%dma_wait3A, %dma_wait3A_62] : memref<256x128xf32, #tpu.memory_space<vmem>> -> memref<64x128xf32, #tpu.memory_space<vmem>>
    %dma_wait3A_64 = arith.constant 0 : i32
    %dma_wait3A_65 = arith.constant 0 : i32
    %dma_wait3A_66 = tpu.memref_slice %arg2[%dma_wait3A_64, %dma_wait3A_65] : memref<20480x128xf32, #tpu.memory_space<hbm>> -> memref<64x128xf32, #tpu.memory_space<hbm>>
    %dma_wait3A_67 = arith.constant 128 : i32
    %dma_wait3A_68 = arith.constant 0 : i32
    %dma_wait3A_69 = tpu.memref_slice %arg11[%dma_wait3A_67, %dma_wait3A_68] : memref<256x128xf32, #tpu.memory_space<vmem>> -> memref<64x128xf32, #tpu.memory_space<vmem>>
    %dma_wait3A_70 = arith.constant 0 : i32
    %dma_wait3A_71 = arith.constant 0 : i32
    %dma_wait3A_72 = tpu.memref_slice %arg2[%dma_wait3A_70, %dma_wait3A_71] : memref<20480x128xf32, #tpu.memory_space<hbm>> -> memref<64x128xf32, #tpu.memory_space<hbm>>
    tpu.wait_dma2 semaphore(%arg19 : memref<!tpu.dma_semaphore, #tpu.memory_space<semaphore_mem>>) src(%dma_wait3A_72 : memref<64x128xf32, #tpu.memory_space<hbm>>) dst(%dma_wait3A_69 : memref<64x128xf32, #tpu.memory_space<vmem>>)
    %dma_wait3A_73 = arith.constant 192 : i32
    %dma_wait3A_74 = arith.constant 0 : i32
    %dma_wait3A_75 = tpu.memref_slice %arg11[%dma_wait3A_73, %dma_wait3A_74] : memref<256x128xf32, #tpu.memory_space<vmem>> -> memref<64x128xf32, #tpu.memory_space<vmem>>
    %dma_wait3A_76 = arith.constant 0 : i32
    %dma_wait3A_77 = arith.constant 0 : i32
    %dma_wait3A_78 = tpu.memref_slice %arg2[%dma_wait3A_76, %dma_wait3A_77] : memref<20480x128xf32, #tpu.memory_space<hbm>> -> memref<64x128xf32, #tpu.memory_space<hbm>>
    %dma_wait3A_79 = arith.constant 192 : i32
    %dma_wait3A_80 = arith.constant 0 : i32
    %dma_wait3A_81 = tpu.memref_slice %arg11[%dma_wait3A_79, %dma_wait3A_80] : memref<256x128xf32, #tpu.memory_space<vmem>> -> memref<64x128xf32, #tpu.memory_space<vmem>>
    %dma_wait3A_82 = arith.constant 0 : i32
    %dma_wait3A_83 = arith.constant 0 : i32
    %dma_wait3A_84 = tpu.memref_slice %arg2[%dma_wait3A_82, %dma_wait3A_83] : memref<20480x128xf32, #tpu.memory_space<hbm>> -> memref<64x128xf32, #tpu.memory_space<hbm>>
    tpu.wait_dma2 semaphore(%arg20 : memref<!tpu.dma_semaphore, #tpu.memory_space<semaphore_mem>>) src(%dma_wait3A_84 : memref<64x128xf32, #tpu.memory_space<hbm>>) dst(%dma_wait3A_81 : memref<64x128xf32, #tpu.memory_space<vmem>>)
    %barrier3A_85 = arith.constant 0 : index
    tpu.barrier barrier_id(%barrier3A_85)
    %mul3A_86 = arith.constant 10240 : i32
    %mul3A_87 = arith.muli %arg0, %mul3A_86 : i32
    %add3A_88 = arith.addi %mul3A_87, %multiple_of3A : i32
    %multiple_of3A_89 = tpu.assume_multiple %add3A_88, 128 : i32
    "tpu.region"() ({
      %run_scoped3A = tpu.sem_alloc : memref<!tpu.dma_semaphore, #tpu.memory_space<semaphore_mem>>
      %dma_start3A_178 = arith.constant 0 : i32
      %dma_start3A_179 = tpu.memref_slice %arg7[%multiple_of3A_89, %dma_start3A_178] : memref<20480x128xf32, #tpu.memory_space<hbm>> -> memref<640x128xf32, #tpu.memory_space<hbm>>
      %dma_start3A_180 = arith.constant 0 : i32
      %dma_start3A_181 = tpu.memref_slice %arg12[%multiple_of3A, %dma_start3A_180] : memref<10240x128xf32, #tpu.memory_space<vmem_shared>> -> memref<640x128xf32, #tpu.memory_space<vmem_shared>>
      tpu.enqueue_dma source(%dma_start3A_181 : memref<640x128xf32, #tpu.memory_space<vmem_shared>>) target(%dma_start3A_179 : memref<640x128xf32, #tpu.memory_space<hbm>>) target_semaphore(%run_scoped3A : memref<!tpu.dma_semaphore, #tpu.memory_space<semaphore_mem>>)
      %dma_wait3A_182 = arith.constant 0 : i32
      %dma_wait3A_183 = tpu.memref_slice %arg7[%multiple_of3A_89, %dma_wait3A_182] : memref<20480x128xf32, #tpu.memory_space<hbm>> -> memref<640x128xf32, #tpu.memory_space<hbm>>
      %dma_wait3A_184 = arith.constant 0 : i32
      %dma_wait3A_185 = tpu.memref_slice %arg12[%multiple_of3A, %dma_wait3A_184] : memref<10240x128xf32, #tpu.memory_space<vmem_shared>> -> memref<640x128xf32, #tpu.memory_space<vmem_shared>>
      tpu.wait_dma2 semaphore(%run_scoped3A : memref<!tpu.dma_semaphore, #tpu.memory_space<semaphore_mem>>) src(%dma_wait3A_185 : memref<640x128xf32, #tpu.memory_space<vmem_shared>>) dst(%dma_wait3A_183 : memref<640x128xf32, #tpu.memory_space<hbm>>)
      tpu.yield
    }) : () -> ()
    "tpu.region"() ({
      %run_scoped3A = tpu.sem_alloc : memref<!tpu.dma_semaphore, #tpu.memory_space<semaphore_mem>>
      %dma_start3A_178 = arith.constant 0 : i32
      %dma_start3A_179 = tpu.memref_slice %arg12[%multiple_of3A, %dma_start3A_178] : memref<10240x128xf32, #tpu.memory_space<vmem_shared>> -> memref<640x128xf32, #tpu.memory_space<vmem_shared>>
      tpu.enqueue_dma source(%arg6 : memref<640x128xf32, #tpu.memory_space<hbm>>) target(%dma_start3A_179 : memref<640x128xf32, #tpu.memory_space<vmem_shared>>) target_semaphore(%run_scoped3A : memref<!tpu.dma_semaphore, #tpu.memory_space<semaphore_mem>>)
      %dma_wait3A_180 = arith.constant 0 : i32
      %dma_wait3A_181 = tpu.memref_slice %arg12[%multiple_of3A, %dma_wait3A_180] : memref<10240x128xf32, #tpu.memory_space<vmem_shared>> -> memref<640x128xf32, #tpu.memory_space<vmem_shared>>
      tpu.wait_dma2 semaphore(%run_scoped3A : memref<!tpu.dma_semaphore, #tpu.memory_space<semaphore_mem>>) src(%arg6 : memref<640x128xf32, #tpu.memory_space<hbm>>) dst(%dma_wait3A_181 : memref<640x128xf32, #tpu.memory_space<vmem_shared>>)
      tpu.yield
    }) : () -> ()
    %mul3A_90 = arith.constant 160 : i32
    %mul3A_91 = arith.muli %arg1, %mul3A_90 : i32
    %add3A_92 = arith.constant 0 : i32
    %add3A_93 = arith.addi %mul3A_91, %add3A_92 : i32
    %dma_start3A_94 = arith.constant 0 : i32
    %dma_start3A_95 = arith.constant 0 : i32
    %dma_start3A_96 = tpu.memref_slice %arg10[%dma_start3A_94, %dma_start3A_95] : memref<4x64xi32, #tpu.memory_space<vmem>> -> memref<1x64xi32, #tpu.memory_space<vmem>>
    %dma_start3A_97 = tpu.memref_squeeze %dma_start3A_96 : memref<1x64xi32, #tpu.memory_space<vmem>> -> memref<64xi32, #tpu.memory_space<vmem>>
    %dma_start3A_98 = arith.constant 0 : i32
    %dma_start3A_99 = tpu.memref_slice %arg5[%add3A_93, %dma_start3A_98] : memref<2560x64xi32, #tpu.memory_space<hbm>> -> memref<1x64xi32, #tpu.memory_space<hbm>>
    %dma_start3A_100 = tpu.memref_squeeze %dma_start3A_99 : memref<1x64xi32, #tpu.memory_space<hbm>> -> memref<64xi32, #tpu.memory_space<hbm>>
    %dma_start3A_101 = arith.constant 0 : i32
    %dma_start3A_102 = tpu.memref_slice %arg10[%dma_start3A_94, %dma_start3A_101] : memref<4x64xi32, #tpu.memory_space<vmem>> -> memref<1x64xi32, #tpu.memory_space<vmem>>
    %dma_start3A_103 = tpu.memref_squeeze %dma_start3A_102 : memref<1x64xi32, #tpu.memory_space<vmem>> -> memref<64xi32, #tpu.memory_space<vmem>>
    %dma_start3A_104 = arith.constant 0 : i32
    %dma_start3A_105 = tpu.memref_slice %arg5[%add3A_93, %dma_start3A_104] : memref<2560x64xi32, #tpu.memory_space<hbm>> -> memref<1x64xi32, #tpu.memory_space<hbm>>
    %dma_start3A_106 = tpu.memref_squeeze %dma_start3A_105 : memref<1x64xi32, #tpu.memory_space<hbm>> -> memref<64xi32, #tpu.memory_space<hbm>>
    tpu.enqueue_dma source(%dma_start3A_106 : memref<64xi32, #tpu.memory_space<hbm>>) target(%dma_start3A_103 : memref<64xi32, #tpu.memory_space<vmem>>) target_semaphore(%arg21 : memref<!tpu.dma_semaphore, #tpu.memory_space<semaphore_mem>>)
    %multiple_of3A_107 = arith.constant 0 : i32
    %multiple_of3A_108 = tpu.assume_multiple %multiple_of3A_107, 8 : i32
    %dma_start3A_109 = arith.constant 0 : i32
    %dma_start3A_110 = arith.constant 0 : i32
    %dma_start3A_111 = tpu.memref_slice %arg11[%dma_start3A_109, %dma_start3A_110] : memref<256x128xf32, #tpu.memory_space<vmem>> -> memref<64x128xf32, #tpu.memory_space<vmem>>
    %dma_start3A_112 = tpu.memref_slice %arg9[%multiple_of3A_108] : memref<10240xi32, #tpu.memory_space<vmem>> -> memref<64xi32, #tpu.memory_space<vmem>>
    %dma_start3A_113 = arith.constant 0 : i32
    %dma_start3A_114 = arith.constant 0 : i32
    %dma_start3A_115 = tpu.memref_slice %arg3[%dma_start3A_113, %dma_start3A_114] : memref<20480x128xf32, #tpu.memory_space<hbm>> -> memref<20480x128xf32, #tpu.memory_space<hbm>>
    tpu.enqueue_indirect_dma source(%dma_start3A_115 : memref<20480x128xf32, #tpu.memory_space<hbm>>) target(%dma_start3A_111 : memref<64x128xf32, #tpu.memory_space<vmem>>) offsets(%dma_start3A_112 : memref<64xi32, #tpu.memory_space<vmem>>) semaphore(%arg13 : memref<!tpu.dma_semaphore, #tpu.memory_space<semaphore_mem>>)
    %mul3A_116 = arith.constant 160 : i32
    %mul3A_117 = arith.muli %arg1, %mul3A_116 : i32
    %add3A_118 = arith.constant 1 : i32
    %add3A_119 = arith.addi %mul3A_117, %add3A_118 : i32
    %dma_start3A_120 = arith.constant 1 : i32
    %dma_start3A_121 = arith.constant 0 : i32
    %dma_start3A_122 = tpu.memref_slice %arg10[%dma_start3A_120, %dma_start3A_121] : memref<4x64xi32, #tpu.memory_space<vmem>> -> memref<1x64xi32, #tpu.memory_space<vmem>>
    %dma_start3A_123 = tpu.memref_squeeze %dma_start3A_122 : memref<1x64xi32, #tpu.memory_space<vmem>> -> memref<64xi32, #tpu.memory_space<vmem>>
    %dma_start3A_124 = arith.constant 0 : i32
    %dma_start3A_125 = tpu.memref_slice %arg5[%add3A_119, %dma_start3A_124] : memref<2560x64xi32, #tpu.memory_space<hbm>> -> memref<1x64xi32, #tpu.memory_space<hbm>>
    %dma_start3A_126 = tpu.memref_squeeze %dma_start3A_125 : memref<1x64xi32, #tpu.memory_space<hbm>> -> memref<64xi32, #tpu.memory_space<hbm>>
    %dma_start3A_127 = arith.constant 0 : i32
    %dma_start3A_128 = tpu.memref_slice %arg10[%dma_start3A_120, %dma_start3A_127] : memref<4x64xi32, #tpu.memory_space<vmem>> -> memref<1x64xi32, #tpu.memory_space<vmem>>
    %dma_start3A_129 = tpu.memref_squeeze %dma_start3A_128 : memref<1x64xi32, #tpu.memory_space<vmem>> -> memref<64xi32, #tpu.memory_space<vmem>>
    %dma_start3A_130 = arith.constant 0 : i32
    %dma_start3A_131 = tpu.memref_slice %arg5[%add3A_119, %dma_start3A_130] : memref<2560x64xi32, #tpu.memory_space<hbm>> -> memref<1x64xi32, #tpu.memory_space<hbm>>
    %dma_start3A_132 = tpu.memref_squeeze %dma_start3A_131 : memref<1x64xi32, #tpu.memory_space<hbm>> -> memref<64xi32, #tpu.memory_space<hbm>>
    tpu.enqueue_dma source(%dma_start3A_132 : memref<64xi32, #tpu.memory_space<hbm>>) target(%dma_start3A_129 : memref<64xi32, #tpu.memory_space<vmem>>) target_semaphore(%arg22 : memref<!tpu.dma_semaphore, #tpu.memory_space<semaphore_mem>>)
    %multiple_of3A_133 = arith.constant 64 : i32
    %multiple_of3A_134 = tpu.assume_multiple %multiple_of3A_133, 8 : i32
    %dma_start3A_135 = arith.constant 64 : i32
    %dma_start3A_136 = arith.constant 0 : i32
    %dma_start3A_137 = tpu.memref_slice %arg11[%dma_start3A_135, %dma_start3A_136] : memref<256x128xf32, #tpu.memory_space<vmem>> -> memref<64x128xf32, #tpu.memory_space<vmem>>
    %dma_start3A_138 = tpu.memref_slice %arg9[%multiple_of3A_134] : memref<10240xi32, #tpu.memory_space<vmem>> -> memref<64xi32, #tpu.memory_space<vmem>>
    %dma_start3A_139 = arith.constant 0 : i32
    %dma_start3A_140 = arith.constant 0 : i32
    %dma_start3A_141 = tpu.memref_slice %arg3[%dma_start3A_139, %dma_start3A_140] : memref<20480x128xf32, #tpu.memory_space<hbm>> -> memref<20480x128xf32, #tpu.memory_space<hbm>>
    tpu.enqueue_indirect_dma source(%dma_start3A_141 : memref<20480x128xf32, #tpu.memory_space<hbm>>) target(%dma_start3A_137 : memref<64x128xf32, #tpu.memory_space<vmem>>) offsets(%dma_start3A_138 : memref<64xi32, #tpu.memory_space<vmem>>) semaphore(%arg14 : memref<!tpu.dma_semaphore, #tpu.memory_space<semaphore_mem>>)
    %barrier3A_142 = arith.constant 0 : index
    tpu.barrier barrier_id(%barrier3A_142)
    %scan3A_143 = arith.constant 0 : i32
    %scan3A_144 = arith.constant 0 : i32
    %scan3A_145 = arith.constant 40 : i32
    %scan3A_146 = arith.addi %scan3A_144, %scan3A_145 : i32
    %scan3A_147 = arith.constant 1 : i32
    scf.for %scan3A_178 = %scan3A_144 to %scan3A_146 step %scan3A_147  : i32 {
      %mul3A_179 = arith.constant 4 : i32
      %mul3A_180 = arith.muli %mul3A_179, %scan3A_178 : i32
      %add3A_181 = arith.constant 0 : i32
      %add3A_182 = arith.addi %mul3A_180, %add3A_181 : i32
      %sub3A = arith.constant 2 : i32
      %sub3A_183 = arith.subi %add3A_182, %sub3A : i32
      %ge3A = arith.constant 0 : i32
      %ge3A_184 = arith.cmpi sge, %sub3A_183, %ge3A : i32
      %convert_element_type3A = arith.extui %ge3A_184 : i1 to i32
      %cond3A = arith.constant 0 : i32
      %cond3A_185 = arith.cmpi ne, %convert_element_type3A, %cond3A : i32
      scf.if %cond3A_185 {
        %dma_wait3A_390 = arith.constant 128 : i32
        %dma_wait3A_391 = arith.constant 0 : i32
        %dma_wait3A_392 = tpu.memref_slice %arg11[%dma_wait3A_390, %dma_wait3A_391] : memref<256x128xf32, #tpu.memory_space<vmem>> -> memref<64x128xf32, #tpu.memory_space<vmem>>
        %dma_wait3A_393 = arith.constant 0 : i32
        %dma_wait3A_394 = arith.constant 0 : i32
        %dma_wait3A_395 = tpu.memref_slice %arg3[%dma_wait3A_393, %dma_wait3A_394] : memref<20480x128xf32, #tpu.memory_space<hbm>> -> memref<64x128xf32, #tpu.memory_space<hbm>>
        %dma_wait3A_396 = arith.constant 128 : i32
        %dma_wait3A_397 = arith.constant 0 : i32
        %dma_wait3A_398 = tpu.memref_slice %arg11[%dma_wait3A_396, %dma_wait3A_397] : memref<256x128xf32, #tpu.memory_space<vmem>> -> memref<64x128xf32, #tpu.memory_space<vmem>>
        %dma_wait3A_399 = arith.constant 0 : i32
        %dma_wait3A_400 = arith.constant 0 : i32
        %dma_wait3A_401 = tpu.memref_slice %arg3[%dma_wait3A_399, %dma_wait3A_400] : memref<20480x128xf32, #tpu.memory_space<hbm>> -> memref<64x128xf32, #tpu.memory_space<hbm>>
        tpu.wait_dma2 semaphore(%arg19 : memref<!tpu.dma_semaphore, #tpu.memory_space<semaphore_mem>>) src(%dma_wait3A_401 : memref<64x128xf32, #tpu.memory_space<hbm>>) dst(%dma_wait3A_398 : memref<64x128xf32, #tpu.memory_space<vmem>>)
      } else {
      }
      %add3A_186 = arith.constant 2 : i32
      %add3A_187 = arith.addi %add3A_182, %add3A_186 : i32
      %lt3A = arith.constant 160 : i32
      %lt3A_188 = arith.cmpi slt, %add3A_187, %lt3A : i32
      %convert_element_type3A_189 = arith.extui %lt3A_188 : i1 to i32
      %cond3A_190 = arith.constant 0 : i32
      %cond3A_191 = arith.cmpi ne, %convert_element_type3A_189, %cond3A_190 : i32
      scf.if %cond3A_191 {
        %add3A_390 = arith.constant 2 : i32
        %add3A_391 = arith.addi %add3A_182, %add3A_390 : i32
        %mul3A_392 = arith.constant 160 : i32
        %mul3A_393 = arith.muli %arg1, %mul3A_392 : i32
        %add3A_394 = arith.addi %mul3A_393, %add3A_391 : i32
        %dma_start3A_395 = arith.constant 2 : i32
        %dma_start3A_396 = arith.constant 0 : i32
        %dma_start3A_397 = tpu.memref_slice %arg10[%dma_start3A_395, %dma_start3A_396] : memref<4x64xi32, #tpu.memory_space<vmem>> -> memref<1x64xi32, #tpu.memory_space<vmem>>
        %dma_start3A_398 = tpu.memref_squeeze %dma_start3A_397 : memref<1x64xi32, #tpu.memory_space<vmem>> -> memref<64xi32, #tpu.memory_space<vmem>>
        %dma_start3A_399 = arith.constant 0 : i32
        %dma_start3A_400 = tpu.memref_slice %arg5[%add3A_394, %dma_start3A_399] : memref<2560x64xi32, #tpu.memory_space<hbm>> -> memref<1x64xi32, #tpu.memory_space<hbm>>
        %dma_start3A_401 = tpu.memref_squeeze %dma_start3A_400 : memref<1x64xi32, #tpu.memory_space<hbm>> -> memref<64xi32, #tpu.memory_space<hbm>>
        %dma_start3A_402 = arith.constant 0 : i32
        %dma_start3A_403 = tpu.memref_slice %arg10[%dma_start3A_395, %dma_start3A_402] : memref<4x64xi32, #tpu.memory_space<vmem>> -> memref<1x64xi32, #tpu.memory_space<vmem>>
        %dma_start3A_404 = tpu.memref_squeeze %dma_start3A_403 : memref<1x64xi32, #tpu.memory_space<vmem>> -> memref<64xi32, #tpu.memory_space<vmem>>
        %dma_start3A_405 = arith.constant 0 : i32
        %dma_start3A_406 = tpu.memref_slice %arg5[%add3A_394, %dma_start3A_405] : memref<2560x64xi32, #tpu.memory_space<hbm>> -> memref<1x64xi32, #tpu.memory_space<hbm>>
        %dma_start3A_407 = tpu.memref_squeeze %dma_start3A_406 : memref<1x64xi32, #tpu.memory_space<hbm>> -> memref<64xi32, #tpu.memory_space<hbm>>
        tpu.enqueue_dma source(%dma_start3A_407 : memref<64xi32, #tpu.memory_space<hbm>>) target(%dma_start3A_404 : memref<64xi32, #tpu.memory_space<vmem>>) target_semaphore(%arg23 : memref<!tpu.dma_semaphore, #tpu.memory_space<semaphore_mem>>)
        %mul3A_408 = arith.constant 64 : i32
        %mul3A_409 = arith.muli %add3A_391, %mul3A_408 : i32
        %multiple_of3A_410 = tpu.assume_multiple %mul3A_409, 8 : i32
        %dma_start3A_411 = arith.constant 128 : i32
        %dma_start3A_412 = arith.constant 0 : i32
        %dma_start3A_413 = tpu.memref_slice %arg11[%dma_start3A_411, %dma_start3A_412] : memref<256x128xf32, #tpu.memory_space<vmem>> -> memref<64x128xf32, #tpu.memory_space<vmem>>
        %dma_start3A_414 = tpu.memref_slice %arg9[%multiple_of3A_410] : memref<10240xi32, #tpu.memory_space<vmem>> -> memref<64xi32, #tpu.memory_space<vmem>>
        %dma_start3A_415 = arith.constant 0 : i32
        %dma_start3A_416 = arith.constant 0 : i32
        %dma_start3A_417 = tpu.memref_slice %arg3[%dma_start3A_415, %dma_start3A_416] : memref<20480x128xf32, #tpu.memory_space<hbm>> -> memref<20480x128xf32, #tpu.memory_space<hbm>>
        tpu.enqueue_indirect_dma source(%dma_start3A_417 : memref<20480x128xf32, #tpu.memory_space<hbm>>) target(%dma_start3A_413 : memref<64x128xf32, #tpu.memory_space<vmem>>) offsets(%dma_start3A_414 : memref<64xi32, #tpu.memory_space<vmem>>) semaphore(%arg15 : memref<!tpu.dma_semaphore, #tpu.memory_space<semaphore_mem>>)
      } else {
      }
      %dma_wait3A_192 = arith.constant 0 : i32
      %dma_wait3A_193 = arith.constant 0 : i32
      %dma_wait3A_194 = tpu.memref_slice %arg11[%dma_wait3A_192, %dma_wait3A_193] : memref<256x128xf32, #tpu.memory_space<vmem>> -> memref<64x128xf32, #tpu.memory_space<vmem>>
      %dma_wait3A_195 = arith.constant 0 : i32
      %dma_wait3A_196 = arith.constant 0 : i32
      %dma_wait3A_197 = tpu.memref_slice %arg3[%dma_wait3A_195, %dma_wait3A_196] : memref<20480x128xf32, #tpu.memory_space<hbm>> -> memref<64x128xf32, #tpu.memory_space<hbm>>
      %dma_wait3A_198 = arith.constant 0 : i32
      %dma_wait3A_199 = arith.constant 0 : i32
      %dma_wait3A_200 = tpu.memref_slice %arg11[%dma_wait3A_198, %dma_wait3A_199] : memref<256x128xf32, #tpu.memory_space<vmem>> -> memref<64x128xf32, #tpu.memory_space<vmem>>
      %dma_wait3A_201 = arith.constant 0 : i32
      %dma_wait3A_202 = arith.constant 0 : i32
      %dma_wait3A_203 = tpu.memref_slice %arg3[%dma_wait3A_201, %dma_wait3A_202] : memref<20480x128xf32, #tpu.memory_space<hbm>> -> memref<64x128xf32, #tpu.memory_space<hbm>>
      tpu.wait_dma2 semaphore(%arg13 : memref<!tpu.dma_semaphore, #tpu.memory_space<semaphore_mem>>) src(%dma_wait3A_203 : memref<64x128xf32, #tpu.memory_space<hbm>>) dst(%dma_wait3A_200 : memref<64x128xf32, #tpu.memory_space<vmem>>)
      %dma_wait3A_204 = arith.constant 0 : i32
      %dma_wait3A_205 = arith.constant 0 : i32
      %dma_wait3A_206 = arith.constant 0 : i32
      %dma_wait3A_207 = tpu.memref_slice %arg10[%dma_wait3A_205, %dma_wait3A_206] : memref<4x64xi32, #tpu.memory_space<vmem>> -> memref<1x64xi32, #tpu.memory_space<vmem>>
      %dma_wait3A_208 = tpu.memref_squeeze %dma_wait3A_207 : memref<1x64xi32, #tpu.memory_space<vmem>> -> memref<64xi32, #tpu.memory_space<vmem>>
      %dma_wait3A_209 = arith.constant 0 : i32
      %dma_wait3A_210 = tpu.memref_slice %arg5[%dma_wait3A_204, %dma_wait3A_209] : memref<2560x64xi32, #tpu.memory_space<hbm>> -> memref<1x64xi32, #tpu.memory_space<hbm>>
      %dma_wait3A_211 = tpu.memref_squeeze %dma_wait3A_210 : memref<1x64xi32, #tpu.memory_space<hbm>> -> memref<64xi32, #tpu.memory_space<hbm>>
      %dma_wait3A_212 = arith.constant 0 : i32
      %dma_wait3A_213 = tpu.memref_slice %arg10[%dma_wait3A_205, %dma_wait3A_212] : memref<4x64xi32, #tpu.memory_space<vmem>> -> memref<1x64xi32, #tpu.memory_space<vmem>>
      %dma_wait3A_214 = tpu.memref_squeeze %dma_wait3A_213 : memref<1x64xi32, #tpu.memory_space<vmem>> -> memref<64xi32, #tpu.memory_space<vmem>>
      %dma_wait3A_215 = arith.constant 0 : i32
      %dma_wait3A_216 = tpu.memref_slice %arg5[%dma_wait3A_204, %dma_wait3A_215] : memref<2560x64xi32, #tpu.memory_space<hbm>> -> memref<1x64xi32, #tpu.memory_space<hbm>>
      %dma_wait3A_217 = tpu.memref_squeeze %dma_wait3A_216 : memref<1x64xi32, #tpu.memory_space<hbm>> -> memref<64xi32, #tpu.memory_space<hbm>>
      tpu.wait_dma2 semaphore(%arg21 : memref<!tpu.dma_semaphore, #tpu.memory_space<semaphore_mem>>) src(%dma_wait3A_217 : memref<64xi32, #tpu.memory_space<hbm>>) dst(%dma_wait3A_214 : memref<64xi32, #tpu.memory_space<vmem>>)
      %dma_start3A_218 = arith.constant 0 : i32
      %dma_start3A_219 = arith.constant 0 : i32
      %dma_start3A_220 = arith.constant 0 : i32
      %dma_start3A_221 = tpu.memref_slice %arg11[%dma_start3A_219, %dma_start3A_220] : memref<256x128xf32, #tpu.memory_space<vmem>> -> memref<64x128xf32, #tpu.memory_space<vmem>>
      %dma_start3A_222 = arith.constant 0 : i32
      %dma_start3A_223 = tpu.memref_slice %arg10[%dma_start3A_218, %dma_start3A_222] : memref<4x64xi32, #tpu.memory_space<vmem>> -> memref<1x64xi32, #tpu.memory_space<vmem>>
      %dma_start3A_224 = tpu.memref_squeeze %dma_start3A_223 : memref<1x64xi32, #tpu.memory_space<vmem>> -> memref<64xi32, #tpu.memory_space<vmem>>
      %dma_start3A_225 = arith.constant 0 : i32
      %dma_start3A_226 = arith.constant 0 : i32
      %dma_start3A_227 = tpu.memref_slice %arg12[%dma_start3A_225, %dma_start3A_226] : memref<10240x128xf32, #tpu.memory_space<vmem_shared>> -> memref<10240x128xf32, #tpu.memory_space<vmem_shared>>
      tpu.enqueue_indirect_dma source(%dma_start3A_221 : memref<64x128xf32, #tpu.memory_space<vmem>>) target(%dma_start3A_227 : memref<10240x128xf32, #tpu.memory_space<vmem_shared>>) offsets(%dma_start3A_224 : memref<64xi32, #tpu.memory_space<vmem>>) semaphore(%arg17 : memref<!tpu.dma_semaphore, #tpu.memory_space<semaphore_mem>>) {add = true}
      %mul3A_228 = arith.constant 4 : i32
      %mul3A_229 = arith.muli %mul3A_228, %scan3A_178 : i32
      %add3A_230 = arith.constant 1 : i32
      %add3A_231 = arith.addi %mul3A_229, %add3A_230 : i32
      %sub3A_232 = arith.constant 2 : i32
      %sub3A_233 = arith.subi %add3A_231, %sub3A_232 : i32
      %ge3A_234 = arith.constant 0 : i32
      %ge3A_235 = arith.cmpi sge, %sub3A_233, %ge3A_234 : i32
      %convert_element_type3A_236 = arith.extui %ge3A_235 : i1 to i32
      %cond3A_237 = arith.constant 0 : i32
      %cond3A_238 = arith.cmpi ne, %convert_element_type3A_236, %cond3A_237 : i32
      scf.if %cond3A_238 {
        %dma_wait3A_390 = arith.constant 192 : i32
        %dma_wait3A_391 = arith.constant 0 : i32
        %dma_wait3A_392 = tpu.memref_slice %arg11[%dma_wait3A_390, %dma_wait3A_391] : memref<256x128xf32, #tpu.memory_space<vmem>> -> memref<64x128xf32, #tpu.memory_space<vmem>>
        %dma_wait3A_393 = arith.constant 0 : i32
        %dma_wait3A_394 = arith.constant 0 : i32
        %dma_wait3A_395 = tpu.memref_slice %arg3[%dma_wait3A_393, %dma_wait3A_394] : memref<20480x128xf32, #tpu.memory_space<hbm>> -> memref<64x128xf32, #tpu.memory_space<hbm>>
        %dma_wait3A_396 = arith.constant 192 : i32
        %dma_wait3A_397 = arith.constant 0 : i32
        %dma_wait3A_398 = tpu.memref_slice %arg11[%dma_wait3A_396, %dma_wait3A_397] : memref<256x128xf32, #tpu.memory_space<vmem>> -> memref<64x128xf32, #tpu.memory_space<vmem>>
        %dma_wait3A_399 = arith.constant 0 : i32
        %dma_wait3A_400 = arith.constant 0 : i32
        %dma_wait3A_401 = tpu.memref_slice %arg3[%dma_wait3A_399, %dma_wait3A_400] : memref<20480x128xf32, #tpu.memory_space<hbm>> -> memref<64x128xf32, #tpu.memory_space<hbm>>
        tpu.wait_dma2 semaphore(%arg20 : memref<!tpu.dma_semaphore, #tpu.memory_space<semaphore_mem>>) src(%dma_wait3A_401 : memref<64x128xf32, #tpu.memory_space<hbm>>) dst(%dma_wait3A_398 : memref<64x128xf32, #tpu.memory_space<vmem>>)
      } else {
      }
      %add3A_239 = arith.constant 2 : i32
      %add3A_240 = arith.addi %add3A_231, %add3A_239 : i32
      %lt3A_241 = arith.constant 160 : i32
      %lt3A_242 = arith.cmpi slt, %add3A_240, %lt3A_241 : i32
      %convert_element_type3A_243 = arith.extui %lt3A_242 : i1 to i32
      %cond3A_244 = arith.constant 0 : i32
      %cond3A_245 = arith.cmpi ne, %convert_element_type3A_243, %cond3A_244 : i32
      scf.if %cond3A_245 {
        %add3A_390 = arith.constant 2 : i32
        %add3A_391 = arith.addi %add3A_231, %add3A_390 : i32
        %mul3A_392 = arith.constant 160 : i32
        %mul3A_393 = arith.muli %arg1, %mul3A_392 : i32
        %add3A_394 = arith.addi %mul3A_393, %add3A_391 : i32
        %dma_start3A_395 = arith.constant 3 : i32
        %dma_start3A_396 = arith.constant 0 : i32
        %dma_start3A_397 = tpu.memref_slice %arg10[%dma_start3A_395, %dma_start3A_396] : memref<4x64xi32, #tpu.memory_space<vmem>> -> memref<1x64xi32, #tpu.memory_space<vmem>>
        %dma_start3A_398 = tpu.memref_squeeze %dma_start3A_397 : memref<1x64xi32, #tpu.memory_space<vmem>> -> memref<64xi32, #tpu.memory_space<vmem>>
        %dma_start3A_399 = arith.constant 0 : i32
        %dma_start3A_400 = tpu.memref_slice %arg5[%add3A_394, %dma_start3A_399] : memref<2560x64xi32, #tpu.memory_space<hbm>> -> memref<1x64xi32, #tpu.memory_space<hbm>>
        %dma_start3A_401 = tpu.memref_squeeze %dma_start3A_400 : memref<1x64xi32, #tpu.memory_space<hbm>> -> memref<64xi32, #tpu.memory_space<hbm>>
        %dma_start3A_402 = arith.constant 0 : i32
        %dma_start3A_403 = tpu.memref_slice %arg10[%dma_start3A_395, %dma_start3A_402] : memref<4x64xi32, #tpu.memory_space<vmem>> -> memref<1x64xi32, #tpu.memory_space<vmem>>
        %dma_start3A_404 = tpu.memref_squeeze %dma_start3A_403 : memref<1x64xi32, #tpu.memory_space<vmem>> -> memref<64xi32, #tpu.memory_space<vmem>>
        %dma_start3A_405 = arith.constant 0 : i32
        %dma_start3A_406 = tpu.memref_slice %arg5[%add3A_394, %dma_start3A_405] : memref<2560x64xi32, #tpu.memory_space<hbm>> -> memref<1x64xi32, #tpu.memory_space<hbm>>
        %dma_start3A_407 = tpu.memref_squeeze %dma_start3A_406 : memref<1x64xi32, #tpu.memory_space<hbm>> -> memref<64xi32, #tpu.memory_space<hbm>>
        tpu.enqueue_dma source(%dma_start3A_407 : memref<64xi32, #tpu.memory_space<hbm>>) target(%dma_start3A_404 : memref<64xi32, #tpu.memory_space<vmem>>) target_semaphore(%arg24 : memref<!tpu.dma_semaphore, #tpu.memory_space<semaphore_mem>>)
        %mul3A_408 = arith.constant 64 : i32
        %mul3A_409 = arith.muli %add3A_391, %mul3A_408 : i32
        %multiple_of3A_410 = tpu.assume_multiple %mul3A_409, 8 : i32
        %dma_start3A_411 = arith.constant 192 : i32
        %dma_start3A_412 = arith.constant 0 : i32
        %dma_start3A_413 = tpu.memref_slice %arg11[%dma_start3A_411, %dma_start3A_412] : memref<256x128xf32, #tpu.memory_space<vmem>> -> memref<64x128xf32, #tpu.memory_space<vmem>>
        %dma_start3A_414 = tpu.memref_slice %arg9[%multiple_of3A_410] : memref<10240xi32, #tpu.memory_space<vmem>> -> memref<64xi32, #tpu.memory_space<vmem>>
        %dma_start3A_415 = arith.constant 0 : i32
        %dma_start3A_416 = arith.constant 0 : i32
        %dma_start3A_417 = tpu.memref_slice %arg3[%dma_start3A_415, %dma_start3A_416] : memref<20480x128xf32, #tpu.memory_space<hbm>> -> memref<20480x128xf32, #tpu.memory_space<hbm>>
        tpu.enqueue_indirect_dma source(%dma_start3A_417 : memref<20480x128xf32, #tpu.memory_space<hbm>>) target(%dma_start3A_413 : memref<64x128xf32, #tpu.memory_space<vmem>>) offsets(%dma_start3A_414 : memref<64xi32, #tpu.memory_space<vmem>>) semaphore(%arg16 : memref<!tpu.dma_semaphore, #tpu.memory_space<semaphore_mem>>)
      } else {
      }
      %dma_wait3A_246 = arith.constant 64 : i32
      %dma_wait3A_247 = arith.constant 0 : i32
      %dma_wait3A_248 = tpu.memref_slice %arg11[%dma_wait3A_246, %dma_wait3A_247] : memref<256x128xf32, #tpu.memory_space<vmem>> -> memref<64x128xf32, #tpu.memory_space<vmem>>
      %dma_wait3A_249 = arith.constant 0 : i32
      %dma_wait3A_250 = arith.constant 0 : i32
      %dma_wait3A_251 = tpu.memref_slice %arg3[%dma_wait3A_249, %dma_wait3A_250] : memref<20480x128xf32, #tpu.memory_space<hbm>> -> memref<64x128xf32, #tpu.memory_space<hbm>>
      %dma_wait3A_252 = arith.constant 64 : i32
      %dma_wait3A_253 = arith.constant 0 : i32
      %dma_wait3A_254 = tpu.memref_slice %arg11[%dma_wait3A_252, %dma_wait3A_253] : memref<256x128xf32, #tpu.memory_space<vmem>> -> memref<64x128xf32, #tpu.memory_space<vmem>>
      %dma_wait3A_255 = arith.constant 0 : i32
      %dma_wait3A_256 = arith.constant 0 : i32
      %dma_wait3A_257 = tpu.memref_slice %arg3[%dma_wait3A_255, %dma_wait3A_256] : memref<20480x128xf32, #tpu.memory_space<hbm>> -> memref<64x128xf32, #tpu.memory_space<hbm>>
      tpu.wait_dma2 semaphore(%arg14 : memref<!tpu.dma_semaphore, #tpu.memory_space<semaphore_mem>>) src(%dma_wait3A_257 : memref<64x128xf32, #tpu.memory_space<hbm>>) dst(%dma_wait3A_254 : memref<64x128xf32, #tpu.memory_space<vmem>>)
      %dma_wait3A_258 = arith.constant 0 : i32
      %dma_wait3A_259 = arith.constant 1 : i32
      %dma_wait3A_260 = arith.constant 0 : i32
      %dma_wait3A_261 = tpu.memref_slice %arg10[%dma_wait3A_259, %dma_wait3A_260] : memref<4x64xi32, #tpu.memory_space<vmem>> -> memref<1x64xi32, #tpu.memory_space<vmem>>
      %dma_wait3A_262 = tpu.memref_squeeze %dma_wait3A_261 : memref<1x64xi32, #tpu.memory_space<vmem>> -> memref<64xi32, #tpu.memory_space<vmem>>
      %dma_wait3A_263 = arith.constant 0 : i32
      %dma_wait3A_264 = tpu.memref_slice %arg5[%dma_wait3A_258, %dma_wait3A_263] : memref<2560x64xi32, #tpu.memory_space<hbm>> -> memref<1x64xi32, #tpu.memory_space<hbm>>
      %dma_wait3A_265 = tpu.memref_squeeze %dma_wait3A_264 : memref<1x64xi32, #tpu.memory_space<hbm>> -> memref<64xi32, #tpu.memory_space<hbm>>
      %dma_wait3A_266 = arith.constant 0 : i32
      %dma_wait3A_267 = tpu.memref_slice %arg10[%dma_wait3A_259, %dma_wait3A_266] : memref<4x64xi32, #tpu.memory_space<vmem>> -> memref<1x64xi32, #tpu.memory_space<vmem>>
      %dma_wait3A_268 = tpu.memref_squeeze %dma_wait3A_267 : memref<1x64xi32, #tpu.memory_space<vmem>> -> memref<64xi32, #tpu.memory_space<vmem>>
      %dma_wait3A_269 = arith.constant 0 : i32
      %dma_wait3A_270 = tpu.memref_slice %arg5[%dma_wait3A_258, %dma_wait3A_269] : memref<2560x64xi32, #tpu.memory_space<hbm>> -> memref<1x64xi32, #tpu.memory_space<hbm>>
      %dma_wait3A_271 = tpu.memref_squeeze %dma_wait3A_270 : memref<1x64xi32, #tpu.memory_space<hbm>> -> memref<64xi32, #tpu.memory_space<hbm>>
      tpu.wait_dma2 semaphore(%arg22 : memref<!tpu.dma_semaphore, #tpu.memory_space<semaphore_mem>>) src(%dma_wait3A_271 : memref<64xi32, #tpu.memory_space<hbm>>) dst(%dma_wait3A_268 : memref<64xi32, #tpu.memory_space<vmem>>)
      %dma_start3A_272 = arith.constant 1 : i32
      %dma_start3A_273 = arith.constant 64 : i32
      %dma_start3A_274 = arith.constant 0 : i32
      %dma_start3A_275 = tpu.memref_slice %arg11[%dma_start3A_273, %dma_start3A_274] : memref<256x128xf32, #tpu.memory_space<vmem>> -> memref<64x128xf32, #tpu.memory_space<vmem>>
      %dma_start3A_276 = arith.constant 0 : i32
      %dma_start3A_277 = tpu.memref_slice %arg10[%dma_start3A_272, %dma_start3A_276] : memref<4x64xi32, #tpu.memory_space<vmem>> -> memref<1x64xi32, #tpu.memory_space<vmem>>
      %dma_start3A_278 = tpu.memref_squeeze %dma_start3A_277 : memref<1x64xi32, #tpu.memory_space<vmem>> -> memref<64xi32, #tpu.memory_space<vmem>>
      %dma_start3A_279 = arith.constant 0 : i32
      %dma_start3A_280 = arith.constant 0 : i32
      %dma_start3A_281 = tpu.memref_slice %arg12[%dma_start3A_279, %dma_start3A_280] : memref<10240x128xf32, #tpu.memory_space<vmem_shared>> -> memref<10240x128xf32, #tpu.memory_space<vmem_shared>>
      tpu.enqueue_indirect_dma source(%dma_start3A_275 : memref<64x128xf32, #tpu.memory_space<vmem>>) target(%dma_start3A_281 : memref<10240x128xf32, #tpu.memory_space<vmem_shared>>) offsets(%dma_start3A_278 : memref<64xi32, #tpu.memory_space<vmem>>) semaphore(%arg18 : memref<!tpu.dma_semaphore, #tpu.memory_space<semaphore_mem>>) {add = true}
      %mul3A_282 = arith.constant 4 : i32
      %mul3A_283 = arith.muli %mul3A_282, %scan3A_178 : i32
      %add3A_284 = arith.constant 2 : i32
      %add3A_285 = arith.addi %mul3A_283, %add3A_284 : i32
      %sub3A_286 = arith.constant 2 : i32
      %sub3A_287 = arith.subi %add3A_285, %sub3A_286 : i32
      %ge3A_288 = arith.constant 0 : i32
      %ge3A_289 = arith.cmpi sge, %sub3A_287, %ge3A_288 : i32
      %convert_element_type3A_290 = arith.extui %ge3A_289 : i1 to i32
      %cond3A_291 = arith.constant 0 : i32
      %cond3A_292 = arith.cmpi ne, %convert_element_type3A_290, %cond3A_291 : i32
      scf.if %cond3A_292 {
        %dma_wait3A_390 = arith.constant 0 : i32
        %dma_wait3A_391 = arith.constant 0 : i32
        %dma_wait3A_392 = tpu.memref_slice %arg11[%dma_wait3A_390, %dma_wait3A_391] : memref<256x128xf32, #tpu.memory_space<vmem>> -> memref<64x128xf32, #tpu.memory_space<vmem>>
        %dma_wait3A_393 = arith.constant 0 : i32
        %dma_wait3A_394 = arith.constant 0 : i32
        %dma_wait3A_395 = tpu.memref_slice %arg3[%dma_wait3A_393, %dma_wait3A_394] : memref<20480x128xf32, #tpu.memory_space<hbm>> -> memref<64x128xf32, #tpu.memory_space<hbm>>
        %dma_wait3A_396 = arith.constant 0 : i32
        %dma_wait3A_397 = arith.constant 0 : i32
        %dma_wait3A_398 = tpu.memref_slice %arg11[%dma_wait3A_396, %dma_wait3A_397] : memref<256x128xf32, #tpu.memory_space<vmem>> -> memref<64x128xf32, #tpu.memory_space<vmem>>
        %dma_wait3A_399 = arith.constant 0 : i32
        %dma_wait3A_400 = arith.constant 0 : i32
        %dma_wait3A_401 = tpu.memref_slice %arg3[%dma_wait3A_399, %dma_wait3A_400] : memref<20480x128xf32, #tpu.memory_space<hbm>> -> memref<64x128xf32, #tpu.memory_space<hbm>>
        tpu.wait_dma2 semaphore(%arg17 : memref<!tpu.dma_semaphore, #tpu.memory_space<semaphore_mem>>) src(%dma_wait3A_401 : memref<64x128xf32, #tpu.memory_space<hbm>>) dst(%dma_wait3A_398 : memref<64x128xf32, #tpu.memory_space<vmem>>)
      } else {
      }
      %add3A_293 = arith.constant 2 : i32
      %add3A_294 = arith.addi %add3A_285, %add3A_293 : i32
      %lt3A_295 = arith.constant 160 : i32
      %lt3A_296 = arith.cmpi slt, %add3A_294, %lt3A_295 : i32
      %convert_element_type3A_297 = arith.extui %lt3A_296 : i1 to i32
      %cond3A_298 = arith.constant 0 : i32
      %cond3A_299 = arith.cmpi ne, %convert_element_type3A_297, %cond3A_298 : i32
      scf.if %cond3A_299 {
        %add3A_390 = arith.constant 2 : i32
        %add3A_391 = arith.addi %add3A_285, %add3A_390 : i32
        %mul3A_392 = arith.constant 160 : i32
        %mul3A_393 = arith.muli %arg1, %mul3A_392 : i32
        %add3A_394 = arith.addi %mul3A_393, %add3A_391 : i32
        %dma_start3A_395 = arith.constant 0 : i32
        %dma_start3A_396 = arith.constant 0 : i32
        %dma_start3A_397 = tpu.memref_slice %arg10[%dma_start3A_395, %dma_start3A_396] : memref<4x64xi32, #tpu.memory_space<vmem>> -> memref<1x64xi32, #tpu.memory_space<vmem>>
        %dma_start3A_398 = tpu.memref_squeeze %dma_start3A_397 : memref<1x64xi32, #tpu.memory_space<vmem>> -> memref<64xi32, #tpu.memory_space<vmem>>
        %dma_start3A_399 = arith.constant 0 : i32
        %dma_start3A_400 = tpu.memref_slice %arg5[%add3A_394, %dma_start3A_399] : memref<2560x64xi32, #tpu.memory_space<hbm>> -> memref<1x64xi32, #tpu.memory_space<hbm>>
        %dma_start3A_401 = tpu.memref_squeeze %dma_start3A_400 : memref<1x64xi32, #tpu.memory_space<hbm>> -> memref<64xi32, #tpu.memory_space<hbm>>
        %dma_start3A_402 = arith.constant 0 : i32
        %dma_start3A_403 = tpu.memref_slice %arg10[%dma_start3A_395, %dma_start3A_402] : memref<4x64xi32, #tpu.memory_space<vmem>> -> memref<1x64xi32, #tpu.memory_space<vmem>>
        %dma_start3A_404 = tpu.memref_squeeze %dma_start3A_403 : memref<1x64xi32, #tpu.memory_space<vmem>> -> memref<64xi32, #tpu.memory_space<vmem>>
        %dma_start3A_405 = arith.constant 0 : i32
        %dma_start3A_406 = tpu.memref_slice %arg5[%add3A_394, %dma_start3A_405] : memref<2560x64xi32, #tpu.memory_space<hbm>> -> memref<1x64xi32, #tpu.memory_space<hbm>>
        %dma_start3A_407 = tpu.memref_squeeze %dma_start3A_406 : memref<1x64xi32, #tpu.memory_space<hbm>> -> memref<64xi32, #tpu.memory_space<hbm>>
        tpu.enqueue_dma source(%dma_start3A_407 : memref<64xi32, #tpu.memory_space<hbm>>) target(%dma_start3A_404 : memref<64xi32, #tpu.memory_space<vmem>>) target_semaphore(%arg21 : memref<!tpu.dma_semaphore, #tpu.memory_space<semaphore_mem>>)
        %mul3A_408 = arith.constant 64 : i32
        %mul3A_409 = arith.muli %add3A_391, %mul3A_408 : i32
        %multiple_of3A_410 = tpu.assume_multiple %mul3A_409, 8 : i32
        %dma_start3A_411 = arith.constant 0 : i32
        %dma_start3A_412 = arith.constant 0 : i32
        %dma_start3A_413 = tpu.memref_slice %arg11[%dma_start3A_411, %dma_start3A_412] : memref<256x128xf32, #tpu.memory_space<vmem>> -> memref<64x128xf32, #tpu.memory_space<vmem>>
        %dma_start3A_414 = tpu.memref_slice %arg9[%multiple_of3A_410] : memref<10240xi32, #tpu.memory_space<vmem>> -> memref<64xi32, #tpu.memory_space<vmem>>
        %dma_start3A_415 = arith.constant 0 : i32
        %dma_start3A_416 = arith.constant 0 : i32
        %dma_start3A_417 = tpu.memref_slice %arg3[%dma_start3A_415, %dma_start3A_416] : memref<20480x128xf32, #tpu.memory_space<hbm>> -> memref<20480x128xf32, #tpu.memory_space<hbm>>
        tpu.enqueue_indirect_dma source(%dma_start3A_417 : memref<20480x128xf32, #tpu.memory_space<hbm>>) target(%dma_start3A_413 : memref<64x128xf32, #tpu.memory_space<vmem>>) offsets(%dma_start3A_414 : memref<64xi32, #tpu.memory_space<vmem>>) semaphore(%arg13 : memref<!tpu.dma_semaphore, #tpu.memory_space<semaphore_mem>>)
      } else {
      }
      %dma_wait3A_300 = arith.constant 128 : i32
      %dma_wait3A_301 = arith.constant 0 : i32
      %dma_wait3A_302 = tpu.memref_slice %arg11[%dma_wait3A_300, %dma_wait3A_301] : memref<256x128xf32, #tpu.memory_space<vmem>> -> memref<64x128xf32, #tpu.memory_space<vmem>>
      %dma_wait3A_303 = arith.constant 0 : i32
      %dma_wait3A_304 = arith.constant 0 : i32
      %dma_wait3A_305 = tpu.memref_slice %arg3[%dma_wait3A_303, %dma_wait3A_304] : memref<20480x128xf32, #tpu.memory_space<hbm>> -> memref<64x128xf32, #tpu.memory_space<hbm>>
      %dma_wait3A_306 = arith.constant 128 : i32
      %dma_wait3A_307 = arith.constant 0 : i32
      %dma_wait3A_308 = tpu.memref_slice %arg11[%dma_wait3A_306, %dma_wait3A_307] : memref<256x128xf32, #tpu.memory_space<vmem>> -> memref<64x128xf32, #tpu.memory_space<vmem>>
      %dma_wait3A_309 = arith.constant 0 : i32
      %dma_wait3A_310 = arith.constant 0 : i32
      %dma_wait3A_311 = tpu.memref_slice %arg3[%dma_wait3A_309, %dma_wait3A_310] : memref<20480x128xf32, #tpu.memory_space<hbm>> -> memref<64x128xf32, #tpu.memory_space<hbm>>
      tpu.wait_dma2 semaphore(%arg15 : memref<!tpu.dma_semaphore, #tpu.memory_space<semaphore_mem>>) src(%dma_wait3A_311 : memref<64x128xf32, #tpu.memory_space<hbm>>) dst(%dma_wait3A_308 : memref<64x128xf32, #tpu.memory_space<vmem>>)
      %dma_wait3A_312 = arith.constant 0 : i32
      %dma_wait3A_313 = arith.constant 2 : i32
      %dma_wait3A_314 = arith.constant 0 : i32
      %dma_wait3A_315 = tpu.memref_slice %arg10[%dma_wait3A_313, %dma_wait3A_314] : memref<4x64xi32, #tpu.memory_space<vmem>> -> memref<1x64xi32, #tpu.memory_space<vmem>>
      %dma_wait3A_316 = tpu.memref_squeeze %dma_wait3A_315 : memref<1x64xi32, #tpu.memory_space<vmem>> -> memref<64xi32, #tpu.memory_space<vmem>>
      %dma_wait3A_317 = arith.constant 0 : i32
      %dma_wait3A_318 = tpu.memref_slice %arg5[%dma_wait3A_312, %dma_wait3A_317] : memref<2560x64xi32, #tpu.memory_space<hbm>> -> memref<1x64xi32, #tpu.memory_space<hbm>>
      %dma_wait3A_319 = tpu.memref_squeeze %dma_wait3A_318 : memref<1x64xi32, #tpu.memory_space<hbm>> -> memref<64xi32, #tpu.memory_space<hbm>>
      %dma_wait3A_320 = arith.constant 0 : i32
      %dma_wait3A_321 = tpu.memref_slice %arg10[%dma_wait3A_313, %dma_wait3A_320] : memref<4x64xi32, #tpu.memory_space<vmem>> -> memref<1x64xi32, #tpu.memory_space<vmem>>
      %dma_wait3A_322 = tpu.memref_squeeze %dma_wait3A_321 : memref<1x64xi32, #tpu.memory_space<vmem>> -> memref<64xi32, #tpu.memory_space<vmem>>
      %dma_wait3A_323 = arith.constant 0 : i32
      %dma_wait3A_324 = tpu.memref_slice %arg5[%dma_wait3A_312, %dma_wait3A_323] : memref<2560x64xi32, #tpu.memory_space<hbm>> -> memref<1x64xi32, #tpu.memory_space<hbm>>
      %dma_wait3A_325 = tpu.memref_squeeze %dma_wait3A_324 : memref<1x64xi32, #tpu.memory_space<hbm>> -> memref<64xi32, #tpu.memory_space<hbm>>
      tpu.wait_dma2 semaphore(%arg23 : memref<!tpu.dma_semaphore, #tpu.memory_space<semaphore_mem>>) src(%dma_wait3A_325 : memref<64xi32, #tpu.memory_space<hbm>>) dst(%dma_wait3A_322 : memref<64xi32, #tpu.memory_space<vmem>>)
      %dma_start3A_326 = arith.constant 2 : i32
      %dma_start3A_327 = arith.constant 128 : i32
      %dma_start3A_328 = arith.constant 0 : i32
      %dma_start3A_329 = tpu.memref_slice %arg11[%dma_start3A_327, %dma_start3A_328] : memref<256x128xf32, #tpu.memory_space<vmem>> -> memref<64x128xf32, #tpu.memory_space<vmem>>
      %dma_start3A_330 = arith.constant 0 : i32
      %dma_start3A_331 = tpu.memref_slice %arg10[%dma_start3A_326, %dma_start3A_330] : memref<4x64xi32, #tpu.memory_space<vmem>> -> memref<1x64xi32, #tpu.memory_space<vmem>>
      %dma_start3A_332 = tpu.memref_squeeze %dma_start3A_331 : memref<1x64xi32, #tpu.memory_space<vmem>> -> memref<64xi32, #tpu.memory_space<vmem>>
      %dma_start3A_333 = arith.constant 0 : i32
      %dma_start3A_334 = arith.constant 0 : i32
      %dma_start3A_335 = tpu.memref_slice %arg12[%dma_start3A_333, %dma_start3A_334] : memref<10240x128xf32, #tpu.memory_space<vmem_shared>> -> memref<10240x128xf32, #tpu.memory_space<vmem_shared>>
      tpu.enqueue_indirect_dma source(%dma_start3A_329 : memref<64x128xf32, #tpu.memory_space<vmem>>) target(%dma_start3A_335 : memref<10240x128xf32, #tpu.memory_space<vmem_shared>>) offsets(%dma_start3A_332 : memref<64xi32, #tpu.memory_space<vmem>>) semaphore(%arg19 : memref<!tpu.dma_semaphore, #tpu.memory_space<semaphore_mem>>) {add = true}
      %mul3A_336 = arith.constant 4 : i32
      %mul3A_337 = arith.muli %mul3A_336, %scan3A_178 : i32
      %add3A_338 = arith.constant 3 : i32
      %add3A_339 = arith.addi %mul3A_337, %add3A_338 : i32
      %sub3A_340 = arith.constant 2 : i32
      %sub3A_341 = arith.subi %add3A_339, %sub3A_340 : i32
      %ge3A_342 = arith.constant 0 : i32
      %ge3A_343 = arith.cmpi sge, %sub3A_341, %ge3A_342 : i32
      %convert_element_type3A_344 = arith.extui %ge3A_343 : i1 to i32
      %cond3A_345 = arith.constant 0 : i32
      %cond3A_346 = arith.cmpi ne, %convert_element_type3A_344, %cond3A_345 : i32
      scf.if %cond3A_346 {
        %dma_wait3A_390 = arith.constant 64 : i32
        %dma_wait3A_391 = arith.constant 0 : i32
        %dma_wait3A_392 = tpu.memref_slice %arg11[%dma_wait3A_390, %dma_wait3A_391] : memref<256x128xf32, #tpu.memory_space<vmem>> -> memref<64x128xf32, #tpu.memory_space<vmem>>
        %dma_wait3A_393 = arith.constant 0 : i32
        %dma_wait3A_394 = arith.constant 0 : i32
        %dma_wait3A_395 = tpu.memref_slice %arg3[%dma_wait3A_393, %dma_wait3A_394] : memref<20480x128xf32, #tpu.memory_space<hbm>> -> memref<64x128xf32, #tpu.memory_space<hbm>>
        %dma_wait3A_396 = arith.constant 64 : i32
        %dma_wait3A_397 = arith.constant 0 : i32
        %dma_wait3A_398 = tpu.memref_slice %arg11[%dma_wait3A_396, %dma_wait3A_397] : memref<256x128xf32, #tpu.memory_space<vmem>> -> memref<64x128xf32, #tpu.memory_space<vmem>>
        %dma_wait3A_399 = arith.constant 0 : i32
        %dma_wait3A_400 = arith.constant 0 : i32
        %dma_wait3A_401 = tpu.memref_slice %arg3[%dma_wait3A_399, %dma_wait3A_400] : memref<20480x128xf32, #tpu.memory_space<hbm>> -> memref<64x128xf32, #tpu.memory_space<hbm>>
        tpu.wait_dma2 semaphore(%arg18 : memref<!tpu.dma_semaphore, #tpu.memory_space<semaphore_mem>>) src(%dma_wait3A_401 : memref<64x128xf32, #tpu.memory_space<hbm>>) dst(%dma_wait3A_398 : memref<64x128xf32, #tpu.memory_space<vmem>>)
      } else {
      }
      %add3A_347 = arith.constant 2 : i32
      %add3A_348 = arith.addi %add3A_339, %add3A_347 : i32
      %lt3A_349 = arith.constant 160 : i32
      %lt3A_350 = arith.cmpi slt, %add3A_348, %lt3A_349 : i32
      %convert_element_type3A_351 = arith.extui %lt3A_350 : i1 to i32
      %cond3A_352 = arith.constant 0 : i32
      %cond3A_353 = arith.cmpi ne, %convert_element_type3A_351, %cond3A_352 : i32
      scf.if %cond3A_353 {
        %add3A_390 = arith.constant 2 : i32
        %add3A_391 = arith.addi %add3A_339, %add3A_390 : i32
        %mul3A_392 = arith.constant 160 : i32
        %mul3A_393 = arith.muli %arg1, %mul3A_392 : i32
        %add3A_394 = arith.addi %mul3A_393, %add3A_391 : i32
        %dma_start3A_395 = arith.constant 1 : i32
        %dma_start3A_396 = arith.constant 0 : i32
        %dma_start3A_397 = tpu.memref_slice %arg10[%dma_start3A_395, %dma_start3A_396] : memref<4x64xi32, #tpu.memory_space<vmem>> -> memref<1x64xi32, #tpu.memory_space<vmem>>
        %dma_start3A_398 = tpu.memref_squeeze %dma_start3A_397 : memref<1x64xi32, #tpu.memory_space<vmem>> -> memref<64xi32, #tpu.memory_space<vmem>>
        %dma_start3A_399 = arith.constant 0 : i32
        %dma_start3A_400 = tpu.memref_slice %arg5[%add3A_394, %dma_start3A_399] : memref<2560x64xi32, #tpu.memory_space<hbm>> -> memref<1x64xi32, #tpu.memory_space<hbm>>
        %dma_start3A_401 = tpu.memref_squeeze %dma_start3A_400 : memref<1x64xi32, #tpu.memory_space<hbm>> -> memref<64xi32, #tpu.memory_space<hbm>>
        %dma_start3A_402 = arith.constant 0 : i32
        %dma_start3A_403 = tpu.memref_slice %arg10[%dma_start3A_395, %dma_start3A_402] : memref<4x64xi32, #tpu.memory_space<vmem>> -> memref<1x64xi32, #tpu.memory_space<vmem>>
        %dma_start3A_404 = tpu.memref_squeeze %dma_start3A_403 : memref<1x64xi32, #tpu.memory_space<vmem>> -> memref<64xi32, #tpu.memory_space<vmem>>
        %dma_start3A_405 = arith.constant 0 : i32
        %dma_start3A_406 = tpu.memref_slice %arg5[%add3A_394, %dma_start3A_405] : memref<2560x64xi32, #tpu.memory_space<hbm>> -> memref<1x64xi32, #tpu.memory_space<hbm>>
        %dma_start3A_407 = tpu.memref_squeeze %dma_start3A_406 : memref<1x64xi32, #tpu.memory_space<hbm>> -> memref<64xi32, #tpu.memory_space<hbm>>
        tpu.enqueue_dma source(%dma_start3A_407 : memref<64xi32, #tpu.memory_space<hbm>>) target(%dma_start3A_404 : memref<64xi32, #tpu.memory_space<vmem>>) target_semaphore(%arg22 : memref<!tpu.dma_semaphore, #tpu.memory_space<semaphore_mem>>)
        %mul3A_408 = arith.constant 64 : i32
        %mul3A_409 = arith.muli %add3A_391, %mul3A_408 : i32
        %multiple_of3A_410 = tpu.assume_multiple %mul3A_409, 8 : i32
        %dma_start3A_411 = arith.constant 64 : i32
        %dma_start3A_412 = arith.constant 0 : i32
        %dma_start3A_413 = tpu.memref_slice %arg11[%dma_start3A_411, %dma_start3A_412] : memref<256x128xf32, #tpu.memory_space<vmem>> -> memref<64x128xf32, #tpu.memory_space<vmem>>
        %dma_start3A_414 = tpu.memref_slice %arg9[%multiple_of3A_410] : memref<10240xi32, #tpu.memory_space<vmem>> -> memref<64xi32, #tpu.memory_space<vmem>>
        %dma_start3A_415 = arith.constant 0 : i32
        %dma_start3A_416 = arith.constant 0 : i32
        %dma_start3A_417 = tpu.memref_slice %arg3[%dma_start3A_415, %dma_start3A_416] : memref<20480x128xf32, #tpu.memory_space<hbm>> -> memref<20480x128xf32, #tpu.memory_space<hbm>>
        tpu.enqueue_indirect_dma source(%dma_start3A_417 : memref<20480x128xf32, #tpu.memory_space<hbm>>) target(%dma_start3A_413 : memref<64x128xf32, #tpu.memory_space<vmem>>) offsets(%dma_start3A_414 : memref<64xi32, #tpu.memory_space<vmem>>) semaphore(%arg14 : memref<!tpu.dma_semaphore, #tpu.memory_space<semaphore_mem>>)
      } else {
      }
      %dma_wait3A_354 = arith.constant 192 : i32
      %dma_wait3A_355 = arith.constant 0 : i32
      %dma_wait3A_356 = tpu.memref_slice %arg11[%dma_wait3A_354, %dma_wait3A_355] : memref<256x128xf32, #tpu.memory_space<vmem>> -> memref<64x128xf32, #tpu.memory_space<vmem>>
      %dma_wait3A_357 = arith.constant 0 : i32
      %dma_wait3A_358 = arith.constant 0 : i32
      %dma_wait3A_359 = tpu.memref_slice %arg3[%dma_wait3A_357, %dma_wait3A_358] : memref<20480x128xf32, #tpu.memory_space<hbm>> -> memref<64x128xf32, #tpu.memory_space<hbm>>
      %dma_wait3A_360 = arith.constant 192 : i32
      %dma_wait3A_361 = arith.constant 0 : i32
      %dma_wait3A_362 = tpu.memref_slice %arg11[%dma_wait3A_360, %dma_wait3A_361] : memref<256x128xf32, #tpu.memory_space<vmem>> -> memref<64x128xf32, #tpu.memory_space<vmem>>
      %dma_wait3A_363 = arith.constant 0 : i32
      %dma_wait3A_364 = arith.constant 0 : i32
      %dma_wait3A_365 = tpu.memref_slice %arg3[%dma_wait3A_363, %dma_wait3A_364] : memref<20480x128xf32, #tpu.memory_space<hbm>> -> memref<64x128xf32, #tpu.memory_space<hbm>>
      tpu.wait_dma2 semaphore(%arg16 : memref<!tpu.dma_semaphore, #tpu.memory_space<semaphore_mem>>) src(%dma_wait3A_365 : memref<64x128xf32, #tpu.memory_space<hbm>>) dst(%dma_wait3A_362 : memref<64x128xf32, #tpu.memory_space<vmem>>)
      %dma_wait3A_366 = arith.constant 0 : i32
      %dma_wait3A_367 = arith.constant 3 : i32
      %dma_wait3A_368 = arith.constant 0 : i32
      %dma_wait3A_369 = tpu.memref_slice %arg10[%dma_wait3A_367, %dma_wait3A_368] : memref<4x64xi32, #tpu.memory_space<vmem>> -> memref<1x64xi32, #tpu.memory_space<vmem>>
      %dma_wait3A_370 = tpu.memref_squeeze %dma_wait3A_369 : memref<1x64xi32, #tpu.memory_space<vmem>> -> memref<64xi32, #tpu.memory_space<vmem>>
      %dma_wait3A_371 = arith.constant 0 : i32
      %dma_wait3A_372 = tpu.memref_slice %arg5[%dma_wait3A_366, %dma_wait3A_371] : memref<2560x64xi32, #tpu.memory_space<hbm>> -> memref<1x64xi32, #tpu.memory_space<hbm>>
      %dma_wait3A_373 = tpu.memref_squeeze %dma_wait3A_372 : memref<1x64xi32, #tpu.memory_space<hbm>> -> memref<64xi32, #tpu.memory_space<hbm>>
      %dma_wait3A_374 = arith.constant 0 : i32
      %dma_wait3A_375 = tpu.memref_slice %arg10[%dma_wait3A_367, %dma_wait3A_374] : memref<4x64xi32, #tpu.memory_space<vmem>> -> memref<1x64xi32, #tpu.memory_space<vmem>>
      %dma_wait3A_376 = tpu.memref_squeeze %dma_wait3A_375 : memref<1x64xi32, #tpu.memory_space<vmem>> -> memref<64xi32, #tpu.memory_space<vmem>>
      %dma_wait3A_377 = arith.constant 0 : i32
      %dma_wait3A_378 = tpu.memref_slice %arg5[%dma_wait3A_366, %dma_wait3A_377] : memref<2560x64xi32, #tpu.memory_space<hbm>> -> memref<1x64xi32, #tpu.memory_space<hbm>>
      %dma_wait3A_379 = tpu.memref_squeeze %dma_wait3A_378 : memref<1x64xi32, #tpu.memory_space<hbm>> -> memref<64xi32, #tpu.memory_space<hbm>>
      tpu.wait_dma2 semaphore(%arg24 : memref<!tpu.dma_semaphore, #tpu.memory_space<semaphore_mem>>) src(%dma_wait3A_379 : memref<64xi32, #tpu.memory_space<hbm>>) dst(%dma_wait3A_376 : memref<64xi32, #tpu.memory_space<vmem>>)
      %dma_start3A_380 = arith.constant 3 : i32
      %dma_start3A_381 = arith.constant 192 : i32
      %dma_start3A_382 = arith.constant 0 : i32
      %dma_start3A_383 = tpu.memref_slice %arg11[%dma_start3A_381, %dma_start3A_382] : memref<256x128xf32, #tpu.memory_space<vmem>> -> memref<64x128xf32, #tpu.memory_space<vmem>>
      %dma_start3A_384 = arith.constant 0 : i32
      %dma_start3A_385 = tpu.memref_slice %arg10[%dma_start3A_380, %dma_start3A_384] : memref<4x64xi32, #tpu.memory_space<vmem>> -> memref<1x64xi32, #tpu.memory_space<vmem>>
      %dma_start3A_386 = tpu.memref_squeeze %dma_start3A_385 : memref<1x64xi32, #tpu.memory_space<vmem>> -> memref<64xi32, #tpu.memory_space<vmem>>
      %dma_start3A_387 = arith.constant 0 : i32
      %dma_start3A_388 = arith.constant 0 : i32
      %dma_start3A_389 = tpu.memref_slice %arg12[%dma_start3A_387, %dma_start3A_388] : memref<10240x128xf32, #tpu.memory_space<vmem_shared>> -> memref<10240x128xf32, #tpu.memory_space<vmem_shared>>
      tpu.enqueue_indirect_dma source(%dma_start3A_383 : memref<64x128xf32, #tpu.memory_space<vmem>>) target(%dma_start3A_389 : memref<10240x128xf32, #tpu.memory_space<vmem_shared>>) offsets(%dma_start3A_386 : memref<64xi32, #tpu.memory_space<vmem>>) semaphore(%arg20 : memref<!tpu.dma_semaphore, #tpu.memory_space<semaphore_mem>>) {add = true}
    }
    %scan3A_148 = arith.constant 40 : i32
    %dma_wait3A_149 = arith.constant 128 : i32
    %dma_wait3A_150 = arith.constant 0 : i32
    %dma_wait3A_151 = tpu.memref_slice %arg11[%dma_wait3A_149, %dma_wait3A_150] : memref<256x128xf32, #tpu.memory_space<vmem>> -> memref<64x128xf32, #tpu.memory_space<vmem>>
    %dma_wait3A_152 = arith.constant 0 : i32
    %dma_wait3A_153 = arith.constant 0 : i32
    %dma_wait3A_154 = tpu.memref_slice %arg3[%dma_wait3A_152, %dma_wait3A_153] : memref<20480x128xf32, #tpu.memory_space<hbm>> -> memref<64x128xf32, #tpu.memory_space<hbm>>
    %dma_wait3A_155 = arith.constant 128 : i32
    %dma_wait3A_156 = arith.constant 0 : i32
    %dma_wait3A_157 = tpu.memref_slice %arg11[%dma_wait3A_155, %dma_wait3A_156] : memref<256x128xf32, #tpu.memory_space<vmem>> -> memref<64x128xf32, #tpu.memory_space<vmem>>
    %dma_wait3A_158 = arith.constant 0 : i32
    %dma_wait3A_159 = arith.constant 0 : i32
    %dma_wait3A_160 = tpu.memref_slice %arg3[%dma_wait3A_158, %dma_wait3A_159] : memref<20480x128xf32, #tpu.memory_space<hbm>> -> memref<64x128xf32, #tpu.memory_space<hbm>>
    tpu.wait_dma2 semaphore(%arg19 : memref<!tpu.dma_semaphore, #tpu.memory_space<semaphore_mem>>) src(%dma_wait3A_160 : memref<64x128xf32, #tpu.memory_space<hbm>>) dst(%dma_wait3A_157 : memref<64x128xf32, #tpu.memory_space<vmem>>)
    %dma_wait3A_161 = arith.constant 192 : i32
    %dma_wait3A_162 = arith.constant 0 : i32
    %dma_wait3A_163 = tpu.memref_slice %arg11[%dma_wait3A_161, %dma_wait3A_162] : memref<256x128xf32, #tpu.memory_space<vmem>> -> memref<64x128xf32, #tpu.memory_space<vmem>>
    %dma_wait3A_164 = arith.constant 0 : i32
    %dma_wait3A_165 = arith.constant 0 : i32
    %dma_wait3A_166 = tpu.memref_slice %arg3[%dma_wait3A_164, %dma_wait3A_165] : memref<20480x128xf32, #tpu.memory_space<hbm>> -> memref<64x128xf32, #tpu.memory_space<hbm>>
    %dma_wait3A_167 = arith.constant 192 : i32
    %dma_wait3A_168 = arith.constant 0 : i32
    %dma_wait3A_169 = tpu.memref_slice %arg11[%dma_wait3A_167, %dma_wait3A_168] : memref<256x128xf32, #tpu.memory_space<vmem>> -> memref<64x128xf32, #tpu.memory_space<vmem>>
    %dma_wait3A_170 = arith.constant 0 : i32
    %dma_wait3A_171 = arith.constant 0 : i32
    %dma_wait3A_172 = tpu.memref_slice %arg3[%dma_wait3A_170, %dma_wait3A_171] : memref<20480x128xf32, #tpu.memory_space<hbm>> -> memref<64x128xf32, #tpu.memory_space<hbm>>
    tpu.wait_dma2 semaphore(%arg20 : memref<!tpu.dma_semaphore, #tpu.memory_space<semaphore_mem>>) src(%dma_wait3A_172 : memref<64x128xf32, #tpu.memory_space<hbm>>) dst(%dma_wait3A_169 : memref<64x128xf32, #tpu.memory_space<vmem>>)
    %barrier3A_173 = arith.constant 0 : index
    tpu.barrier barrier_id(%barrier3A_173)
    %mul3A_174 = arith.constant 10240 : i32
    %mul3A_175 = arith.muli %arg0, %mul3A_174 : i32
    %add3A_176 = arith.addi %mul3A_175, %multiple_of3A : i32
    %multiple_of3A_177 = tpu.assume_multiple %add3A_176, 128 : i32
    "tpu.region"() ({
      %run_scoped3A = tpu.sem_alloc : memref<!tpu.dma_semaphore, #tpu.memory_space<semaphore_mem>>
      %dma_start3A_178 = arith.constant 0 : i32
      %dma_start3A_179 = tpu.memref_slice %arg8[%multiple_of3A_177, %dma_start3A_178] : memref<20480x128xf32, #tpu.memory_space<hbm>> -> memref<640x128xf32, #tpu.memory_space<hbm>>
      %dma_start3A_180 = arith.constant 0 : i32
      %dma_start3A_181 = tpu.memref_slice %arg12[%multiple_of3A, %dma_start3A_180] : memref<10240x128xf32, #tpu.memory_space<vmem_shared>> -> memref<640x128xf32, #tpu.memory_space<vmem_shared>>
      tpu.enqueue_dma source(%dma_start3A_181 : memref<640x128xf32, #tpu.memory_space<vmem_shared>>) target(%dma_start3A_179 : memref<640x128xf32, #tpu.memory_space<hbm>>) target_semaphore(%run_scoped3A : memref<!tpu.dma_semaphore, #tpu.memory_space<semaphore_mem>>)
      %dma_wait3A_182 = arith.constant 0 : i32
      %dma_wait3A_183 = tpu.memref_slice %arg8[%multiple_of3A_177, %dma_wait3A_182] : memref<20480x128xf32, #tpu.memory_space<hbm>> -> memref<640x128xf32, #tpu.memory_space<hbm>>
      %dma_wait3A_184 = arith.constant 0 : i32
      %dma_wait3A_185 = tpu.memref_slice %arg12[%multiple_of3A, %dma_wait3A_184] : memref<10240x128xf32, #tpu.memory_space<vmem_shared>> -> memref<640x128xf32, #tpu.memory_space<vmem_shared>>
      tpu.wait_dma2 semaphore(%run_scoped3A : memref<!tpu.dma_semaphore, #tpu.memory_space<semaphore_mem>>) src(%dma_wait3A_185 : memref<640x128xf32, #tpu.memory_space<vmem_shared>>) dst(%dma_wait3A_183 : memref<640x128xf32, #tpu.memory_space<hbm>>)
      tpu.yield
    }) : () -> ()
    return
  }
}

#map = affine_map<(d0, d1) -> (0, 0)>
#map1 = affine_map<(d0, d1) -> (0)>
module attributes {stable_mosaic.version = 14 : i64} {
  func.func @_spmm_body(%arg0: i32, %arg1: i32, %arg2: memref<20480x128xf32, #tpu.memory_space<hbm>>, %arg3: memref<20480x128xf32, #tpu.memory_space<hbm>>, %arg4: memref<327680xi32, #tpu.memory_space<hbm>>, %arg5: memref<2560x64xi32, #tpu.memory_space<hbm>>, %arg6: memref<640x128xf32, #tpu.memory_space<hbm>>, %arg7: memref<20480x128xf32, #tpu.memory_space<hbm>>, %arg8: memref<20480x128xf32, #tpu.memory_space<hbm>>, %arg9: memref<10240xi32, #tpu.memory_space<vmem>>, %arg10: memref<4x64xi32, #tpu.memory_space<vmem>>, %arg11: memref<256x128xf32, #tpu.memory_space<vmem>>, %arg12: memref<10240x128xf32, #tpu.memory_space<vmem_shared>>, %arg13: memref<!tpu.dma_semaphore, #tpu.memory_space<semaphore_mem>>, %arg14: memref<!tpu.dma_semaphore, #tpu.memory_space<semaphore_mem>>, %arg15: memref<!tpu.dma_semaphore, #tpu.memory_space<semaphore_mem>>, %arg16: memref<!tpu.dma_semaphore, #tpu.memory_space<semaphore_mem>>, %arg17: memref<!tpu.dma_semaphore, #tpu.memory_space<semaphore_mem>>, %arg18: memref<!tpu.dma_semaphore, #tpu.memory_space<semaphore_mem>>, %arg19: memref<!tpu.dma_semaphore, #tpu.memory_space<semaphore_mem>>, %arg20: memref<!tpu.dma_semaphore, #tpu.memory_space<semaphore_mem>>, %arg21: memref<!tpu.dma_semaphore, #tpu.memory_space<semaphore_mem>>, %arg22: memref<!tpu.dma_semaphore, #tpu.memory_space<semaphore_mem>>, %arg23: memref<!tpu.dma_semaphore, #tpu.memory_space<semaphore_mem>>, %arg24: memref<!tpu.dma_semaphore, #tpu.memory_space<semaphore_mem>>) attributes {dimension_semantics = [#tpu.dimension_semantics<core_parallel>, #tpu.dimension_semantics<subcore_parallel>], iteration_bounds = array<i64: 2, 16>, scalar_prefetch = 0 : i64, scratch_operands = 16 : i64, tpu.core_type = #tpu.core_type<sc_vector_subcore>, window_params = [{transform_indices = #map}, {transform_indices = #map}, {transform_indices = #map1}, {transform_indices = #map}, {transform_indices = #map}, {transform_indices = #map}, {transform_indices = #map}]} {
    %mul3A = arith.constant 640 : i32
    %mul3A_0 = arith.muli %arg1, %mul3A : i32
    %multiple_of3A = tpu.assume_multiple %mul3A_0, 128 : i32
    %mul3A_1 = arith.constant 163840 : i32
    %mul3A_2 = arith.muli %arg0, %mul3A_1 : i32
    %mul3A_3 = arith.constant 10240 : i32
    %mul3A_4 = arith.muli %arg1, %mul3A_3 : i32
    %add3A = arith.addi %mul3A_2, %mul3A_4 : i32
    %multiple_of3A_5 = tpu.assume_multiple %add3A, 128 : i32
    "tpu.region"() ({
      %run_scoped3A = tpu.sem_alloc : memref<!tpu.dma_semaphore, #tpu.memory_space<semaphore_mem>>
      %dma_start3A_178 = tpu.memref_slice %arg4[%multiple_of3A_5] : memref<327680xi32, #tpu.memory_space<hbm>> -> memref<10240xi32, #tpu.memory_space<hbm>>
      %dma_start3A_179 = tpu.memref_slice %arg4[%multiple_of3A_5] : memref<327680xi32, #tpu.memory_space<hbm>> -> memref<10240xi32, #tpu.memory_space<hbm>>
      tpu.enqueue_dma source(%dma_start3A_179 : memref<10240xi32, #tpu.memory_space<hbm>>) target(%arg9 : memref<10240xi32, #tpu.memory_space<vmem>>) target_semaphore(%run_scoped3A : memref<!tpu.dma_semaphore, #tpu.memory_space<semaphore_mem>>)
      %dma_wait3A_180 = tpu.memref_slice %arg4[%multiple_of3A_5] : memref<327680xi32, #tpu.memory_space<hbm>> -> memref<10240xi32, #tpu.memory_space<hbm>>
      %dma_wait3A_181 = tpu.memref_slice %arg4[%multiple_of3A_5] : memref<327680xi32, #tpu.memory_space<hbm>> -> memref<10240xi32, #tpu.memory_space<hbm>>
      tpu.wait_dma2 semaphore(%run_scoped3A : memref<!tpu.dma_semaphore, #tpu.memory_space<semaphore_mem>>) src(%dma_wait3A_181 : memref<10240xi32, #tpu.memory_space<hbm>>) dst(%arg9 : memref<10240xi32, #tpu.memory_space<vmem>>)
      tpu.yield
    }) : () -> ()
    "tpu.region"() ({
      %run_scoped3A = tpu.sem_alloc : memref<!tpu.dma_semaphore, #tpu.memory_space<semaphore_mem>>
      %dma_start3A_178 = arith.constant 0 : i32
      %dma_start3A_179 = tpu.memref_slice %arg12[%multiple_of3A, %dma_start3A_178] : memref<10240x128xf32, #tpu.memory_space<vmem_shared>> -> memref<640x128xf32, #tpu.memory_space<vmem_shared>>
      tpu.enqueue_dma source(%arg6 : memref<640x128xf32, #tpu.memory_space<hbm>>) target(%dma_start3A_179 : memref<640x128xf32, #tpu.memory_space<vmem_shared>>) target_semaphore(%run_scoped3A : memref<!tpu.dma_semaphore, #tpu.memory_space<semaphore_mem>>)
      %dma_wait3A_180 = arith.constant 0 : i32
      %dma_wait3A_181 = tpu.memref_slice %arg12[%multiple_of3A, %dma_wait3A_180] : memref<10240x128xf32, #tpu.memory_space<vmem_shared>> -> memref<640x128xf32, #tpu.memory_space<vmem_shared>>
      tpu.wait_dma2 semaphore(%run_scoped3A : memref<!tpu.dma_semaphore, #tpu.memory_space<semaphore_mem>>) src(%arg6 : memref<640x128xf32, #tpu.memory_space<hbm>>) dst(%dma_wait3A_181 : memref<640x128xf32, #tpu.memory_space<vmem_shared>>)
      tpu.yield
    }) : () -> ()
    %mul3A_6 = arith.constant 160 : i32
    %mul3A_7 = arith.muli %arg1, %mul3A_6 : i32
    %add3A_8 = arith.constant 0 : i32
    %add3A_9 = arith.addi %mul3A_7, %add3A_8 : i32
    %dma_start3A = arith.constant 0 : i32
    %dma_start3A_10 = arith.constant 0 : i32
    %dma_start3A_11 = tpu.memref_slice %arg10[%dma_start3A, %dma_start3A_10] : memref<4x64xi32, #tpu.memory_space<vmem>> -> memref<1x64xi32, #tpu.memory_space<vmem>>
    %dma_start3A_12 = tpu.memref_squeeze %dma_start3A_11 : memref<1x64xi32, #tpu.memory_space<vmem>> -> memref<64xi32, #tpu.memory_space<vmem>>
    %dma_start3A_13 = arith.constant 0 : i32
    %dma_start3A_14 = tpu.memref_slice %arg5[%add3A_9, %dma_start3A_13] : memref<2560x64xi32, #tpu.memory_space<hbm>> -> memref<1x64xi32, #tpu.memory_space<hbm>>
    %dma_start3A_15 = tpu.memref_squeeze %dma_start3A_14 : memref<1x64xi32, #tpu.memory_space<hbm>> -> memref<64xi32, #tpu.memory_space<hbm>>
    %dma_start3A_16 = arith.constant 0 : i32
    %dma_start3A_17 = tpu.memref_slice %arg10[%dma_start3A, %dma_start3A_16] : memref<4x64xi32, #tpu.memory_space<vmem>> -> memref<1x64xi32, #tpu.memory_space<vmem>>
    %dma_start3A_18 = tpu.memref_squeeze %dma_start3A_17 : memref<1x64xi32, #tpu.memory_space<vmem>> -> memref<64xi32, #tpu.memory_space<vmem>>
    %dma_start3A_19 = arith.constant 0 : i32
    %dma_start3A_20 = tpu.memref_slice %arg5[%add3A_9, %dma_start3A_19] : memref<2560x64xi32, #tpu.memory_space<hbm>> -> memref<1x64xi32, #tpu.memory_space<hbm>>
    %dma_start3A_21 = tpu.memref_squeeze %dma_start3A_20 : memref<1x64xi32, #tpu.memory_space<hbm>> -> memref<64xi32, #tpu.memory_space<hbm>>
    tpu.enqueue_dma source(%dma_start3A_21 : memref<64xi32, #tpu.memory_space<hbm>>) target(%dma_start3A_18 : memref<64xi32, #tpu.memory_space<vmem>>) target_semaphore(%arg21 : memref<!tpu.dma_semaphore, #tpu.memory_space<semaphore_mem>>)
    %multiple_of3A_22 = arith.constant 0 : i32
    %multiple_of3A_23 = tpu.assume_multiple %multiple_of3A_22, 8 : i32
    %dma_start3A_24 = arith.constant 0 : i32
    %dma_start3A_25 = arith.constant 0 : i32
    %dma_start3A_26 = tpu.memref_slice %arg11[%dma_start3A_24, %dma_start3A_25] : memref<256x128xf32, #tpu.memory_space<vmem>> -> memref<64x128xf32, #tpu.memory_space<vmem>>
    %dma_start3A_27 = tpu.memref_slice %arg9[%multiple_of3A_23] : memref<10240xi32, #tpu.memory_space<vmem>> -> memref<64xi32, #tpu.memory_space<vmem>>
    %dma_start3A_28 = arith.constant 0 : i32
    %dma_start3A_29 = arith.constant 0 : i32
    %dma_start3A_30 = tpu.memref_slice %arg2[%dma_start3A_28, %dma_start3A_29] : memref<20480x128xf32, #tpu.memory_space<hbm>> -> memref<20480x128xf32, #tpu.memory_space<hbm>>
    tpu.enqueue_indirect_dma source(%dma_start3A_30 : memref<20480x128xf32, #tpu.memory_space<hbm>>) target(%dma_start3A_26 : memref<64x128xf32, #tpu.memory_space<vmem>>) offsets(%dma_start3A_27 : memref<64xi32, #tpu.memory_space<vmem>>) semaphore(%arg13 : memref<!tpu.dma_semaphore, #tpu.memory_space<semaphore_mem>>)
    %mul3A_31 = arith.constant 160 : i32
    %mul3A_32 = arith.muli %arg1, %mul3A_31 : i32
    %add3A_33 = arith.constant 1 : i32
    %add3A_34 = arith.addi %mul3A_32, %add3A_33 : i32
    %dma_start3A_35 = arith.constant 1 : i32
    %dma_start3A_36 = arith.constant 0 : i32
    %dma_start3A_37 = tpu.memref_slice %arg10[%dma_start3A_35, %dma_start3A_36] : memref<4x64xi32, #tpu.memory_space<vmem>> -> memref<1x64xi32, #tpu.memory_space<vmem>>
    %dma_start3A_38 = tpu.memref_squeeze %dma_start3A_37 : memref<1x64xi32, #tpu.memory_space<vmem>> -> memref<64xi32, #tpu.memory_space<vmem>>
    %dma_start3A_39 = arith.constant 0 : i32
    %dma_start3A_40 = tpu.memref_slice %arg5[%add3A_34, %dma_start3A_39] : memref<2560x64xi32, #tpu.memory_space<hbm>> -> memref<1x64xi32, #tpu.memory_space<hbm>>
    %dma_start3A_41 = tpu.memref_squeeze %dma_start3A_40 : memref<1x64xi32, #tpu.memory_space<hbm>> -> memref<64xi32, #tpu.memory_space<hbm>>
    %dma_start3A_42 = arith.constant 0 : i32
    %dma_start3A_43 = tpu.memref_slice %arg10[%dma_start3A_35, %dma_start3A_42] : memref<4x64xi32, #tpu.memory_space<vmem>> -> memref<1x64xi32, #tpu.memory_space<vmem>>
    %dma_start3A_44 = tpu.memref_squeeze %dma_start3A_43 : memref<1x64xi32, #tpu.memory_space<vmem>> -> memref<64xi32, #tpu.memory_space<vmem>>
    %dma_start3A_45 = arith.constant 0 : i32
    %dma_start3A_46 = tpu.memref_slice %arg5[%add3A_34, %dma_start3A_45] : memref<2560x64xi32, #tpu.memory_space<hbm>> -> memref<1x64xi32, #tpu.memory_space<hbm>>
    %dma_start3A_47 = tpu.memref_squeeze %dma_start3A_46 : memref<1x64xi32, #tpu.memory_space<hbm>> -> memref<64xi32, #tpu.memory_space<hbm>>
    tpu.enqueue_dma source(%dma_start3A_47 : memref<64xi32, #tpu.memory_space<hbm>>) target(%dma_start3A_44 : memref<64xi32, #tpu.memory_space<vmem>>) target_semaphore(%arg22 : memref<!tpu.dma_semaphore, #tpu.memory_space<semaphore_mem>>)
    %multiple_of3A_48 = arith.constant 64 : i32
    %multiple_of3A_49 = tpu.assume_multiple %multiple_of3A_48, 8 : i32
    %dma_start3A_50 = arith.constant 64 : i32
    %dma_start3A_51 = arith.constant 0 : i32
    %dma_start3A_52 = tpu.memref_slice %arg11[%dma_start3A_50, %dma_start3A_51] : memref<256x128xf32, #tpu.memory_space<vmem>> -> memref<64x128xf32, #tpu.memory_space<vmem>>
    %dma_start3A_53 = tpu.memref_slice %arg9[%multiple_of3A_49] : memref<10240xi32, #tpu.memory_space<vmem>> -> memref<64xi32, #tpu.memory_space<vmem>>
    %dma_start3A_54 = arith.constant 0 : i32
    %dma_start3A_55 = arith.constant 0 : i32
    %dma_start3A_56 = tpu.memref_slice %arg2[%dma_start3A_54, %dma_start3A_55] : memref<20480x128xf32, #tpu.memory_space<hbm>> -> memref<20480x128xf32, #tpu.memory_space<hbm>>
    tpu.enqueue_indirect_dma source(%dma_start3A_56 : memref<20480x128xf32, #tpu.memory_space<hbm>>) target(%dma_start3A_52 : memref<64x128xf32, #tpu.memory_space<vmem>>) offsets(%dma_start3A_53 : memref<64xi32, #tpu.memory_space<vmem>>) semaphore(%arg14 : memref<!tpu.dma_semaphore, #tpu.memory_space<semaphore_mem>>)
    %barrier3A = arith.constant 0 : index
    tpu.barrier barrier_id(%barrier3A)
    %scan3A = arith.constant 0 : i32
    %scan3A_57 = arith.constant 0 : i32
    %scan3A_58 = arith.constant 40 : i32
    %scan3A_59 = arith.addi %scan3A_57, %scan3A_58 : i32
    %scan3A_60 = arith.constant 1 : i32
    scf.for %scan3A_178 = %scan3A_57 to %scan3A_59 step %scan3A_60  : i32 {
      %mul3A_179 = arith.constant 4 : i32
      %mul3A_180 = arith.muli %mul3A_179, %scan3A_178 : i32
      %add3A_181 = arith.constant 0 : i32
      %add3A_182 = arith.addi %mul3A_180, %add3A_181 : i32
      %sub3A = arith.constant 2 : i32
      %sub3A_183 = arith.subi %add3A_182, %sub3A : i32
      %ge3A = arith.constant 0 : i32
      %ge3A_184 = arith.cmpi sge, %sub3A_183, %ge3A : i32
      %convert_element_type3A = arith.extui %ge3A_184 : i1 to i32
      %cond3A = arith.constant 0 : i32
      %cond3A_185 = arith.cmpi ne, %convert_element_type3A, %cond3A : i32
      scf.if %cond3A_185 {
        %dma_wait3A_390 = arith.constant 128 : i32
        %dma_wait3A_391 = arith.constant 0 : i32
        %dma_wait3A_392 = tpu.memref_slice %arg11[%dma_wait3A_390, %dma_wait3A_391] : memref<256x128xf32, #tpu.memory_space<vmem>> -> memref<64x128xf32, #tpu.memory_space<vmem>>
        %dma_wait3A_393 = arith.constant 0 : i32
        %dma_wait3A_394 = arith.constant 0 : i32
        %dma_wait3A_395 = tpu.memref_slice %arg2[%dma_wait3A_393, %dma_wait3A_394] : memref<20480x128xf32, #tpu.memory_space<hbm>> -> memref<64x128xf32, #tpu.memory_space<hbm>>
        %dma_wait3A_396 = arith.constant 128 : i32
        %dma_wait3A_397 = arith.constant 0 : i32
        %dma_wait3A_398 = tpu.memref_slice %arg11[%dma_wait3A_396, %dma_wait3A_397] : memref<256x128xf32, #tpu.memory_space<vmem>> -> memref<64x128xf32, #tpu.memory_space<vmem>>
        %dma_wait3A_399 = arith.constant 0 : i32
        %dma_wait3A_400 = arith.constant 0 : i32
        %dma_wait3A_401 = tpu.memref_slice %arg2[%dma_wait3A_399, %dma_wait3A_400] : memref<20480x128xf32, #tpu.memory_space<hbm>> -> memref<64x128xf32, #tpu.memory_space<hbm>>
        tpu.wait_dma2 semaphore(%arg19 : memref<!tpu.dma_semaphore, #tpu.memory_space<semaphore_mem>>) src(%dma_wait3A_401 : memref<64x128xf32, #tpu.memory_space<hbm>>) dst(%dma_wait3A_398 : memref<64x128xf32, #tpu.memory_space<vmem>>)
      } else {
      }
      %add3A_186 = arith.constant 2 : i32
      %add3A_187 = arith.addi %add3A_182, %add3A_186 : i32
      %lt3A = arith.constant 160 : i32
      %lt3A_188 = arith.cmpi slt, %add3A_187, %lt3A : i32
      %convert_element_type3A_189 = arith.extui %lt3A_188 : i1 to i32
      %cond3A_190 = arith.constant 0 : i32
      %cond3A_191 = arith.cmpi ne, %convert_element_type3A_189, %cond3A_190 : i32
      scf.if %cond3A_191 {
        %add3A_390 = arith.constant 2 : i32
        %add3A_391 = arith.addi %add3A_182, %add3A_390 : i32
        %mul3A_392 = arith.constant 160 : i32
        %mul3A_393 = arith.muli %arg1, %mul3A_392 : i32
        %add3A_394 = arith.addi %mul3A_393, %add3A_391 : i32
        %dma_start3A_395 = arith.constant 2 : i32
        %dma_start3A_396 = arith.constant 0 : i32
        %dma_start3A_397 = tpu.memref_slice %arg10[%dma_start3A_395, %dma_start3A_396] : memref<4x64xi32, #tpu.memory_space<vmem>> -> memref<1x64xi32, #tpu.memory_space<vmem>>
        %dma_start3A_398 = tpu.memref_squeeze %dma_start3A_397 : memref<1x64xi32, #tpu.memory_space<vmem>> -> memref<64xi32, #tpu.memory_space<vmem>>
        %dma_start3A_399 = arith.constant 0 : i32
        %dma_start3A_400 = tpu.memref_slice %arg5[%add3A_394, %dma_start3A_399] : memref<2560x64xi32, #tpu.memory_space<hbm>> -> memref<1x64xi32, #tpu.memory_space<hbm>>
        %dma_start3A_401 = tpu.memref_squeeze %dma_start3A_400 : memref<1x64xi32, #tpu.memory_space<hbm>> -> memref<64xi32, #tpu.memory_space<hbm>>
        %dma_start3A_402 = arith.constant 0 : i32
        %dma_start3A_403 = tpu.memref_slice %arg10[%dma_start3A_395, %dma_start3A_402] : memref<4x64xi32, #tpu.memory_space<vmem>> -> memref<1x64xi32, #tpu.memory_space<vmem>>
        %dma_start3A_404 = tpu.memref_squeeze %dma_start3A_403 : memref<1x64xi32, #tpu.memory_space<vmem>> -> memref<64xi32, #tpu.memory_space<vmem>>
        %dma_start3A_405 = arith.constant 0 : i32
        %dma_start3A_406 = tpu.memref_slice %arg5[%add3A_394, %dma_start3A_405] : memref<2560x64xi32, #tpu.memory_space<hbm>> -> memref<1x64xi32, #tpu.memory_space<hbm>>
        %dma_start3A_407 = tpu.memref_squeeze %dma_start3A_406 : memref<1x64xi32, #tpu.memory_space<hbm>> -> memref<64xi32, #tpu.memory_space<hbm>>
        tpu.enqueue_dma source(%dma_start3A_407 : memref<64xi32, #tpu.memory_space<hbm>>) target(%dma_start3A_404 : memref<64xi32, #tpu.memory_space<vmem>>) target_semaphore(%arg23 : memref<!tpu.dma_semaphore, #tpu.memory_space<semaphore_mem>>)
        %mul3A_408 = arith.constant 64 : i32
        %mul3A_409 = arith.muli %add3A_391, %mul3A_408 : i32
        %multiple_of3A_410 = tpu.assume_multiple %mul3A_409, 8 : i32
        %dma_start3A_411 = arith.constant 128 : i32
        %dma_start3A_412 = arith.constant 0 : i32
        %dma_start3A_413 = tpu.memref_slice %arg11[%dma_start3A_411, %dma_start3A_412] : memref<256x128xf32, #tpu.memory_space<vmem>> -> memref<64x128xf32, #tpu.memory_space<vmem>>
        %dma_start3A_414 = tpu.memref_slice %arg9[%multiple_of3A_410] : memref<10240xi32, #tpu.memory_space<vmem>> -> memref<64xi32, #tpu.memory_space<vmem>>
        %dma_start3A_415 = arith.constant 0 : i32
        %dma_start3A_416 = arith.constant 0 : i32
        %dma_start3A_417 = tpu.memref_slice %arg2[%dma_start3A_415, %dma_start3A_416] : memref<20480x128xf32, #tpu.memory_space<hbm>> -> memref<20480x128xf32, #tpu.memory_space<hbm>>
        tpu.enqueue_indirect_dma source(%dma_start3A_417 : memref<20480x128xf32, #tpu.memory_space<hbm>>) target(%dma_start3A_413 : memref<64x128xf32, #tpu.memory_space<vmem>>) offsets(%dma_start3A_414 : memref<64xi32, #tpu.memory_space<vmem>>) semaphore(%arg15 : memref<!tpu.dma_semaphore, #tpu.memory_space<semaphore_mem>>)
      } else {
      }
      %dma_wait3A_192 = arith.constant 0 : i32
      %dma_wait3A_193 = arith.constant 0 : i32
      %dma_wait3A_194 = tpu.memref_slice %arg11[%dma_wait3A_192, %dma_wait3A_193] : memref<256x128xf32, #tpu.memory_space<vmem>> -> memref<64x128xf32, #tpu.memory_space<vmem>>
      %dma_wait3A_195 = arith.constant 0 : i32
      %dma_wait3A_196 = arith.constant 0 : i32
      %dma_wait3A_197 = tpu.memref_slice %arg2[%dma_wait3A_195, %dma_wait3A_196] : memref<20480x128xf32, #tpu.memory_space<hbm>> -> memref<64x128xf32, #tpu.memory_space<hbm>>
      %dma_wait3A_198 = arith.constant 0 : i32
      %dma_wait3A_199 = arith.constant 0 : i32
      %dma_wait3A_200 = tpu.memref_slice %arg11[%dma_wait3A_198, %dma_wait3A_199] : memref<256x128xf32, #tpu.memory_space<vmem>> -> memref<64x128xf32, #tpu.memory_space<vmem>>
      %dma_wait3A_201 = arith.constant 0 : i32
      %dma_wait3A_202 = arith.constant 0 : i32
      %dma_wait3A_203 = tpu.memref_slice %arg2[%dma_wait3A_201, %dma_wait3A_202] : memref<20480x128xf32, #tpu.memory_space<hbm>> -> memref<64x128xf32, #tpu.memory_space<hbm>>
      tpu.wait_dma2 semaphore(%arg13 : memref<!tpu.dma_semaphore, #tpu.memory_space<semaphore_mem>>) src(%dma_wait3A_203 : memref<64x128xf32, #tpu.memory_space<hbm>>) dst(%dma_wait3A_200 : memref<64x128xf32, #tpu.memory_space<vmem>>)
      %dma_wait3A_204 = arith.constant 0 : i32
      %dma_wait3A_205 = arith.constant 0 : i32
      %dma_wait3A_206 = arith.constant 0 : i32
      %dma_wait3A_207 = tpu.memref_slice %arg10[%dma_wait3A_205, %dma_wait3A_206] : memref<4x64xi32, #tpu.memory_space<vmem>> -> memref<1x64xi32, #tpu.memory_space<vmem>>
      %dma_wait3A_208 = tpu.memref_squeeze %dma_wait3A_207 : memref<1x64xi32, #tpu.memory_space<vmem>> -> memref<64xi32, #tpu.memory_space<vmem>>
      %dma_wait3A_209 = arith.constant 0 : i32
      %dma_wait3A_210 = tpu.memref_slice %arg5[%dma_wait3A_204, %dma_wait3A_209] : memref<2560x64xi32, #tpu.memory_space<hbm>> -> memref<1x64xi32, #tpu.memory_space<hbm>>
      %dma_wait3A_211 = tpu.memref_squeeze %dma_wait3A_210 : memref<1x64xi32, #tpu.memory_space<hbm>> -> memref<64xi32, #tpu.memory_space<hbm>>
      %dma_wait3A_212 = arith.constant 0 : i32
      %dma_wait3A_213 = tpu.memref_slice %arg10[%dma_wait3A_205, %dma_wait3A_212] : memref<4x64xi32, #tpu.memory_space<vmem>> -> memref<1x64xi32, #tpu.memory_space<vmem>>
      %dma_wait3A_214 = tpu.memref_squeeze %dma_wait3A_213 : memref<1x64xi32, #tpu.memory_space<vmem>> -> memref<64xi32, #tpu.memory_space<vmem>>
      %dma_wait3A_215 = arith.constant 0 : i32
      %dma_wait3A_216 = tpu.memref_slice %arg5[%dma_wait3A_204, %dma_wait3A_215] : memref<2560x64xi32, #tpu.memory_space<hbm>> -> memref<1x64xi32, #tpu.memory_space<hbm>>
      %dma_wait3A_217 = tpu.memref_squeeze %dma_wait3A_216 : memref<1x64xi32, #tpu.memory_space<hbm>> -> memref<64xi32, #tpu.memory_space<hbm>>
      tpu.wait_dma2 semaphore(%arg21 : memref<!tpu.dma_semaphore, #tpu.memory_space<semaphore_mem>>) src(%dma_wait3A_217 : memref<64xi32, #tpu.memory_space<hbm>>) dst(%dma_wait3A_214 : memref<64xi32, #tpu.memory_space<vmem>>)
      %dma_start3A_218 = arith.constant 0 : i32
      %dma_start3A_219 = arith.constant 0 : i32
      %dma_start3A_220 = arith.constant 0 : i32
      %dma_start3A_221 = tpu.memref_slice %arg11[%dma_start3A_219, %dma_start3A_220] : memref<256x128xf32, #tpu.memory_space<vmem>> -> memref<64x128xf32, #tpu.memory_space<vmem>>
      %dma_start3A_222 = arith.constant 0 : i32
      %dma_start3A_223 = tpu.memref_slice %arg10[%dma_start3A_218, %dma_start3A_222] : memref<4x64xi32, #tpu.memory_space<vmem>> -> memref<1x64xi32, #tpu.memory_space<vmem>>
      %dma_start3A_224 = tpu.memref_squeeze %dma_start3A_223 : memref<1x64xi32, #tpu.memory_space<vmem>> -> memref<64xi32, #tpu.memory_space<vmem>>
      %dma_start3A_225 = arith.constant 0 : i32
      %dma_start3A_226 = arith.constant 0 : i32
      %dma_start3A_227 = tpu.memref_slice %arg12[%dma_start3A_225, %dma_start3A_226] : memref<10240x128xf32, #tpu.memory_space<vmem_shared>> -> memref<10240x128xf32, #tpu.memory_space<vmem_shared>>
      tpu.enqueue_indirect_dma source(%dma_start3A_221 : memref<64x128xf32, #tpu.memory_space<vmem>>) target(%dma_start3A_227 : memref<10240x128xf32, #tpu.memory_space<vmem_shared>>) offsets(%dma_start3A_224 : memref<64xi32, #tpu.memory_space<vmem>>) semaphore(%arg17 : memref<!tpu.dma_semaphore, #tpu.memory_space<semaphore_mem>>) {add = true}
      %mul3A_228 = arith.constant 4 : i32
      %mul3A_229 = arith.muli %mul3A_228, %scan3A_178 : i32
      %add3A_230 = arith.constant 1 : i32
      %add3A_231 = arith.addi %mul3A_229, %add3A_230 : i32
      %sub3A_232 = arith.constant 2 : i32
      %sub3A_233 = arith.subi %add3A_231, %sub3A_232 : i32
      %ge3A_234 = arith.constant 0 : i32
      %ge3A_235 = arith.cmpi sge, %sub3A_233, %ge3A_234 : i32
      %convert_element_type3A_236 = arith.extui %ge3A_235 : i1 to i32
      %cond3A_237 = arith.constant 0 : i32
      %cond3A_238 = arith.cmpi ne, %convert_element_type3A_236, %cond3A_237 : i32
      scf.if %cond3A_238 {
        %dma_wait3A_390 = arith.constant 192 : i32
        %dma_wait3A_391 = arith.constant 0 : i32
        %dma_wait3A_392 = tpu.memref_slice %arg11[%dma_wait3A_390, %dma_wait3A_391] : memref<256x128xf32, #tpu.memory_space<vmem>> -> memref<64x128xf32, #tpu.memory_space<vmem>>
        %dma_wait3A_393 = arith.constant 0 : i32
        %dma_wait3A_394 = arith.constant 0 : i32
        %dma_wait3A_395 = tpu.memref_slice %arg2[%dma_wait3A_393, %dma_wait3A_394] : memref<20480x128xf32, #tpu.memory_space<hbm>> -> memref<64x128xf32, #tpu.memory_space<hbm>>
        %dma_wait3A_396 = arith.constant 192 : i32
        %dma_wait3A_397 = arith.constant 0 : i32
        %dma_wait3A_398 = tpu.memref_slice %arg11[%dma_wait3A_396, %dma_wait3A_397] : memref<256x128xf32, #tpu.memory_space<vmem>> -> memref<64x128xf32, #tpu.memory_space<vmem>>
        %dma_wait3A_399 = arith.constant 0 : i32
        %dma_wait3A_400 = arith.constant 0 : i32
        %dma_wait3A_401 = tpu.memref_slice %arg2[%dma_wait3A_399, %dma_wait3A_400] : memref<20480x128xf32, #tpu.memory_space<hbm>> -> memref<64x128xf32, #tpu.memory_space<hbm>>
        tpu.wait_dma2 semaphore(%arg20 : memref<!tpu.dma_semaphore, #tpu.memory_space<semaphore_mem>>) src(%dma_wait3A_401 : memref<64x128xf32, #tpu.memory_space<hbm>>) dst(%dma_wait3A_398 : memref<64x128xf32, #tpu.memory_space<vmem>>)
      } else {
      }
      %add3A_239 = arith.constant 2 : i32
      %add3A_240 = arith.addi %add3A_231, %add3A_239 : i32
      %lt3A_241 = arith.constant 160 : i32
      %lt3A_242 = arith.cmpi slt, %add3A_240, %lt3A_241 : i32
      %convert_element_type3A_243 = arith.extui %lt3A_242 : i1 to i32
      %cond3A_244 = arith.constant 0 : i32
      %cond3A_245 = arith.cmpi ne, %convert_element_type3A_243, %cond3A_244 : i32
      scf.if %cond3A_245 {
        %add3A_390 = arith.constant 2 : i32
        %add3A_391 = arith.addi %add3A_231, %add3A_390 : i32
        %mul3A_392 = arith.constant 160 : i32
        %mul3A_393 = arith.muli %arg1, %mul3A_392 : i32
        %add3A_394 = arith.addi %mul3A_393, %add3A_391 : i32
        %dma_start3A_395 = arith.constant 3 : i32
        %dma_start3A_396 = arith.constant 0 : i32
        %dma_start3A_397 = tpu.memref_slice %arg10[%dma_start3A_395, %dma_start3A_396] : memref<4x64xi32, #tpu.memory_space<vmem>> -> memref<1x64xi32, #tpu.memory_space<vmem>>
        %dma_start3A_398 = tpu.memref_squeeze %dma_start3A_397 : memref<1x64xi32, #tpu.memory_space<vmem>> -> memref<64xi32, #tpu.memory_space<vmem>>
        %dma_start3A_399 = arith.constant 0 : i32
        %dma_start3A_400 = tpu.memref_slice %arg5[%add3A_394, %dma_start3A_399] : memref<2560x64xi32, #tpu.memory_space<hbm>> -> memref<1x64xi32, #tpu.memory_space<hbm>>
        %dma_start3A_401 = tpu.memref_squeeze %dma_start3A_400 : memref<1x64xi32, #tpu.memory_space<hbm>> -> memref<64xi32, #tpu.memory_space<hbm>>
        %dma_start3A_402 = arith.constant 0 : i32
        %dma_start3A_403 = tpu.memref_slice %arg10[%dma_start3A_395, %dma_start3A_402] : memref<4x64xi32, #tpu.memory_space<vmem>> -> memref<1x64xi32, #tpu.memory_space<vmem>>
        %dma_start3A_404 = tpu.memref_squeeze %dma_start3A_403 : memref<1x64xi32, #tpu.memory_space<vmem>> -> memref<64xi32, #tpu.memory_space<vmem>>
        %dma_start3A_405 = arith.constant 0 : i32
        %dma_start3A_406 = tpu.memref_slice %arg5[%add3A_394, %dma_start3A_405] : memref<2560x64xi32, #tpu.memory_space<hbm>> -> memref<1x64xi32, #tpu.memory_space<hbm>>
        %dma_start3A_407 = tpu.memref_squeeze %dma_start3A_406 : memref<1x64xi32, #tpu.memory_space<hbm>> -> memref<64xi32, #tpu.memory_space<hbm>>
        tpu.enqueue_dma source(%dma_start3A_407 : memref<64xi32, #tpu.memory_space<hbm>>) target(%dma_start3A_404 : memref<64xi32, #tpu.memory_space<vmem>>) target_semaphore(%arg24 : memref<!tpu.dma_semaphore, #tpu.memory_space<semaphore_mem>>)
        %mul3A_408 = arith.constant 64 : i32
        %mul3A_409 = arith.muli %add3A_391, %mul3A_408 : i32
        %multiple_of3A_410 = tpu.assume_multiple %mul3A_409, 8 : i32
        %dma_start3A_411 = arith.constant 192 : i32
        %dma_start3A_412 = arith.constant 0 : i32
        %dma_start3A_413 = tpu.memref_slice %arg11[%dma_start3A_411, %dma_start3A_412] : memref<256x128xf32, #tpu.memory_space<vmem>> -> memref<64x128xf32, #tpu.memory_space<vmem>>
        %dma_start3A_414 = tpu.memref_slice %arg9[%multiple_of3A_410] : memref<10240xi32, #tpu.memory_space<vmem>> -> memref<64xi32, #tpu.memory_space<vmem>>
        %dma_start3A_415 = arith.constant 0 : i32
        %dma_start3A_416 = arith.constant 0 : i32
        %dma_start3A_417 = tpu.memref_slice %arg2[%dma_start3A_415, %dma_start3A_416] : memref<20480x128xf32, #tpu.memory_space<hbm>> -> memref<20480x128xf32, #tpu.memory_space<hbm>>
        tpu.enqueue_indirect_dma source(%dma_start3A_417 : memref<20480x128xf32, #tpu.memory_space<hbm>>) target(%dma_start3A_413 : memref<64x128xf32, #tpu.memory_space<vmem>>) offsets(%dma_start3A_414 : memref<64xi32, #tpu.memory_space<vmem>>) semaphore(%arg16 : memref<!tpu.dma_semaphore, #tpu.memory_space<semaphore_mem>>)
      } else {
      }
      %dma_wait3A_246 = arith.constant 64 : i32
      %dma_wait3A_247 = arith.constant 0 : i32
      %dma_wait3A_248 = tpu.memref_slice %arg11[%dma_wait3A_246, %dma_wait3A_247] : memref<256x128xf32, #tpu.memory_space<vmem>> -> memref<64x128xf32, #tpu.memory_space<vmem>>
      %dma_wait3A_249 = arith.constant 0 : i32
      %dma_wait3A_250 = arith.constant 0 : i32
      %dma_wait3A_251 = tpu.memref_slice %arg2[%dma_wait3A_249, %dma_wait3A_250] : memref<20480x128xf32, #tpu.memory_space<hbm>> -> memref<64x128xf32, #tpu.memory_space<hbm>>
      %dma_wait3A_252 = arith.constant 64 : i32
      %dma_wait3A_253 = arith.constant 0 : i32
      %dma_wait3A_254 = tpu.memref_slice %arg11[%dma_wait3A_252, %dma_wait3A_253] : memref<256x128xf32, #tpu.memory_space<vmem>> -> memref<64x128xf32, #tpu.memory_space<vmem>>
      %dma_wait3A_255 = arith.constant 0 : i32
      %dma_wait3A_256 = arith.constant 0 : i32
      %dma_wait3A_257 = tpu.memref_slice %arg2[%dma_wait3A_255, %dma_wait3A_256] : memref<20480x128xf32, #tpu.memory_space<hbm>> -> memref<64x128xf32, #tpu.memory_space<hbm>>
      tpu.wait_dma2 semaphore(%arg14 : memref<!tpu.dma_semaphore, #tpu.memory_space<semaphore_mem>>) src(%dma_wait3A_257 : memref<64x128xf32, #tpu.memory_space<hbm>>) dst(%dma_wait3A_254 : memref<64x128xf32, #tpu.memory_space<vmem>>)
      %dma_wait3A_258 = arith.constant 0 : i32
      %dma_wait3A_259 = arith.constant 1 : i32
      %dma_wait3A_260 = arith.constant 0 : i32
      %dma_wait3A_261 = tpu.memref_slice %arg10[%dma_wait3A_259, %dma_wait3A_260] : memref<4x64xi32, #tpu.memory_space<vmem>> -> memref<1x64xi32, #tpu.memory_space<vmem>>
      %dma_wait3A_262 = tpu.memref_squeeze %dma_wait3A_261 : memref<1x64xi32, #tpu.memory_space<vmem>> -> memref<64xi32, #tpu.memory_space<vmem>>
      %dma_wait3A_263 = arith.constant 0 : i32
      %dma_wait3A_264 = tpu.memref_slice %arg5[%dma_wait3A_258, %dma_wait3A_263] : memref<2560x64xi32, #tpu.memory_space<hbm>> -> memref<1x64xi32, #tpu.memory_space<hbm>>
      %dma_wait3A_265 = tpu.memref_squeeze %dma_wait3A_264 : memref<1x64xi32, #tpu.memory_space<hbm>> -> memref<64xi32, #tpu.memory_space<hbm>>
      %dma_wait3A_266 = arith.constant 0 : i32
      %dma_wait3A_267 = tpu.memref_slice %arg10[%dma_wait3A_259, %dma_wait3A_266] : memref<4x64xi32, #tpu.memory_space<vmem>> -> memref<1x64xi32, #tpu.memory_space<vmem>>
      %dma_wait3A_268 = tpu.memref_squeeze %dma_wait3A_267 : memref<1x64xi32, #tpu.memory_space<vmem>> -> memref<64xi32, #tpu.memory_space<vmem>>
      %dma_wait3A_269 = arith.constant 0 : i32
      %dma_wait3A_270 = tpu.memref_slice %arg5[%dma_wait3A_258, %dma_wait3A_269] : memref<2560x64xi32, #tpu.memory_space<hbm>> -> memref<1x64xi32, #tpu.memory_space<hbm>>
      %dma_wait3A_271 = tpu.memref_squeeze %dma_wait3A_270 : memref<1x64xi32, #tpu.memory_space<hbm>> -> memref<64xi32, #tpu.memory_space<hbm>>
      tpu.wait_dma2 semaphore(%arg22 : memref<!tpu.dma_semaphore, #tpu.memory_space<semaphore_mem>>) src(%dma_wait3A_271 : memref<64xi32, #tpu.memory_space<hbm>>) dst(%dma_wait3A_268 : memref<64xi32, #tpu.memory_space<vmem>>)
      %dma_start3A_272 = arith.constant 1 : i32
      %dma_start3A_273 = arith.constant 64 : i32
      %dma_start3A_274 = arith.constant 0 : i32
      %dma_start3A_275 = tpu.memref_slice %arg11[%dma_start3A_273, %dma_start3A_274] : memref<256x128xf32, #tpu.memory_space<vmem>> -> memref<64x128xf32, #tpu.memory_space<vmem>>
      %dma_start3A_276 = arith.constant 0 : i32
      %dma_start3A_277 = tpu.memref_slice %arg10[%dma_start3A_272, %dma_start3A_276] : memref<4x64xi32, #tpu.memory_space<vmem>> -> memref<1x64xi32, #tpu.memory_space<vmem>>
      %dma_start3A_278 = tpu.memref_squeeze %dma_start3A_277 : memref<1x64xi32, #tpu.memory_space<vmem>> -> memref<64xi32, #tpu.memory_space<vmem>>
      %dma_start3A_279 = arith.constant 0 : i32
      %dma_start3A_280 = arith.constant 0 : i32
      %dma_start3A_281 = tpu.memref_slice %arg12[%dma_start3A_279, %dma_start3A_280] : memref<10240x128xf32, #tpu.memory_space<vmem_shared>> -> memref<10240x128xf32, #tpu.memory_space<vmem_shared>>
      tpu.enqueue_indirect_dma source(%dma_start3A_275 : memref<64x128xf32, #tpu.memory_space<vmem>>) target(%dma_start3A_281 : memref<10240x128xf32, #tpu.memory_space<vmem_shared>>) offsets(%dma_start3A_278 : memref<64xi32, #tpu.memory_space<vmem>>) semaphore(%arg18 : memref<!tpu.dma_semaphore, #tpu.memory_space<semaphore_mem>>) {add = true}
      %mul3A_282 = arith.constant 4 : i32
      %mul3A_283 = arith.muli %mul3A_282, %scan3A_178 : i32
      %add3A_284 = arith.constant 2 : i32
      %add3A_285 = arith.addi %mul3A_283, %add3A_284 : i32
      %sub3A_286 = arith.constant 2 : i32
      %sub3A_287 = arith.subi %add3A_285, %sub3A_286 : i32
      %ge3A_288 = arith.constant 0 : i32
      %ge3A_289 = arith.cmpi sge, %sub3A_287, %ge3A_288 : i32
      %convert_element_type3A_290 = arith.extui %ge3A_289 : i1 to i32
      %cond3A_291 = arith.constant 0 : i32
      %cond3A_292 = arith.cmpi ne, %convert_element_type3A_290, %cond3A_291 : i32
      scf.if %cond3A_292 {
        %dma_wait3A_390 = arith.constant 0 : i32
        %dma_wait3A_391 = arith.constant 0 : i32
        %dma_wait3A_392 = tpu.memref_slice %arg11[%dma_wait3A_390, %dma_wait3A_391] : memref<256x128xf32, #tpu.memory_space<vmem>> -> memref<64x128xf32, #tpu.memory_space<vmem>>
        %dma_wait3A_393 = arith.constant 0 : i32
        %dma_wait3A_394 = arith.constant 0 : i32
        %dma_wait3A_395 = tpu.memref_slice %arg2[%dma_wait3A_393, %dma_wait3A_394] : memref<20480x128xf32, #tpu.memory_space<hbm>> -> memref<64x128xf32, #tpu.memory_space<hbm>>
        %dma_wait3A_396 = arith.constant 0 : i32
        %dma_wait3A_397 = arith.constant 0 : i32
        %dma_wait3A_398 = tpu.memref_slice %arg11[%dma_wait3A_396, %dma_wait3A_397] : memref<256x128xf32, #tpu.memory_space<vmem>> -> memref<64x128xf32, #tpu.memory_space<vmem>>
        %dma_wait3A_399 = arith.constant 0 : i32
        %dma_wait3A_400 = arith.constant 0 : i32
        %dma_wait3A_401 = tpu.memref_slice %arg2[%dma_wait3A_399, %dma_wait3A_400] : memref<20480x128xf32, #tpu.memory_space<hbm>> -> memref<64x128xf32, #tpu.memory_space<hbm>>
        tpu.wait_dma2 semaphore(%arg17 : memref<!tpu.dma_semaphore, #tpu.memory_space<semaphore_mem>>) src(%dma_wait3A_401 : memref<64x128xf32, #tpu.memory_space<hbm>>) dst(%dma_wait3A_398 : memref<64x128xf32, #tpu.memory_space<vmem>>)
      } else {
      }
      %add3A_293 = arith.constant 2 : i32
      %add3A_294 = arith.addi %add3A_285, %add3A_293 : i32
      %lt3A_295 = arith.constant 160 : i32
      %lt3A_296 = arith.cmpi slt, %add3A_294, %lt3A_295 : i32
      %convert_element_type3A_297 = arith.extui %lt3A_296 : i1 to i32
      %cond3A_298 = arith.constant 0 : i32
      %cond3A_299 = arith.cmpi ne, %convert_element_type3A_297, %cond3A_298 : i32
      scf.if %cond3A_299 {
        %add3A_390 = arith.constant 2 : i32
        %add3A_391 = arith.addi %add3A_285, %add3A_390 : i32
        %mul3A_392 = arith.constant 160 : i32
        %mul3A_393 = arith.muli %arg1, %mul3A_392 : i32
        %add3A_394 = arith.addi %mul3A_393, %add3A_391 : i32
        %dma_start3A_395 = arith.constant 0 : i32
        %dma_start3A_396 = arith.constant 0 : i32
        %dma_start3A_397 = tpu.memref_slice %arg10[%dma_start3A_395, %dma_start3A_396] : memref<4x64xi32, #tpu.memory_space<vmem>> -> memref<1x64xi32, #tpu.memory_space<vmem>>
        %dma_start3A_398 = tpu.memref_squeeze %dma_start3A_397 : memref<1x64xi32, #tpu.memory_space<vmem>> -> memref<64xi32, #tpu.memory_space<vmem>>
        %dma_start3A_399 = arith.constant 0 : i32
        %dma_start3A_400 = tpu.memref_slice %arg5[%add3A_394, %dma_start3A_399] : memref<2560x64xi32, #tpu.memory_space<hbm>> -> memref<1x64xi32, #tpu.memory_space<hbm>>
        %dma_start3A_401 = tpu.memref_squeeze %dma_start3A_400 : memref<1x64xi32, #tpu.memory_space<hbm>> -> memref<64xi32, #tpu.memory_space<hbm>>
        %dma_start3A_402 = arith.constant 0 : i32
        %dma_start3A_403 = tpu.memref_slice %arg10[%dma_start3A_395, %dma_start3A_402] : memref<4x64xi32, #tpu.memory_space<vmem>> -> memref<1x64xi32, #tpu.memory_space<vmem>>
        %dma_start3A_404 = tpu.memref_squeeze %dma_start3A_403 : memref<1x64xi32, #tpu.memory_space<vmem>> -> memref<64xi32, #tpu.memory_space<vmem>>
        %dma_start3A_405 = arith.constant 0 : i32
        %dma_start3A_406 = tpu.memref_slice %arg5[%add3A_394, %dma_start3A_405] : memref<2560x64xi32, #tpu.memory_space<hbm>> -> memref<1x64xi32, #tpu.memory_space<hbm>>
        %dma_start3A_407 = tpu.memref_squeeze %dma_start3A_406 : memref<1x64xi32, #tpu.memory_space<hbm>> -> memref<64xi32, #tpu.memory_space<hbm>>
        tpu.enqueue_dma source(%dma_start3A_407 : memref<64xi32, #tpu.memory_space<hbm>>) target(%dma_start3A_404 : memref<64xi32, #tpu.memory_space<vmem>>) target_semaphore(%arg21 : memref<!tpu.dma_semaphore, #tpu.memory_space<semaphore_mem>>)
        %mul3A_408 = arith.constant 64 : i32
        %mul3A_409 = arith.muli %add3A_391, %mul3A_408 : i32
        %multiple_of3A_410 = tpu.assume_multiple %mul3A_409, 8 : i32
        %dma_start3A_411 = arith.constant 0 : i32
        %dma_start3A_412 = arith.constant 0 : i32
        %dma_start3A_413 = tpu.memref_slice %arg11[%dma_start3A_411, %dma_start3A_412] : memref<256x128xf32, #tpu.memory_space<vmem>> -> memref<64x128xf32, #tpu.memory_space<vmem>>
        %dma_start3A_414 = tpu.memref_slice %arg9[%multiple_of3A_410] : memref<10240xi32, #tpu.memory_space<vmem>> -> memref<64xi32, #tpu.memory_space<vmem>>
        %dma_start3A_415 = arith.constant 0 : i32
        %dma_start3A_416 = arith.constant 0 : i32
        %dma_start3A_417 = tpu.memref_slice %arg2[%dma_start3A_415, %dma_start3A_416] : memref<20480x128xf32, #tpu.memory_space<hbm>> -> memref<20480x128xf32, #tpu.memory_space<hbm>>
        tpu.enqueue_indirect_dma source(%dma_start3A_417 : memref<20480x128xf32, #tpu.memory_space<hbm>>) target(%dma_start3A_413 : memref<64x128xf32, #tpu.memory_space<vmem>>) offsets(%dma_start3A_414 : memref<64xi32, #tpu.memory_space<vmem>>) semaphore(%arg13 : memref<!tpu.dma_semaphore, #tpu.memory_space<semaphore_mem>>)
      } else {
      }
      %dma_wait3A_300 = arith.constant 128 : i32
      %dma_wait3A_301 = arith.constant 0 : i32
      %dma_wait3A_302 = tpu.memref_slice %arg11[%dma_wait3A_300, %dma_wait3A_301] : memref<256x128xf32, #tpu.memory_space<vmem>> -> memref<64x128xf32, #tpu.memory_space<vmem>>
      %dma_wait3A_303 = arith.constant 0 : i32
      %dma_wait3A_304 = arith.constant 0 : i32
      %dma_wait3A_305 = tpu.memref_slice %arg2[%dma_wait3A_303, %dma_wait3A_304] : memref<20480x128xf32, #tpu.memory_space<hbm>> -> memref<64x128xf32, #tpu.memory_space<hbm>>
      %dma_wait3A_306 = arith.constant 128 : i32
      %dma_wait3A_307 = arith.constant 0 : i32
      %dma_wait3A_308 = tpu.memref_slice %arg11[%dma_wait3A_306, %dma_wait3A_307] : memref<256x128xf32, #tpu.memory_space<vmem>> -> memref<64x128xf32, #tpu.memory_space<vmem>>
      %dma_wait3A_309 = arith.constant 0 : i32
      %dma_wait3A_310 = arith.constant 0 : i32
      %dma_wait3A_311 = tpu.memref_slice %arg2[%dma_wait3A_309, %dma_wait3A_310] : memref<20480x128xf32, #tpu.memory_space<hbm>> -> memref<64x128xf32, #tpu.memory_space<hbm>>
      tpu.wait_dma2 semaphore(%arg15 : memref<!tpu.dma_semaphore, #tpu.memory_space<semaphore_mem>>) src(%dma_wait3A_311 : memref<64x128xf32, #tpu.memory_space<hbm>>) dst(%dma_wait3A_308 : memref<64x128xf32, #tpu.memory_space<vmem>>)
      %dma_wait3A_312 = arith.constant 0 : i32
      %dma_wait3A_313 = arith.constant 2 : i32
      %dma_wait3A_314 = arith.constant 0 : i32
      %dma_wait3A_315 = tpu.memref_slice %arg10[%dma_wait3A_313, %dma_wait3A_314] : memref<4x64xi32, #tpu.memory_space<vmem>> -> memref<1x64xi32, #tpu.memory_space<vmem>>
      %dma_wait3A_316 = tpu.memref_squeeze %dma_wait3A_315 : memref<1x64xi32, #tpu.memory_space<vmem>> -> memref<64xi32, #tpu.memory_space<vmem>>
      %dma_wait3A_317 = arith.constant 0 : i32
      %dma_wait3A_318 = tpu.memref_slice %arg5[%dma_wait3A_312, %dma_wait3A_317] : memref<2560x64xi32, #tpu.memory_space<hbm>> -> memref<1x64xi32, #tpu.memory_space<hbm>>
      %dma_wait3A_319 = tpu.memref_squeeze %dma_wait3A_318 : memref<1x64xi32, #tpu.memory_space<hbm>> -> memref<64xi32, #tpu.memory_space<hbm>>
      %dma_wait3A_320 = arith.constant 0 : i32
      %dma_wait3A_321 = tpu.memref_slice %arg10[%dma_wait3A_313, %dma_wait3A_320] : memref<4x64xi32, #tpu.memory_space<vmem>> -> memref<1x64xi32, #tpu.memory_space<vmem>>
      %dma_wait3A_322 = tpu.memref_squeeze %dma_wait3A_321 : memref<1x64xi32, #tpu.memory_space<vmem>> -> memref<64xi32, #tpu.memory_space<vmem>>
      %dma_wait3A_323 = arith.constant 0 : i32
      %dma_wait3A_324 = tpu.memref_slice %arg5[%dma_wait3A_312, %dma_wait3A_323] : memref<2560x64xi32, #tpu.memory_space<hbm>> -> memref<1x64xi32, #tpu.memory_space<hbm>>
      %dma_wait3A_325 = tpu.memref_squeeze %dma_wait3A_324 : memref<1x64xi32, #tpu.memory_space<hbm>> -> memref<64xi32, #tpu.memory_space<hbm>>
      tpu.wait_dma2 semaphore(%arg23 : memref<!tpu.dma_semaphore, #tpu.memory_space<semaphore_mem>>) src(%dma_wait3A_325 : memref<64xi32, #tpu.memory_space<hbm>>) dst(%dma_wait3A_322 : memref<64xi32, #tpu.memory_space<vmem>>)
      %dma_start3A_326 = arith.constant 2 : i32
      %dma_start3A_327 = arith.constant 128 : i32
      %dma_start3A_328 = arith.constant 0 : i32
      %dma_start3A_329 = tpu.memref_slice %arg11[%dma_start3A_327, %dma_start3A_328] : memref<256x128xf32, #tpu.memory_space<vmem>> -> memref<64x128xf32, #tpu.memory_space<vmem>>
      %dma_start3A_330 = arith.constant 0 : i32
      %dma_start3A_331 = tpu.memref_slice %arg10[%dma_start3A_326, %dma_start3A_330] : memref<4x64xi32, #tpu.memory_space<vmem>> -> memref<1x64xi32, #tpu.memory_space<vmem>>
      %dma_start3A_332 = tpu.memref_squeeze %dma_start3A_331 : memref<1x64xi32, #tpu.memory_space<vmem>> -> memref<64xi32, #tpu.memory_space<vmem>>
      %dma_start3A_333 = arith.constant 0 : i32
      %dma_start3A_334 = arith.constant 0 : i32
      %dma_start3A_335 = tpu.memref_slice %arg12[%dma_start3A_333, %dma_start3A_334] : memref<10240x128xf32, #tpu.memory_space<vmem_shared>> -> memref<10240x128xf32, #tpu.memory_space<vmem_shared>>
      tpu.enqueue_indirect_dma source(%dma_start3A_329 : memref<64x128xf32, #tpu.memory_space<vmem>>) target(%dma_start3A_335 : memref<10240x128xf32, #tpu.memory_space<vmem_shared>>) offsets(%dma_start3A_332 : memref<64xi32, #tpu.memory_space<vmem>>) semaphore(%arg19 : memref<!tpu.dma_semaphore, #tpu.memory_space<semaphore_mem>>) {add = true}
      %mul3A_336 = arith.constant 4 : i32
      %mul3A_337 = arith.muli %mul3A_336, %scan3A_178 : i32
      %add3A_338 = arith.constant 3 : i32
      %add3A_339 = arith.addi %mul3A_337, %add3A_338 : i32
      %sub3A_340 = arith.constant 2 : i32
      %sub3A_341 = arith.subi %add3A_339, %sub3A_340 : i32
      %ge3A_342 = arith.constant 0 : i32
      %ge3A_343 = arith.cmpi sge, %sub3A_341, %ge3A_342 : i32
      %convert_element_type3A_344 = arith.extui %ge3A_343 : i1 to i32
      %cond3A_345 = arith.constant 0 : i32
      %cond3A_346 = arith.cmpi ne, %convert_element_type3A_344, %cond3A_345 : i32
      scf.if %cond3A_346 {
        %dma_wait3A_390 = arith.constant 64 : i32
        %dma_wait3A_391 = arith.constant 0 : i32
        %dma_wait3A_392 = tpu.memref_slice %arg11[%dma_wait3A_390, %dma_wait3A_391] : memref<256x128xf32, #tpu.memory_space<vmem>> -> memref<64x128xf32, #tpu.memory_space<vmem>>
        %dma_wait3A_393 = arith.constant 0 : i32
        %dma_wait3A_394 = arith.constant 0 : i32
        %dma_wait3A_395 = tpu.memref_slice %arg2[%dma_wait3A_393, %dma_wait3A_394] : memref<20480x128xf32, #tpu.memory_space<hbm>> -> memref<64x128xf32, #tpu.memory_space<hbm>>
        %dma_wait3A_396 = arith.constant 64 : i32
        %dma_wait3A_397 = arith.constant 0 : i32
        %dma_wait3A_398 = tpu.memref_slice %arg11[%dma_wait3A_396, %dma_wait3A_397] : memref<256x128xf32, #tpu.memory_space<vmem>> -> memref<64x128xf32, #tpu.memory_space<vmem>>
        %dma_wait3A_399 = arith.constant 0 : i32
        %dma_wait3A_400 = arith.constant 0 : i32
        %dma_wait3A_401 = tpu.memref_slice %arg2[%dma_wait3A_399, %dma_wait3A_400] : memref<20480x128xf32, #tpu.memory_space<hbm>> -> memref<64x128xf32, #tpu.memory_space<hbm>>
        tpu.wait_dma2 semaphore(%arg18 : memref<!tpu.dma_semaphore, #tpu.memory_space<semaphore_mem>>) src(%dma_wait3A_401 : memref<64x128xf32, #tpu.memory_space<hbm>>) dst(%dma_wait3A_398 : memref<64x128xf32, #tpu.memory_space<vmem>>)
      } else {
      }
      %add3A_347 = arith.constant 2 : i32
      %add3A_348 = arith.addi %add3A_339, %add3A_347 : i32
      %lt3A_349 = arith.constant 160 : i32
      %lt3A_350 = arith.cmpi slt, %add3A_348, %lt3A_349 : i32
      %convert_element_type3A_351 = arith.extui %lt3A_350 : i1 to i32
      %cond3A_352 = arith.constant 0 : i32
      %cond3A_353 = arith.cmpi ne, %convert_element_type3A_351, %cond3A_352 : i32
      scf.if %cond3A_353 {
        %add3A_390 = arith.constant 2 : i32
        %add3A_391 = arith.addi %add3A_339, %add3A_390 : i32
        %mul3A_392 = arith.constant 160 : i32
        %mul3A_393 = arith.muli %arg1, %mul3A_392 : i32
        %add3A_394 = arith.addi %mul3A_393, %add3A_391 : i32
        %dma_start3A_395 = arith.constant 1 : i32
        %dma_start3A_396 = arith.constant 0 : i32
        %dma_start3A_397 = tpu.memref_slice %arg10[%dma_start3A_395, %dma_start3A_396] : memref<4x64xi32, #tpu.memory_space<vmem>> -> memref<1x64xi32, #tpu.memory_space<vmem>>
        %dma_start3A_398 = tpu.memref_squeeze %dma_start3A_397 : memref<1x64xi32, #tpu.memory_space<vmem>> -> memref<64xi32, #tpu.memory_space<vmem>>
        %dma_start3A_399 = arith.constant 0 : i32
        %dma_start3A_400 = tpu.memref_slice %arg5[%add3A_394, %dma_start3A_399] : memref<2560x64xi32, #tpu.memory_space<hbm>> -> memref<1x64xi32, #tpu.memory_space<hbm>>
        %dma_start3A_401 = tpu.memref_squeeze %dma_start3A_400 : memref<1x64xi32, #tpu.memory_space<hbm>> -> memref<64xi32, #tpu.memory_space<hbm>>
        %dma_start3A_402 = arith.constant 0 : i32
        %dma_start3A_403 = tpu.memref_slice %arg10[%dma_start3A_395, %dma_start3A_402] : memref<4x64xi32, #tpu.memory_space<vmem>> -> memref<1x64xi32, #tpu.memory_space<vmem>>
        %dma_start3A_404 = tpu.memref_squeeze %dma_start3A_403 : memref<1x64xi32, #tpu.memory_space<vmem>> -> memref<64xi32, #tpu.memory_space<vmem>>
        %dma_start3A_405 = arith.constant 0 : i32
        %dma_start3A_406 = tpu.memref_slice %arg5[%add3A_394, %dma_start3A_405] : memref<2560x64xi32, #tpu.memory_space<hbm>> -> memref<1x64xi32, #tpu.memory_space<hbm>>
        %dma_start3A_407 = tpu.memref_squeeze %dma_start3A_406 : memref<1x64xi32, #tpu.memory_space<hbm>> -> memref<64xi32, #tpu.memory_space<hbm>>
        tpu.enqueue_dma source(%dma_start3A_407 : memref<64xi32, #tpu.memory_space<hbm>>) target(%dma_start3A_404 : memref<64xi32, #tpu.memory_space<vmem>>) target_semaphore(%arg22 : memref<!tpu.dma_semaphore, #tpu.memory_space<semaphore_mem>>)
        %mul3A_408 = arith.constant 64 : i32
        %mul3A_409 = arith.muli %add3A_391, %mul3A_408 : i32
        %multiple_of3A_410 = tpu.assume_multiple %mul3A_409, 8 : i32
        %dma_start3A_411 = arith.constant 64 : i32
        %dma_start3A_412 = arith.constant 0 : i32
        %dma_start3A_413 = tpu.memref_slice %arg11[%dma_start3A_411, %dma_start3A_412] : memref<256x128xf32, #tpu.memory_space<vmem>> -> memref<64x128xf32, #tpu.memory_space<vmem>>
        %dma_start3A_414 = tpu.memref_slice %arg9[%multiple_of3A_410] : memref<10240xi32, #tpu.memory_space<vmem>> -> memref<64xi32, #tpu.memory_space<vmem>>
        %dma_start3A_415 = arith.constant 0 : i32
        %dma_start3A_416 = arith.constant 0 : i32
        %dma_start3A_417 = tpu.memref_slice %arg2[%dma_start3A_415, %dma_start3A_416] : memref<20480x128xf32, #tpu.memory_space<hbm>> -> memref<20480x128xf32, #tpu.memory_space<hbm>>
        tpu.enqueue_indirect_dma source(%dma_start3A_417 : memref<20480x128xf32, #tpu.memory_space<hbm>>) target(%dma_start3A_413 : memref<64x128xf32, #tpu.memory_space<vmem>>) offsets(%dma_start3A_414 : memref<64xi32, #tpu.memory_space<vmem>>) semaphore(%arg14 : memref<!tpu.dma_semaphore, #tpu.memory_space<semaphore_mem>>)
      } else {
      }
      %dma_wait3A_354 = arith.constant 192 : i32
      %dma_wait3A_355 = arith.constant 0 : i32
      %dma_wait3A_356 = tpu.memref_slice %arg11[%dma_wait3A_354, %dma_wait3A_355] : memref<256x128xf32, #tpu.memory_space<vmem>> -> memref<64x128xf32, #tpu.memory_space<vmem>>
      %dma_wait3A_357 = arith.constant 0 : i32
      %dma_wait3A_358 = arith.constant 0 : i32
      %dma_wait3A_359 = tpu.memref_slice %arg2[%dma_wait3A_357, %dma_wait3A_358] : memref<20480x128xf32, #tpu.memory_space<hbm>> -> memref<64x128xf32, #tpu.memory_space<hbm>>
      %dma_wait3A_360 = arith.constant 192 : i32
      %dma_wait3A_361 = arith.constant 0 : i32
      %dma_wait3A_362 = tpu.memref_slice %arg11[%dma_wait3A_360, %dma_wait3A_361] : memref<256x128xf32, #tpu.memory_space<vmem>> -> memref<64x128xf32, #tpu.memory_space<vmem>>
      %dma_wait3A_363 = arith.constant 0 : i32
      %dma_wait3A_364 = arith.constant 0 : i32
      %dma_wait3A_365 = tpu.memref_slice %arg2[%dma_wait3A_363, %dma_wait3A_364] : memref<20480x128xf32, #tpu.memory_space<hbm>> -> memref<64x128xf32, #tpu.memory_space<hbm>>
      tpu.wait_dma2 semaphore(%arg16 : memref<!tpu.dma_semaphore, #tpu.memory_space<semaphore_mem>>) src(%dma_wait3A_365 : memref<64x128xf32, #tpu.memory_space<hbm>>) dst(%dma_wait3A_362 : memref<64x128xf32, #tpu.memory_space<vmem>>)
      %dma_wait3A_366 = arith.constant 0 : i32
      %dma_wait3A_367 = arith.constant 3 : i32
      %dma_wait3A_368 = arith.constant 0 : i32
      %dma_wait3A_369 = tpu.memref_slice %arg10[%dma_wait3A_367, %dma_wait3A_368] : memref<4x64xi32, #tpu.memory_space<vmem>> -> memref<1x64xi32, #tpu.memory_space<vmem>>
      %dma_wait3A_370 = tpu.memref_squeeze %dma_wait3A_369 : memref<1x64xi32, #tpu.memory_space<vmem>> -> memref<64xi32, #tpu.memory_space<vmem>>
      %dma_wait3A_371 = arith.constant 0 : i32
      %dma_wait3A_372 = tpu.memref_slice %arg5[%dma_wait3A_366, %dma_wait3A_371] : memref<2560x64xi32, #tpu.memory_space<hbm>> -> memref<1x64xi32, #tpu.memory_space<hbm>>
      %dma_wait3A_373 = tpu.memref_squeeze %dma_wait3A_372 : memref<1x64xi32, #tpu.memory_space<hbm>> -> memref<64xi32, #tpu.memory_space<hbm>>
      %dma_wait3A_374 = arith.constant 0 : i32
      %dma_wait3A_375 = tpu.memref_slice %arg10[%dma_wait3A_367, %dma_wait3A_374] : memref<4x64xi32, #tpu.memory_space<vmem>> -> memref<1x64xi32, #tpu.memory_space<vmem>>
      %dma_wait3A_376 = tpu.memref_squeeze %dma_wait3A_375 : memref<1x64xi32, #tpu.memory_space<vmem>> -> memref<64xi32, #tpu.memory_space<vmem>>
      %dma_wait3A_377 = arith.constant 0 : i32
      %dma_wait3A_378 = tpu.memref_slice %arg5[%dma_wait3A_366, %dma_wait3A_377] : memref<2560x64xi32, #tpu.memory_space<hbm>> -> memref<1x64xi32, #tpu.memory_space<hbm>>
      %dma_wait3A_379 = tpu.memref_squeeze %dma_wait3A_378 : memref<1x64xi32, #tpu.memory_space<hbm>> -> memref<64xi32, #tpu.memory_space<hbm>>
      tpu.wait_dma2 semaphore(%arg24 : memref<!tpu.dma_semaphore, #tpu.memory_space<semaphore_mem>>) src(%dma_wait3A_379 : memref<64xi32, #tpu.memory_space<hbm>>) dst(%dma_wait3A_376 : memref<64xi32, #tpu.memory_space<vmem>>)
      %dma_start3A_380 = arith.constant 3 : i32
      %dma_start3A_381 = arith.constant 192 : i32
      %dma_start3A_382 = arith.constant 0 : i32
      %dma_start3A_383 = tpu.memref_slice %arg11[%dma_start3A_381, %dma_start3A_382] : memref<256x128xf32, #tpu.memory_space<vmem>> -> memref<64x128xf32, #tpu.memory_space<vmem>>
      %dma_start3A_384 = arith.constant 0 : i32
      %dma_start3A_385 = tpu.memref_slice %arg10[%dma_start3A_380, %dma_start3A_384] : memref<4x64xi32, #tpu.memory_space<vmem>> -> memref<1x64xi32, #tpu.memory_space<vmem>>
      %dma_start3A_386 = tpu.memref_squeeze %dma_start3A_385 : memref<1x64xi32, #tpu.memory_space<vmem>> -> memref<64xi32, #tpu.memory_space<vmem>>
      %dma_start3A_387 = arith.constant 0 : i32
      %dma_start3A_388 = arith.constant 0 : i32
      %dma_start3A_389 = tpu.memref_slice %arg12[%dma_start3A_387, %dma_start3A_388] : memref<10240x128xf32, #tpu.memory_space<vmem_shared>> -> memref<10240x128xf32, #tpu.memory_space<vmem_shared>>
      tpu.enqueue_indirect_dma source(%dma_start3A_383 : memref<64x128xf32, #tpu.memory_space<vmem>>) target(%dma_start3A_389 : memref<10240x128xf32, #tpu.memory_space<vmem_shared>>) offsets(%dma_start3A_386 : memref<64xi32, #tpu.memory_space<vmem>>) semaphore(%arg20 : memref<!tpu.dma_semaphore, #tpu.memory_space<semaphore_mem>>) {add = true}
    }
    %scan3A_61 = arith.constant 40 : i32
    %dma_wait3A = arith.constant 128 : i32
    %dma_wait3A_62 = arith.constant 0 : i32
    %dma_wait3A_63 = tpu.memref_slice %arg11[%dma_wait3A, %dma_wait3A_62] : memref<256x128xf32, #tpu.memory_space<vmem>> -> memref<64x128xf32, #tpu.memory_space<vmem>>
    %dma_wait3A_64 = arith.constant 0 : i32
    %dma_wait3A_65 = arith.constant 0 : i32
    %dma_wait3A_66 = tpu.memref_slice %arg2[%dma_wait3A_64, %dma_wait3A_65] : memref<20480x128xf32, #tpu.memory_space<hbm>> -> memref<64x128xf32, #tpu.memory_space<hbm>>
    %dma_wait3A_67 = arith.constant 128 : i32
    %dma_wait3A_68 = arith.constant 0 : i32
    %dma_wait3A_69 = tpu.memref_slice %arg11[%dma_wait3A_67, %dma_wait3A_68] : memref<256x128xf32, #tpu.memory_space<vmem>> -> memref<64x128xf32, #tpu.memory_space<vmem>>
    %dma_wait3A_70 = arith.constant 0 : i32
    %dma_wait3A_71 = arith.constant 0 : i32
    %dma_wait3A_72 = tpu.memref_slice %arg2[%dma_wait3A_70, %dma_wait3A_71] : memref<20480x128xf32, #tpu.memory_space<hbm>> -> memref<64x128xf32, #tpu.memory_space<hbm>>
    tpu.wait_dma2 semaphore(%arg19 : memref<!tpu.dma_semaphore, #tpu.memory_space<semaphore_mem>>) src(%dma_wait3A_72 : memref<64x128xf32, #tpu.memory_space<hbm>>) dst(%dma_wait3A_69 : memref<64x128xf32, #tpu.memory_space<vmem>>)
    %dma_wait3A_73 = arith.constant 192 : i32
    %dma_wait3A_74 = arith.constant 0 : i32
    %dma_wait3A_75 = tpu.memref_slice %arg11[%dma_wait3A_73, %dma_wait3A_74] : memref<256x128xf32, #tpu.memory_space<vmem>> -> memref<64x128xf32, #tpu.memory_space<vmem>>
    %dma_wait3A_76 = arith.constant 0 : i32
    %dma_wait3A_77 = arith.constant 0 : i32
    %dma_wait3A_78 = tpu.memref_slice %arg2[%dma_wait3A_76, %dma_wait3A_77] : memref<20480x128xf32, #tpu.memory_space<hbm>> -> memref<64x128xf32, #tpu.memory_space<hbm>>
    %dma_wait3A_79 = arith.constant 192 : i32
    %dma_wait3A_80 = arith.constant 0 : i32
    %dma_wait3A_81 = tpu.memref_slice %arg11[%dma_wait3A_79, %dma_wait3A_80] : memref<256x128xf32, #tpu.memory_space<vmem>> -> memref<64x128xf32, #tpu.memory_space<vmem>>
    %dma_wait3A_82 = arith.constant 0 : i32
    %dma_wait3A_83 = arith.constant 0 : i32
    %dma_wait3A_84 = tpu.memref_slice %arg2[%dma_wait3A_82, %dma_wait3A_83] : memref<20480x128xf32, #tpu.memory_space<hbm>> -> memref<64x128xf32, #tpu.memory_space<hbm>>
    tpu.wait_dma2 semaphore(%arg20 : memref<!tpu.dma_semaphore, #tpu.memory_space<semaphore_mem>>) src(%dma_wait3A_84 : memref<64x128xf32, #tpu.memory_space<hbm>>) dst(%dma_wait3A_81 : memref<64x128xf32, #tpu.memory_space<vmem>>)
    %barrier3A_85 = arith.constant 0 : index
    tpu.barrier barrier_id(%barrier3A_85)
    %mul3A_86 = arith.constant 10240 : i32
    %mul3A_87 = arith.muli %arg0, %mul3A_86 : i32
    %add3A_88 = arith.addi %mul3A_87, %multiple_of3A : i32
    %multiple_of3A_89 = tpu.assume_multiple %add3A_88, 128 : i32
    "tpu.region"() ({
      %run_scoped3A = tpu.sem_alloc : memref<!tpu.dma_semaphore, #tpu.memory_space<semaphore_mem>>
      %dma_start3A_178 = arith.constant 0 : i32
      %dma_start3A_179 = tpu.memref_slice %arg7[%multiple_of3A_89, %dma_start3A_178] : memref<20480x128xf32, #tpu.memory_space<hbm>> -> memref<640x128xf32, #tpu.memory_space<hbm>>
      %dma_start3A_180 = arith.constant 0 : i32
      %dma_start3A_181 = tpu.memref_slice %arg12[%multiple_of3A, %dma_start3A_180] : memref<10240x128xf32, #tpu.memory_space<vmem_shared>> -> memref<640x128xf32, #tpu.memory_space<vmem_shared>>
      tpu.enqueue_dma source(%dma_start3A_181 : memref<640x128xf32, #tpu.memory_space<vmem_shared>>) target(%dma_start3A_179 : memref<640x128xf32, #tpu.memory_space<hbm>>) target_semaphore(%run_scoped3A : memref<!tpu.dma_semaphore, #tpu.memory_space<semaphore_mem>>)
      %dma_wait3A_182 = arith.constant 0 : i32
      %dma_wait3A_183 = tpu.memref_slice %arg7[%multiple_of3A_89, %dma_wait3A_182] : memref<20480x128xf32, #tpu.memory_space<hbm>> -> memref<640x128xf32, #tpu.memory_space<hbm>>
      %dma_wait3A_184 = arith.constant 0 : i32
      %dma_wait3A_185 = tpu.memref_slice %arg12[%multiple_of3A, %dma_wait3A_184] : memref<10240x128xf32, #tpu.memory_space<vmem_shared>> -> memref<640x128xf32, #tpu.memory_space<vmem_shared>>
      tpu.wait_dma2 semaphore(%run_scoped3A : memref<!tpu.dma_semaphore, #tpu.memory_space<semaphore_mem>>) src(%dma_wait3A_185 : memref<640x128xf32, #tpu.memory_space<vmem_shared>>) dst(%dma_wait3A_183 : memref<640x128xf32, #tpu.memory_space<hbm>>)
      tpu.yield
    }) : () -> ()
    "tpu.region"() ({
      %run_scoped3A = tpu.sem_alloc : memref<!tpu.dma_semaphore, #tpu.memory_space<semaphore_mem>>
      %dma_start3A_178 = arith.constant 0 : i32
      %dma_start3A_179 = tpu.memref_slice %arg12[%multiple_of3A, %dma_start3A_178] : memref<10240x128xf32, #tpu.memory_space<vmem_shared>> -> memref<640x128xf32, #tpu.memory_space<vmem_shared>>
      tpu.enqueue_dma source(%arg6 : memref<640x128xf32, #tpu.memory_space<hbm>>) target(%dma_start3A_179 : memref<640x128xf32, #tpu.memory_space<vmem_shared>>) target_semaphore(%run_scoped3A : memref<!tpu.dma_semaphore, #tpu.memory_space<semaphore_mem>>)
      %dma_wait3A_180 = arith.constant 0 : i32
      %dma_wait3A_181 = tpu.memref_slice %arg12[%multiple_of3A, %dma_wait3A_180] : memref<10240x128xf32, #tpu.memory_space<vmem_shared>> -> memref<640x128xf32, #tpu.memory_space<vmem_shared>>
      tpu.wait_dma2 semaphore(%run_scoped3A : memref<!tpu.dma_semaphore, #tpu.memory_space<semaphore_mem>>) src(%arg6 : memref<640x128xf32, #tpu.memory_space<hbm>>) dst(%dma_wait3A_181 : memref<640x128xf32, #tpu.memory_space<vmem_shared>>)
      tpu.yield
    }) : () -> ()
    %mul3A_90 = arith.constant 160 : i32
    %mul3A_91 = arith.muli %arg1, %mul3A_90 : i32
    %add3A_92 = arith.constant 0 : i32
    %add3A_93 = arith.addi %mul3A_91, %add3A_92 : i32
    %dma_start3A_94 = arith.constant 0 : i32
    %dma_start3A_95 = arith.constant 0 : i32
    %dma_start3A_96 = tpu.memref_slice %arg10[%dma_start3A_94, %dma_start3A_95] : memref<4x64xi32, #tpu.memory_space<vmem>> -> memref<1x64xi32, #tpu.memory_space<vmem>>
    %dma_start3A_97 = tpu.memref_squeeze %dma_start3A_96 : memref<1x64xi32, #tpu.memory_space<vmem>> -> memref<64xi32, #tpu.memory_space<vmem>>
    %dma_start3A_98 = arith.constant 0 : i32
    %dma_start3A_99 = tpu.memref_slice %arg5[%add3A_93, %dma_start3A_98] : memref<2560x64xi32, #tpu.memory_space<hbm>> -> memref<1x64xi32, #tpu.memory_space<hbm>>
    %dma_start3A_100 = tpu.memref_squeeze %dma_start3A_99 : memref<1x64xi32, #tpu.memory_space<hbm>> -> memref<64xi32, #tpu.memory_space<hbm>>
    %dma_start3A_101 = arith.constant 0 : i32
    %dma_start3A_102 = tpu.memref_slice %arg10[%dma_start3A_94, %dma_start3A_101] : memref<4x64xi32, #tpu.memory_space<vmem>> -> memref<1x64xi32, #tpu.memory_space<vmem>>
    %dma_start3A_103 = tpu.memref_squeeze %dma_start3A_102 : memref<1x64xi32, #tpu.memory_space<vmem>> -> memref<64xi32, #tpu.memory_space<vmem>>
    %dma_start3A_104 = arith.constant 0 : i32
    %dma_start3A_105 = tpu.memref_slice %arg5[%add3A_93, %dma_start3A_104] : memref<2560x64xi32, #tpu.memory_space<hbm>> -> memref<1x64xi32, #tpu.memory_space<hbm>>
    %dma_start3A_106 = tpu.memref_squeeze %dma_start3A_105 : memref<1x64xi32, #tpu.memory_space<hbm>> -> memref<64xi32, #tpu.memory_space<hbm>>
    tpu.enqueue_dma source(%dma_start3A_106 : memref<64xi32, #tpu.memory_space<hbm>>) target(%dma_start3A_103 : memref<64xi32, #tpu.memory_space<vmem>>) target_semaphore(%arg21 : memref<!tpu.dma_semaphore, #tpu.memory_space<semaphore_mem>>)
    %multiple_of3A_107 = arith.constant 0 : i32
    %multiple_of3A_108 = tpu.assume_multiple %multiple_of3A_107, 8 : i32
    %dma_start3A_109 = arith.constant 0 : i32
    %dma_start3A_110 = arith.constant 0 : i32
    %dma_start3A_111 = tpu.memref_slice %arg11[%dma_start3A_109, %dma_start3A_110] : memref<256x128xf32, #tpu.memory_space<vmem>> -> memref<64x128xf32, #tpu.memory_space<vmem>>
    %dma_start3A_112 = tpu.memref_slice %arg9[%multiple_of3A_108] : memref<10240xi32, #tpu.memory_space<vmem>> -> memref<64xi32, #tpu.memory_space<vmem>>
    %dma_start3A_113 = arith.constant 0 : i32
    %dma_start3A_114 = arith.constant 0 : i32
    %dma_start3A_115 = tpu.memref_slice %arg3[%dma_start3A_113, %dma_start3A_114] : memref<20480x128xf32, #tpu.memory_space<hbm>> -> memref<20480x128xf32, #tpu.memory_space<hbm>>
    tpu.enqueue_indirect_dma source(%dma_start3A_115 : memref<20480x128xf32, #tpu.memory_space<hbm>>) target(%dma_start3A_111 : memref<64x128xf32, #tpu.memory_space<vmem>>) offsets(%dma_start3A_112 : memref<64xi32, #tpu.memory_space<vmem>>) semaphore(%arg13 : memref<!tpu.dma_semaphore, #tpu.memory_space<semaphore_mem>>)
    %mul3A_116 = arith.constant 160 : i32
    %mul3A_117 = arith.muli %arg1, %mul3A_116 : i32
    %add3A_118 = arith.constant 1 : i32
    %add3A_119 = arith.addi %mul3A_117, %add3A_118 : i32
    %dma_start3A_120 = arith.constant 1 : i32
    %dma_start3A_121 = arith.constant 0 : i32
    %dma_start3A_122 = tpu.memref_slice %arg10[%dma_start3A_120, %dma_start3A_121] : memref<4x64xi32, #tpu.memory_space<vmem>> -> memref<1x64xi32, #tpu.memory_space<vmem>>
    %dma_start3A_123 = tpu.memref_squeeze %dma_start3A_122 : memref<1x64xi32, #tpu.memory_space<vmem>> -> memref<64xi32, #tpu.memory_space<vmem>>
    %dma_start3A_124 = arith.constant 0 : i32
    %dma_start3A_125 = tpu.memref_slice %arg5[%add3A_119, %dma_start3A_124] : memref<2560x64xi32, #tpu.memory_space<hbm>> -> memref<1x64xi32, #tpu.memory_space<hbm>>
    %dma_start3A_126 = tpu.memref_squeeze %dma_start3A_125 : memref<1x64xi32, #tpu.memory_space<hbm>> -> memref<64xi32, #tpu.memory_space<hbm>>
    %dma_start3A_127 = arith.constant 0 : i32
    %dma_start3A_128 = tpu.memref_slice %arg10[%dma_start3A_120, %dma_start3A_127] : memref<4x64xi32, #tpu.memory_space<vmem>> -> memref<1x64xi32, #tpu.memory_space<vmem>>
    %dma_start3A_129 = tpu.memref_squeeze %dma_start3A_128 : memref<1x64xi32, #tpu.memory_space<vmem>> -> memref<64xi32, #tpu.memory_space<vmem>>
    %dma_start3A_130 = arith.constant 0 : i32
    %dma_start3A_131 = tpu.memref_slice %arg5[%add3A_119, %dma_start3A_130] : memref<2560x64xi32, #tpu.memory_space<hbm>> -> memref<1x64xi32, #tpu.memory_space<hbm>>
    %dma_start3A_132 = tpu.memref_squeeze %dma_start3A_131 : memref<1x64xi32, #tpu.memory_space<hbm>> -> memref<64xi32, #tpu.memory_space<hbm>>
    tpu.enqueue_dma source(%dma_start3A_132 : memref<64xi32, #tpu.memory_space<hbm>>) target(%dma_start3A_129 : memref<64xi32, #tpu.memory_space<vmem>>) target_semaphore(%arg22 : memref<!tpu.dma_semaphore, #tpu.memory_space<semaphore_mem>>)
    %multiple_of3A_133 = arith.constant 64 : i32
    %multiple_of3A_134 = tpu.assume_multiple %multiple_of3A_133, 8 : i32
    %dma_start3A_135 = arith.constant 64 : i32
    %dma_start3A_136 = arith.constant 0 : i32
    %dma_start3A_137 = tpu.memref_slice %arg11[%dma_start3A_135, %dma_start3A_136] : memref<256x128xf32, #tpu.memory_space<vmem>> -> memref<64x128xf32, #tpu.memory_space<vmem>>
    %dma_start3A_138 = tpu.memref_slice %arg9[%multiple_of3A_134] : memref<10240xi32, #tpu.memory_space<vmem>> -> memref<64xi32, #tpu.memory_space<vmem>>
    %dma_start3A_139 = arith.constant 0 : i32
    %dma_start3A_140 = arith.constant 0 : i32
    %dma_start3A_141 = tpu.memref_slice %arg3[%dma_start3A_139, %dma_start3A_140] : memref<20480x128xf32, #tpu.memory_space<hbm>> -> memref<20480x128xf32, #tpu.memory_space<hbm>>
    tpu.enqueue_indirect_dma source(%dma_start3A_141 : memref<20480x128xf32, #tpu.memory_space<hbm>>) target(%dma_start3A_137 : memref<64x128xf32, #tpu.memory_space<vmem>>) offsets(%dma_start3A_138 : memref<64xi32, #tpu.memory_space<vmem>>) semaphore(%arg14 : memref<!tpu.dma_semaphore, #tpu.memory_space<semaphore_mem>>)
    %barrier3A_142 = arith.constant 0 : index
    tpu.barrier barrier_id(%barrier3A_142)
    %scan3A_143 = arith.constant 0 : i32
    %scan3A_144 = arith.constant 0 : i32
    %scan3A_145 = arith.constant 40 : i32
    %scan3A_146 = arith.addi %scan3A_144, %scan3A_145 : i32
    %scan3A_147 = arith.constant 1 : i32
    scf.for %scan3A_178 = %scan3A_144 to %scan3A_146 step %scan3A_147  : i32 {
      %mul3A_179 = arith.constant 4 : i32
      %mul3A_180 = arith.muli %mul3A_179, %scan3A_178 : i32
      %add3A_181 = arith.constant 0 : i32
      %add3A_182 = arith.addi %mul3A_180, %add3A_181 : i32
      %sub3A = arith.constant 2 : i32
      %sub3A_183 = arith.subi %add3A_182, %sub3A : i32
      %ge3A = arith.constant 0 : i32
      %ge3A_184 = arith.cmpi sge, %sub3A_183, %ge3A : i32
      %convert_element_type3A = arith.extui %ge3A_184 : i1 to i32
      %cond3A = arith.constant 0 : i32
      %cond3A_185 = arith.cmpi ne, %convert_element_type3A, %cond3A : i32
      scf.if %cond3A_185 {
        %dma_wait3A_390 = arith.constant 128 : i32
        %dma_wait3A_391 = arith.constant 0 : i32
        %dma_wait3A_392 = tpu.memref_slice %arg11[%dma_wait3A_390, %dma_wait3A_391] : memref<256x128xf32, #tpu.memory_space<vmem>> -> memref<64x128xf32, #tpu.memory_space<vmem>>
        %dma_wait3A_393 = arith.constant 0 : i32
        %dma_wait3A_394 = arith.constant 0 : i32
        %dma_wait3A_395 = tpu.memref_slice %arg3[%dma_wait3A_393, %dma_wait3A_394] : memref<20480x128xf32, #tpu.memory_space<hbm>> -> memref<64x128xf32, #tpu.memory_space<hbm>>
        %dma_wait3A_396 = arith.constant 128 : i32
        %dma_wait3A_397 = arith.constant 0 : i32
        %dma_wait3A_398 = tpu.memref_slice %arg11[%dma_wait3A_396, %dma_wait3A_397] : memref<256x128xf32, #tpu.memory_space<vmem>> -> memref<64x128xf32, #tpu.memory_space<vmem>>
        %dma_wait3A_399 = arith.constant 0 : i32
        %dma_wait3A_400 = arith.constant 0 : i32
        %dma_wait3A_401 = tpu.memref_slice %arg3[%dma_wait3A_399, %dma_wait3A_400] : memref<20480x128xf32, #tpu.memory_space<hbm>> -> memref<64x128xf32, #tpu.memory_space<hbm>>
        tpu.wait_dma2 semaphore(%arg19 : memref<!tpu.dma_semaphore, #tpu.memory_space<semaphore_mem>>) src(%dma_wait3A_401 : memref<64x128xf32, #tpu.memory_space<hbm>>) dst(%dma_wait3A_398 : memref<64x128xf32, #tpu.memory_space<vmem>>)
      } else {
      }
      %add3A_186 = arith.constant 2 : i32
      %add3A_187 = arith.addi %add3A_182, %add3A_186 : i32
      %lt3A = arith.constant 160 : i32
      %lt3A_188 = arith.cmpi slt, %add3A_187, %lt3A : i32
      %convert_element_type3A_189 = arith.extui %lt3A_188 : i1 to i32
      %cond3A_190 = arith.constant 0 : i32
      %cond3A_191 = arith.cmpi ne, %convert_element_type3A_189, %cond3A_190 : i32
      scf.if %cond3A_191 {
        %add3A_390 = arith.constant 2 : i32
        %add3A_391 = arith.addi %add3A_182, %add3A_390 : i32
        %mul3A_392 = arith.constant 160 : i32
        %mul3A_393 = arith.muli %arg1, %mul3A_392 : i32
        %add3A_394 = arith.addi %mul3A_393, %add3A_391 : i32
        %dma_start3A_395 = arith.constant 2 : i32
        %dma_start3A_396 = arith.constant 0 : i32
        %dma_start3A_397 = tpu.memref_slice %arg10[%dma_start3A_395, %dma_start3A_396] : memref<4x64xi32, #tpu.memory_space<vmem>> -> memref<1x64xi32, #tpu.memory_space<vmem>>
        %dma_start3A_398 = tpu.memref_squeeze %dma_start3A_397 : memref<1x64xi32, #tpu.memory_space<vmem>> -> memref<64xi32, #tpu.memory_space<vmem>>
        %dma_start3A_399 = arith.constant 0 : i32
        %dma_start3A_400 = tpu.memref_slice %arg5[%add3A_394, %dma_start3A_399] : memref<2560x64xi32, #tpu.memory_space<hbm>> -> memref<1x64xi32, #tpu.memory_space<hbm>>
        %dma_start3A_401 = tpu.memref_squeeze %dma_start3A_400 : memref<1x64xi32, #tpu.memory_space<hbm>> -> memref<64xi32, #tpu.memory_space<hbm>>
        %dma_start3A_402 = arith.constant 0 : i32
        %dma_start3A_403 = tpu.memref_slice %arg10[%dma_start3A_395, %dma_start3A_402] : memref<4x64xi32, #tpu.memory_space<vmem>> -> memref<1x64xi32, #tpu.memory_space<vmem>>
        %dma_start3A_404 = tpu.memref_squeeze %dma_start3A_403 : memref<1x64xi32, #tpu.memory_space<vmem>> -> memref<64xi32, #tpu.memory_space<vmem>>
        %dma_start3A_405 = arith.constant 0 : i32
        %dma_start3A_406 = tpu.memref_slice %arg5[%add3A_394, %dma_start3A_405] : memref<2560x64xi32, #tpu.memory_space<hbm>> -> memref<1x64xi32, #tpu.memory_space<hbm>>
        %dma_start3A_407 = tpu.memref_squeeze %dma_start3A_406 : memref<1x64xi32, #tpu.memory_space<hbm>> -> memref<64xi32, #tpu.memory_space<hbm>>
        tpu.enqueue_dma source(%dma_start3A_407 : memref<64xi32, #tpu.memory_space<hbm>>) target(%dma_start3A_404 : memref<64xi32, #tpu.memory_space<vmem>>) target_semaphore(%arg23 : memref<!tpu.dma_semaphore, #tpu.memory_space<semaphore_mem>>)
        %mul3A_408 = arith.constant 64 : i32
        %mul3A_409 = arith.muli %add3A_391, %mul3A_408 : i32
        %multiple_of3A_410 = tpu.assume_multiple %mul3A_409, 8 : i32
        %dma_start3A_411 = arith.constant 128 : i32
        %dma_start3A_412 = arith.constant 0 : i32
        %dma_start3A_413 = tpu.memref_slice %arg11[%dma_start3A_411, %dma_start3A_412] : memref<256x128xf32, #tpu.memory_space<vmem>> -> memref<64x128xf32, #tpu.memory_space<vmem>>
        %dma_start3A_414 = tpu.memref_slice %arg9[%multiple_of3A_410] : memref<10240xi32, #tpu.memory_space<vmem>> -> memref<64xi32, #tpu.memory_space<vmem>>
        %dma_start3A_415 = arith.constant 0 : i32
        %dma_start3A_416 = arith.constant 0 : i32
        %dma_start3A_417 = tpu.memref_slice %arg3[%dma_start3A_415, %dma_start3A_416] : memref<20480x128xf32, #tpu.memory_space<hbm>> -> memref<20480x128xf32, #tpu.memory_space<hbm>>
        tpu.enqueue_indirect_dma source(%dma_start3A_417 : memref<20480x128xf32, #tpu.memory_space<hbm>>) target(%dma_start3A_413 : memref<64x128xf32, #tpu.memory_space<vmem>>) offsets(%dma_start3A_414 : memref<64xi32, #tpu.memory_space<vmem>>) semaphore(%arg15 : memref<!tpu.dma_semaphore, #tpu.memory_space<semaphore_mem>>)
      } else {
      }
      %dma_wait3A_192 = arith.constant 0 : i32
      %dma_wait3A_193 = arith.constant 0 : i32
      %dma_wait3A_194 = tpu.memref_slice %arg11[%dma_wait3A_192, %dma_wait3A_193] : memref<256x128xf32, #tpu.memory_space<vmem>> -> memref<64x128xf32, #tpu.memory_space<vmem>>
      %dma_wait3A_195 = arith.constant 0 : i32
      %dma_wait3A_196 = arith.constant 0 : i32
      %dma_wait3A_197 = tpu.memref_slice %arg3[%dma_wait3A_195, %dma_wait3A_196] : memref<20480x128xf32, #tpu.memory_space<hbm>> -> memref<64x128xf32, #tpu.memory_space<hbm>>
      %dma_wait3A_198 = arith.constant 0 : i32
      %dma_wait3A_199 = arith.constant 0 : i32
      %dma_wait3A_200 = tpu.memref_slice %arg11[%dma_wait3A_198, %dma_wait3A_199] : memref<256x128xf32, #tpu.memory_space<vmem>> -> memref<64x128xf32, #tpu.memory_space<vmem>>
      %dma_wait3A_201 = arith.constant 0 : i32
      %dma_wait3A_202 = arith.constant 0 : i32
      %dma_wait3A_203 = tpu.memref_slice %arg3[%dma_wait3A_201, %dma_wait3A_202] : memref<20480x128xf32, #tpu.memory_space<hbm>> -> memref<64x128xf32, #tpu.memory_space<hbm>>
      tpu.wait_dma2 semaphore(%arg13 : memref<!tpu.dma_semaphore, #tpu.memory_space<semaphore_mem>>) src(%dma_wait3A_203 : memref<64x128xf32, #tpu.memory_space<hbm>>) dst(%dma_wait3A_200 : memref<64x128xf32, #tpu.memory_space<vmem>>)
      %dma_wait3A_204 = arith.constant 0 : i32
      %dma_wait3A_205 = arith.constant 0 : i32
      %dma_wait3A_206 = arith.constant 0 : i32
      %dma_wait3A_207 = tpu.memref_slice %arg10[%dma_wait3A_205, %dma_wait3A_206] : memref<4x64xi32, #tpu.memory_space<vmem>> -> memref<1x64xi32, #tpu.memory_space<vmem>>
      %dma_wait3A_208 = tpu.memref_squeeze %dma_wait3A_207 : memref<1x64xi32, #tpu.memory_space<vmem>> -> memref<64xi32, #tpu.memory_space<vmem>>
      %dma_wait3A_209 = arith.constant 0 : i32
      %dma_wait3A_210 = tpu.memref_slice %arg5[%dma_wait3A_204, %dma_wait3A_209] : memref<2560x64xi32, #tpu.memory_space<hbm>> -> memref<1x64xi32, #tpu.memory_space<hbm>>
      %dma_wait3A_211 = tpu.memref_squeeze %dma_wait3A_210 : memref<1x64xi32, #tpu.memory_space<hbm>> -> memref<64xi32, #tpu.memory_space<hbm>>
      %dma_wait3A_212 = arith.constant 0 : i32
      %dma_wait3A_213 = tpu.memref_slice %arg10[%dma_wait3A_205, %dma_wait3A_212] : memref<4x64xi32, #tpu.memory_space<vmem>> -> memref<1x64xi32, #tpu.memory_space<vmem>>
      %dma_wait3A_214 = tpu.memref_squeeze %dma_wait3A_213 : memref<1x64xi32, #tpu.memory_space<vmem>> -> memref<64xi32, #tpu.memory_space<vmem>>
      %dma_wait3A_215 = arith.constant 0 : i32
      %dma_wait3A_216 = tpu.memref_slice %arg5[%dma_wait3A_204, %dma_wait3A_215] : memref<2560x64xi32, #tpu.memory_space<hbm>> -> memref<1x64xi32, #tpu.memory_space<hbm>>
      %dma_wait3A_217 = tpu.memref_squeeze %dma_wait3A_216 : memref<1x64xi32, #tpu.memory_space<hbm>> -> memref<64xi32, #tpu.memory_space<hbm>>
      tpu.wait_dma2 semaphore(%arg21 : memref<!tpu.dma_semaphore, #tpu.memory_space<semaphore_mem>>) src(%dma_wait3A_217 : memref<64xi32, #tpu.memory_space<hbm>>) dst(%dma_wait3A_214 : memref<64xi32, #tpu.memory_space<vmem>>)
      %dma_start3A_218 = arith.constant 0 : i32
      %dma_start3A_219 = arith.constant 0 : i32
      %dma_start3A_220 = arith.constant 0 : i32
      %dma_start3A_221 = tpu.memref_slice %arg11[%dma_start3A_219, %dma_start3A_220] : memref<256x128xf32, #tpu.memory_space<vmem>> -> memref<64x128xf32, #tpu.memory_space<vmem>>
      %dma_start3A_222 = arith.constant 0 : i32
      %dma_start3A_223 = tpu.memref_slice %arg10[%dma_start3A_218, %dma_start3A_222] : memref<4x64xi32, #tpu.memory_space<vmem>> -> memref<1x64xi32, #tpu.memory_space<vmem>>
      %dma_start3A_224 = tpu.memref_squeeze %dma_start3A_223 : memref<1x64xi32, #tpu.memory_space<vmem>> -> memref<64xi32, #tpu.memory_space<vmem>>
      %dma_start3A_225 = arith.constant 0 : i32
      %dma_start3A_226 = arith.constant 0 : i32
      %dma_start3A_227 = tpu.memref_slice %arg12[%dma_start3A_225, %dma_start3A_226] : memref<10240x128xf32, #tpu.memory_space<vmem_shared>> -> memref<10240x128xf32, #tpu.memory_space<vmem_shared>>
      tpu.enqueue_indirect_dma source(%dma_start3A_221 : memref<64x128xf32, #tpu.memory_space<vmem>>) target(%dma_start3A_227 : memref<10240x128xf32, #tpu.memory_space<vmem_shared>>) offsets(%dma_start3A_224 : memref<64xi32, #tpu.memory_space<vmem>>) semaphore(%arg17 : memref<!tpu.dma_semaphore, #tpu.memory_space<semaphore_mem>>) {add = true}
      %mul3A_228 = arith.constant 4 : i32
      %mul3A_229 = arith.muli %mul3A_228, %scan3A_178 : i32
      %add3A_230 = arith.constant 1 : i32
      %add3A_231 = arith.addi %mul3A_229, %add3A_230 : i32
      %sub3A_232 = arith.constant 2 : i32
      %sub3A_233 = arith.subi %add3A_231, %sub3A_232 : i32
      %ge3A_234 = arith.constant 0 : i32
      %ge3A_235 = arith.cmpi sge, %sub3A_233, %ge3A_234 : i32
      %convert_element_type3A_236 = arith.extui %ge3A_235 : i1 to i32
      %cond3A_237 = arith.constant 0 : i32
      %cond3A_238 = arith.cmpi ne, %convert_element_type3A_236, %cond3A_237 : i32
      scf.if %cond3A_238 {
        %dma_wait3A_390 = arith.constant 192 : i32
        %dma_wait3A_391 = arith.constant 0 : i32
        %dma_wait3A_392 = tpu.memref_slice %arg11[%dma_wait3A_390, %dma_wait3A_391] : memref<256x128xf32, #tpu.memory_space<vmem>> -> memref<64x128xf32, #tpu.memory_space<vmem>>
        %dma_wait3A_393 = arith.constant 0 : i32
        %dma_wait3A_394 = arith.constant 0 : i32
        %dma_wait3A_395 = tpu.memref_slice %arg3[%dma_wait3A_393, %dma_wait3A_394] : memref<20480x128xf32, #tpu.memory_space<hbm>> -> memref<64x128xf32, #tpu.memory_space<hbm>>
        %dma_wait3A_396 = arith.constant 192 : i32
        %dma_wait3A_397 = arith.constant 0 : i32
        %dma_wait3A_398 = tpu.memref_slice %arg11[%dma_wait3A_396, %dma_wait3A_397] : memref<256x128xf32, #tpu.memory_space<vmem>> -> memref<64x128xf32, #tpu.memory_space<vmem>>
        %dma_wait3A_399 = arith.constant 0 : i32
        %dma_wait3A_400 = arith.constant 0 : i32
        %dma_wait3A_401 = tpu.memref_slice %arg3[%dma_wait3A_399, %dma_wait3A_400] : memref<20480x128xf32, #tpu.memory_space<hbm>> -> memref<64x128xf32, #tpu.memory_space<hbm>>
        tpu.wait_dma2 semaphore(%arg20 : memref<!tpu.dma_semaphore, #tpu.memory_space<semaphore_mem>>) src(%dma_wait3A_401 : memref<64x128xf32, #tpu.memory_space<hbm>>) dst(%dma_wait3A_398 : memref<64x128xf32, #tpu.memory_space<vmem>>)
      } else {
      }
      %add3A_239 = arith.constant 2 : i32
      %add3A_240 = arith.addi %add3A_231, %add3A_239 : i32
      %lt3A_241 = arith.constant 160 : i32
      %lt3A_242 = arith.cmpi slt, %add3A_240, %lt3A_241 : i32
      %convert_element_type3A_243 = arith.extui %lt3A_242 : i1 to i32
      %cond3A_244 = arith.constant 0 : i32
      %cond3A_245 = arith.cmpi ne, %convert_element_type3A_243, %cond3A_244 : i32
      scf.if %cond3A_245 {
        %add3A_390 = arith.constant 2 : i32
        %add3A_391 = arith.addi %add3A_231, %add3A_390 : i32
        %mul3A_392 = arith.constant 160 : i32
        %mul3A_393 = arith.muli %arg1, %mul3A_392 : i32
        %add3A_394 = arith.addi %mul3A_393, %add3A_391 : i32
        %dma_start3A_395 = arith.constant 3 : i32
        %dma_start3A_396 = arith.constant 0 : i32
        %dma_start3A_397 = tpu.memref_slice %arg10[%dma_start3A_395, %dma_start3A_396] : memref<4x64xi32, #tpu.memory_space<vmem>> -> memref<1x64xi32, #tpu.memory_space<vmem>>
        %dma_start3A_398 = tpu.memref_squeeze %dma_start3A_397 : memref<1x64xi32, #tpu.memory_space<vmem>> -> memref<64xi32, #tpu.memory_space<vmem>>
        %dma_start3A_399 = arith.constant 0 : i32
        %dma_start3A_400 = tpu.memref_slice %arg5[%add3A_394, %dma_start3A_399] : memref<2560x64xi32, #tpu.memory_space<hbm>> -> memref<1x64xi32, #tpu.memory_space<hbm>>
        %dma_start3A_401 = tpu.memref_squeeze %dma_start3A_400 : memref<1x64xi32, #tpu.memory_space<hbm>> -> memref<64xi32, #tpu.memory_space<hbm>>
        %dma_start3A_402 = arith.constant 0 : i32
        %dma_start3A_403 = tpu.memref_slice %arg10[%dma_start3A_395, %dma_start3A_402] : memref<4x64xi32, #tpu.memory_space<vmem>> -> memref<1x64xi32, #tpu.memory_space<vmem>>
        %dma_start3A_404 = tpu.memref_squeeze %dma_start3A_403 : memref<1x64xi32, #tpu.memory_space<vmem>> -> memref<64xi32, #tpu.memory_space<vmem>>
        %dma_start3A_405 = arith.constant 0 : i32
        %dma_start3A_406 = tpu.memref_slice %arg5[%add3A_394, %dma_start3A_405] : memref<2560x64xi32, #tpu.memory_space<hbm>> -> memref<1x64xi32, #tpu.memory_space<hbm>>
        %dma_start3A_407 = tpu.memref_squeeze %dma_start3A_406 : memref<1x64xi32, #tpu.memory_space<hbm>> -> memref<64xi32, #tpu.memory_space<hbm>>
        tpu.enqueue_dma source(%dma_start3A_407 : memref<64xi32, #tpu.memory_space<hbm>>) target(%dma_start3A_404 : memref<64xi32, #tpu.memory_space<vmem>>) target_semaphore(%arg24 : memref<!tpu.dma_semaphore, #tpu.memory_space<semaphore_mem>>)
        %mul3A_408 = arith.constant 64 : i32
        %mul3A_409 = arith.muli %add3A_391, %mul3A_408 : i32
        %multiple_of3A_410 = tpu.assume_multiple %mul3A_409, 8 : i32
        %dma_start3A_411 = arith.constant 192 : i32
        %dma_start3A_412 = arith.constant 0 : i32
        %dma_start3A_413 = tpu.memref_slice %arg11[%dma_start3A_411, %dma_start3A_412] : memref<256x128xf32, #tpu.memory_space<vmem>> -> memref<64x128xf32, #tpu.memory_space<vmem>>
        %dma_start3A_414 = tpu.memref_slice %arg9[%multiple_of3A_410] : memref<10240xi32, #tpu.memory_space<vmem>> -> memref<64xi32, #tpu.memory_space<vmem>>
        %dma_start3A_415 = arith.constant 0 : i32
        %dma_start3A_416 = arith.constant 0 : i32
        %dma_start3A_417 = tpu.memref_slice %arg3[%dma_start3A_415, %dma_start3A_416] : memref<20480x128xf32, #tpu.memory_space<hbm>> -> memref<20480x128xf32, #tpu.memory_space<hbm>>
        tpu.enqueue_indirect_dma source(%dma_start3A_417 : memref<20480x128xf32, #tpu.memory_space<hbm>>) target(%dma_start3A_413 : memref<64x128xf32, #tpu.memory_space<vmem>>) offsets(%dma_start3A_414 : memref<64xi32, #tpu.memory_space<vmem>>) semaphore(%arg16 : memref<!tpu.dma_semaphore, #tpu.memory_space<semaphore_mem>>)
      } else {
      }
      %dma_wait3A_246 = arith.constant 64 : i32
      %dma_wait3A_247 = arith.constant 0 : i32
      %dma_wait3A_248 = tpu.memref_slice %arg11[%dma_wait3A_246, %dma_wait3A_247] : memref<256x128xf32, #tpu.memory_space<vmem>> -> memref<64x128xf32, #tpu.memory_space<vmem>>
      %dma_wait3A_249 = arith.constant 0 : i32
      %dma_wait3A_250 = arith.constant 0 : i32
      %dma_wait3A_251 = tpu.memref_slice %arg3[%dma_wait3A_249, %dma_wait3A_250] : memref<20480x128xf32, #tpu.memory_space<hbm>> -> memref<64x128xf32, #tpu.memory_space<hbm>>
      %dma_wait3A_252 = arith.constant 64 : i32
      %dma_wait3A_253 = arith.constant 0 : i32
      %dma_wait3A_254 = tpu.memref_slice %arg11[%dma_wait3A_252, %dma_wait3A_253] : memref<256x128xf32, #tpu.memory_space<vmem>> -> memref<64x128xf32, #tpu.memory_space<vmem>>
      %dma_wait3A_255 = arith.constant 0 : i32
      %dma_wait3A_256 = arith.constant 0 : i32
      %dma_wait3A_257 = tpu.memref_slice %arg3[%dma_wait3A_255, %dma_wait3A_256] : memref<20480x128xf32, #tpu.memory_space<hbm>> -> memref<64x128xf32, #tpu.memory_space<hbm>>
      tpu.wait_dma2 semaphore(%arg14 : memref<!tpu.dma_semaphore, #tpu.memory_space<semaphore_mem>>) src(%dma_wait3A_257 : memref<64x128xf32, #tpu.memory_space<hbm>>) dst(%dma_wait3A_254 : memref<64x128xf32, #tpu.memory_space<vmem>>)
      %dma_wait3A_258 = arith.constant 0 : i32
      %dma_wait3A_259 = arith.constant 1 : i32
      %dma_wait3A_260 = arith.constant 0 : i32
      %dma_wait3A_261 = tpu.memref_slice %arg10[%dma_wait3A_259, %dma_wait3A_260] : memref<4x64xi32, #tpu.memory_space<vmem>> -> memref<1x64xi32, #tpu.memory_space<vmem>>
      %dma_wait3A_262 = tpu.memref_squeeze %dma_wait3A_261 : memref<1x64xi32, #tpu.memory_space<vmem>> -> memref<64xi32, #tpu.memory_space<vmem>>
      %dma_wait3A_263 = arith.constant 0 : i32
      %dma_wait3A_264 = tpu.memref_slice %arg5[%dma_wait3A_258, %dma_wait3A_263] : memref<2560x64xi32, #tpu.memory_space<hbm>> -> memref<1x64xi32, #tpu.memory_space<hbm>>
      %dma_wait3A_265 = tpu.memref_squeeze %dma_wait3A_264 : memref<1x64xi32, #tpu.memory_space<hbm>> -> memref<64xi32, #tpu.memory_space<hbm>>
      %dma_wait3A_266 = arith.constant 0 : i32
      %dma_wait3A_267 = tpu.memref_slice %arg10[%dma_wait3A_259, %dma_wait3A_266] : memref<4x64xi32, #tpu.memory_space<vmem>> -> memref<1x64xi32, #tpu.memory_space<vmem>>
      %dma_wait3A_268 = tpu.memref_squeeze %dma_wait3A_267 : memref<1x64xi32, #tpu.memory_space<vmem>> -> memref<64xi32, #tpu.memory_space<vmem>>
      %dma_wait3A_269 = arith.constant 0 : i32
      %dma_wait3A_270 = tpu.memref_slice %arg5[%dma_wait3A_258, %dma_wait3A_269] : memref<2560x64xi32, #tpu.memory_space<hbm>> -> memref<1x64xi32, #tpu.memory_space<hbm>>
      %dma_wait3A_271 = tpu.memref_squeeze %dma_wait3A_270 : memref<1x64xi32, #tpu.memory_space<hbm>> -> memref<64xi32, #tpu.memory_space<hbm>>
      tpu.wait_dma2 semaphore(%arg22 : memref<!tpu.dma_semaphore, #tpu.memory_space<semaphore_mem>>) src(%dma_wait3A_271 : memref<64xi32, #tpu.memory_space<hbm>>) dst(%dma_wait3A_268 : memref<64xi32, #tpu.memory_space<vmem>>)
      %dma_start3A_272 = arith.constant 1 : i32
      %dma_start3A_273 = arith.constant 64 : i32
      %dma_start3A_274 = arith.constant 0 : i32
      %dma_start3A_275 = tpu.memref_slice %arg11[%dma_start3A_273, %dma_start3A_274] : memref<256x128xf32, #tpu.memory_space<vmem>> -> memref<64x128xf32, #tpu.memory_space<vmem>>
      %dma_start3A_276 = arith.constant 0 : i32
      %dma_start3A_277 = tpu.memref_slice %arg10[%dma_start3A_272, %dma_start3A_276] : memref<4x64xi32, #tpu.memory_space<vmem>> -> memref<1x64xi32, #tpu.memory_space<vmem>>
      %dma_start3A_278 = tpu.memref_squeeze %dma_start3A_277 : memref<1x64xi32, #tpu.memory_space<vmem>> -> memref<64xi32, #tpu.memory_space<vmem>>
      %dma_start3A_279 = arith.constant 0 : i32
      %dma_start3A_280 = arith.constant 0 : i32
      %dma_start3A_281 = tpu.memref_slice %arg12[%dma_start3A_279, %dma_start3A_280] : memref<10240x128xf32, #tpu.memory_space<vmem_shared>> -> memref<10240x128xf32, #tpu.memory_space<vmem_shared>>
      tpu.enqueue_indirect_dma source(%dma_start3A_275 : memref<64x128xf32, #tpu.memory_space<vmem>>) target(%dma_start3A_281 : memref<10240x128xf32, #tpu.memory_space<vmem_shared>>) offsets(%dma_start3A_278 : memref<64xi32, #tpu.memory_space<vmem>>) semaphore(%arg18 : memref<!tpu.dma_semaphore, #tpu.memory_space<semaphore_mem>>) {add = true}
      %mul3A_282 = arith.constant 4 : i32
      %mul3A_283 = arith.muli %mul3A_282, %scan3A_178 : i32
      %add3A_284 = arith.constant 2 : i32
      %add3A_285 = arith.addi %mul3A_283, %add3A_284 : i32
      %sub3A_286 = arith.constant 2 : i32
      %sub3A_287 = arith.subi %add3A_285, %sub3A_286 : i32
      %ge3A_288 = arith.constant 0 : i32
      %ge3A_289 = arith.cmpi sge, %sub3A_287, %ge3A_288 : i32
      %convert_element_type3A_290 = arith.extui %ge3A_289 : i1 to i32
      %cond3A_291 = arith.constant 0 : i32
      %cond3A_292 = arith.cmpi ne, %convert_element_type3A_290, %cond3A_291 : i32
      scf.if %cond3A_292 {
        %dma_wait3A_390 = arith.constant 0 : i32
        %dma_wait3A_391 = arith.constant 0 : i32
        %dma_wait3A_392 = tpu.memref_slice %arg11[%dma_wait3A_390, %dma_wait3A_391] : memref<256x128xf32, #tpu.memory_space<vmem>> -> memref<64x128xf32, #tpu.memory_space<vmem>>
        %dma_wait3A_393 = arith.constant 0 : i32
        %dma_wait3A_394 = arith.constant 0 : i32
        %dma_wait3A_395 = tpu.memref_slice %arg3[%dma_wait3A_393, %dma_wait3A_394] : memref<20480x128xf32, #tpu.memory_space<hbm>> -> memref<64x128xf32, #tpu.memory_space<hbm>>
        %dma_wait3A_396 = arith.constant 0 : i32
        %dma_wait3A_397 = arith.constant 0 : i32
        %dma_wait3A_398 = tpu.memref_slice %arg11[%dma_wait3A_396, %dma_wait3A_397] : memref<256x128xf32, #tpu.memory_space<vmem>> -> memref<64x128xf32, #tpu.memory_space<vmem>>
        %dma_wait3A_399 = arith.constant 0 : i32
        %dma_wait3A_400 = arith.constant 0 : i32
        %dma_wait3A_401 = tpu.memref_slice %arg3[%dma_wait3A_399, %dma_wait3A_400] : memref<20480x128xf32, #tpu.memory_space<hbm>> -> memref<64x128xf32, #tpu.memory_space<hbm>>
        tpu.wait_dma2 semaphore(%arg17 : memref<!tpu.dma_semaphore, #tpu.memory_space<semaphore_mem>>) src(%dma_wait3A_401 : memref<64x128xf32, #tpu.memory_space<hbm>>) dst(%dma_wait3A_398 : memref<64x128xf32, #tpu.memory_space<vmem>>)
      } else {
      }
      %add3A_293 = arith.constant 2 : i32
      %add3A_294 = arith.addi %add3A_285, %add3A_293 : i32
      %lt3A_295 = arith.constant 160 : i32
      %lt3A_296 = arith.cmpi slt, %add3A_294, %lt3A_295 : i32
      %convert_element_type3A_297 = arith.extui %lt3A_296 : i1 to i32
      %cond3A_298 = arith.constant 0 : i32
      %cond3A_299 = arith.cmpi ne, %convert_element_type3A_297, %cond3A_298 : i32
      scf.if %cond3A_299 {
        %add3A_390 = arith.constant 2 : i32
        %add3A_391 = arith.addi %add3A_285, %add3A_390 : i32
        %mul3A_392 = arith.constant 160 : i32
        %mul3A_393 = arith.muli %arg1, %mul3A_392 : i32
        %add3A_394 = arith.addi %mul3A_393, %add3A_391 : i32
        %dma_start3A_395 = arith.constant 0 : i32
        %dma_start3A_396 = arith.constant 0 : i32
        %dma_start3A_397 = tpu.memref_slice %arg10[%dma_start3A_395, %dma_start3A_396] : memref<4x64xi32, #tpu.memory_space<vmem>> -> memref<1x64xi32, #tpu.memory_space<vmem>>
        %dma_start3A_398 = tpu.memref_squeeze %dma_start3A_397 : memref<1x64xi32, #tpu.memory_space<vmem>> -> memref<64xi32, #tpu.memory_space<vmem>>
        %dma_start3A_399 = arith.constant 0 : i32
        %dma_start3A_400 = tpu.memref_slice %arg5[%add3A_394, %dma_start3A_399] : memref<2560x64xi32, #tpu.memory_space<hbm>> -> memref<1x64xi32, #tpu.memory_space<hbm>>
        %dma_start3A_401 = tpu.memref_squeeze %dma_start3A_400 : memref<1x64xi32, #tpu.memory_space<hbm>> -> memref<64xi32, #tpu.memory_space<hbm>>
        %dma_start3A_402 = arith.constant 0 : i32
        %dma_start3A_403 = tpu.memref_slice %arg10[%dma_start3A_395, %dma_start3A_402] : memref<4x64xi32, #tpu.memory_space<vmem>> -> memref<1x64xi32, #tpu.memory_space<vmem>>
        %dma_start3A_404 = tpu.memref_squeeze %dma_start3A_403 : memref<1x64xi32, #tpu.memory_space<vmem>> -> memref<64xi32, #tpu.memory_space<vmem>>
        %dma_start3A_405 = arith.constant 0 : i32
        %dma_start3A_406 = tpu.memref_slice %arg5[%add3A_394, %dma_start3A_405] : memref<2560x64xi32, #tpu.memory_space<hbm>> -> memref<1x64xi32, #tpu.memory_space<hbm>>
        %dma_start3A_407 = tpu.memref_squeeze %dma_start3A_406 : memref<1x64xi32, #tpu.memory_space<hbm>> -> memref<64xi32, #tpu.memory_space<hbm>>
        tpu.enqueue_dma source(%dma_start3A_407 : memref<64xi32, #tpu.memory_space<hbm>>) target(%dma_start3A_404 : memref<64xi32, #tpu.memory_space<vmem>>) target_semaphore(%arg21 : memref<!tpu.dma_semaphore, #tpu.memory_space<semaphore_mem>>)
        %mul3A_408 = arith.constant 64 : i32
        %mul3A_409 = arith.muli %add3A_391, %mul3A_408 : i32
        %multiple_of3A_410 = tpu.assume_multiple %mul3A_409, 8 : i32
        %dma_start3A_411 = arith.constant 0 : i32
        %dma_start3A_412 = arith.constant 0 : i32
        %dma_start3A_413 = tpu.memref_slice %arg11[%dma_start3A_411, %dma_start3A_412] : memref<256x128xf32, #tpu.memory_space<vmem>> -> memref<64x128xf32, #tpu.memory_space<vmem>>
        %dma_start3A_414 = tpu.memref_slice %arg9[%multiple_of3A_410] : memref<10240xi32, #tpu.memory_space<vmem>> -> memref<64xi32, #tpu.memory_space<vmem>>
        %dma_start3A_415 = arith.constant 0 : i32
        %dma_start3A_416 = arith.constant 0 : i32
        %dma_start3A_417 = tpu.memref_slice %arg3[%dma_start3A_415, %dma_start3A_416] : memref<20480x128xf32, #tpu.memory_space<hbm>> -> memref<20480x128xf32, #tpu.memory_space<hbm>>
        tpu.enqueue_indirect_dma source(%dma_start3A_417 : memref<20480x128xf32, #tpu.memory_space<hbm>>) target(%dma_start3A_413 : memref<64x128xf32, #tpu.memory_space<vmem>>) offsets(%dma_start3A_414 : memref<64xi32, #tpu.memory_space<vmem>>) semaphore(%arg13 : memref<!tpu.dma_semaphore, #tpu.memory_space<semaphore_mem>>)
      } else {
      }
      %dma_wait3A_300 = arith.constant 128 : i32
      %dma_wait3A_301 = arith.constant 0 : i32
      %dma_wait3A_302 = tpu.memref_slice %arg11[%dma_wait3A_300, %dma_wait3A_301] : memref<256x128xf32, #tpu.memory_space<vmem>> -> memref<64x128xf32, #tpu.memory_space<vmem>>
      %dma_wait3A_303 = arith.constant 0 : i32
      %dma_wait3A_304 = arith.constant 0 : i32
      %dma_wait3A_305 = tpu.memref_slice %arg3[%dma_wait3A_303, %dma_wait3A_304] : memref<20480x128xf32, #tpu.memory_space<hbm>> -> memref<64x128xf32, #tpu.memory_space<hbm>>
      %dma_wait3A_306 = arith.constant 128 : i32
      %dma_wait3A_307 = arith.constant 0 : i32
      %dma_wait3A_308 = tpu.memref_slice %arg11[%dma_wait3A_306, %dma_wait3A_307] : memref<256x128xf32, #tpu.memory_space<vmem>> -> memref<64x128xf32, #tpu.memory_space<vmem>>
      %dma_wait3A_309 = arith.constant 0 : i32
      %dma_wait3A_310 = arith.constant 0 : i32
      %dma_wait3A_311 = tpu.memref_slice %arg3[%dma_wait3A_309, %dma_wait3A_310] : memref<20480x128xf32, #tpu.memory_space<hbm>> -> memref<64x128xf32, #tpu.memory_space<hbm>>
      tpu.wait_dma2 semaphore(%arg15 : memref<!tpu.dma_semaphore, #tpu.memory_space<semaphore_mem>>) src(%dma_wait3A_311 : memref<64x128xf32, #tpu.memory_space<hbm>>) dst(%dma_wait3A_308 : memref<64x128xf32, #tpu.memory_space<vmem>>)
      %dma_wait3A_312 = arith.constant 0 : i32
      %dma_wait3A_313 = arith.constant 2 : i32
      %dma_wait3A_314 = arith.constant 0 : i32
      %dma_wait3A_315 = tpu.memref_slice %arg10[%dma_wait3A_313, %dma_wait3A_314] : memref<4x64xi32, #tpu.memory_space<vmem>> -> memref<1x64xi32, #tpu.memory_space<vmem>>
      %dma_wait3A_316 = tpu.memref_squeeze %dma_wait3A_315 : memref<1x64xi32, #tpu.memory_space<vmem>> -> memref<64xi32, #tpu.memory_space<vmem>>
      %dma_wait3A_317 = arith.constant 0 : i32
      %dma_wait3A_318 = tpu.memref_slice %arg5[%dma_wait3A_312, %dma_wait3A_317] : memref<2560x64xi32, #tpu.memory_space<hbm>> -> memref<1x64xi32, #tpu.memory_space<hbm>>
      %dma_wait3A_319 = tpu.memref_squeeze %dma_wait3A_318 : memref<1x64xi32, #tpu.memory_space<hbm>> -> memref<64xi32, #tpu.memory_space<hbm>>
      %dma_wait3A_320 = arith.constant 0 : i32
      %dma_wait3A_321 = tpu.memref_slice %arg10[%dma_wait3A_313, %dma_wait3A_320] : memref<4x64xi32, #tpu.memory_space<vmem>> -> memref<1x64xi32, #tpu.memory_space<vmem>>
      %dma_wait3A_322 = tpu.memref_squeeze %dma_wait3A_321 : memref<1x64xi32, #tpu.memory_space<vmem>> -> memref<64xi32, #tpu.memory_space<vmem>>
      %dma_wait3A_323 = arith.constant 0 : i32
      %dma_wait3A_324 = tpu.memref_slice %arg5[%dma_wait3A_312, %dma_wait3A_323] : memref<2560x64xi32, #tpu.memory_space<hbm>> -> memref<1x64xi32, #tpu.memory_space<hbm>>
      %dma_wait3A_325 = tpu.memref_squeeze %dma_wait3A_324 : memref<1x64xi32, #tpu.memory_space<hbm>> -> memref<64xi32, #tpu.memory_space<hbm>>
      tpu.wait_dma2 semaphore(%arg23 : memref<!tpu.dma_semaphore, #tpu.memory_space<semaphore_mem>>) src(%dma_wait3A_325 : memref<64xi32, #tpu.memory_space<hbm>>) dst(%dma_wait3A_322 : memref<64xi32, #tpu.memory_space<vmem>>)
      %dma_start3A_326 = arith.constant 2 : i32
      %dma_start3A_327 = arith.constant 128 : i32
      %dma_start3A_328 = arith.constant 0 : i32
      %dma_start3A_329 = tpu.memref_slice %arg11[%dma_start3A_327, %dma_start3A_328] : memref<256x128xf32, #tpu.memory_space<vmem>> -> memref<64x128xf32, #tpu.memory_space<vmem>>
      %dma_start3A_330 = arith.constant 0 : i32
      %dma_start3A_331 = tpu.memref_slice %arg10[%dma_start3A_326, %dma_start3A_330] : memref<4x64xi32, #tpu.memory_space<vmem>> -> memref<1x64xi32, #tpu.memory_space<vmem>>
      %dma_start3A_332 = tpu.memref_squeeze %dma_start3A_331 : memref<1x64xi32, #tpu.memory_space<vmem>> -> memref<64xi32, #tpu.memory_space<vmem>>
      %dma_start3A_333 = arith.constant 0 : i32
      %dma_start3A_334 = arith.constant 0 : i32
      %dma_start3A_335 = tpu.memref_slice %arg12[%dma_start3A_333, %dma_start3A_334] : memref<10240x128xf32, #tpu.memory_space<vmem_shared>> -> memref<10240x128xf32, #tpu.memory_space<vmem_shared>>
      tpu.enqueue_indirect_dma source(%dma_start3A_329 : memref<64x128xf32, #tpu.memory_space<vmem>>) target(%dma_start3A_335 : memref<10240x128xf32, #tpu.memory_space<vmem_shared>>) offsets(%dma_start3A_332 : memref<64xi32, #tpu.memory_space<vmem>>) semaphore(%arg19 : memref<!tpu.dma_semaphore, #tpu.memory_space<semaphore_mem>>) {add = true}
      %mul3A_336 = arith.constant 4 : i32
      %mul3A_337 = arith.muli %mul3A_336, %scan3A_178 : i32
      %add3A_338 = arith.constant 3 : i32
      %add3A_339 = arith.addi %mul3A_337, %add3A_338 : i32
      %sub3A_340 = arith.constant 2 : i32
      %sub3A_341 = arith.subi %add3A_339, %sub3A_340 : i32
      %ge3A_342 = arith.constant 0 : i32
      %ge3A_343 = arith.cmpi sge, %sub3A_341, %ge3A_342 : i32
      %convert_element_type3A_344 = arith.extui %ge3A_343 : i1 to i32
      %cond3A_345 = arith.constant 0 : i32
      %cond3A_346 = arith.cmpi ne, %convert_element_type3A_344, %cond3A_345 : i32
      scf.if %cond3A_346 {
        %dma_wait3A_390 = arith.constant 64 : i32
        %dma_wait3A_391 = arith.constant 0 : i32
        %dma_wait3A_392 = tpu.memref_slice %arg11[%dma_wait3A_390, %dma_wait3A_391] : memref<256x128xf32, #tpu.memory_space<vmem>> -> memref<64x128xf32, #tpu.memory_space<vmem>>
        %dma_wait3A_393 = arith.constant 0 : i32
        %dma_wait3A_394 = arith.constant 0 : i32
        %dma_wait3A_395 = tpu.memref_slice %arg3[%dma_wait3A_393, %dma_wait3A_394] : memref<20480x128xf32, #tpu.memory_space<hbm>> -> memref<64x128xf32, #tpu.memory_space<hbm>>
        %dma_wait3A_396 = arith.constant 64 : i32
        %dma_wait3A_397 = arith.constant 0 : i32
        %dma_wait3A_398 = tpu.memref_slice %arg11[%dma_wait3A_396, %dma_wait3A_397] : memref<256x128xf32, #tpu.memory_space<vmem>> -> memref<64x128xf32, #tpu.memory_space<vmem>>
        %dma_wait3A_399 = arith.constant 0 : i32
        %dma_wait3A_400 = arith.constant 0 : i32
        %dma_wait3A_401 = tpu.memref_slice %arg3[%dma_wait3A_399, %dma_wait3A_400] : memref<20480x128xf32, #tpu.memory_space<hbm>> -> memref<64x128xf32, #tpu.memory_space<hbm>>
        tpu.wait_dma2 semaphore(%arg18 : memref<!tpu.dma_semaphore, #tpu.memory_space<semaphore_mem>>) src(%dma_wait3A_401 : memref<64x128xf32, #tpu.memory_space<hbm>>) dst(%dma_wait3A_398 : memref<64x128xf32, #tpu.memory_space<vmem>>)
      } else {
      }
      %add3A_347 = arith.constant 2 : i32
      %add3A_348 = arith.addi %add3A_339, %add3A_347 : i32
      %lt3A_349 = arith.constant 160 : i32
      %lt3A_350 = arith.cmpi slt, %add3A_348, %lt3A_349 : i32
      %convert_element_type3A_351 = arith.extui %lt3A_350 : i1 to i32
      %cond3A_352 = arith.constant 0 : i32
      %cond3A_353 = arith.cmpi ne, %convert_element_type3A_351, %cond3A_352 : i32
      scf.if %cond3A_353 {
        %add3A_390 = arith.constant 2 : i32
        %add3A_391 = arith.addi %add3A_339, %add3A_390 : i32
        %mul3A_392 = arith.constant 160 : i32
        %mul3A_393 = arith.muli %arg1, %mul3A_392 : i32
        %add3A_394 = arith.addi %mul3A_393, %add3A_391 : i32
        %dma_start3A_395 = arith.constant 1 : i32
        %dma_start3A_396 = arith.constant 0 : i32
        %dma_start3A_397 = tpu.memref_slice %arg10[%dma_start3A_395, %dma_start3A_396] : memref<4x64xi32, #tpu.memory_space<vmem>> -> memref<1x64xi32, #tpu.memory_space<vmem>>
        %dma_start3A_398 = tpu.memref_squeeze %dma_start3A_397 : memref<1x64xi32, #tpu.memory_space<vmem>> -> memref<64xi32, #tpu.memory_space<vmem>>
        %dma_start3A_399 = arith.constant 0 : i32
        %dma_start3A_400 = tpu.memref_slice %arg5[%add3A_394, %dma_start3A_399] : memref<2560x64xi32, #tpu.memory_space<hbm>> -> memref<1x64xi32, #tpu.memory_space<hbm>>
        %dma_start3A_401 = tpu.memref_squeeze %dma_start3A_400 : memref<1x64xi32, #tpu.memory_space<hbm>> -> memref<64xi32, #tpu.memory_space<hbm>>
        %dma_start3A_402 = arith.constant 0 : i32
        %dma_start3A_403 = tpu.memref_slice %arg10[%dma_start3A_395, %dma_start3A_402] : memref<4x64xi32, #tpu.memory_space<vmem>> -> memref<1x64xi32, #tpu.memory_space<vmem>>
        %dma_start3A_404 = tpu.memref_squeeze %dma_start3A_403 : memref<1x64xi32, #tpu.memory_space<vmem>> -> memref<64xi32, #tpu.memory_space<vmem>>
        %dma_start3A_405 = arith.constant 0 : i32
        %dma_start3A_406 = tpu.memref_slice %arg5[%add3A_394, %dma_start3A_405] : memref<2560x64xi32, #tpu.memory_space<hbm>> -> memref<1x64xi32, #tpu.memory_space<hbm>>
        %dma_start3A_407 = tpu.memref_squeeze %dma_start3A_406 : memref<1x64xi32, #tpu.memory_space<hbm>> -> memref<64xi32, #tpu.memory_space<hbm>>
        tpu.enqueue_dma source(%dma_start3A_407 : memref<64xi32, #tpu.memory_space<hbm>>) target(%dma_start3A_404 : memref<64xi32, #tpu.memory_space<vmem>>) target_semaphore(%arg22 : memref<!tpu.dma_semaphore, #tpu.memory_space<semaphore_mem>>)
        %mul3A_408 = arith.constant 64 : i32
        %mul3A_409 = arith.muli %add3A_391, %mul3A_408 : i32
        %multiple_of3A_410 = tpu.assume_multiple %mul3A_409, 8 : i32
        %dma_start3A_411 = arith.constant 64 : i32
        %dma_start3A_412 = arith.constant 0 : i32
        %dma_start3A_413 = tpu.memref_slice %arg11[%dma_start3A_411, %dma_start3A_412] : memref<256x128xf32, #tpu.memory_space<vmem>> -> memref<64x128xf32, #tpu.memory_space<vmem>>
        %dma_start3A_414 = tpu.memref_slice %arg9[%multiple_of3A_410] : memref<10240xi32, #tpu.memory_space<vmem>> -> memref<64xi32, #tpu.memory_space<vmem>>
        %dma_start3A_415 = arith.constant 0 : i32
        %dma_start3A_416 = arith.constant 0 : i32
        %dma_start3A_417 = tpu.memref_slice %arg3[%dma_start3A_415, %dma_start3A_416] : memref<20480x128xf32, #tpu.memory_space<hbm>> -> memref<20480x128xf32, #tpu.memory_space<hbm>>
        tpu.enqueue_indirect_dma source(%dma_start3A_417 : memref<20480x128xf32, #tpu.memory_space<hbm>>) target(%dma_start3A_413 : memref<64x128xf32, #tpu.memory_space<vmem>>) offsets(%dma_start3A_414 : memref<64xi32, #tpu.memory_space<vmem>>) semaphore(%arg14 : memref<!tpu.dma_semaphore, #tpu.memory_space<semaphore_mem>>)
      } else {
      }
      %dma_wait3A_354 = arith.constant 192 : i32
      %dma_wait3A_355 = arith.constant 0 : i32
      %dma_wait3A_356 = tpu.memref_slice %arg11[%dma_wait3A_354, %dma_wait3A_355] : memref<256x128xf32, #tpu.memory_space<vmem>> -> memref<64x128xf32, #tpu.memory_space<vmem>>
      %dma_wait3A_357 = arith.constant 0 : i32
      %dma_wait3A_358 = arith.constant 0 : i32
      %dma_wait3A_359 = tpu.memref_slice %arg3[%dma_wait3A_357, %dma_wait3A_358] : memref<20480x128xf32, #tpu.memory_space<hbm>> -> memref<64x128xf32, #tpu.memory_space<hbm>>
      %dma_wait3A_360 = arith.constant 192 : i32
      %dma_wait3A_361 = arith.constant 0 : i32
      %dma_wait3A_362 = tpu.memref_slice %arg11[%dma_wait3A_360, %dma_wait3A_361] : memref<256x128xf32, #tpu.memory_space<vmem>> -> memref<64x128xf32, #tpu.memory_space<vmem>>
      %dma_wait3A_363 = arith.constant 0 : i32
      %dma_wait3A_364 = arith.constant 0 : i32
      %dma_wait3A_365 = tpu.memref_slice %arg3[%dma_wait3A_363, %dma_wait3A_364] : memref<20480x128xf32, #tpu.memory_space<hbm>> -> memref<64x128xf32, #tpu.memory_space<hbm>>
      tpu.wait_dma2 semaphore(%arg16 : memref<!tpu.dma_semaphore, #tpu.memory_space<semaphore_mem>>) src(%dma_wait3A_365 : memref<64x128xf32, #tpu.memory_space<hbm>>) dst(%dma_wait3A_362 : memref<64x128xf32, #tpu.memory_space<vmem>>)
      %dma_wait3A_366 = arith.constant 0 : i32
      %dma_wait3A_367 = arith.constant 3 : i32
      %dma_wait3A_368 = arith.constant 0 : i32
      %dma_wait3A_369 = tpu.memref_slice %arg10[%dma_wait3A_367, %dma_wait3A_368] : memref<4x64xi32, #tpu.memory_space<vmem>> -> memref<1x64xi32, #tpu.memory_space<vmem>>
      %dma_wait3A_370 = tpu.memref_squeeze %dma_wait3A_369 : memref<1x64xi32, #tpu.memory_space<vmem>> -> memref<64xi32, #tpu.memory_space<vmem>>
      %dma_wait3A_371 = arith.constant 0 : i32
      %dma_wait3A_372 = tpu.memref_slice %arg5[%dma_wait3A_366, %dma_wait3A_371] : memref<2560x64xi32, #tpu.memory_space<hbm>> -> memref<1x64xi32, #tpu.memory_space<hbm>>
      %dma_wait3A_373 = tpu.memref_squeeze %dma_wait3A_372 : memref<1x64xi32, #tpu.memory_space<hbm>> -> memref<64xi32, #tpu.memory_space<hbm>>
      %dma_wait3A_374 = arith.constant 0 : i32
      %dma_wait3A_375 = tpu.memref_slice %arg10[%dma_wait3A_367, %dma_wait3A_374] : memref<4x64xi32, #tpu.memory_space<vmem>> -> memref<1x64xi32, #tpu.memory_space<vmem>>
      %dma_wait3A_376 = tpu.memref_squeeze %dma_wait3A_375 : memref<1x64xi32, #tpu.memory_space<vmem>> -> memref<64xi32, #tpu.memory_space<vmem>>
      %dma_wait3A_377 = arith.constant 0 : i32
      %dma_wait3A_378 = tpu.memref_slice %arg5[%dma_wait3A_366, %dma_wait3A_377] : memref<2560x64xi32, #tpu.memory_space<hbm>> -> memref<1x64xi32, #tpu.memory_space<hbm>>
      %dma_wait3A_379 = tpu.memref_squeeze %dma_wait3A_378 : memref<1x64xi32, #tpu.memory_space<hbm>> -> memref<64xi32, #tpu.memory_space<hbm>>
      tpu.wait_dma2 semaphore(%arg24 : memref<!tpu.dma_semaphore, #tpu.memory_space<semaphore_mem>>) src(%dma_wait3A_379 : memref<64xi32, #tpu.memory_space<hbm>>) dst(%dma_wait3A_376 : memref<64xi32, #tpu.memory_space<vmem>>)
      %dma_start3A_380 = arith.constant 3 : i32
      %dma_start3A_381 = arith.constant 192 : i32
      %dma_start3A_382 = arith.constant 0 : i32
      %dma_start3A_383 = tpu.memref_slice %arg11[%dma_start3A_381, %dma_start3A_382] : memref<256x128xf32, #tpu.memory_space<vmem>> -> memref<64x128xf32, #tpu.memory_space<vmem>>
      %dma_start3A_384 = arith.constant 0 : i32
      %dma_start3A_385 = tpu.memref_slice %arg10[%dma_start3A_380, %dma_start3A_384] : memref<4x64xi32, #tpu.memory_space<vmem>> -> memref<1x64xi32, #tpu.memory_space<vmem>>
      %dma_start3A_386 = tpu.memref_squeeze %dma_start3A_385 : memref<1x64xi32, #tpu.memory_space<vmem>> -> memref<64xi32, #tpu.memory_space<vmem>>
      %dma_start3A_387 = arith.constant 0 : i32
      %dma_start3A_388 = arith.constant 0 : i32
      %dma_start3A_389 = tpu.memref_slice %arg12[%dma_start3A_387, %dma_start3A_388] : memref<10240x128xf32, #tpu.memory_space<vmem_shared>> -> memref<10240x128xf32, #tpu.memory_space<vmem_shared>>
      tpu.enqueue_indirect_dma source(%dma_start3A_383 : memref<64x128xf32, #tpu.memory_space<vmem>>) target(%dma_start3A_389 : memref<10240x128xf32, #tpu.memory_space<vmem_shared>>) offsets(%dma_start3A_386 : memref<64xi32, #tpu.memory_space<vmem>>) semaphore(%arg20 : memref<!tpu.dma_semaphore, #tpu.memory_space<semaphore_mem>>) {add = true}
    }
    %scan3A_148 = arith.constant 40 : i32
    %dma_wait3A_149 = arith.constant 128 : i32
    %dma_wait3A_150 = arith.constant 0 : i32
    %dma_wait3A_151 = tpu.memref_slice %arg11[%dma_wait3A_149, %dma_wait3A_150] : memref<256x128xf32, #tpu.memory_space<vmem>> -> memref<64x128xf32, #tpu.memory_space<vmem>>
    %dma_wait3A_152 = arith.constant 0 : i32
    %dma_wait3A_153 = arith.constant 0 : i32
    %dma_wait3A_154 = tpu.memref_slice %arg3[%dma_wait3A_152, %dma_wait3A_153] : memref<20480x128xf32, #tpu.memory_space<hbm>> -> memref<64x128xf32, #tpu.memory_space<hbm>>
    %dma_wait3A_155 = arith.constant 128 : i32
    %dma_wait3A_156 = arith.constant 0 : i32
    %dma_wait3A_157 = tpu.memref_slice %arg11[%dma_wait3A_155, %dma_wait3A_156] : memref<256x128xf32, #tpu.memory_space<vmem>> -> memref<64x128xf32, #tpu.memory_space<vmem>>
    %dma_wait3A_158 = arith.constant 0 : i32
    %dma_wait3A_159 = arith.constant 0 : i32
    %dma_wait3A_160 = tpu.memref_slice %arg3[%dma_wait3A_158, %dma_wait3A_159] : memref<20480x128xf32, #tpu.memory_space<hbm>> -> memref<64x128xf32, #tpu.memory_space<hbm>>
    tpu.wait_dma2 semaphore(%arg19 : memref<!tpu.dma_semaphore, #tpu.memory_space<semaphore_mem>>) src(%dma_wait3A_160 : memref<64x128xf32, #tpu.memory_space<hbm>>) dst(%dma_wait3A_157 : memref<64x128xf32, #tpu.memory_space<vmem>>)
    %dma_wait3A_161 = arith.constant 192 : i32
    %dma_wait3A_162 = arith.constant 0 : i32
    %dma_wait3A_163 = tpu.memref_slice %arg11[%dma_wait3A_161, %dma_wait3A_162] : memref<256x128xf32, #tpu.memory_space<vmem>> -> memref<64x128xf32, #tpu.memory_space<vmem>>
    %dma_wait3A_164 = arith.constant 0 : i32
    %dma_wait3A_165 = arith.constant 0 : i32
    %dma_wait3A_166 = tpu.memref_slice %arg3[%dma_wait3A_164, %dma_wait3A_165] : memref<20480x128xf32, #tpu.memory_space<hbm>> -> memref<64x128xf32, #tpu.memory_space<hbm>>
    %dma_wait3A_167 = arith.constant 192 : i32
    %dma_wait3A_168 = arith.constant 0 : i32
    %dma_wait3A_169 = tpu.memref_slice %arg11[%dma_wait3A_167, %dma_wait3A_168] : memref<256x128xf32, #tpu.memory_space<vmem>> -> memref<64x128xf32, #tpu.memory_space<vmem>>
    %dma_wait3A_170 = arith.constant 0 : i32
    %dma_wait3A_171 = arith.constant 0 : i32
    %dma_wait3A_172 = tpu.memref_slice %arg3[%dma_wait3A_170, %dma_wait3A_171] : memref<20480x128xf32, #tpu.memory_space<hbm>> -> memref<64x128xf32, #tpu.memory_space<hbm>>
    tpu.wait_dma2 semaphore(%arg20 : memref<!tpu.dma_semaphore, #tpu.memory_space<semaphore_mem>>) src(%dma_wait3A_172 : memref<64x128xf32, #tpu.memory_space<hbm>>) dst(%dma_wait3A_169 : memref<64x128xf32, #tpu.memory_space<vmem>>)
    %barrier3A_173 = arith.constant 0 : index
    tpu.barrier barrier_id(%barrier3A_173)
    %mul3A_174 = arith.constant 10240 : i32
    %mul3A_175 = arith.muli %arg0, %mul3A_174 : i32
    %add3A_176 = arith.addi %mul3A_175, %multiple_of3A : i32
    %multiple_of3A_177 = tpu.assume_multiple %add3A_176, 128 : i32
    "tpu.region"() ({
      %run_scoped3A = tpu.sem_alloc : memref<!tpu.dma_semaphore, #tpu.memory_space<semaphore_mem>>
      %dma_start3A_178 = arith.constant 0 : i32
      %dma_start3A_179 = tpu.memref_slice %arg8[%multiple_of3A_177, %dma_start3A_178] : memref<20480x128xf32, #tpu.memory_space<hbm>> -> memref<640x128xf32, #tpu.memory_space<hbm>>
      %dma_start3A_180 = arith.constant 0 : i32
      %dma_start3A_181 = tpu.memref_slice %arg12[%multiple_of3A, %dma_start3A_180] : memref<10240x128xf32, #tpu.memory_space<vmem_shared>> -> memref<640x128xf32, #tpu.memory_space<vmem_shared>>
      tpu.enqueue_dma source(%dma_start3A_181 : memref<640x128xf32, #tpu.memory_space<vmem_shared>>) target(%dma_start3A_179 : memref<640x128xf32, #tpu.memory_space<hbm>>) target_semaphore(%run_scoped3A : memref<!tpu.dma_semaphore, #tpu.memory_space<semaphore_mem>>)
      %dma_wait3A_182 = arith.constant 0 : i32
      %dma_wait3A_183 = tpu.memref_slice %arg8[%multiple_of3A_177, %dma_wait3A_182] : memref<20480x128xf32, #tpu.memory_space<hbm>> -> memref<640x128xf32, #tpu.memory_space<hbm>>
      %dma_wait3A_184 = arith.constant 0 : i32
      %dma_wait3A_185 = tpu.memref_slice %arg12[%multiple_of3A, %dma_wait3A_184] : memref<10240x128xf32, #tpu.memory_space<vmem_shared>> -> memref<640x128xf32, #tpu.memory_space<vmem_shared>>
      tpu.wait_dma2 semaphore(%run_scoped3A : memref<!tpu.dma_semaphore, #tpu.memory_space<semaphore_mem>>) src(%dma_wait3A_185 : memref<640x128xf32, #tpu.memory_space<vmem_shared>>) dst(%dma_wait3A_183 : memref<640x128xf32, #tpu.memory_space<hbm>>)
      tpu.yield
    }) : () -> ()
    return
  }
}

module attributes {stable_mosaic.version = 14 : i64} {
  func.func @_mm1_body(%arg0: i32, %arg1: memref<512x128xf32, #tpu.memory_space<vmem>>, %arg2: memref<512x128xf32, #tpu.memory_space<vmem>>, %arg3: memref<512x128xf32, #tpu.memory_space<vmem>>, %arg4: memref<128x256xf32, #tpu.memory_space<vmem>>, %arg5: memref<128x256xf32, #tpu.memory_space<vmem>>, %arg6: memref<512x128xf32, #tpu.memory_space<vmem>>, %arg7: memref<512x128xf32, #tpu.memory_space<vmem>>, %arg8: memref<512x128xf32, #tpu.memory_space<vmem>>) attributes {dimension_semantics = [#tpu.dimension_semantics<arbitrary>], iteration_bounds = array<i64: 40>, scalar_prefetch = 0 : i64, scratch_operands = 0 : i64, tpu.core_type = #tpu.core_type<tc>, window_params = [{transform_indices = @transform_0, window_bounds = array<i64: 512, 128>}, {transform_indices = @transform_1, window_bounds = array<i64: 512, 128>}, {transform_indices = @transform_2, window_bounds = array<i64: 512, 128>}, {pipeline_mode = #tpu.pipeline_mode<synchronous>, transform_indices = @transform_3, window_bounds = array<i64: 128, 256>}, {pipeline_mode = #tpu.pipeline_mode<synchronous>, transform_indices = @transform_4, window_bounds = array<i64: 128, 256>}, {transform_indices = @transform_5, window_bounds = array<i64: 512, 128>}, {transform_indices = @transform_6, window_bounds = array<i64: 512, 128>}, {transform_indices = @transform_7, window_bounds = array<i64: 512, 128>}]} {
    %get3A = arith.constant 0 : index
    %get3A_0 = arith.constant 0 : index
    %get3A_1 = vector.load %arg6[%get3A, %get3A_0] : memref<512x128xf32, #tpu.memory_space<vmem>>, vector<512x1xf32>
    %add3A = arith.constant 1.000000e+00 : f32
    %add3A_2 = vector.broadcast %add3A : f32 to vector<512x1xf32>
    %add3A_3 = arith.addf %get3A_1, %add3A_2 : vector<512x1xf32>
    %iota3A = tpu.iota {dimensions = array<i32: 0>} : vector<512x1xi32>
    %rem3A = arith.constant 20 : i32
    %rem3A_4 = arith.remsi %arg0, %rem3A : i32
    %mul3A = arith.constant 512 : i32
    %mul3A_5 = arith.muli %rem3A_4, %mul3A : i32
    %add3A_6 = vector.broadcast %mul3A_5 : i32 to vector<512x1xi32>
    %add3A_7 = arith.addi %iota3A, %add3A_6 : vector<512x1xi32>
    %lt3A = arith.constant 10000 : i32
    %lt3A_8 = vector.broadcast %lt3A : i32 to vector<512x1xi32>
    %lt3A_9 = arith.cmpi slt, %add3A_7, %lt3A_8 : vector<512x1xi32>
    %sqrt3A = math.sqrt %add3A_3 : vector<512x1xf32>
    %div3A = arith.constant 1.000000e+00 : f32
    %div3A_10 = vector.broadcast %div3A : f32 to vector<512x1xf32>
    %div3A_11 = arith.divf %div3A_10, %sqrt3A : vector<512x1xf32>
    %jit3A = arith.constant 0.000000e+00 : f32
    %broadcast_in_dim3A = vector.broadcast %jit3A : f32 to vector<512x1xf32>
    %select_n3A = arith.select %lt3A_9, %div3A_11, %broadcast_in_dim3A : vector<512x1xi1>, vector<512x1xf32>
    %get3A_12 = arith.constant 0 : index
    %get3A_13 = arith.constant 0 : index
    %get3A_14 = vector.load %arg2[%get3A_12, %get3A_13] : memref<512x128xf32, #tpu.memory_space<vmem>>, vector<512x128xf32>
    %get3A_15 = arith.constant 0 : index
    %get3A_16 = arith.constant 0 : index
    %get3A_17 = vector.load %arg3[%get3A_15, %get3A_16] : memref<512x128xf32, #tpu.memory_space<vmem>>, vector<512x128xf32>
    %add3A_18 = arith.addf %get3A_14, %get3A_17 : vector<512x128xf32>
    %get3A_19 = arith.constant 0 : index
    %get3A_20 = arith.constant 0 : index
    %get3A_21 = vector.load %arg1[%get3A_19, %get3A_20] : memref<512x128xf32, #tpu.memory_space<vmem>>, vector<512x128xf32>
    %get3A_22 = arith.constant 0 : index
    %get3A_23 = arith.constant 0 : index
    %get3A_24 = vector.load %arg4[%get3A_22, %get3A_23] : memref<128x256xf32, #tpu.memory_space<vmem>>, vector<128x256xf32>
    %convert_element_type3A = arith.truncf %get3A_21 : vector<512x128xf32> to vector<512x128xbf16>
    %convert_element_type3A_25 = arith.extf %convert_element_type3A : vector<512x128xbf16> to vector<512x128xf32>
    %sub3A = arith.subf %get3A_21, %convert_element_type3A_25 : vector<512x128xf32>
    %convert_element_type3A_26 = arith.truncf %sub3A : vector<512x128xf32> to vector<512x128xbf16>
    %convert_element_type3A_27 = arith.truncf %get3A_24 : vector<128x256xf32> to vector<128x256xbf16>
    %convert_element_type3A_28 = arith.extf %convert_element_type3A_27 : vector<128x256xbf16> to vector<128x256xf32>
    %sub3A_29 = arith.subf %get3A_24, %convert_element_type3A_28 : vector<128x256xf32>
    %convert_element_type3A_30 = arith.truncf %sub3A_29 : vector<128x256xf32> to vector<128x256xbf16>
    %dot_general3A = arith.constant dense<0.000000e+00> : vector<512x256xf32>
    %dot_general3A_31 = tpu.matmul %convert_element_type3A, %convert_element_type3A_27, %dot_general3A {dimension_numbers = #tpu.dot_dimension_numbers<[1], [0], [0], [1], [0, 0, 1, 1], [], []>, transpose_lhs_hint = false} : vector<512x128xbf16>, vector<128x256xbf16>, vector<512x256xf32> -> vector<512x256xf32>
    %dot_general3A_32 = arith.constant dense<0.000000e+00> : vector<512x256xf32>
    %dot_general3A_33 = tpu.matmul %convert_element_type3A, %convert_element_type3A_30, %dot_general3A_32 {dimension_numbers = #tpu.dot_dimension_numbers<[1], [0], [0], [1], [0, 0, 1, 1], [], []>, transpose_lhs_hint = false} : vector<512x128xbf16>, vector<128x256xbf16>, vector<512x256xf32> -> vector<512x256xf32>
    %add3A_34 = arith.addf %dot_general3A_31, %dot_general3A_33 : vector<512x256xf32>
    %dot_general3A_35 = arith.constant dense<0.000000e+00> : vector<512x256xf32>
    %dot_general3A_36 = tpu.matmul %convert_element_type3A_26, %convert_element_type3A_27, %dot_general3A_35 {dimension_numbers = #tpu.dot_dimension_numbers<[1], [0], [0], [1], [0, 0, 1, 1], [], []>, transpose_lhs_hint = false} : vector<512x128xbf16>, vector<128x256xbf16>, vector<512x256xf32> -> vector<512x256xf32>
    %add3A_37 = arith.addf %add3A_34, %dot_general3A_36 : vector<512x256xf32>
    %get3A_38 = arith.constant 0 : index
    %get3A_39 = arith.constant 0 : index
    %get3A_40 = vector.load %arg5[%get3A_38, %get3A_39] : memref<128x256xf32, #tpu.memory_space<vmem>>, vector<128x256xf32>
    %convert_element_type3A_41 = arith.truncf %add3A_18 : vector<512x128xf32> to vector<512x128xbf16>
    %convert_element_type3A_42 = arith.extf %convert_element_type3A_41 : vector<512x128xbf16> to vector<512x128xf32>
    %sub3A_43 = arith.subf %add3A_18, %convert_element_type3A_42 : vector<512x128xf32>
    %convert_element_type3A_44 = arith.truncf %sub3A_43 : vector<512x128xf32> to vector<512x128xbf16>
    %convert_element_type3A_45 = arith.truncf %get3A_40 : vector<128x256xf32> to vector<128x256xbf16>
    %convert_element_type3A_46 = arith.extf %convert_element_type3A_45 : vector<128x256xbf16> to vector<128x256xf32>
    %sub3A_47 = arith.subf %get3A_40, %convert_element_type3A_46 : vector<128x256xf32>
    %convert_element_type3A_48 = arith.truncf %sub3A_47 : vector<128x256xf32> to vector<128x256xbf16>
    %dot_general3A_49 = arith.constant dense<0.000000e+00> : vector<512x256xf32>
    %dot_general3A_50 = tpu.matmul %convert_element_type3A_41, %convert_element_type3A_45, %dot_general3A_49 {dimension_numbers = #tpu.dot_dimension_numbers<[1], [0], [0], [1], [0, 0, 1, 1], [], []>, transpose_lhs_hint = false} : vector<512x128xbf16>, vector<128x256xbf16>, vector<512x256xf32> -> vector<512x256xf32>
    %dot_general3A_51 = arith.constant dense<0.000000e+00> : vector<512x256xf32>
    %dot_general3A_52 = tpu.matmul %convert_element_type3A_41, %convert_element_type3A_48, %dot_general3A_51 {dimension_numbers = #tpu.dot_dimension_numbers<[1], [0], [0], [1], [0, 0, 1, 1], [], []>, transpose_lhs_hint = false} : vector<512x128xbf16>, vector<128x256xbf16>, vector<512x256xf32> -> vector<512x256xf32>
    %add3A_53 = arith.addf %dot_general3A_50, %dot_general3A_52 : vector<512x256xf32>
    %dot_general3A_54 = arith.constant dense<0.000000e+00> : vector<512x256xf32>
    %dot_general3A_55 = tpu.matmul %convert_element_type3A_44, %convert_element_type3A_45, %dot_general3A_54 {dimension_numbers = #tpu.dot_dimension_numbers<[1], [0], [0], [1], [0, 0, 1, 1], [], []>, transpose_lhs_hint = false} : vector<512x128xbf16>, vector<128x256xbf16>, vector<512x256xf32> -> vector<512x256xf32>
    %add3A_56 = arith.addf %add3A_53, %dot_general3A_55 : vector<512x256xf32>
    %add3A_57 = arith.addf %add3A_37, %add3A_56 : vector<512x256xf32>
    %mul3A_58 = vector.broadcast %select_n3A : vector<512x1xf32> to vector<512x256xf32>
    %mul3A_59 = arith.mulf %add3A_57, %mul3A_58 : vector<512x256xf32>
    %slice3A = vector.extract_strided_slice %mul3A_59 {offsets = [0, 0], sizes = [512, 128], strides = [1, 1]} : vector<512x256xf32> to vector<512x128xf32>
    %swap3A = arith.constant 0 : index
    %swap3A_60 = arith.constant 0 : index
    %swap3A_61 = vector.load %arg7[%swap3A, %swap3A_60] : memref<512x128xf32, #tpu.memory_space<vmem>>, vector<512x128xf32>
    tpu.vector_store %arg7[%swap3A, %swap3A_60], %slice3A {strides = array<i32>} : memref<512x128xf32, #tpu.memory_space<vmem>>, vector<512x128xf32>,
    %slice3A_62 = vector.extract_strided_slice %mul3A_59 {offsets = [0, 128], sizes = [512, 128], strides = [1, 1]} : vector<512x256xf32> to vector<512x128xf32>
    %swap3A_63 = arith.constant 0 : index
    %swap3A_64 = arith.constant 0 : index
    %swap3A_65 = vector.load %arg8[%swap3A_63, %swap3A_64] : memref<512x128xf32, #tpu.memory_space<vmem>>, vector<512x128xf32>
    tpu.vector_store %arg8[%swap3A_63, %swap3A_64], %slice3A_62 {strides = array<i32>} : memref<512x128xf32, #tpu.memory_space<vmem>>, vector<512x128xf32>,
    return
  }
  func.func @transform_0(%arg0: i32) -> (i32, i32) {
    %c0_i32 = arith.constant 0 : i32
    %c0_i32_0 = arith.constant 0 : i32
    return %arg0, %c0_i32 : i32, i32
  }
  func.func @transform_1(%arg0: i32) -> (i32, i32) {
    %c0_i32 = arith.constant 0 : i32
    %c0_i32_0 = arith.constant 0 : i32
    return %arg0, %c0_i32 : i32, i32
  }
  func.func @transform_2(%arg0: i32) -> (i32, i32) {
    %c0_i32 = arith.constant 0 : i32
    %c0_i32_0 = arith.constant 0 : i32
    return %arg0, %c0_i32 : i32, i32
  }
  func.func @transform_3(%arg0: i32) -> (i32, i32) {
    %c0_i32 = arith.constant 0 : i32
    %c0_i32_0 = arith.constant 0 : i32
    %c0_i32_1 = arith.constant 0 : i32
    return %c0_i32, %c0_i32_0 : i32, i32
  }
  func.func @transform_4(%arg0: i32) -> (i32, i32) {
    %c0_i32 = arith.constant 0 : i32
    %c0_i32_0 = arith.constant 0 : i32
    %c0_i32_1 = arith.constant 0 : i32
    return %c0_i32, %c0_i32_0 : i32, i32
  }
  func.func @transform_5(%arg0: i32) -> (i32, i32) {
    %rem3A = arith.constant 20 : i32
    %rem3A_0 = arith.remsi %arg0, %rem3A : i32
    %c0_i32 = arith.constant 0 : i32
    %c0_i32_1 = arith.constant 0 : i32
    return %rem3A_0, %c0_i32 : i32, i32
  }
  func.func @transform_6(%arg0: i32) -> (i32, i32) {
    %c0_i32 = arith.constant 0 : i32
    %c0_i32_0 = arith.constant 0 : i32
    return %arg0, %c0_i32 : i32, i32
  }
  func.func @transform_7(%arg0: i32) -> (i32, i32) {
    %c0_i32 = arith.constant 0 : i32
    %c0_i32_0 = arith.constant 0 : i32
    return %arg0, %c0_i32 : i32, i32
  }
}

module attributes {stable_mosaic.version = 14 : i64} {
  func.func @_mm2_body(%arg0: i32, %arg1: memref<512x128xf32, #tpu.memory_space<vmem>>, %arg2: memref<512x128xf32, #tpu.memory_space<vmem>>, %arg3: memref<512x128xf32, #tpu.memory_space<vmem>>, %arg4: memref<512x128xf32, #tpu.memory_space<vmem>>, %arg5: memref<512x128xf32, #tpu.memory_space<vmem>>, %arg6: memref<1x256xf32, #tpu.memory_space<vmem>>, %arg7: memref<256x256xf32, #tpu.memory_space<vmem>>, %arg8: memref<512x128xf32, #tpu.memory_space<vmem>>, %arg9: memref<512x128xf32, #tpu.memory_space<vmem>>) attributes {dimension_semantics = [#tpu.dimension_semantics<arbitrary>], iteration_bounds = array<i64: 40>, scalar_prefetch = 0 : i64, scratch_operands = 0 : i64, tpu.core_type = #tpu.core_type<tc>, window_params = [{transform_indices = @transform_0, window_bounds = array<i64: 512, 128>}, {transform_indices = @transform_1, window_bounds = array<i64: 512, 128>}, {transform_indices = @transform_2, window_bounds = array<i64: 512, 128>}, {transform_indices = @transform_3, window_bounds = array<i64: 512, 128>}, {transform_indices = @transform_4, window_bounds = array<i64: 512, 128>}, {pipeline_mode = #tpu.pipeline_mode<synchronous>, transform_indices = @transform_5, window_bounds = array<i64: 1, 256>}, {pipeline_mode = #tpu.pipeline_mode<synchronous>, transform_indices = @transform_6, window_bounds = array<i64: 256, 256>}, {transform_indices = @transform_7, window_bounds = array<i64: 512, 128>}, {transform_indices = @transform_8, window_bounds = array<i64: 512, 128>}]} {
    %get3A = arith.constant 0 : index
    %get3A_0 = arith.constant 0 : index
    %get3A_1 = vector.load %arg5[%get3A, %get3A_0] : memref<512x128xf32, #tpu.memory_space<vmem>>, vector<512x1xf32>
    %add3A = arith.constant 1.000000e+00 : f32
    %add3A_2 = vector.broadcast %add3A : f32 to vector<512x1xf32>
    %add3A_3 = arith.addf %get3A_1, %add3A_2 : vector<512x1xf32>
    %iota3A = tpu.iota {dimensions = array<i32: 0>} : vector<512x1xi32>
    %rem3A = arith.constant 20 : i32
    %rem3A_4 = arith.remsi %arg0, %rem3A : i32
    %mul3A = arith.constant 512 : i32
    %mul3A_5 = arith.muli %rem3A_4, %mul3A : i32
    %add3A_6 = vector.broadcast %mul3A_5 : i32 to vector<512x1xi32>
    %add3A_7 = arith.addi %iota3A, %add3A_6 : vector<512x1xi32>
    %lt3A = arith.constant 10000 : i32
    %lt3A_8 = vector.broadcast %lt3A : i32 to vector<512x1xi32>
    %lt3A_9 = arith.cmpi slt, %add3A_7, %lt3A_8 : vector<512x1xi32>
    %sqrt3A = math.sqrt %add3A_3 : vector<512x1xf32>
    %div3A = arith.constant 1.000000e+00 : f32
    %div3A_10 = vector.broadcast %div3A : f32 to vector<512x1xf32>
    %div3A_11 = arith.divf %div3A_10, %sqrt3A : vector<512x1xf32>
    %jit3A = arith.constant 0.000000e+00 : f32
    %broadcast_in_dim3A = vector.broadcast %jit3A : f32 to vector<512x1xf32>
    %select_n3A = arith.select %lt3A_9, %div3A_11, %broadcast_in_dim3A : vector<512x1xi1>, vector<512x1xf32>
    %get3A_12 = arith.constant 0 : index
    %get3A_13 = arith.constant 0 : index
    %get3A_14 = vector.load %arg1[%get3A_12, %get3A_13] : memref<512x128xf32, #tpu.memory_space<vmem>>, vector<512x128xf32>
    %get3A_15 = arith.constant 0 : index
    %get3A_16 = arith.constant 0 : index
    %get3A_17 = vector.load %arg2[%get3A_15, %get3A_16] : memref<512x128xf32, #tpu.memory_space<vmem>>, vector<512x128xf32>
    %concatenate3A = tpu.concatenate %get3A_14, %get3A_17 in 1 : vector<512x128xf32>, vector<512x128xf32> -> vector<512x256xf32>
    %get3A_18 = arith.constant 0 : index
    %get3A_19 = arith.constant 0 : index
    %get3A_20 = vector.load %arg3[%get3A_18, %get3A_19] : memref<512x128xf32, #tpu.memory_space<vmem>>, vector<512x128xf32>
    %get3A_21 = arith.constant 0 : index
    %get3A_22 = arith.constant 0 : index
    %get3A_23 = vector.load %arg4[%get3A_21, %get3A_22] : memref<512x128xf32, #tpu.memory_space<vmem>>, vector<512x128xf32>
    %concatenate3A_24 = tpu.concatenate %get3A_20, %get3A_23 in 1 : vector<512x128xf32>, vector<512x128xf32> -> vector<512x256xf32>
    %add3A_25 = arith.addf %concatenate3A, %concatenate3A_24 : vector<512x256xf32>
    %mul3A_26 = vector.broadcast %select_n3A : vector<512x1xf32> to vector<512x256xf32>
    %mul3A_27 = arith.mulf %mul3A_26, %add3A_25 : vector<512x256xf32>
    %get3A_28 = arith.constant 0 : index
    %get3A_29 = arith.constant 0 : index
    %get3A_30 = vector.load %arg6[%get3A_28, %get3A_29] : memref<1x256xf32, #tpu.memory_space<vmem>>, vector<1x256xf32>
    %add3A_31 = vector.broadcast %get3A_30 : vector<1x256xf32> to vector<512x256xf32>
    %add3A_32 = arith.addf %mul3A_27, %add3A_31 : vector<512x256xf32>
    %max3A = arith.constant 0.000000e+00 : f32
    %max3A_33 = vector.broadcast %max3A : f32 to vector<512x256xf32>
    %max3A_34 = arith.maximumf %add3A_32, %max3A_33 : vector<512x256xf32>
    %get3A_35 = arith.constant 0 : index
    %get3A_36 = arith.constant 0 : index
    %get3A_37 = vector.load %arg7[%get3A_35, %get3A_36] : memref<256x256xf32, #tpu.memory_space<vmem>>, vector<256x256xf32>
    %convert_element_type3A = arith.truncf %max3A_34 : vector<512x256xf32> to vector<512x256xbf16>
    %convert_element_type3A_38 = arith.extf %convert_element_type3A : vector<512x256xbf16> to vector<512x256xf32>
    %sub3A = arith.subf %max3A_34, %convert_element_type3A_38 : vector<512x256xf32>
    %convert_element_type3A_39 = arith.truncf %sub3A : vector<512x256xf32> to vector<512x256xbf16>
    %convert_element_type3A_40 = arith.truncf %get3A_37 : vector<256x256xf32> to vector<256x256xbf16>
    %convert_element_type3A_41 = arith.extf %convert_element_type3A_40 : vector<256x256xbf16> to vector<256x256xf32>
    %sub3A_42 = arith.subf %get3A_37, %convert_element_type3A_41 : vector<256x256xf32>
    %convert_element_type3A_43 = arith.truncf %sub3A_42 : vector<256x256xf32> to vector<256x256xbf16>
    %dot_general3A = arith.constant dense<0.000000e+00> : vector<512x256xf32>
    %dot_general3A_44 = tpu.matmul %convert_element_type3A, %convert_element_type3A_40, %dot_general3A {dimension_numbers = #tpu.dot_dimension_numbers<[1], [0], [0], [1], [0, 0, 1, 1], [], []>, transpose_lhs_hint = false} : vector<512x256xbf16>, vector<256x256xbf16>, vector<512x256xf32> -> vector<512x256xf32>
    %dot_general3A_45 = arith.constant dense<0.000000e+00> : vector<512x256xf32>
    %dot_general3A_46 = tpu.matmul %convert_element_type3A, %convert_element_type3A_43, %dot_general3A_45 {dimension_numbers = #tpu.dot_dimension_numbers<[1], [0], [0], [1], [0, 0, 1, 1], [], []>, transpose_lhs_hint = false} : vector<512x256xbf16>, vector<256x256xbf16>, vector<512x256xf32> -> vector<512x256xf32>
    %add3A_47 = arith.addf %dot_general3A_44, %dot_general3A_46 : vector<512x256xf32>
    %dot_general3A_48 = arith.constant dense<0.000000e+00> : vector<512x256xf32>
    %dot_general3A_49 = tpu.matmul %convert_element_type3A_39, %convert_element_type3A_40, %dot_general3A_48 {dimension_numbers = #tpu.dot_dimension_numbers<[1], [0], [0], [1], [0, 0, 1, 1], [], []>, transpose_lhs_hint = false} : vector<512x256xbf16>, vector<256x256xbf16>, vector<512x256xf32> -> vector<512x256xf32>
    %add3A_50 = arith.addf %add3A_47, %dot_general3A_49 : vector<512x256xf32>
    %mul3A_51 = vector.broadcast %select_n3A : vector<512x1xf32> to vector<512x256xf32>
    %mul3A_52 = arith.mulf %add3A_50, %mul3A_51 : vector<512x256xf32>
    %slice3A = vector.extract_strided_slice %mul3A_52 {offsets = [0, 0], sizes = [512, 128], strides = [1, 1]} : vector<512x256xf32> to vector<512x128xf32>
    %swap3A = arith.constant 0 : index
    %swap3A_53 = arith.constant 0 : index
    %swap3A_54 = vector.load %arg8[%swap3A, %swap3A_53] : memref<512x128xf32, #tpu.memory_space<vmem>>, vector<512x128xf32>
    tpu.vector_store %arg8[%swap3A, %swap3A_53], %slice3A {strides = array<i32>} : memref<512x128xf32, #tpu.memory_space<vmem>>, vector<512x128xf32>,
    %slice3A_55 = vector.extract_strided_slice %mul3A_52 {offsets = [0, 128], sizes = [512, 128], strides = [1, 1]} : vector<512x256xf32> to vector<512x128xf32>
    %swap3A_56 = arith.constant 0 : index
    %swap3A_57 = arith.constant 0 : index
    %swap3A_58 = vector.load %arg9[%swap3A_56, %swap3A_57] : memref<512x128xf32, #tpu.memory_space<vmem>>, vector<512x128xf32>
    tpu.vector_store %arg9[%swap3A_56, %swap3A_57], %slice3A_55 {strides = array<i32>} : memref<512x128xf32, #tpu.memory_space<vmem>>, vector<512x128xf32>,
    return
  }
  func.func @transform_0(%arg0: i32) -> (i32, i32) {
    %c0_i32 = arith.constant 0 : i32
    %c0_i32_0 = arith.constant 0 : i32
    return %arg0, %c0_i32 : i32, i32
  }
  func.func @transform_1(%arg0: i32) -> (i32, i32) {
    %c0_i32 = arith.constant 0 : i32
    %c0_i32_0 = arith.constant 0 : i32
    return %arg0, %c0_i32 : i32, i32
  }
  func.func @transform_2(%arg0: i32) -> (i32, i32) {
    %c0_i32 = arith.constant 0 : i32
    %c0_i32_0 = arith.constant 0 : i32
    return %arg0, %c0_i32 : i32, i32
  }
  func.func @transform_3(%arg0: i32) -> (i32, i32) {
    %c0_i32 = arith.constant 0 : i32
    %c0_i32_0 = arith.constant 0 : i32
    return %arg0, %c0_i32 : i32, i32
  }
  func.func @transform_4(%arg0: i32) -> (i32, i32) {
    %rem3A = arith.constant 20 : i32
    %rem3A_0 = arith.remsi %arg0, %rem3A : i32
    %c0_i32 = arith.constant 0 : i32
    %c0_i32_1 = arith.constant 0 : i32
    return %rem3A_0, %c0_i32 : i32, i32
  }
  func.func @transform_5(%arg0: i32) -> (i32, i32) {
    %c0_i32 = arith.constant 0 : i32
    %c0_i32_0 = arith.constant 0 : i32
    %c0_i32_1 = arith.constant 0 : i32
    return %c0_i32, %c0_i32_0 : i32, i32
  }
  func.func @transform_6(%arg0: i32) -> (i32, i32) {
    %c0_i32 = arith.constant 0 : i32
    %c0_i32_0 = arith.constant 0 : i32
    %c0_i32_1 = arith.constant 0 : i32
    return %c0_i32, %c0_i32_0 : i32, i32
  }
  func.func @transform_7(%arg0: i32) -> (i32, i32) {
    %c0_i32 = arith.constant 0 : i32
    %c0_i32_0 = arith.constant 0 : i32
    return %arg0, %c0_i32 : i32, i32
  }
  func.func @transform_8(%arg0: i32) -> (i32, i32) {
    %c0_i32 = arith.constant 0 : i32
    %c0_i32_0 = arith.constant 0 : i32
    return %arg0, %c0_i32 : i32, i32
  }
}

module attributes {stable_mosaic.version = 14 : i64} {
  func.func @_mm3_body(%arg0: i32, %arg1: memref<512x128xf32, #tpu.memory_space<vmem>>, %arg2: memref<512x128xf32, #tpu.memory_space<vmem>>, %arg3: memref<512x128xf32, #tpu.memory_space<vmem>>, %arg4: memref<512x128xf32, #tpu.memory_space<vmem>>, %arg5: memref<512x128xf32, #tpu.memory_space<vmem>>, %arg6: memref<1x256xf32, #tpu.memory_space<vmem>>, %arg7: memref<512x256xf32, #tpu.memory_space<vmem>>, %arg8: memref<1x256xf32, #tpu.memory_space<vmem>>) attributes {dimension_semantics = [#tpu.dimension_semantics<arbitrary>], iteration_bounds = array<i64: 40>, scalar_prefetch = 0 : i64, scratch_operands = 0 : i64, tpu.core_type = #tpu.core_type<tc>, window_params = [{transform_indices = @transform_0, window_bounds = array<i64: 512, 128>}, {transform_indices = @transform_1, window_bounds = array<i64: 512, 128>}, {transform_indices = @transform_2, window_bounds = array<i64: 512, 128>}, {transform_indices = @transform_3, window_bounds = array<i64: 512, 128>}, {transform_indices = @transform_4, window_bounds = array<i64: 512, 128>}, {pipeline_mode = #tpu.pipeline_mode<synchronous>, transform_indices = @transform_5, window_bounds = array<i64: 1, 256>}, {transform_indices = @transform_6, window_bounds = array<i64: 512, 256>}, {pipeline_mode = #tpu.pipeline_mode<synchronous>, transform_indices = @transform_7, window_bounds = array<i64: 1, 256>}]} {
    %get3A = arith.constant 0 : index
    %get3A_0 = arith.constant 0 : index
    %get3A_1 = vector.load %arg5[%get3A, %get3A_0] : memref<512x128xf32, #tpu.memory_space<vmem>>, vector<512x1xf32>
    %add3A = arith.constant 1.000000e+00 : f32
    %add3A_2 = vector.broadcast %add3A : f32 to vector<512x1xf32>
    %add3A_3 = arith.addf %get3A_1, %add3A_2 : vector<512x1xf32>
    %iota3A = tpu.iota {dimensions = array<i32: 0>} : vector<512x1xi32>
    %rem3A = arith.constant 20 : i32
    %rem3A_4 = arith.remsi %arg0, %rem3A : i32
    %mul3A = arith.constant 512 : i32
    %mul3A_5 = arith.muli %rem3A_4, %mul3A : i32
    %add3A_6 = vector.broadcast %mul3A_5 : i32 to vector<512x1xi32>
    %add3A_7 = arith.addi %iota3A, %add3A_6 : vector<512x1xi32>
    %lt3A = arith.constant 10000 : i32
    %lt3A_8 = vector.broadcast %lt3A : i32 to vector<512x1xi32>
    %lt3A_9 = arith.cmpi slt, %add3A_7, %lt3A_8 : vector<512x1xi32>
    %sqrt3A = math.sqrt %add3A_3 : vector<512x1xf32>
    %div3A = arith.constant 1.000000e+00 : f32
    %div3A_10 = vector.broadcast %div3A : f32 to vector<512x1xf32>
    %div3A_11 = arith.divf %div3A_10, %sqrt3A : vector<512x1xf32>
    %jit3A = arith.constant 0.000000e+00 : f32
    %broadcast_in_dim3A = vector.broadcast %jit3A : f32 to vector<512x1xf32>
    %select_n3A = arith.select %lt3A_9, %div3A_11, %broadcast_in_dim3A : vector<512x1xi1>, vector<512x1xf32>
    %get3A_12 = arith.constant 0 : index
    %get3A_13 = arith.constant 0 : index
    %get3A_14 = vector.load %arg1[%get3A_12, %get3A_13] : memref<512x128xf32, #tpu.memory_space<vmem>>, vector<512x128xf32>
    %get3A_15 = arith.constant 0 : index
    %get3A_16 = arith.constant 0 : index
    %get3A_17 = vector.load %arg2[%get3A_15, %get3A_16] : memref<512x128xf32, #tpu.memory_space<vmem>>, vector<512x128xf32>
    %concatenate3A = tpu.concatenate %get3A_14, %get3A_17 in 1 : vector<512x128xf32>, vector<512x128xf32> -> vector<512x256xf32>
    %get3A_18 = arith.constant 0 : index
    %get3A_19 = arith.constant 0 : index
    %get3A_20 = vector.load %arg3[%get3A_18, %get3A_19] : memref<512x128xf32, #tpu.memory_space<vmem>>, vector<512x128xf32>
    %get3A_21 = arith.constant 0 : index
    %get3A_22 = arith.constant 0 : index
    %get3A_23 = vector.load %arg4[%get3A_21, %get3A_22] : memref<512x128xf32, #tpu.memory_space<vmem>>, vector<512x128xf32>
    %concatenate3A_24 = tpu.concatenate %get3A_20, %get3A_23 in 1 : vector<512x128xf32>, vector<512x128xf32> -> vector<512x256xf32>
    %add3A_25 = arith.addf %concatenate3A, %concatenate3A_24 : vector<512x256xf32>
    %mul3A_26 = vector.broadcast %select_n3A : vector<512x1xf32> to vector<512x256xf32>
    %mul3A_27 = arith.mulf %mul3A_26, %add3A_25 : vector<512x256xf32>
    %get3A_28 = arith.constant 0 : index
    %get3A_29 = arith.constant 0 : index
    %get3A_30 = vector.load %arg6[%get3A_28, %get3A_29] : memref<1x256xf32, #tpu.memory_space<vmem>>, vector<1x256xf32>
    %add3A_31 = vector.broadcast %get3A_30 : vector<1x256xf32> to vector<512x256xf32>
    %add3A_32 = arith.addf %mul3A_27, %add3A_31 : vector<512x256xf32>
    %max3A = arith.constant 0.000000e+00 : f32
    %max3A_33 = vector.broadcast %max3A : f32 to vector<512x256xf32>
    %max3A_34 = arith.maximumf %add3A_32, %max3A_33 : vector<512x256xf32>
    %swap3A = arith.constant 0 : index
    %swap3A_35 = arith.constant 0 : index
    %swap3A_36 = vector.load %arg7[%swap3A, %swap3A_35] : memref<512x256xf32, #tpu.memory_space<vmem>>, vector<512x256xf32>
    tpu.vector_store %arg7[%swap3A, %swap3A_35], %max3A_34 {strides = array<i32>} : memref<512x256xf32, #tpu.memory_space<vmem>>, vector<512x256xf32>,
    %iota3A_37 = tpu.iota {dimensions = array<i32: 0>} : vector<512x1xi32>
    %mul3A_38 = arith.constant 512 : i32
    %mul3A_39 = arith.muli %arg0, %mul3A_38 : i32
    %add3A_40 = vector.broadcast %mul3A_39 : i32 to vector<512x1xi32>
    %add3A_41 = arith.addi %iota3A_37, %add3A_40 : vector<512x1xi32>
    %lt3A_42 = arith.constant 10000 : i32
    %lt3A_43 = vector.broadcast %lt3A_42 : i32 to vector<512x1xi32>
    %lt3A_44 = arith.cmpi slt, %add3A_41, %lt3A_43 : vector<512x1xi32>
    %jit3A_45 = arith.constant 0.000000e+00 : f32
    %broadcast_in_dim3A_46 = vector.shape_cast %lt3A_44 : vector<512x1xi1> to vector<512x1xi1>
    %broadcast_in_dim3A_47 = vector.broadcast %broadcast_in_dim3A_46 : vector<512x1xi1> to vector<512x256xi1>
    %broadcast_in_dim3A_48 = vector.broadcast %jit3A_45 : f32 to vector<512x256xf32>
    %select_n3A_49 = arith.select %broadcast_in_dim3A_47, %max3A_34, %broadcast_in_dim3A_48 : vector<512x256xi1>, vector<512x256xf32>
    %reduce_sum3A = arith.constant dense<0.000000e+00> : vector<256xf32>
    %reduce_sum3A_50 = vector.multi_reduction <add>, %select_n3A_49, %reduce_sum3A [0] : vector<512x256xf32> to vector<256xf32>
    %broadcast_in_dim3A_51 = vector.shape_cast %reduce_sum3A_50 : vector<256xf32> to vector<1x256xf32>
    %eq3A = arith.constant 0 : i32
    %eq3A_52 = arith.cmpi eq, %arg0, %eq3A : i32
    %convert_element_type3A = arith.extui %eq3A_52 : i1 to i32
    %cond3A = arith.constant 0 : i32
    %cond3A_53 = arith.cmpi ne, %convert_element_type3A, %cond3A : i32
    scf.if %cond3A_53 {
      %broadcast_in_dim3A_61 = arith.constant 0.000000e+00 : f32
      %broadcast_in_dim3A_62 = vector.broadcast %broadcast_in_dim3A_61 : f32 to vector<1x256xf32>
      %swap3A_63 = arith.constant 0 : index
      %swap3A_64 = arith.constant 0 : index
      %swap3A_65 = vector.load %arg8[%swap3A_63, %swap3A_64] : memref<1x256xf32, #tpu.memory_space<vmem>>, vector<1x256xf32>
      tpu.vector_store %arg8[%swap3A_63, %swap3A_64], %broadcast_in_dim3A_62 {strides = array<i32>} : memref<1x256xf32, #tpu.memory_space<vmem>>, vector<1x256xf32>,
    } else {
    }
    %get3A_54 = arith.constant 0 : index
    %get3A_55 = arith.constant 0 : index
    %get3A_56 = vector.load %arg8[%get3A_54, %get3A_55] : memref<1x256xf32, #tpu.memory_space<vmem>>, vector<1x256xf32>
    %add3A_57 = arith.addf %get3A_56, %broadcast_in_dim3A_51 : vector<1x256xf32>
    %swap3A_58 = arith.constant 0 : index
    %swap3A_59 = arith.constant 0 : index
    %swap3A_60 = vector.load %arg8[%swap3A_58, %swap3A_59] : memref<1x256xf32, #tpu.memory_space<vmem>>, vector<1x256xf32>
    tpu.vector_store %arg8[%swap3A_58, %swap3A_59], %add3A_57 {strides = array<i32>} : memref<1x256xf32, #tpu.memory_space<vmem>>, vector<1x256xf32>,
    return
  }
  func.func @transform_0(%arg0: i32) -> (i32, i32) {
    %c0_i32 = arith.constant 0 : i32
    %c0_i32_0 = arith.constant 0 : i32
    return %arg0, %c0_i32 : i32, i32
  }
  func.func @transform_1(%arg0: i32) -> (i32, i32) {
    %c0_i32 = arith.constant 0 : i32
    %c0_i32_0 = arith.constant 0 : i32
    return %arg0, %c0_i32 : i32, i32
  }
  func.func @transform_2(%arg0: i32) -> (i32, i32) {
    %c0_i32 = arith.constant 0 : i32
    %c0_i32_0 = arith.constant 0 : i32
    return %arg0, %c0_i32 : i32, i32
  }
  func.func @transform_3(%arg0: i32) -> (i32, i32) {
    %c0_i32 = arith.constant 0 : i32
    %c0_i32_0 = arith.constant 0 : i32
    return %arg0, %c0_i32 : i32, i32
  }
  func.func @transform_4(%arg0: i32) -> (i32, i32) {
    %rem3A = arith.constant 20 : i32
    %rem3A_0 = arith.remsi %arg0, %rem3A : i32
    %c0_i32 = arith.constant 0 : i32
    %c0_i32_1 = arith.constant 0 : i32
    return %rem3A_0, %c0_i32 : i32, i32
  }
  func.func @transform_5(%arg0: i32) -> (i32, i32) {
    %c0_i32 = arith.constant 0 : i32
    %c0_i32_0 = arith.constant 0 : i32
    %c0_i32_1 = arith.constant 0 : i32
    return %c0_i32, %c0_i32_0 : i32, i32
  }
  func.func @transform_6(%arg0: i32) -> (i32, i32) {
    %c0_i32 = arith.constant 0 : i32
    %c0_i32_0 = arith.constant 0 : i32
    return %arg0, %c0_i32 : i32, i32
  }
  func.func @transform_7(%arg0: i32) -> (i32, i32) {
    %c0_i32 = arith.constant 0 : i32
    %c0_i32_0 = arith.constant 0 : i32
    %c0_i32_1 = arith.constant 0 : i32
    return %c0_i32, %c0_i32_0 : i32, i32
  }
}

module attributes {stable_mosaic.version = 14 : i64} {
  func.func @_read_body(%arg0: i32, %arg1: memref<512x256xf32, #tpu.memory_space<vmem>>, %arg2: memref<1x256xf32, #tpu.memory_space<vmem>>, %arg3: memref<256x256xf32, #tpu.memory_space<vmem>>, %arg4: memref<1x128xf32, #tpu.memory_space<vmem>>, %arg5: memref<512x1xf32, #tpu.memory_space<vmem>>) attributes {dimension_semantics = [#tpu.dimension_semantics<arbitrary>], iteration_bounds = array<i64: 40>, scalar_prefetch = 0 : i64, scratch_operands = 0 : i64, tpu.core_type = #tpu.core_type<tc>, window_params = [{transform_indices = @transform_0, window_bounds = array<i64: 512, 256>}, {pipeline_mode = #tpu.pipeline_mode<synchronous>, transform_indices = @transform_1, window_bounds = array<i64: 1, 256>}, {pipeline_mode = #tpu.pipeline_mode<synchronous>, transform_indices = @transform_2, window_bounds = array<i64: 256, 256>}, {pipeline_mode = #tpu.pipeline_mode<synchronous>, transform_indices = @transform_3, window_bounds = array<i64: 1, 128>}, {transform_indices = @transform_4, window_bounds = array<i64: 512, 1>}]} {
    %get3A = arith.constant 0 : index
    %get3A_0 = arith.constant 0 : index
    %get3A_1 = vector.load %arg2[%get3A, %get3A_0] : memref<1x256xf32, #tpu.memory_space<vmem>>, vector<1x256xf32>
    %mul3A = arith.constant 9.99999974E-5 : f32
    %mul3A_2 = vector.broadcast %mul3A : f32 to vector<1x256xf32>
    %mul3A_3 = arith.mulf %get3A_1, %mul3A_2 : vector<1x256xf32>
    %logistic3A = arith.negf %mul3A_3 : vector<1x256xf32>
    %logistic3A_4 = math.exp %logistic3A : vector<1x256xf32>
    %logistic3A_5 = arith.constant 1.000000e+00 : f32
    %logistic3A_6 = vector.broadcast %logistic3A_5 : f32 to vector<1x256xf32>
    %logistic3A_7 = arith.addf %logistic3A_6, %logistic3A_4 : vector<1x256xf32>
    %logistic3A_8 = arith.divf %logistic3A_6, %logistic3A_7 : vector<1x256xf32>
    %get3A_9 = arith.constant 0 : index
    %get3A_10 = arith.constant 0 : index
    %get3A_11 = vector.load %arg1[%get3A_9, %get3A_10] : memref<512x256xf32, #tpu.memory_space<vmem>>, vector<512x256xf32>
    %get3A_12 = arith.constant 0 : index
    %get3A_13 = arith.constant 0 : index
    %get3A_14 = vector.load %arg3[%get3A_12, %get3A_13] : memref<256x256xf32, #tpu.memory_space<vmem>>, vector<256x256xf32>
    %convert_element_type3A = arith.truncf %get3A_11 : vector<512x256xf32> to vector<512x256xbf16>
    %convert_element_type3A_15 = arith.extf %convert_element_type3A : vector<512x256xbf16> to vector<512x256xf32>
    %sub3A = arith.subf %get3A_11, %convert_element_type3A_15 : vector<512x256xf32>
    %convert_element_type3A_16 = arith.truncf %sub3A : vector<512x256xf32> to vector<512x256xbf16>
    %convert_element_type3A_17 = arith.truncf %get3A_14 : vector<256x256xf32> to vector<256x256xbf16>
    %convert_element_type3A_18 = arith.extf %convert_element_type3A_17 : vector<256x256xbf16> to vector<256x256xf32>
    %sub3A_19 = arith.subf %get3A_14, %convert_element_type3A_18 : vector<256x256xf32>
    %convert_element_type3A_20 = arith.truncf %sub3A_19 : vector<256x256xf32> to vector<256x256xbf16>
    %dot_general3A = arith.constant dense<0.000000e+00> : vector<512x256xf32>
    %dot_general3A_21 = tpu.matmul %convert_element_type3A, %convert_element_type3A_17, %dot_general3A {dimension_numbers = #tpu.dot_dimension_numbers<[1], [0], [0], [1], [0, 0, 1, 1], [], []>, transpose_lhs_hint = false} : vector<512x256xbf16>, vector<256x256xbf16>, vector<512x256xf32> -> vector<512x256xf32>
    %dot_general3A_22 = arith.constant dense<0.000000e+00> : vector<512x256xf32>
    %dot_general3A_23 = tpu.matmul %convert_element_type3A, %convert_element_type3A_20, %dot_general3A_22 {dimension_numbers = #tpu.dot_dimension_numbers<[1], [0], [0], [1], [0, 0, 1, 1], [], []>, transpose_lhs_hint = false} : vector<512x256xbf16>, vector<256x256xbf16>, vector<512x256xf32> -> vector<512x256xf32>
    %add3A = arith.addf %dot_general3A_21, %dot_general3A_23 : vector<512x256xf32>
    %dot_general3A_24 = arith.constant dense<0.000000e+00> : vector<512x256xf32>
    %dot_general3A_25 = tpu.matmul %convert_element_type3A_16, %convert_element_type3A_17, %dot_general3A_24 {dimension_numbers = #tpu.dot_dimension_numbers<[1], [0], [0], [1], [0, 0, 1, 1], [], []>, transpose_lhs_hint = false} : vector<512x256xbf16>, vector<256x256xbf16>, vector<512x256xf32> -> vector<512x256xf32>
    %add3A_26 = arith.addf %add3A, %dot_general3A_25 : vector<512x256xf32>
    %mul3A_27 = vector.broadcast %logistic3A_8 : vector<1x256xf32> to vector<512x256xf32>
    %mul3A_28 = arith.mulf %add3A_26, %mul3A_27 : vector<512x256xf32>
    %reduce_sum3A = arith.constant dense<0.000000e+00> : vector<512xf32>
    %reduce_sum3A_29 = vector.multi_reduction <add>, %mul3A_28, %reduce_sum3A [1] : vector<512x256xf32> to vector<512xf32>
    %broadcast_in_dim3A = vector.shape_cast %reduce_sum3A_29 : vector<512xf32> to vector<512x1xf32>
    %get3A_30 = arith.constant 0 : index
    %get3A_31 = arith.constant 0 : index
    %get3A_32 = vector.load %arg4[%get3A_30, %get3A_31] : memref<1x128xf32, #tpu.memory_space<vmem>>, vector<1x1xf32>
    %add3A_33 = vector.broadcast %get3A_32 : vector<1x1xf32> to vector<512x1xf32>
    %add3A_34 = arith.addf %broadcast_in_dim3A, %add3A_33 : vector<512x1xf32>
    %swap3A = arith.constant 0 : index
    %swap3A_35 = arith.constant 0 : index
    %swap3A_36 = vector.load %arg5[%swap3A, %swap3A_35] : memref<512x1xf32, #tpu.memory_space<vmem>>, vector<512x1xf32>
    tpu.vector_store %arg5[%swap3A, %swap3A_35], %add3A_34 {strides = array<i32>} : memref<512x1xf32, #tpu.memory_space<vmem>>, vector<512x1xf32>,
    return
  }
  func.func @transform_0(%arg0: i32) -> (i32, i32) {
    %c0_i32 = arith.constant 0 : i32
    %c0_i32_0 = arith.constant 0 : i32
    return %arg0, %c0_i32 : i32, i32
  }
  func.func @transform_1(%arg0: i32) -> (i32, i32) {
    %c0_i32 = arith.constant 0 : i32
    %c0_i32_0 = arith.constant 0 : i32
    %c0_i32_1 = arith.constant 0 : i32
    return %c0_i32, %c0_i32_0 : i32, i32
  }
  func.func @transform_2(%arg0: i32) -> (i32, i32) {
    %c0_i32 = arith.constant 0 : i32
    %c0_i32_0 = arith.constant 0 : i32
    %c0_i32_1 = arith.constant 0 : i32
    return %c0_i32, %c0_i32_0 : i32, i32
  }
  func.func @transform_3(%arg0: i32) -> (i32, i32) {
    %c0_i32 = arith.constant 0 : i32
    %c0_i32_0 = arith.constant 0 : i32
    %c0_i32_1 = arith.constant 0 : i32
    return %c0_i32, %c0_i32_0 : i32, i32
  }
  func.func @transform_4(%arg0: i32) -> (i32, i32) {
    %c0_i32 = arith.constant 0 : i32
    %c0_i32_0 = arith.constant 0 : i32
    return %arg0, %c0_i32 : i32, i32
  }
}

</mosaic_0001>

<sc_bundles>
// kernel: kernel.12.cloned.1.call-start
scs
__scs_entry_jumppad:
0x0: {  	(pc) =	sbr.rel $0x88, $3  }
0x1: {  	(tag) =	ssettag $0x0;
	lr =	simm.s32 $0x1  }
0x2: {  	[smem:$0x3F92] =	sst lr;
	_ =	strace $0xD0000000  }
0x3: {  	_ = 	snop  }
0x4: {  	_ = 	snop  }
0x5: {  	_ = 	snop  }
0x6: {  	_ = 	snop  }
0x7: {  	_ = 	snop  }
__scs_overlays_trampoline_lowered:
0x8: {  	[smem:$0x3FA1] =	sst s0  }
0x9: {  	[smem:$0x3FA2] =	sst s1  }
0xa: {  	[smem:$0x3FA3] =	sst s2  }
0xb: {  	[smem:$0x3FA4] =	sst s3  }
0xc: {  	[smem:$0x3FA5] =	sst s4  }
0xd: {  	[smem:$0x3FA6] =	sst s5  }
0xe: {  	[smem:$0x3FA7] =	sst s6  }
0xf: {  	[smem:$0x3FA8] =	sst s7  }
0x10: {  	[smem:$0x3FA9] =	sst s8  }
0x11: {  	[smem:$0x3FAA] =	sst s9;
	s0 =	simm.s32 @!p0 $0x0  }
0x12: {  	s1 =	sld [smem:$0x3F90];
	s0 =	simm.s32 @p0 $0x1  }
0x13: {  	[smem:$0x3FAB] =	sst s0;
	s0 =	simm.s32 @!p1 $0x0  }
0x14: {  	s2 =	sld [smem:$0x3F8F];
	s0 =	simm.s32 @p1 $0x1  }
0x15: {  	[smem:$0x3FAC] =	sst s0;
	s0 =	simm.s32 @!p2 $0x0  }
0x16: {  	s3 =	sld [smem:$0x3FDB];
	s0 =	simm.s32 @p2 $0x1  }
0x17: {  	s4 =	simm.s32 $0x1BF5;
	[smem:$0x3FAE] =	sst s0  }
0x18: {  	s0 =	sld [smem:$0x3F91];
	_ =	swait.ge [sflag:s4], $0x0  }
0x19: {  	s7 =	sld [smem:$0x3F92]  }
0x1a: {  	s8 =	sadd.s32 $0xFFFFE003, lr  }
0x1b: {  	s9 =	sadd.s32 $0xFFFFFEF7, lr;
	s5 =	simm.s32 $0xFFFFFFFF;
	p2 =	slt.u32 s8, $0xFFFFF086  }
0x1c: {  	p1 =	slt.u32 s9, $0xF7A;
	s5 =	simm.s32 @!p2 $0x0  }
0x1d: {  	s5 =	simm.s32 @p1 $0x1;
	p0 =	seq.s32 s7, s2  }
0x1e: {  	s7 =	smul.u32 @!p0 $0xF7A, s2;
	p2 =	seq.s32 @!p0 s5, $0x0  }
0x1f: {  	s9 =	smul.u32 $0xF7A, s1;
	s8 =	simm.s32 @!p0 $0x1BF5;
	p2 =	por !p2, p0  }
0x20: {  	[sflag:s8] =	ssyncset.s32 @!p0 $0xFFFFF086;
	s6 =	sadd.s32 @!p0 s3, s7;
	s7 =	simm.s32 @!p0 $0x108  }
0x21: {  	s3 =	sadd.s32 s3, s9;
	s6 =	sadd.s32 @!p0 $0x88, s6;
	s7 =	simm.s32 @p2 $0x1082  }
0x22: {  	[simem:s7], [sflag:s8] =	dma.local @!p0 [hbm:s6], $0xF7A  }
0x23: {  	s9 =	sor.u32 $0xD0000000, s2;
	s6 =	simm.s32 $0x108;
	_ =	swait.ge @!p0 [sflag:s8], $0x0  }
0x24: {  	s3 =	sadd.s32 $0x88, s3;
	s6 =	simm.s32 @!p1 $0x1082;
	[sflag:s4] =	ssyncset.s32 $0xFFFFF086  }
0x25: {  	[simem:s6], [sflag:s4] =	dma.local [hbm:s3], $0xF7A  }
0x26: {  	[smem:$0x3F92] =	sst s1;
	(tag) =	ssettag s2;
	_ =	strace s9  }
0x27: {  	s1 =	sld [smem:$0x3FA2]  }
0x28: {  	s2 =	sld [smem:$0x3FA3]  }
0x29: {  	s4 =	sld [smem:$0x3FA5]  }
0x2a: {  	p0 =	seq.s32 s5, $0x0;
	s5 =	sld [smem:$0x3FA6]  }
0x2b: {  	s6 =	sld [smem:$0x3FA7]  }
0x2c: {  	s7 =	sld [smem:$0x3FA8]  }
0x2d: {  	s3 =	simm.s32 $0x108;
	s8 =	sld [smem:$0x3FA9]  }
0x2e: {  	s3 =	simm.s32 @!p0 $0x1082;
	s9 =	sld [smem:$0x3FAA]  }
0x2f: {  	lr =	sadd.s32 s0, s3;
	s0 =	sld [smem:$0x3FA1]  }
0x30: {  	s3 =	sld [smem:$0x3FA4]  }
0x31: {  	[smem:$0x3FAD] =	sst s10  }
0x32: {  	s10 =	sld [smem:$0x3FAB];
	_ =	sdelay $0x3  }
0x33: {  	p0 =	seq.s32 s10, $0x1;
	s10 =	sld [smem:$0x3FAD];
	_ =	sdelay $0x3  }
0x34: {  	[smem:$0x3FAD] =	sst s10  }
0x35: {  	s10 =	sld [smem:$0x3FAC];
	_ =	sdelay $0x3  }
0x36: {  	p1 =	seq.s32 s10, $0x1;
	s10 =	sld [smem:$0x3FAD];
	_ =	sdelay $0x3  }
0x37: {  	[smem:$0x3FAD] =	sst s10  }
0x38: {  	s10 =	sld [smem:$0x3FAE]  }
0x39: {  	_ = 	snop;
	(pc) =	sbr.ind lr, $3  }
0x3a: {  	_ = 	snop  }
0x3b: {  	_ = 	snop  }
0x3c: {  	p2 =	seq.s32 s10, $0x1;
	s10 =	sld [smem:$0x3FAD]  }
0x3d: {  	_ =	shalt  }
0x3e: {  	_ =	shalt  }
0x3f: {  	_ =	shalt  }
0x40: {  	_ =	shalt  }
0x41: {  	_ =	shalt  }
0x42: {  	_ =	shalt  }
0x43: {  	_ =	shalt  }
0x44: {  	_ =	shalt  }
0x45: {  	_ =	shalt  }
0x46: {  	_ =	shalt  }
0x47: {  	_ =	shalt  }
0x48: {  	_ =	shalt  }
0x49: {  	_ =	shalt  }
0x4a: {  	_ =	shalt  }
0x4b: {  	_ =	shalt  }
0x4c: {  	_ =	shalt  }
0x4d: {  	_ =	shalt  }
0x4e: {  	_ =	shalt  }
0x4f: {  	_ =	shalt  }
0x50: {  	_ =	shalt  }
0x51: {  	_ =	shalt  }
0x52: {  	_ =	shalt  }
0x53: {  	_ =	shalt  }
0x54: {  	_ =	shalt  }
0x55: {  	_ =	shalt  }
0x56: {  	_ =	shalt  }
0x57: {  	_ =	shalt  }
0x58: {  	_ =	shalt  }
0x59: {  	_ =	shalt  }
0x5a: {  	_ =	shalt  }
0x5b: {  	_ =	shalt  }
0x5c: {  	_ =	shalt  }
0x5d: {  	_ =	shalt  }
0x5e: {  	_ =	shalt  }
0x5f: {  	_ =	shalt  }
0x60: {  	_ =	shalt  }
0x61: {  	_ =	shalt  }
0x62: {  	_ =	shalt  }
0x63: {  	_ =	shalt  }
0x64: {  	_ =	shalt  }
0x65: {  	_ =	shalt  }
0x66: {  	_ =	shalt  }
0x67: {  	_ =	shalt  }
0x68: {  	_ =	shalt  }
0x69: {  	_ =	shalt  }
0x6a: {  	_ =	shalt  }
0x6b: {  	_ =	shalt  }
0x6c: {  	_ =	shalt  }
0x6d: {  	_ =	shalt  }
0x6e: {  	_ =	shalt  }
0x6f: {  	_ =	shalt  }
0x70: {  	_ =	shalt  }
0x71: {  	_ =	shalt  }
0x72: {  	_ =	shalt  }
0x73: {  	_ =	shalt  }
0x74: {  	_ =	shalt  }
0x75: {  	_ =	shalt  }
0x76: {  	_ =	shalt  }
0x77: {  	_ =	shalt  }
0x78: {  	_ =	shalt  }
0x79: {  	_ =	shalt  }
0x7a: {  	_ =	shalt  }
0x7b: {  	_ =	shalt  }
0x7c: {  	_ =	shalt  }
0x7d: {  	_ =	shalt  }
0x7e: {  	_ =	shalt  }
0x7f: {  	_ =	shalt  }
0x80: {  	_ =	shalt  }
0x81: {  	_ =	shalt  }
0x82: {  	_ =	shalt  }
0x83: {  	_ =	shalt  }
0x84: {  	_ =	shalt  }
0x85: {  	_ =	shalt  }
0x86: {  	_ =	shalt  }
0x87: {  	_ =	shalt  }
.Lfunc_end0:
.L_simem_size_0:
called_computation.1_lowered:
.L_overlay_start_0:
0x88: {  	s2 =	sld [smem:$0x3FD9]  }
0x89: {  	s3 =	sld [smem:$0x3FFE];
	_ =	sdelay $0x1  }
0x8a: {  	s1 =	srdreg.scid  }
0x8b: {  	s0 =	sand.u32 $0x1, s1  }
0x8c: {  	s16 =	sshll.u32 s0, $0xA;
	s2 =	sadd.s32 s3, s2  }
0x8d: {  	s2 =	sadd.s32 s2, s16  }
0x8e: {  	[smem:$0x3FB9] =	sst s2  }
0x8f: {  	_ = 	snop  }
0x90: {  	(tm) =	ssettm $0x1  }
0x91: {  	s17 =	sld [smem:$0x3FFB];
	_ =	sdelay $0x3  }
0x92: {  	_ =	strace s17  }
0x93: {  	s2 =	sld [smem:$0x3FFC];
	_ =	sdelay $0x3  }
0x94: {  	_ =	strace s2  }
0x95: {  	s2 =	sld [smem:$0x3FFD];
	_ =	sdelay $0x3  }
0x96: {  	_ =	strace s2  }
0x97: {  	_ =	strace $0x8FFFFFFF  }
0x98: {  	s18 =	sld [smem:$0x3FDB];
	_ =	sdelay $0x1  }
0x99: {  	s19 =	simm.s32 $_scs_section_size  }
0x9a: {  	s4 =	simm.s32 $_size__tile_overlayer_lowered;
	s5 =	simm.s32 $_tile_overlayer_lowered  }
0x9b: {  	s22 =	simm.s32 $0x1BFF;
	s21 =	sshll.u32 s5, $0x1;
	s2 =	sadd.s32 s19, s18  }
0x9c: {  	s6 =	simm.s32 $0x0;
	s20 =	sshll.u32 s4, $0x1;
	s4 =	sadd.s32 s21, s2  }
0x9d: {  	[timem:s6], [sflag:s22] =	dma.local [hbm:s4], s20  }
0x9e: {  	_ =	swait.ge [sflag:s22], s20  }
0x9f: {  	s3 =	ssub.s32 $0x0, s20;
	[sflag:s22] =	ssyncset.done $0x0  }
0xa0: {  	[sflag:s22] =	ssyncadd.s32 s3;
	_ =	sdelay $0x1  }
0xa1: {  	s23 =	simm.s32 $0x1B8B  }
0xa2: {  	_ =	swait.ge [sflag:s23], $0x1  }
0xa3: {  	[sflag:s23] =	ssyncset.done $0x0  }
0xa4: {  	s25 =	simm.s32 $0x1B8E;
	s24 =	sld [smem:$0x3FFE];
	[sflag:s23] =	ssyncadd.s32 $0xFFFFFFFF  }
0xa5: {  	s26 =	simm.s32 $execute0_lowered;
	[smem:$0x3FD2] =	sst s25  }
0xa6: {  	s4 =	sshll.u32 s26, $0x1;
	_ =	strace $0x80000049;
	[dreg:$0x1] =	wrdreg $0xFFFFFFFF  }
0xa7: {  	s28 =	simm.s32 $_size_execute0_lowered;
	s2 =	sadd.s32 s2, s4;
	[dreg:$0x0] =	wrdreg $0x0  }
0xa8: {  	s4 =	sshll.u32 s28, $0x1;
	[dreg:$0x2] =	wrdreg s2  }
0xa9: {  	[dreg:$0x3] =	wrdreg s4  }
0xaa: {  	[dreg:$0x4] =	wrdreg $0xC0  }
0xab: {  	_ =	task [dreg:s6], $0x5FFFF  }
0xac: {  	[dreg:$0x1] =	wrdreg $0xFFFFFFFF  }
0xad: {  	[dreg:$0x0] =	wrdreg $0x60  }
0xae: {  	[dreg:$0x2] =	wrdreg s24  }
0xaf: {  	[dreg:$0x3] =	wrdreg $0xAA000  }
0xb0: {  	[dreg:$0x4] =	wrdreg $0x9  }
0xb1: {  	_ =	task.clear_ibuf [dreg:s6], $0x5FFFF;
	_ =	strace $0x90000049  }
0xb2: {  	s29 =	simm.s32 $0x9;
	_ =	strace $0x8000004B  }
0xb3: {  	_ =	swait.ge [sflag:s29], $0x1  }
0xb4: {  	[sflag:s29] =	ssyncadd.s32 $0xFFFFFFFF  }
0xb5: {  	_ =	strace $0x9000004B  }
0xb6: {  	_ =	sfence  }
0xb7: {  	s30 =	sld [smem:$0x0];
	_ =	sdelay $0x2  }
0xb8: {  	s31 =	sshll.u32 s1, $0xD;
	s1 =	sshrl.u32 s1, $0x2  }
0xb9: {  	s3 =	sand.u32 $0x4000, s31;
	s1 =	sadd.s32 s1, s30  }
0xba: {  	s0 =	sor.u32 s3, s0;
	s1 =	sshll.u32 s1, $0x11  }
0xbb: {  	s0 =	sor.u32 s1, s0  }
0xbc: {  	s0 =	sadd.s32 $0x8F2B, s0  }
0xbd: {  	[sflag:s0] =	ssyncadd.remote.s32 $0x1  }
0xbe: {  	_ =	sfence.sel $0xFFFF  }
0xbf: {  	[dreg:$0x0] =	wrdreg $0xFFFFFFFF;
	(pc) =	sbr.abs _section_cstart, $3  }
0xc0: {  	[dreg:$0x1] =	wrdreg $0xFFFFFFFF  }
0xc1: {  	_ =	task.clear_ibuf [dreg:s6], $0x2FFFF;
	_ =	strace $0x9FFFFFFF  }
0xc2: {  	(tm) =	ssettm $0x7FFFFFFF  }
0xc3: {  	_ =	shalt  }
tec
execute0_lowered:
.L_overlay_start_1:
0x0: {  	(tag) =	ssettag $0x1  }
0x1: {  	s0 =	rddreg [dreg:$0x0]  }
0x2: {  	s1 =	rddreg [dreg:$0x1];
	s2 =	srdreg.scid;
	s3 =	simm.s32 $0x0  }
0x3: {  	s12 =	stileid.u32;
	s19 =	simm.s32 $0x40;
	s20 =	simm.s32 $0x6A00  }
0x4: {  	s28 =	simm.s32 $0x2980;
	s29 =	simm.s32 $0x8A00;
	s30 =	simm.s32 $0x2  }
0x5: {  	s31 =	simm.s32 $0xA;
	s13 =	simm.s32 $0x0;
	s6 =	smul.u32 $0x2800, s12  }
0x6: {  	s2 =	sand.u32 $0x1, s2;
	[smem:$0x7FF] =	sst s3;
	s7 =	smul.u32 $0x280, s12  }
0x7: {  	s4 =	sadd.s32 $0x12CA00, s0;
	s10 =	sadd.s32 $0x57A00, s0;
	s21 =	smul.u32 $0x50000, s12  }
0x8: {  	s26 =	sshll.u32 s12, $0x6;
	s5 =	smul.u32 $0x28000, s2;
	_ =	strace $0x8000004A  }
0x9: {  	s8 =	smul.u32 $0x2800, s2;
	[dreg:$0x3] =	wrdreg s10;
	s2 =	ssub.s32 $0x2, s2  }
0xa: {  	s10 =	simm.s32 $0xD;
	s11 =	sshrl.u32 s2, $0x1;
	s22 =	sshrl.u32 s21, $0x2  }
0xb: {  	s6 =	sadd.s32 s6, s5;
	s5 =	sadd.s32 $0x3A00, s0;
	s7 =	sadd.s32 s7, s8  }
0xc: {  	s8 =	smul.u32 $0xA00, s12;
	s2 =	ssub.s32 s2, s11;
	s11 =	sor.u32 $0x1C0D, s26  }
0xd: {  	s26 =	simm.s32 $0x9;
	s6 =	sshrl.u32 s6, $0x3;
	s7 =	sshll.u32 s7, $0x4  }
0xe: {  	s25 =	smax.u32 s2, $0x1;
	[dreg:$0xa] =	wrdreg s11;
	s9 =	sadd.s32 s6, s0  }
0xf: {  	s6 =	sadd.s32 $0x122A00, s0;
	[dreg:$0x9] =	wrdreg s25;
	s9 =	sadd.s32 $0x17CA00, s9  }
0x10: {  	s0 =	sadd.s32 s7, s0;
	s23 =	sadd.s32 s6, s8;
	[dreg:$0x4] =	wrdreg s9  }
0x11: {  	s2 =	simm.s32 $0x4;
	s24 =	sadd.s32 $0x5A200, s0;
	[dreg:$0x5] =	wrdreg s23  }
0x12: {  	s7 =	sadd.s32 s22, s1;
	s0 =	sadd.s32 $0xAA200, s0;
	[dreg:$0x7] =	wrdreg s24  }
0x13: {  	s25 =	simm.s32 $0x1;
	s12 =	sshrl.u32 s7, $0x3;
	[dreg:$0x8] =	wrdreg s0  }
0x14: {  	s9 =	sadd.s32 $0x10, s23;
	s24 =	simm.s32 $0x2900;
	[dreg:$0xb] =	wrdreg s12  }
0x15: {  	s0 =	simm.s32 $0x5;
	[dreg:$0x6] =	wrdreg s9;
	s9 =	simm.s32 $0xC  }
.LBB2_1:
0x16: {  	[dreg:$0xc] =	wrdreg s13  }
0x17: {  	s7 =	rddreg [dreg:$0x4]  }
0x18: {  	[tilespmem:s3], [sflag:$0xD] =	stream.linear.gather [hbm4b:s7+s3], $0x2800, $0x38;
	[tilespmem:$0x1EA00] =	vst v63  }
0x19: {  	_ =	swait.ge [sflag:s10], $0x2800  }
0x1a: {  	[sflag:s10] =	ssyncset.done $0x0  }
0x1b: {  	s17 =	rddreg [dreg:$0x3];
	[sflag:s10] =	ssyncadd.s32 $0xFFFFD800  }
0x1c: {  	[spmem:s12], [sflag:s11] =	dma.local [hbm:s17], $0x2800  }
0x1d: {  	_ =	swait.ge [sflag:s10], $0x2800  }
0x1e: {  	[sflag:s10] =	ssyncset.done $0x0  }
0x1f: {  	s12 =	simm.s32 $0x2800;
	s18 =	rddreg [dreg:$0x5];
	[sflag:s10] =	ssyncadd.s32 $0xFFFFD800  }
0x20: {  	[tilespmem:s12], [sflag:$0x9] =	stream.linear.gather [hbm4b:s18+s3], $0x80, $0x38;
	[tilespmem:$0x1EA00] =	vst v63  }
0x21: {  	s13 =	simm.s32 $0x2A00  }
0x22: {  	[tilespmem:s13], [sflag:$0x1] =	stream.indirect.gather [hbm4b:s4+s19], $0x80, s3, s19, $0xb8;
	[tilespmem:$0x1EA00] =	vst v63  }
0x23: {  	s14 =	simm.s32 $0x2880;
	s21 =	rddreg [dreg:$0x6]  }
0x24: {  	[tilespmem:s14], [sflag:$0xA] =	stream.linear.gather [hbm4b:s21+s3], $0x80, $0x38;
	[tilespmem:$0x1EA00] =	vst v63  }
0x25: {  	s15 =	simm.s32 $0x4A00;
	p0 =	por $0x1, $0x1  }
0x26: {  	[tilespmem:s15], [sflag:$0x2] =	stream.indirect.gather [hbm4b:s4+s19], $0x80, s19, s19, $0xb8;
	[tilespmem:$0x1EA00] =	vst v63  }
0x27: {  	s22 =	simm.s32 $0x20;
	s7 =	simm.s32 @!p0 $0x7;
	[bflag:$0x0] =	sbarrier.arrive $0xFFFF  }
0x28: {  	s23 =	sadd.s32 $0x0, s8;
	s10 =	sand.u32 $0x60, s22;
	_ =	swait.ge @!p0 [sflag:s7], $0x2000  }
0x29: {  	s11 =	sand.u32 $0x1FF80, s23;
	s10 =	sadd.s32 s6, s10;
	[sflag:s7] =	ssyncset.done @!p0 $0x0  }
0x2a: {  	s16 =	sadd.s32 s11, s10;
	[sflag:s7] =	ssyncadd.s32 @!p0 $0xFFFFE000  }
0x2b: {  	[tilespmem:s24], [sflag:$0xB] =	stream.linear.gather [hbm4b:s16+s3], $0x80, $0x38;
	[tilespmem:$0x1EA00] =	vst v63  }
0x2c: {  	s17 =	simm.s32 $0x80  }
0x2d: {  	[tilespmem:s20], [sflag:$0x3] =	stream.indirect.gather [hbm4b:s4+s19], $0x80, s17, s19, $0xb8;
	[tilespmem:$0x1EA00] =	vst v63  }
0x2e: {  	_ =	swait.ge [sflag:s25], $0x2000  }
0x2f: {  	[sflag:s25] =	ssyncset.done $0x0  }
0x30: {  	[sflag:s25] =	ssyncadd.s32 $0xFFFFE000  }
0x31: {  	_ =	swait.ge [sflag:s26], $0x80  }
0x32: {  	[sflag:s26] =	ssyncset.done $0x0  }
0x33: {  	s18 =	simm.s32 $0x30;
	s7 =	simm.s32 @!p0 $0x8;
	[sflag:s26] =	ssyncadd.s32 $0xFFFFFF80  }
0x34: {  	[spmem:s1] =	stream.indirect.scatter.add.f32 [tilespmem:s13], [sflag:$0x5], $0x80, s12, s19, $0xb8;
	[tilespmem:$0x1EA00] =	vst v63  }
0x35: {  	s10 =	sand.u32 $0x70, s18;
	_ =	swait.ge @!p0 [sflag:s7], $0x2000  }
0x36: {  	s10 =	sadd.s32 s6, s10;
	[sflag:s7] =	ssyncset.done @!p0 $0x0  }
0x37: {  	s22 =	sadd.s32 s11, s10;
	[sflag:s7] =	ssyncadd.s32 @!p0 $0xFFFFE000  }
0x38: {  	[tilespmem:s28], [sflag:$0xC] =	stream.linear.gather [hbm4b:s22+s3], $0x80, $0x38;
	[tilespmem:$0x1EA00] =	vst v63  }
0x39: {  	s23 =	simm.s32 $0xC0  }
0x3a: {  	[tilespmem:s29], [sflag:$0x4] =	stream.indirect.gather [hbm4b:s4+s19], $0x80, s23, s19, $0xb8;
	[tilespmem:$0x1EA00] =	vst v63  }
0x3b: {  	_ =	swait.ge [sflag:s30], $0x2000  }
0x3c: {  	[sflag:s30] =	ssyncset.done $0x0  }
0x3d: {  	[sflag:s30] =	ssyncadd.s32 $0xFFFFE000  }
0x3e: {  	_ =	swait.ge [sflag:s31], $0x80  }
0x3f: {  	[sflag:s31] =	ssyncset.done $0x0  }
0x40: {  	[sflag:s31] =	ssyncadd.s32 $0xFFFFFF80  }
0x41: {  	[spmem:s1] =	stream.indirect.scatter.add.f32 [tilespmem:s15], [sflag:$0x6], $0x80, s14, s19, $0xb8;
	[tilespmem:$0x1EA00] =	vst v63  }
0x42: {  	_ =	swait.ge [sflag:s0], $0x2000  }
0x43: {  	p0 =	por $0x0, $0x0;
	[sflag:s0] =	ssyncset.done $0x0  }
0x44: {  	s7 =	simm.s32 @p0 $0x3;
	[sflag:s0] =	ssyncadd.s32 $0xFFFFE000  }
0x45: {  	_ =	swait.ge @p0 [sflag:s7], $0x2000  }
0x46: {  	[sflag:s7] =	ssyncset.done @p0 $0x0  }
0x47: {  	[sflag:s7] =	ssyncadd.s32 @p0 $0xFFFFE000;
	s7 =	simm.s32 @p0 $0xB  }
0x48: {  	s10 =	sadd.s32 @!p0 $0x0, s8;
	_ =	swait.ge @p0 [sflag:s7], $0x80  }
0x49: {  	s11 =	sxor.u32 @!p0 $0xFFFFFFFF, s3;
	s12 =	simm.s32 @p0 $0x6A00;
	[sflag:s7] =	ssyncset.done @p0 $0x0  }
0x4a: {  	s13 =	simm.s32 @p0 $0x2900;
	[sflag:s7] =	ssyncadd.s32 @p0 $0xFFFFFF80;
	s7 =	simm.s32 @p0 $0x40  }
0x4b: {  	[spmem:s1] =	stream.indirect.scatter.add.f32 @p0 [tilespmem:s12], [sflag:$0x7], $0x80, s13, s7, $0xb8;
	[tilespmem:$0x1EA00] =	vst v63  }
0x4c: {  	s11 =	sand.u32 @!p0 $0x40, s11;
	s7 =	sadd.s32 @!p0 $0x40, s10;
	s12 =	simm.s32 @p0 $0x6  }
0x4d: {  	s11 =	sadd.s32 @!p0 s6, s11;
	s7 =	sand.u32 @!p0 $0x1FF80, s7;
	_ =	swait.ge @p0 [sflag:s12], $0x2000  }
0x4e: {  	s7 =	sadd.s32 @!p0 s7, s11;
	[sflag:s12] =	ssyncset.done @p0 $0x0  }
0x4f: {  	s11 =	simm.s32 @!p0 $0x0;
	[sflag:s12] =	ssyncadd.s32 @p0 $0xFFFFE000;
	s12 =	simm.s32 @!p0 $0x2800  }
0x50: {  	[tilespmem:s12], [sflag:$0x9] =	stream.linear.gather @!p0 [hbm4b:s7+s11], $0x80, $0x38;
	[tilespmem:$0x1EA00] =	vst v63  }
0x51: {  	s13 =	simm.s32 @!p0 $0x2A00;
	s7 =	simm.s32 @!p0 $0x100;
	s12 =	simm.s32 @!p0 $0x40  }
0x52: {  	[tilespmem:s13], [sflag:$0x1] =	stream.indirect.gather @!p0 [hbm4b:s4+s12], $0x80, s7, s12, $0xb8;
	[tilespmem:$0x1EA00] =	vst v63  }
0x53: {  	s7 =	simm.s32 @!p0 $0x3  }
0x54: {  	_ =	swait.ge @!p0 [sflag:s7], $0x2000  }
0x55: {  	[sflag:s7] =	ssyncset.done @!p0 $0x0  }
0x56: {  	[sflag:s7] =	ssyncadd.s32 @!p0 $0xFFFFE000;
	s7 =	simm.s32 @!p0 $0xB  }
0x57: {  	_ =	swait.ge @!p0 [sflag:s7], $0x80  }
0x58: {  	[sflag:s7] =	ssyncset.done @!p0 $0x0  }
0x59: {  	s13 =	simm.s32 @!p0 $0x6A00;
	[sflag:s7] =	ssyncadd.s32 @!p0 $0xFFFFFF80;
	s7 =	simm.s32 @!p0 $0x2900  }
0x5a: {  	[spmem:s1] =	stream.indirect.scatter.add.f32 @!p0 [tilespmem:s13], [sflag:$0x7], $0x80, s7, s12, $0xb8;
	[tilespmem:$0x1EA00] =	vst v63  }
0x5b: {  	s7 =	simm.s32 @!p0 $0x50;
	s13 =	simm.s32 @!p0 $0x6  }
0x5c: {  	s10 =	sadd.s32 @!p0 $0x50, s10;
	s7 =	sand.u32 @!p0 $0x50, s7;
	_ =	swait.ge @!p0 [sflag:s13], $0x2000  }
0x5d: {  	s10 =	sand.u32 @!p0 $0x1FF80, s10;
	s7 =	sadd.s32 @!p0 s6, s7;
	[sflag:s13] =	ssyncset.done @!p0 $0x0  }
0x5e: {  	s7 =	sadd.s32 @!p0 s10, s7;
	[sflag:s13] =	ssyncadd.s32 @!p0 $0xFFFFE000;
	s10 =	simm.s32 @!p0 $0x2880  }
0x5f: {  	[tilespmem:s10], [sflag:$0xA] =	stream.linear.gather @!p0 [hbm4b:s7+s11], $0x80, $0x38;
	[tilespmem:$0x1EA00] =	vst v63  }
0x60: {  	s7 =	simm.s32 @!p0 $0x140;
	s10 =	simm.s32 @!p0 $0x4A00  }
0x61: {  	[tilespmem:s10], [sflag:$0x2] =	stream.indirect.gather @!p0 [hbm4b:s4+s12], $0x80, s7, s12, $0xb8;
	[tilespmem:$0x1EA00] =	vst v63  }
0x62: {  	_ =	swait.ge [sflag:s2], $0x2000  }
0x63: {  	p1 =	por $0x0, $0x0;
	[sflag:s2] =	ssyncset.done $0x0  }
0x64: {  	s21 =	simm.s32 $0x2A00;
	s22 =	simm.s32 $0x2880;
	[sflag:s2] =	ssyncadd.s32 $0xFFFFE000  }
0x65: {  	s23 =	simm.s32 $0x4A00;
	s11 =	simm.s32 $0x40;
	_ =	swait.ge [sflag:s9], $0x80  }
0x66: {  	s10 =	simm.s32 $0x80;
	s7 =	simm.s32 $0x1C0;
	[sflag:s9] =	ssyncset.done $0x0  }
.LBB2_2:
0x67: {  	s13 =	simm.s32 @!p1 $0x7  }
0x68: {  	s16 =	sadd.s32 $0x20, s11;
	[sflag:s9] =	ssyncadd.s32 $0xFFFFFF80;
	s12 =	smov.u32 s10  }
0x69: {  	[spmem:s1] =	stream.indirect.scatter.add.f32 [tilespmem:s29], [sflag:$0x8], $0x80, s28, s19, $0xb8;
	[tilespmem:$0x1EA00] =	vst v63  }
0x6a: {  	s17 =	sadd.s32 s11, s8;
	s16 =	sand.u32 $0x60, s16;
	_ =	swait.ge @!p1 [sflag:s13], $0x2000  }
0x6b: {  	s17 =	sand.u32 $0x1FF80, s17;
	s16 =	sadd.s32 s6, s16;
	[sflag:s13] =	ssyncset.done @!p1 $0x0  }
0x6c: {  	s10 =	sadd.s32 $0x40, s10;
	[sflag:s13] =	ssyncadd.s32 @!p1 $0xFFFFE000;
	s13 =	sadd.s32 s17, s16  }
0x6d: {  	[tilespmem:s24], [sflag:$0xB] =	stream.linear.gather [hbm4b:s13+s3], $0x80, $0x38;
	[tilespmem:$0x1EA00] =	vst v63  }
0x6e: {  	p0 =	sne.s32 s10, $0xA00;
	s13 =	sadd.s32 $0xFFFFFFC0, s7  }
0x6f: {  	[tilespmem:s20], [sflag:$0x3] =	stream.indirect.gather [hbm4b:s4+s19], $0x80, s13, s19, $0xb8;
	[tilespmem:$0x1EA00] =	vst v63  }
0x70: {  	_ =	swait.ge [sflag:s25], $0x2000  }
0x71: {  	[sflag:s25] =	ssyncset.done $0x0  }
0x72: {  	[sflag:s25] =	ssyncadd.s32 $0xFFFFE000  }
0x73: {  	_ =	swait.ge [sflag:s26], $0x80  }
0x74: {  	s14 =	simm.s32 $0x2800;
	[sflag:s26] =	ssyncset.done $0x0  }
0x75: {  	s16 =	sadd.s32 $0x30, s11;
	s13 =	simm.s32 @!p1 $0x8;
	[sflag:s26] =	ssyncadd.s32 $0xFFFFFF80  }
0x76: {  	[spmem:s1] =	stream.indirect.scatter.add.f32 [tilespmem:s21], [sflag:$0x5], $0x80, s14, s19, $0xb8;
	[tilespmem:$0x1EA00] =	vst v63  }
0x77: {  	s16 =	sand.u32 $0x70, s16;
	_ =	swait.ge @!p1 [sflag:s13], $0x2000  }
0x78: {  	s16 =	sadd.s32 s6, s16;
	[sflag:s13] =	ssyncset.done @!p1 $0x0  }
0x79: {  	[sflag:s13] =	ssyncadd.s32 @!p1 $0xFFFFE000;
	s13 =	sadd.s32 s17, s16  }
0x7a: {  	[tilespmem:s28], [sflag:$0xC] =	stream.linear.gather [hbm4b:s13+s3], $0x80, $0x38;
	[tilespmem:$0x1EA00] =	vst v63  }
0x7b: {  	_ = 	snop  }
0x7c: {  	[tilespmem:s29], [sflag:$0x4] =	stream.indirect.gather [hbm4b:s4+s19], $0x80, s7, s19, $0xb8;
	[tilespmem:$0x1EA00] =	vst v63  }
0x7d: {  	_ =	swait.ge [sflag:s30], $0x2000  }
0x7e: {  	[sflag:s30] =	ssyncset.done $0x0  }
0x7f: {  	[sflag:s30] =	ssyncadd.s32 $0xFFFFE000  }
0x80: {  	_ =	swait.ge [sflag:s31], $0x80  }
0x81: {  	[sflag:s31] =	ssyncset.done $0x0  }
0x82: {  	[sflag:s31] =	ssyncadd.s32 $0xFFFFFF80  }
0x83: {  	[spmem:s1] =	stream.indirect.scatter.add.f32 [tilespmem:s23], [sflag:$0x6], $0x80, s22, s19, $0xb8;
	[tilespmem:$0x1EA00] =	vst v63  }
0x84: {  	_ =	swait.ge [sflag:s0], $0x2000  }
0x85: {  	p1 =	seq.s32 s11, $0x9C0;
	[sflag:s0] =	ssyncset.done $0x0  }
0x86: {  	s13 =	simm.s32 @p1 $0x3;
	s16 =	sadd.s32 @!p1 s11, s8;
	[sflag:s0] =	ssyncadd.s32 $0xFFFFE000  }
0x87: {  	s14 =	sxor.u32 @!p1 $0xFFFFFFFF, s11;
	s17 =	sadd.s32 @!p1 $0x40, s16;
	_ =	swait.ge @p1 [sflag:s13], $0x2000  }
0x88: {  	s14 =	sand.u32 @!p1 $0x40, s14;
	s17 =	sand.u32 @!p1 $0x1FF80, s17;
	[sflag:s13] =	ssyncset.done @p1 $0x0  }
0x89: {  	s14 =	sadd.s32 @!p1 s6, s14;
	[sflag:s13] =	ssyncadd.s32 @p1 $0xFFFFE000;
	s13 =	simm.s32 @p1 $0xB  }
0x8a: {  	s11 =	sadd.s32 @!p1 $0x50, s11;
	s14 =	sadd.s32 @!p1 s17, s14;
	_ =	swait.ge @p1 [sflag:s13], $0x80  }
0x8b: {  	s15 =	simm.s32 @p1 $0x6;
	s17 =	simm.s32 @p1 $0x6A00;
	[sflag:s13] =	ssyncset.done @p1 $0x0  }
0x8c: {  	s18 =	simm.s32 @p1 $0x2900;
	[sflag:s13] =	ssyncadd.s32 @p1 $0xFFFFFF80;
	s13 =	simm.s32 @p1 $0x40  }
0x8d: {  	[spmem:s1] =	stream.indirect.scatter.add.f32 @p1 [tilespmem:s17], [sflag:$0x7], $0x80, s18, s13, $0xb8;
	[tilespmem:$0x1EA00] =	vst v63  }
0x8e: {  	s11 =	sand.u32 @!p1 $0x50, s11;
	s13 =	sadd.s32 @!p1 $0x50, s16;
	_ =	swait.ge @p1 [sflag:s15], $0x2000  }
0x8f: {  	s16 =	simm.s32 @!p1 $0x3;
	s17 =	sadd.s32 @!p1 s6, s11;
	[sflag:s15] =	ssyncset.done @p1 $0x0  }
0x90: {  	s11 =	simm.s32 @!p1 $0x2800;
	[sflag:s15] =	ssyncadd.s32 @p1 $0xFFFFE000;
	s15 =	simm.s32 @!p1 $0x0  }
0x91: {  	[tilespmem:s11], [sflag:$0x9] =	stream.linear.gather @!p1 [hbm4b:s14+s15], $0x80, $0x38;
	[tilespmem:$0x1EA00] =	vst v63  }
0x92: {  	s18 =	simm.s32 @!p1 $0x2A00;
	s11 =	sadd.s32 @!p1 $0x40, s7;
	s14 =	simm.s32 @!p1 $0x40  }
0x93: {  	[tilespmem:s18], [sflag:$0x1] =	stream.indirect.gather @!p1 [hbm4b:s4+s14], $0x80, s11, s14, $0xb8;
	[tilespmem:$0x1EA00] =	vst v63  }
0x94: {  	s13 =	sand.u32 @!p1 $0x1FF80, s13;
	s11 =	smov.u32 s12;
	_ =	swait.ge @!p1 [sflag:s16], $0x2000  }
0x95: {  	s12 =	sadd.s32 @!p1 s13, s17;
	[sflag:s16] =	ssyncset.done @!p1 $0x0  }
0x96: {  	s13 =	simm.s32 @!p1 $0xB;
	[sflag:s16] =	ssyncadd.s32 @!p1 $0xFFFFE000  }
0x97: {  	_ =	swait.ge @!p1 [sflag:s13], $0x80  }
0x98: {  	s16 =	simm.s32 @!p1 $0x6;
	[sflag:s13] =	ssyncset.done @!p1 $0x0  }
0x99: {  	s17 =	simm.s32 @!p1 $0x6A00;
	[sflag:s13] =	ssyncadd.s32 @!p1 $0xFFFFFF80;
	s13 =	simm.s32 @!p1 $0x2900  }
0x9a: {  	[spmem:s1] =	stream.indirect.scatter.add.f32 @!p1 [tilespmem:s17], [sflag:$0x7], $0x80, s13, s14, $0xb8;
	[tilespmem:$0x1EA00] =	vst v63  }
0x9b: {  	_ =	swait.ge @!p1 [sflag:s16], $0x2000  }
0x9c: {  	[sflag:s16] =	ssyncset.done @!p1 $0x0  }
0x9d: {  	s13 =	simm.s32 @!p1 $0x2880;
	[sflag:s16] =	ssyncadd.s32 @!p1 $0xFFFFE000  }
0x9e: {  	[tilespmem:s13], [sflag:$0xA] =	stream.linear.gather @!p1 [hbm4b:s12+s15], $0x80, $0x38;
	[tilespmem:$0x1EA00] =	vst v63  }
0x9f: {  	s12 =	sadd.s32 @!p1 $0x80, s7;
	s13 =	simm.s32 @!p1 $0x4A00  }
0xa0: {  	[tilespmem:s13], [sflag:$0x2] =	stream.indirect.gather @!p1 [hbm4b:s4+s14], $0x80, s12, s14, $0xb8;
	[tilespmem:$0x1EA00] =	vst v63  }
.Ltmp0:
0xa1: {  	_ =	swait.ge [sflag:s2], $0x2000;
	(pc) =	sbr.rel @p0 .LBB2_2-.Ltmp0, $4  }
0xa2: {  	[sflag:s2] =	ssyncset.done $0x0  }
0xa3: {  	[sflag:s2] =	ssyncadd.s32 $0xFFFFE000  }
0xa4: {  	_ =	swait.ge [sflag:s9], $0x80  }
0xa5: {  	s7 =	sadd.s32 $0x100, s7;
	p1 =	seq.s32 s11, $0x0;
	[sflag:s9] =	ssyncset.done $0x0  }
0xa6: {  	s10 =	simm.s32 @!p1 $0x7;
	s12 =	sadd.s32 $0x20, s11;
	[sflag:s9] =	ssyncadd.s32 $0xFFFFFF80  }
0xa7: {  	[spmem:s1] =	stream.indirect.scatter.add.f32 [tilespmem:s29], [sflag:$0x8], $0x80, s28, s19, $0xb8;
	[tilespmem:$0x1EA00] =	vst v63  }
0xa8: {  	s13 =	sadd.s32 s11, s8;
	s12 =	sand.u32 $0x60, s12;
	_ =	swait.ge @!p1 [sflag:s10], $0x2000  }
0xa9: {  	s13 =	sand.u32 $0x1FF80, s13;
	s12 =	sadd.s32 s6, s12;
	[sflag:s10] =	ssyncset.done @!p1 $0x0  }
0xaa: {  	s20 =	simm.s32 $0x2900;
	s22 =	sadd.s32 s13, s12;
	[sflag:s10] =	ssyncadd.s32 @!p1 $0xFFFFE000  }
0xab: {  	[tilespmem:s20], [sflag:$0xB] =	stream.linear.gather [hbm4b:s22+s3], $0x80, $0x38;
	[tilespmem:$0x1EA00] =	vst v63  }
0xac: {  	s23 =	sadd.s32 $0xFFFFFFC0, s7;
	s21 =	simm.s32 $0x6A00  }
0xad: {  	[tilespmem:s21], [sflag:$0x3] =	stream.indirect.gather [hbm4b:s4+s19], $0x80, s23, s19, $0xb8;
	[tilespmem:$0x1EA00] =	vst v63  }
0xae: {  	_ =	swait.ge [sflag:s25], $0x2000  }
0xaf: {  	[sflag:s25] =	ssyncset.done $0x0  }
0xb0: {  	[sflag:s25] =	ssyncadd.s32 $0xFFFFE000  }
0xb1: {  	_ =	swait.ge [sflag:s26], $0x80  }
0xb2: {  	s24 =	sadd.s32 $0x30, s11;
	s16 =	simm.s32 $0x2800;
	[sflag:s26] =	ssyncset.done $0x0  }
0xb3: {  	s17 =	simm.s32 $0x2A00;
	s10 =	simm.s32 @!p1 $0x8;
	[sflag:s26] =	ssyncadd.s32 $0xFFFFFF80  }
0xb4: {  	[spmem:s1] =	stream.indirect.scatter.add.f32 [tilespmem:s17], [sflag:$0x5], $0x80, s16, s19, $0xb8;
	[tilespmem:$0x1EA00] =	vst v63  }
0xb5: {  	s12 =	sand.u32 $0x70, s24;
	_ =	swait.ge @!p1 [sflag:s10], $0x2000  }
0xb6: {  	s12 =	sadd.s32 s6, s12;
	[sflag:s10] =	ssyncset.done @!p1 $0x0  }
0xb7: {  	s13 =	sadd.s32 s13, s12;
	[sflag:s10] =	ssyncadd.s32 @!p1 $0xFFFFE000  }
0xb8: {  	[tilespmem:s28], [sflag:$0xC] =	stream.linear.gather [hbm4b:s13+s3], $0x80, $0x38;
	[tilespmem:$0x1EA00] =	vst v63  }
0xb9: {  	_ = 	snop  }
0xba: {  	[tilespmem:s29], [sflag:$0x4] =	stream.indirect.gather [hbm4b:s4+s19], $0x80, s7, s19, $0xb8;
	[tilespmem:$0x1EA00] =	vst v63  }
0xbb: {  	_ =	swait.ge [sflag:s30], $0x2000  }
0xbc: {  	[sflag:s30] =	ssyncset.done $0x0  }
0xbd: {  	[sflag:s30] =	ssyncadd.s32 $0xFFFFE000  }
0xbe: {  	_ =	swait.ge [sflag:s31], $0x80  }
0xbf: {  	[sflag:s31] =	ssyncset.done $0x0  }
0xc0: {  	s14 =	simm.s32 $0x2880;
	s18 =	simm.s32 $0x4A00;
	[sflag:s31] =	ssyncadd.s32 $0xFFFFFF80  }
0xc1: {  	[spmem:s1] =	stream.indirect.scatter.add.f32 [tilespmem:s18], [sflag:$0x6], $0x80, s14, s19, $0xb8;
	[tilespmem:$0x1EA00] =	vst v63  }
0xc2: {  	_ =	swait.ge [sflag:s0], $0x2000  }
0xc3: {  	p0 =	seq.s32 s11, $0x9C0;
	[sflag:s0] =	ssyncset.done $0x0  }
0xc4: {  	s10 =	simm.s32 @p0 $0x3;
	[sflag:s0] =	ssyncadd.s32 $0xFFFFE000  }
0xc5: {  	_ =	swait.ge @p0 [sflag:s10], $0x2000  }
0xc6: {  	[sflag:s10] =	ssyncset.done @p0 $0x0  }
0xc7: {  	[sflag:s10] =	ssyncadd.s32 @p0 $0xFFFFE000;
	s10 =	simm.s32 @p0 $0xB  }
0xc8: {  	s15 =	simm.s32 @p0 $0x2900;
	_ =	swait.ge @p0 [sflag:s10], $0x80  }
0xc9: {  	s12 =	sadd.s32 @!p0 s11, s8;
	s13 =	sxor.u32 @!p0 $0xFFFFFFFF, s11;
	[sflag:s10] =	ssyncset.done @p0 $0x0  }
0xca: {  	s14 =	simm.s32 @p0 $0x6A00;
	[sflag:s10] =	ssyncadd.s32 @p0 $0xFFFFFF80;
	s10 =	simm.s32 @p0 $0x40  }
0xcb: {  	[spmem:s1] =	stream.indirect.scatter.add.f32 @p0 [tilespmem:s14], [sflag:$0x7], $0x80, s15, s10, $0xb8;
	[tilespmem:$0x1EA00] =	vst v63  }
0xcc: {  	s13 =	sand.u32 @!p0 $0x40, s13;
	s10 =	sadd.s32 @!p0 $0x40, s12;
	s14 =	simm.s32 @p0 $0x6  }
0xcd: {  	s13 =	sadd.s32 @!p0 s6, s13;
	s10 =	sand.u32 @!p0 $0x1FF80, s10;
	_ =	swait.ge @p0 [sflag:s14], $0x2000  }
0xce: {  	s10 =	sadd.s32 @!p0 s10, s13;
	[sflag:s14] =	ssyncset.done @p0 $0x0  }
0xcf: {  	s13 =	simm.s32 @!p0 $0x0;
	[sflag:s14] =	ssyncadd.s32 @p0 $0xFFFFE000;
	s14 =	simm.s32 @!p0 $0x2800  }
0xd0: {  	[tilespmem:s14], [sflag:$0x9] =	stream.linear.gather @!p0 [hbm4b:s10+s13], $0x80, $0x38;
	[tilespmem:$0x1EA00] =	vst v63  }
0xd1: {  	s15 =	simm.s32 @!p0 $0x2A00;
	s10 =	sadd.s32 @!p0 $0x40, s7;
	s14 =	simm.s32 @!p0 $0x40  }
0xd2: {  	[tilespmem:s15], [sflag:$0x1] =	stream.indirect.gather @!p0 [hbm4b:s4+s14], $0x80, s10, s14, $0xb8;
	[tilespmem:$0x1EA00] =	vst v63  }
0xd3: {  	s10 =	simm.s32 @!p0 $0x3  }
0xd4: {  	_ =	swait.ge @!p0 [sflag:s10], $0x2000  }
0xd5: {  	[sflag:s10] =	ssyncset.done @!p0 $0x0  }
0xd6: {  	[sflag:s10] =	ssyncadd.s32 @!p0 $0xFFFFE000;
	s10 =	simm.s32 @!p0 $0xB  }
0xd7: {  	_ =	swait.ge @!p0 [sflag:s10], $0x80  }
0xd8: {  	[sflag:s10] =	ssyncset.done @!p0 $0x0  }
0xd9: {  	s15 =	simm.s32 @!p0 $0x6A00;
	[sflag:s10] =	ssyncadd.s32 @!p0 $0xFFFFFF80;
	s10 =	simm.s32 @!p0 $0x2900  }
0xda: {  	[spmem:s1] =	stream.indirect.scatter.add.f32 @!p0 [tilespmem:s15], [sflag:$0x7], $0x80, s10, s14, $0xb8;
	[tilespmem:$0x1EA00] =	vst v63  }
0xdb: {  	s10 =	sadd.s32 @!p0 $0x50, s11;
	s11 =	simm.s32 @!p0 $0x6  }
0xdc: {  	s12 =	sadd.s32 @!p0 $0x50, s12;
	s10 =	sand.u32 @!p0 $0x50, s10;
	_ =	swait.ge @!p0 [sflag:s11], $0x2000  }
0xdd: {  	s12 =	sand.u32 @!p0 $0x1FF80, s12;
	s10 =	sadd.s32 @!p0 s6, s10;
	[sflag:s11] =	ssyncset.done @!p0 $0x0  }
0xde: {  	s10 =	sadd.s32 @!p0 s12, s10;
	[sflag:s11] =	ssyncadd.s32 @!p0 $0xFFFFE000;
	s11 =	simm.s32 @!p0 $0x2880  }
0xdf: {  	[tilespmem:s11], [sflag:$0xA] =	stream.linear.gather @!p0 [hbm4b:s10+s13], $0x80, $0x38;
	[tilespmem:$0x1EA00] =	vst v63  }
0xe0: {  	s7 =	sadd.s32 @!p0 $0x80, s7;
	s10 =	simm.s32 @!p0 $0x4A00  }
0xe1: {  	[tilespmem:s10], [sflag:$0x2] =	stream.indirect.gather @!p0 [hbm4b:s4+s14], $0x80, s7, s14, $0xb8;
	[tilespmem:$0x1EA00] =	vst v63  }
0xe2: {  	_ =	swait.ge [sflag:s2], $0x2000  }
0xe3: {  	[sflag:s2] =	ssyncset.done $0x0  }
0xe4: {  	[sflag:s2] =	ssyncadd.s32 $0xFFFFE000  }
0xe5: {  	_ =	swait.ge [sflag:s9], $0x80  }
0xe6: {  	[sflag:s9] =	ssyncset.done $0x0  }
0xe7: {  	s15 =	simm.s32 $0x7;
	[sflag:s9] =	ssyncadd.s32 $0xFFFFFF80  }
0xe8: {  	[spmem:s1] =	stream.indirect.scatter.add.f32 [tilespmem:s29], [sflag:$0x8], $0x80, s28, s19, $0xb8;
	[tilespmem:$0x1EA00] =	vst v63  }
0xe9: {  	_ =	swait.ge [sflag:s15], $0x2000  }
0xea: {  	[sflag:s15] =	ssyncset.done $0x0  }
0xeb: {  	s22 =	simm.s32 $0x8;
	[sflag:s15] =	ssyncadd.s32 $0xFFFFE000  }
0xec: {  	_ =	swait.ge [sflag:s22], $0x2000  }
0xed: {  	[sflag:s22] =	ssyncset.done $0x0  }
0xee: {  	[sflag:s22] =	ssyncadd.s32 $0xFFFFE000  }
0xef: {  	[bflag:$0x0] =	sbarrier.arrive $0xFFFF  }
0xf0: {  	s23 =	rddreg [dreg:$0x7]  }
0xf1: {  	s24 =	rddreg [dreg:$0xa]  }
0xf2: {  	s13 =	simm.s32 $0xD;
	s10 =	rddreg [dreg:$0xb]  }
0xf3: {  	[hbm:s23], [sflag:s24] =	dma.local [spmem:s10], $0x2800  }
0xf4: {  	_ =	swait.ge [sflag:s13], $0x2800  }
0xf5: {  	[sflag:s13] =	ssyncset.done $0x0  }
0xf6: {  	s14 =	rddreg [dreg:$0x3];
	[sflag:s13] =	ssyncadd.s32 $0xFFFFD800  }
0xf7: {  	[spmem:s10], [sflag:s24] =	dma.local [hbm:s14], $0x2800  }
0xf8: {  	_ =	swait.ge [sflag:s13], $0x2800  }
0xf9: {  	[sflag:s13] =	ssyncset.done $0x0  }
0xfa: {  	s7 =	simm.s32 $0x0;
	s15 =	rddreg [dreg:$0x5];
	[sflag:s13] =	ssyncadd.s32 $0xFFFFD800  }
0xfb: {  	[tilespmem:s16], [sflag:$0x9] =	stream.linear.gather [hbm4b:s15+s7], $0x80, $0x38;
	[tilespmem:$0x1EA00] =	vst v63  }
0xfc: {  	_ = 	snop  }
0xfd: {  	[tilespmem:s17], [sflag:$0x1] =	stream.indirect.gather [hbm4b:s5+s19], $0x80, s7, s19, $0xb8;
	[tilespmem:$0x1EA00] =	vst v63  }
0xfe: {  	s22 =	rddreg [dreg:$0x6];
	s13 =	simm.s32 $0x2880  }
0xff: {  	[tilespmem:s13], [sflag:$0xA] =	stream.linear.gather [hbm4b:s22+s7], $0x80, $0x38;
	[tilespmem:$0x1EA00] =	vst v63  }
0x100: {  	p0 =	por $0x1, $0x1  }
0x101: {  	[tilespmem:s18], [sflag:$0x2] =	stream.indirect.gather [hbm4b:s5+s19], $0x80, s19, s19, $0xb8;
	[tilespmem:$0x1EA00] =	vst v63  }
0x102: {  	s23 =	simm.s32 $0x20;
	s10 =	simm.s32 @!p0 $0x7;
	[bflag:$0x0] =	sbarrier.arrive $0xFFFF  }
0x103: {  	s11 =	sand.u32 $0x60, s23;
	s24 =	sadd.s32 $0x0, s8;
	_ =	swait.ge @!p0 [sflag:s10], $0x2000  }
0x104: {  	s11 =	sadd.s32 s6, s11;
	s12 =	sand.u32 $0x1FF80, s24;
	[sflag:s10] =	ssyncset.done @!p0 $0x0  }
0x105: {  	s11 =	sadd.s32 s12, s11;
	[sflag:s10] =	ssyncadd.s32 @!p0 $0xFFFFE000  }
0x106: {  	[tilespmem:s20], [sflag:$0xB] =	stream.linear.gather [hbm4b:s11+s3], $0x80, $0x38;
	[tilespmem:$0x1EA00] =	vst v63  }
0x107: {  	s14 =	simm.s32 $0x80  }
0x108: {  	[tilespmem:s21], [sflag:$0x3] =	stream.indirect.gather [hbm4b:s5+s19], $0x80, s14, s19, $0xb8;
	[tilespmem:$0x1EA00] =	vst v63  }
0x109: {  	_ =	swait.ge [sflag:s25], $0x2000  }
0x10a: {  	[sflag:s25] =	ssyncset.done $0x0  }
0x10b: {  	[sflag:s25] =	ssyncadd.s32 $0xFFFFE000  }
0x10c: {  	_ =	swait.ge [sflag:s26], $0x80  }
0x10d: {  	[sflag:s26] =	ssyncset.done $0x0  }
0x10e: {  	s15 =	simm.s32 $0x30;
	s10 =	simm.s32 @!p0 $0x8;
	[sflag:s26] =	ssyncadd.s32 $0xFFFFFF80  }
0x10f: {  	[spmem:s1] =	stream.indirect.scatter.add.f32 [tilespmem:s17], [sflag:$0x5], $0x80, s16, s19, $0xb8;
	[tilespmem:$0x1EA00] =	vst v63  }
0x110: {  	s11 =	sand.u32 $0x70, s15;
	_ =	swait.ge @!p0 [sflag:s10], $0x2000  }
0x111: {  	s11 =	sadd.s32 s6, s11;
	[sflag:s10] =	ssyncset.done @!p0 $0x0  }
0x112: {  	s22 =	sadd.s32 s12, s11;
	[sflag:s10] =	ssyncadd.s32 @!p0 $0xFFFFE000  }
0x113: {  	[tilespmem:s28], [sflag:$0xC] =	stream.linear.gather [hbm4b:s22+s3], $0x80, $0x38;
	[tilespmem:$0x1EA00] =	vst v63  }
0x114: {  	s23 =	simm.s32 $0xC0  }
0x115: {  	[tilespmem:s29], [sflag:$0x4] =	stream.indirect.gather [hbm4b:s5+s19], $0x80, s23, s19, $0xb8;
	[tilespmem:$0x1EA00] =	vst v63  }
0x116: {  	_ =	swait.ge [sflag:s30], $0x2000  }
0x117: {  	[sflag:s30] =	ssyncset.done $0x0  }
0x118: {  	[sflag:s30] =	ssyncadd.s32 $0xFFFFE000  }
0x119: {  	_ =	swait.ge [sflag:s31], $0x80  }
0x11a: {  	[sflag:s31] =	ssyncset.done $0x0  }
0x11b: {  	[sflag:s31] =	ssyncadd.s32 $0xFFFFFF80  }
0x11c: {  	[spmem:s1] =	stream.indirect.scatter.add.f32 [tilespmem:s18], [sflag:$0x6], $0x80, s13, s19, $0xb8;
	[tilespmem:$0x1EA00] =	vst v63  }
0x11d: {  	_ =	swait.ge [sflag:s0], $0x2000  }
0x11e: {  	p0 =	por $0x0, $0x0;
	[sflag:s0] =	ssyncset.done $0x0  }
0x11f: {  	s10 =	simm.s32 @p0 $0x3;
	[sflag:s0] =	ssyncadd.s32 $0xFFFFE000  }
0x120: {  	_ =	swait.ge @p0 [sflag:s10], $0x2000  }
0x121: {  	[sflag:s10] =	ssyncset.done @p0 $0x0  }
0x122: {  	[sflag:s10] =	ssyncadd.s32 @p0 $0xFFFFE000;
	s10 =	simm.s32 @p0 $0xB  }
0x123: {  	s11 =	sadd.s32 @!p0 $0x0, s8;
	_ =	swait.ge @p0 [sflag:s10], $0x80  }
0x124: {  	s7 =	sxor.u32 @!p0 $0xFFFFFFFF, s7;
	s12 =	simm.s32 @p0 $0x6A00;
	[sflag:s10] =	ssyncset.done @p0 $0x0  }
0x125: {  	s13 =	simm.s32 @p0 $0x2900;
	[sflag:s10] =	ssyncadd.s32 @p0 $0xFFFFFF80;
	s10 =	simm.s32 @p0 $0x40  }
0x126: {  	[spmem:s1] =	stream.indirect.scatter.add.f32 @p0 [tilespmem:s12], [sflag:$0x7], $0x80, s13, s10, $0xb8;
	[tilespmem:$0x1EA00] =	vst v63  }
0x127: {  	s7 =	sand.u32 @!p0 $0x40, s7;
	s10 =	sadd.s32 @!p0 $0x40, s11;
	s12 =	simm.s32 @p0 $0x6  }
0x128: {  	s7 =	sadd.s32 @!p0 s6, s7;
	s10 =	sand.u32 @!p0 $0x1FF80, s10;
	_ =	swait.ge @p0 [sflag:s12], $0x2000  }
0x129: {  	s7 =	sadd.s32 @!p0 s10, s7;
	[sflag:s12] =	ssyncset.done @p0 $0x0  }
0x12a: {  	s10 =	simm.s32 @!p0 $0x0;
	[sflag:s12] =	ssyncadd.s32 @p0 $0xFFFFE000;
	s12 =	simm.s32 @!p0 $0x2800  }
0x12b: {  	[tilespmem:s12], [sflag:$0x9] =	stream.linear.gather @!p0 [hbm4b:s7+s10], $0x80, $0x38;
	[tilespmem:$0x1EA00] =	vst v63  }
0x12c: {  	s13 =	simm.s32 @!p0 $0x2A00;
	s7 =	simm.s32 @!p0 $0x100;
	s12 =	simm.s32 @!p0 $0x40  }
0x12d: {  	[tilespmem:s13], [sflag:$0x1] =	stream.indirect.gather @!p0 [hbm4b:s5+s12], $0x80, s7, s12, $0xb8;
	[tilespmem:$0x1EA00] =	vst v63  }
0x12e: {  	s7 =	simm.s32 @!p0 $0x3  }
0x12f: {  	_ =	swait.ge @!p0 [sflag:s7], $0x2000  }
0x130: {  	[sflag:s7] =	ssyncset.done @!p0 $0x0  }
0x131: {  	[sflag:s7] =	ssyncadd.s32 @!p0 $0xFFFFE000;
	s7 =	simm.s32 @!p0 $0xB  }
0x132: {  	_ =	swait.ge @!p0 [sflag:s7], $0x80  }
0x133: {  	[sflag:s7] =	ssyncset.done @!p0 $0x0  }
0x134: {  	s13 =	simm.s32 @!p0 $0x6A00;
	[sflag:s7] =	ssyncadd.s32 @!p0 $0xFFFFFF80;
	s7 =	simm.s32 @!p0 $0x2900  }
0x135: {  	[spmem:s1] =	stream.indirect.scatter.add.f32 @!p0 [tilespmem:s13], [sflag:$0x7], $0x80, s7, s12, $0xb8;
	[tilespmem:$0x1EA00] =	vst v63  }
0x136: {  	s7 =	simm.s32 @!p0 $0x50;
	s13 =	simm.s32 @!p0 $0x6  }
0x137: {  	s11 =	sadd.s32 @!p0 $0x50, s11;
	s7 =	sand.u32 @!p0 $0x50, s7;
	_ =	swait.ge @!p0 [sflag:s13], $0x2000  }
0x138: {  	s11 =	sand.u32 @!p0 $0x1FF80, s11;
	s7 =	sadd.s32 @!p0 s6, s7;
	[sflag:s13] =	ssyncset.done @!p0 $0x0  }
0x139: {  	s7 =	sadd.s32 @!p0 s11, s7;
	[sflag:s13] =	ssyncadd.s32 @!p0 $0xFFFFE000;
	s11 =	simm.s32 @!p0 $0x2880  }
0x13a: {  	[tilespmem:s11], [sflag:$0xA] =	stream.linear.gather @!p0 [hbm4b:s7+s10], $0x80, $0x38;
	[tilespmem:$0x1EA00] =	vst v63  }
0x13b: {  	s7 =	simm.s32 @!p0 $0x140;
	s10 =	simm.s32 @!p0 $0x4A00  }
0x13c: {  	[tilespmem:s10], [sflag:$0x2] =	stream.indirect.gather @!p0 [hbm4b:s5+s12], $0x80, s7, s12, $0xb8;
	[tilespmem:$0x1EA00] =	vst v63  }
0x13d: {  	p1 =	por $0x0, $0x0;
	_ =	swait.ge [sflag:s2], $0x2000  }
0x13e: {  	s24 =	simm.s32 $0x2900;
	s20 =	simm.s32 $0x6A00;
	[sflag:s2] =	ssyncset.done $0x0  }
0x13f: {  	s21 =	simm.s32 $0x2A00;
	s22 =	simm.s32 $0x2880;
	[sflag:s2] =	ssyncadd.s32 $0xFFFFE000  }
0x140: {  	s23 =	simm.s32 $0x4A00;
	s11 =	simm.s32 $0x40;
	_ =	swait.ge [sflag:s9], $0x80  }
0x141: {  	s10 =	simm.s32 $0x80;
	s7 =	simm.s32 $0x1C0;
	[sflag:s9] =	ssyncset.done $0x0  }
.LBB2_4:
0x142: {  	s13 =	simm.s32 @!p1 $0x7  }
0x143: {  	s14 =	sadd.s32 $0x20, s11;
	[sflag:s9] =	ssyncadd.s32 $0xFFFFFF80;
	s12 =	smov.u32 s10  }
0x144: {  	[spmem:s1] =	stream.indirect.scatter.add.f32 [tilespmem:s29], [sflag:$0x8], $0x80, s28, s19, $0xb8;
	[tilespmem:$0x1EA00] =	vst v63  }
0x145: {  	s15 =	sadd.s32 s11, s8;
	s14 =	sand.u32 $0x60, s14;
	_ =	swait.ge @!p1 [sflag:s13], $0x2000  }
0x146: {  	s15 =	sand.u32 $0x1FF80, s15;
	s14 =	sadd.s32 s6, s14;
	[sflag:s13] =	ssyncset.done @!p1 $0x0  }
0x147: {  	s10 =	sadd.s32 $0x40, s10;
	[sflag:s13] =	ssyncadd.s32 @!p1 $0xFFFFE000;
	s13 =	sadd.s32 s15, s14  }
0x148: {  	[tilespmem:s24], [sflag:$0xB] =	stream.linear.gather [hbm4b:s13+s3], $0x80, $0x38;
	[tilespmem:$0x1EA00] =	vst v63  }
0x149: {  	p0 =	sne.s32 s10, $0xA00;
	s13 =	sadd.s32 $0xFFFFFFC0, s7  }
0x14a: {  	[tilespmem:s20], [sflag:$0x3] =	stream.indirect.gather [hbm4b:s5+s19], $0x80, s13, s19, $0xb8;
	[tilespmem:$0x1EA00] =	vst v63  }
0x14b: {  	_ =	swait.ge [sflag:s25], $0x2000  }
0x14c: {  	[sflag:s25] =	ssyncset.done $0x0  }
0x14d: {  	[sflag:s25] =	ssyncadd.s32 $0xFFFFE000  }
0x14e: {  	_ =	swait.ge [sflag:s26], $0x80  }
0x14f: {  	s16 =	simm.s32 $0x2800;
	[sflag:s26] =	ssyncset.done $0x0  }
0x150: {  	s14 =	sadd.s32 $0x30, s11;
	s13 =	simm.s32 @!p1 $0x8;
	[sflag:s26] =	ssyncadd.s32 $0xFFFFFF80  }
0x151: {  	[spmem:s1] =	stream.indirect.scatter.add.f32 [tilespmem:s21], [sflag:$0x5], $0x80, s16, s19, $0xb8;
	[tilespmem:$0x1EA00] =	vst v63  }
0x152: {  	s14 =	sand.u32 $0x70, s14;
	_ =	swait.ge @!p1 [sflag:s13], $0x2000  }
0x153: {  	s14 =	sadd.s32 s6, s14;
	[sflag:s13] =	ssyncset.done @!p1 $0x0  }
0x154: {  	[sflag:s13] =	ssyncadd.s32 @!p1 $0xFFFFE000;
	s13 =	sadd.s32 s15, s14  }
0x155: {  	[tilespmem:s28], [sflag:$0xC] =	stream.linear.gather [hbm4b:s13+s3], $0x80, $0x38;
	[tilespmem:$0x1EA00] =	vst v63  }
0x156: {  	_ = 	snop  }
0x157: {  	[tilespmem:s29], [sflag:$0x4] =	stream.indirect.gather [hbm4b:s5+s19], $0x80, s7, s19, $0xb8;
	[tilespmem:$0x1EA00] =	vst v63  }
0x158: {  	_ =	swait.ge [sflag:s30], $0x2000  }
0x159: {  	[sflag:s30] =	ssyncset.done $0x0  }
0x15a: {  	[sflag:s30] =	ssyncadd.s32 $0xFFFFE000  }
0x15b: {  	_ =	swait.ge [sflag:s31], $0x80  }
0x15c: {  	[sflag:s31] =	ssyncset.done $0x0  }
0x15d: {  	[sflag:s31] =	ssyncadd.s32 $0xFFFFFF80  }
0x15e: {  	[spmem:s1] =	stream.indirect.scatter.add.f32 [tilespmem:s23], [sflag:$0x6], $0x80, s22, s19, $0xb8;
	[tilespmem:$0x1EA00] =	vst v63  }
0x15f: {  	_ =	swait.ge [sflag:s0], $0x2000  }
0x160: {  	p1 =	seq.s32 s11, $0x9C0;
	[sflag:s0] =	ssyncset.done $0x0  }
0x161: {  	s13 =	simm.s32 @p1 $0x3;
	s14 =	sadd.s32 @!p1 s11, s8;
	[sflag:s0] =	ssyncadd.s32 $0xFFFFE000  }
0x162: {  	s16 =	sxor.u32 @!p1 $0xFFFFFFFF, s11;
	s15 =	sadd.s32 @!p1 $0x40, s14;
	_ =	swait.ge @p1 [sflag:s13], $0x2000  }
0x163: {  	s16 =	sand.u32 @!p1 $0x40, s16;
	s15 =	sand.u32 @!p1 $0x1FF80, s15;
	[sflag:s13] =	ssyncset.done @p1 $0x0  }
0x164: {  	s16 =	sadd.s32 @!p1 s6, s16;
	[sflag:s13] =	ssyncadd.s32 @p1 $0xFFFFE000;
	s13 =	simm.s32 @p1 $0xB  }
0x165: {  	s11 =	sadd.s32 @!p1 $0x50, s11;
	s15 =	sadd.s32 @!p1 s15, s16;
	_ =	swait.ge @p1 [sflag:s13], $0x80  }
0x166: {  	s17 =	simm.s32 @p1 $0x6;
	s16 =	simm.s32 @p1 $0x6A00;
	[sflag:s13] =	ssyncset.done @p1 $0x0  }
0x167: {  	s18 =	simm.s32 @p1 $0x2900;
	[sflag:s13] =	ssyncadd.s32 @p1 $0xFFFFFF80;
	s13 =	simm.s32 @p1 $0x40  }
0x168: {  	[spmem:s1] =	stream.indirect.scatter.add.f32 @p1 [tilespmem:s16], [sflag:$0x7], $0x80, s18, s13, $0xb8;
	[tilespmem:$0x1EA00] =	vst v63  }
0x169: {  	s11 =	sand.u32 @!p1 $0x50, s11;
	s13 =	sadd.s32 @!p1 $0x50, s14;
	_ =	swait.ge @p1 [sflag:s17], $0x2000  }
0x16a: {  	s14 =	simm.s32 @!p1 $0x3;
	s16 =	sadd.s32 @!p1 s6, s11;
	[sflag:s17] =	ssyncset.done @p1 $0x0  }
0x16b: {  	s11 =	simm.s32 @!p1 $0x2800;
	[sflag:s17] =	ssyncadd.s32 @p1 $0xFFFFE000;
	s17 =	simm.s32 @!p1 $0x0  }
0x16c: {  	[tilespmem:s11], [sflag:$0x9] =	stream.linear.gather @!p1 [hbm4b:s15+s17], $0x80, $0x38;
	[tilespmem:$0x1EA00] =	vst v63  }
0x16d: {  	s18 =	simm.s32 @!p1 $0x2A00;
	s11 =	sadd.s32 @!p1 $0x40, s7;
	s15 =	simm.s32 @!p1 $0x40  }
0x16e: {  	[tilespmem:s18], [sflag:$0x1] =	stream.indirect.gather @!p1 [hbm4b:s5+s15], $0x80, s11, s15, $0xb8;
	[tilespmem:$0x1EA00] =	vst v63  }
0x16f: {  	s13 =	sand.u32 @!p1 $0x1FF80, s13;
	s11 =	smov.u32 s12;
	_ =	swait.ge @!p1 [sflag:s14], $0x2000  }
0x170: {  	s12 =	sadd.s32 @!p1 s13, s16;
	[sflag:s14] =	ssyncset.done @!p1 $0x0  }
0x171: {  	s13 =	simm.s32 @!p1 $0xB;
	[sflag:s14] =	ssyncadd.s32 @!p1 $0xFFFFE000  }
0x172: {  	_ =	swait.ge @!p1 [sflag:s13], $0x80  }
0x173: {  	s14 =	simm.s32 @!p1 $0x6;
	[sflag:s13] =	ssyncset.done @!p1 $0x0  }
0x174: {  	s16 =	simm.s32 @!p1 $0x6A00;
	[sflag:s13] =	ssyncadd.s32 @!p1 $0xFFFFFF80;
	s13 =	simm.s32 @!p1 $0x2900  }
0x175: {  	[spmem:s1] =	stream.indirect.scatter.add.f32 @!p1 [tilespmem:s16], [sflag:$0x7], $0x80, s13, s15, $0xb8;
	[tilespmem:$0x1EA00] =	vst v63  }
0x176: {  	_ =	swait.ge @!p1 [sflag:s14], $0x2000  }
0x177: {  	[sflag:s14] =	ssyncset.done @!p1 $0x0  }
0x178: {  	s13 =	simm.s32 @!p1 $0x2880;
	[sflag:s14] =	ssyncadd.s32 @!p1 $0xFFFFE000  }
0x179: {  	[tilespmem:s13], [sflag:$0xA] =	stream.linear.gather @!p1 [hbm4b:s12+s17], $0x80, $0x38;
	[tilespmem:$0x1EA00] =	vst v63  }
0x17a: {  	s12 =	sadd.s32 @!p1 $0x80, s7;
	s13 =	simm.s32 @!p1 $0x4A00  }
0x17b: {  	[tilespmem:s13], [sflag:$0x2] =	stream.indirect.gather @!p1 [hbm4b:s5+s15], $0x80, s12, s15, $0xb8;
	[tilespmem:$0x1EA00] =	vst v63  }
.Ltmp1:
0x17c: {  	_ =	swait.ge [sflag:s2], $0x2000;
	(pc) =	sbr.rel @p0 .LBB2_4-.Ltmp1, $4  }
0x17d: {  	[sflag:s2] =	ssyncset.done $0x0  }
0x17e: {  	[sflag:s2] =	ssyncadd.s32 $0xFFFFE000  }
0x17f: {  	_ =	swait.ge [sflag:s9], $0x80  }
0x180: {  	s7 =	sadd.s32 $0x100, s7;
	p1 =	seq.s32 s11, $0x0;
	[sflag:s9] =	ssyncset.done $0x0  }
0x181: {  	s10 =	simm.s32 @!p1 $0x7;
	s12 =	sadd.s32 $0x20, s11;
	[sflag:s9] =	ssyncadd.s32 $0xFFFFFF80  }
0x182: {  	[spmem:s1] =	stream.indirect.scatter.add.f32 [tilespmem:s29], [sflag:$0x8], $0x80, s28, s19, $0xb8;
	[tilespmem:$0x1EA00] =	vst v63  }
0x183: {  	s13 =	sadd.s32 s11, s8;
	s12 =	sand.u32 $0x60, s12;
	_ =	swait.ge @!p1 [sflag:s10], $0x2000  }
0x184: {  	s13 =	sand.u32 $0x1FF80, s13;
	s12 =	sadd.s32 s6, s12;
	[sflag:s10] =	ssyncset.done @!p1 $0x0  }
0x185: {  	s12 =	sadd.s32 s13, s12;
	[sflag:s10] =	ssyncadd.s32 @!p1 $0xFFFFE000  }
0x186: {  	[tilespmem:s24], [sflag:$0xB] =	stream.linear.gather [hbm4b:s12+s3], $0x80, $0x38;
	[tilespmem:$0x1EA00] =	vst v63  }
0x187: {  	s14 =	sadd.s32 $0xFFFFFFC0, s7  }
0x188: {  	[tilespmem:s20], [sflag:$0x3] =	stream.indirect.gather [hbm4b:s5+s19], $0x80, s14, s19, $0xb8;
	[tilespmem:$0x1EA00] =	vst v63  }
0x189: {  	_ =	swait.ge [sflag:s25], $0x2000  }
0x18a: {  	[sflag:s25] =	ssyncset.done $0x0  }
0x18b: {  	[sflag:s25] =	ssyncadd.s32 $0xFFFFE000  }
0x18c: {  	_ =	swait.ge [sflag:s26], $0x80  }
0x18d: {  	s15 =	sadd.s32 $0x30, s11;
	[sflag:s26] =	ssyncset.done $0x0  }
0x18e: {  	s10 =	simm.s32 @!p1 $0x8;
	s14 =	simm.s32 $0x2800;
	[sflag:s26] =	ssyncadd.s32 $0xFFFFFF80  }
0x18f: {  	[spmem:s1] =	stream.indirect.scatter.add.f32 [tilespmem:s21], [sflag:$0x5], $0x80, s14, s19, $0xb8;
	[tilespmem:$0x1EA00] =	vst v63  }
0x190: {  	s12 =	sand.u32 $0x70, s15;
	_ =	swait.ge @!p1 [sflag:s10], $0x2000  }
0x191: {  	s12 =	sadd.s32 s6, s12;
	[sflag:s10] =	ssyncset.done @!p1 $0x0  }
0x192: {  	s16 =	sadd.s32 s13, s12;
	[sflag:s10] =	ssyncadd.s32 @!p1 $0xFFFFE000  }
0x193: {  	[tilespmem:s28], [sflag:$0xC] =	stream.linear.gather [hbm4b:s16+s3], $0x80, $0x38;
	[tilespmem:$0x1EA00] =	vst v63  }
0x194: {  	_ = 	snop  }
0x195: {  	[tilespmem:s29], [sflag:$0x4] =	stream.indirect.gather [hbm4b:s5+s19], $0x80, s7, s19, $0xb8;
	[tilespmem:$0x1EA00] =	vst v63  }
0x196: {  	_ =	swait.ge [sflag:s30], $0x2000  }
0x197: {  	[sflag:s30] =	ssyncset.done $0x0  }
0x198: {  	[sflag:s30] =	ssyncadd.s32 $0xFFFFE000  }
0x199: {  	_ =	swait.ge [sflag:s31], $0x80  }
0x19a: {  	[sflag:s31] =	ssyncset.done $0x0  }
0x19b: {  	[sflag:s31] =	ssyncadd.s32 $0xFFFFFF80  }
0x19c: {  	[spmem:s1] =	stream.indirect.scatter.add.f32 [tilespmem:s23], [sflag:$0x6], $0x80, s22, s19, $0xb8;
	[tilespmem:$0x1EA00] =	vst v63  }
0x19d: {  	_ =	swait.ge [sflag:s0], $0x2000  }
0x19e: {  	p0 =	seq.s32 s11, $0x9C0;
	[sflag:s0] =	ssyncset.done $0x0  }
0x19f: {  	s10 =	simm.s32 @p0 $0x3;
	[sflag:s0] =	ssyncadd.s32 $0xFFFFE000  }
0x1a0: {  	_ =	swait.ge @p0 [sflag:s10], $0x2000  }
0x1a1: {  	[sflag:s10] =	ssyncset.done @p0 $0x0  }
0x1a2: {  	[sflag:s10] =	ssyncadd.s32 @p0 $0xFFFFE000;
	s10 =	simm.s32 @p0 $0xB  }
0x1a3: {  	s15 =	simm.s32 @p0 $0x2900;
	_ =	swait.ge @p0 [sflag:s10], $0x80  }
0x1a4: {  	s12 =	sadd.s32 @!p0 s11, s8;
	s13 =	sxor.u32 @!p0 $0xFFFFFFFF, s11;
	[sflag:s10] =	ssyncset.done @p0 $0x0  }
0x1a5: {  	s14 =	simm.s32 @p0 $0x6A00;
	[sflag:s10] =	ssyncadd.s32 @p0 $0xFFFFFF80;
	s10 =	simm.s32 @p0 $0x40  }
0x1a6: {  	[spmem:s1] =	stream.indirect.scatter.add.f32 @p0 [tilespmem:s14], [sflag:$0x7], $0x80, s15, s10, $0xb8;
	[tilespmem:$0x1EA00] =	vst v63  }
0x1a7: {  	s13 =	sand.u32 @!p0 $0x40, s13;
	s10 =	sadd.s32 @!p0 $0x40, s12;
	s14 =	simm.s32 @p0 $0x6  }
0x1a8: {  	s13 =	sadd.s32 @!p0 s6, s13;
	s10 =	sand.u32 @!p0 $0x1FF80, s10;
	_ =	swait.ge @p0 [sflag:s14], $0x2000  }
0x1a9: {  	s10 =	sadd.s32 @!p0 s10, s13;
	[sflag:s14] =	ssyncset.done @p0 $0x0  }
0x1aa: {  	s13 =	simm.s32 @!p0 $0x0;
	[sflag:s14] =	ssyncadd.s32 @p0 $0xFFFFE000;
	s14 =	simm.s32 @!p0 $0x2800  }
0x1ab: {  	[tilespmem:s14], [sflag:$0x9] =	stream.linear.gather @!p0 [hbm4b:s10+s13], $0x80, $0x38;
	[tilespmem:$0x1EA00] =	vst v63  }
0x1ac: {  	s15 =	simm.s32 @!p0 $0x2A00;
	s10 =	sadd.s32 @!p0 $0x40, s7;
	s14 =	simm.s32 @!p0 $0x40  }
0x1ad: {  	[tilespmem:s15], [sflag:$0x1] =	stream.indirect.gather @!p0 [hbm4b:s5+s14], $0x80, s10, s14, $0xb8;
	[tilespmem:$0x1EA00] =	vst v63  }
0x1ae: {  	s10 =	simm.s32 @!p0 $0x3  }
0x1af: {  	_ =	swait.ge @!p0 [sflag:s10], $0x2000  }
0x1b0: {  	[sflag:s10] =	ssyncset.done @!p0 $0x0  }
0x1b1: {  	[sflag:s10] =	ssyncadd.s32 @!p0 $0xFFFFE000;
	s10 =	simm.s32 @!p0 $0xB  }
0x1b2: {  	_ =	swait.ge @!p0 [sflag:s10], $0x80  }
0x1b3: {  	[sflag:s10] =	ssyncset.done @!p0 $0x0  }
0x1b4: {  	s15 =	simm.s32 @!p0 $0x6A00;
	[sflag:s10] =	ssyncadd.s32 @!p0 $0xFFFFFF80;
	s10 =	simm.s32 @!p0 $0x2900  }
0x1b5: {  	[spmem:s1] =	stream.indirect.scatter.add.f32 @!p0 [tilespmem:s15], [sflag:$0x7], $0x80, s10, s14, $0xb8;
	[tilespmem:$0x1EA00] =	vst v63  }
0x1b6: {  	s10 =	sadd.s32 @!p0 $0x50, s11;
	s11 =	simm.s32 @!p0 $0x6  }
0x1b7: {  	s12 =	sadd.s32 @!p0 $0x50, s12;
	s10 =	sand.u32 @!p0 $0x50, s10;
	_ =	swait.ge @!p0 [sflag:s11], $0x2000  }
0x1b8: {  	s12 =	sand.u32 @!p0 $0x1FF80, s12;
	s10 =	sadd.s32 @!p0 s6, s10;
	[sflag:s11] =	ssyncset.done @!p0 $0x0  }
0x1b9: {  	s10 =	sadd.s32 @!p0 s12, s10;
	[sflag:s11] =	ssyncadd.s32 @!p0 $0xFFFFE000;
	s11 =	simm.s32 @!p0 $0x2880  }
0x1ba: {  	[tilespmem:s11], [sflag:$0xA] =	stream.linear.gather @!p0 [hbm4b:s10+s13], $0x80, $0x38;
	[tilespmem:$0x1EA00] =	vst v63  }
0x1bb: {  	s7 =	sadd.s32 @!p0 $0x80, s7;
	s10 =	simm.s32 @!p0 $0x4A00  }
0x1bc: {  	[tilespmem:s10], [sflag:$0x2] =	stream.indirect.gather @!p0 [hbm4b:s5+s14], $0x80, s7, s14, $0xb8;
	[tilespmem:$0x1EA00] =	vst v63  }
0x1bd: {  	_ =	swait.ge [sflag:s2], $0x2000  }
0x1be: {  	[sflag:s2] =	ssyncset.done $0x0  }
0x1bf: {  	[sflag:s2] =	ssyncadd.s32 $0xFFFFE000  }
0x1c0: {  	_ =	swait.ge [sflag:s9], $0x80  }
0x1c1: {  	[sflag:s9] =	ssyncset.done $0x0  }
0x1c2: {  	s17 =	simm.s32 $0x7;
	[sflag:s9] =	ssyncadd.s32 $0xFFFFFF80  }
0x1c3: {  	[spmem:s1] =	stream.indirect.scatter.add.f32 [tilespmem:s29], [sflag:$0x8], $0x80, s28, s19, $0xb8;
	[tilespmem:$0x1EA00] =	vst v63  }
0x1c4: {  	_ =	swait.ge [sflag:s17], $0x2000  }
0x1c5: {  	[sflag:s17] =	ssyncset.done $0x0  }
0x1c6: {  	s18 =	simm.s32 $0x8;
	[sflag:s17] =	ssyncadd.s32 $0xFFFFE000  }
0x1c7: {  	_ =	swait.ge [sflag:s18], $0x2000  }
0x1c8: {  	[sflag:s18] =	ssyncset.done $0x0  }
0x1c9: {  	[sflag:s18] =	ssyncadd.s32 $0xFFFFE000  }
0x1ca: {  	[bflag:$0x0] =	sbarrier.arrive $0xFFFF  }
0x1cb: {  	s21 =	rddreg [dreg:$0x8]  }
0x1cc: {  	s11 =	rddreg [dreg:$0xa]  }
0x1cd: {  	s10 =	simm.s32 $0xD;
	s12 =	rddreg [dreg:$0xb]  }
0x1ce: {  	[hbm:s21], [sflag:s11] =	dma.local [spmem:s12], $0x2800  }
0x1cf: {  	_ =	swait.ge [sflag:s10], $0x2800  }
0x1d0: {  	s22 =	rddreg [dreg:$0xc]  }
0x1d1: {  	s23 =	rddreg [dreg:$0x9];
	s13 =	sadd.s32 $0x1, s22  }
0x1d2: {  	p0 =	sne.s32 s13, s23  }
.Ltmp2:
0x1d3: {  	_ = 	snop;
	(pc) =	sbr.rel @p0 .LBB2_1-.Ltmp2, $3  }
0x1d4: {  	_ =	sdelay $0x1  }
0x1d5: {  	[sflag:s10] =	ssyncset.done $0x0  }
0x1d6: {  	[sflag:s10] =	ssyncadd.s32 $0xFFFFD800  }
0x1d7: {  	_ =	sfence.sel $0x180000  }
0x1d8: {  	[bflag:$0x0] =	sbarrier.arrive $0xFFFF  }
0x1d9: {  	_ =	strace $0x9000004A  }
0x1da: {  	s0 =	stileid.u32;
	[bflag:$0x2] =	sbarrier.arrive $0xFFFF  }
0x1db: {  	p0 =	sne.s32 s0, $0x0;
	s0 =	rddreg [dreg:$0x2]  }
0x1dc: {  	s0 =	sadd.s32 @!p0 $0x100000, s0  }
0x1dd: {  	[sflag:s0] =	ssyncadd.tile.s32 @!p0 $0x1;
	_ =	shalt  }
.Lfunc_end2:
_tile_overlayer_lowered:
.L_overlay_start_2:
0x1de: {  	(tag) =	ssettag $0x2  }
0x1df: {  	s0 =	rddreg [dreg:$0x0];
	s2 =	stileid.u32  }
0x1e0: {  	s1 =	rddreg [dreg:$0x1];
	p0 =	sne.s32 s2, $0x0  }
0x1e1: {  	s3 =	rddreg [dreg:$0x2];
	[bflag:$0x3] =	sbarrier.arrive $0xFFFF;
	s2 =	simm.s32 @!p0 $0x1C0D  }
0x1e2: {  	[timem:s3], [sflag:s2] =	dma.local @!p0 [hbm:s0], s1  }
0x1e3: {  	s0 =	simm.s32 @!p0 $0xD  }
0x1e4: {  	_ =	swait.ge @!p0 [sflag:s0], s1  }
0x1e5: {  	s1 =	ssub.s32 @!p0 $0x0, s1;
	[sflag:s0] =	ssyncset.done @!p0 $0x0  }
0x1e6: {  	[sflag:s0] =	ssyncadd.s32 @!p0 s1  }
0x1e7: {  	[bflag:$0x3] =	sbarrier.arrive $0xFFFF  }
0x1e8: {  	_ =	shalt  }

// kernel: kernel.15.cloned.1.call-start
scs
__scs_entry_jumppad:
0x0: {  	(pc) =	sbr.rel $0x88, $3  }
0x1: {  	(tag) =	ssettag $0x0;
	lr =	simm.s32 $0x1  }
0x2: {  	[smem:$0x3F92] =	sst lr;
	_ =	strace $0xD0000000  }
0x3: {  	_ = 	snop  }
0x4: {  	_ = 	snop  }
0x5: {  	_ = 	snop  }
0x6: {  	_ = 	snop  }
0x7: {  	_ = 	snop  }
__scs_overlays_trampoline_lowered:
0x8: {  	[smem:$0x3FA1] =	sst s0  }
0x9: {  	[smem:$0x3FA2] =	sst s1  }
0xa: {  	[smem:$0x3FA3] =	sst s2  }
0xb: {  	[smem:$0x3FA4] =	sst s3  }
0xc: {  	[smem:$0x3FA5] =	sst s4  }
0xd: {  	[smem:$0x3FA6] =	sst s5  }
0xe: {  	[smem:$0x3FA7] =	sst s6  }
0xf: {  	[smem:$0x3FA8] =	sst s7  }
0x10: {  	[smem:$0x3FA9] =	sst s8  }
0x11: {  	[smem:$0x3FAA] =	sst s9;
	s0 =	simm.s32 @!p0 $0x0  }
0x12: {  	s1 =	sld [smem:$0x3F90];
	s0 =	simm.s32 @p0 $0x1  }
0x13: {  	[smem:$0x3FAB] =	sst s0;
	s0 =	simm.s32 @!p1 $0x0  }
0x14: {  	s2 =	sld [smem:$0x3F8F];
	s0 =	simm.s32 @p1 $0x1  }
0x15: {  	[smem:$0x3FAC] =	sst s0;
	s0 =	simm.s32 @!p2 $0x0  }
0x16: {  	s3 =	sld [smem:$0x3FDB];
	s0 =	simm.s32 @p2 $0x1  }
0x17: {  	s4 =	simm.s32 $0x1BF5;
	[smem:$0x3FAE] =	sst s0  }
0x18: {  	s0 =	sld [smem:$0x3F91];
	_ =	swait.ge [sflag:s4], $0x0  }
0x19: {  	s7 =	sld [smem:$0x3F92]  }
0x1a: {  	s8 =	sadd.s32 $0xFFFFE003, lr  }
0x1b: {  	s9 =	sadd.s32 $0xFFFFFEF7, lr;
	s5 =	simm.s32 $0xFFFFFFFF;
	p2 =	slt.u32 s8, $0xFFFFF086  }
0x1c: {  	p1 =	slt.u32 s9, $0xF7A;
	s5 =	simm.s32 @!p2 $0x0  }
0x1d: {  	s5 =	simm.s32 @p1 $0x1;
	p0 =	seq.s32 s7, s2  }
0x1e: {  	s7 =	smul.u32 @!p0 $0xF7A, s2;
	p2 =	seq.s32 @!p0 s5, $0x0  }
0x1f: {  	s9 =	smul.u32 $0xF7A, s1;
	s8 =	simm.s32 @!p0 $0x1BF5;
	p2 =	por !p2, p0  }
0x20: {  	[sflag:s8] =	ssyncset.s32 @!p0 $0xFFFFF086;
	s6 =	sadd.s32 @!p0 s3, s7;
	s7 =	simm.s32 @!p0 $0x108  }
0x21: {  	s3 =	sadd.s32 s3, s9;
	s6 =	sadd.s32 @!p0 $0x88, s6;
	s7 =	simm.s32 @p2 $0x1082  }
0x22: {  	[simem:s7], [sflag:s8] =	dma.local @!p0 [hbm:s6], $0xF7A  }
0x23: {  	s9 =	sor.u32 $0xD0000000, s2;
	s6 =	simm.s32 $0x108;
	_ =	swait.ge @!p0 [sflag:s8], $0x0  }
0x24: {  	s3 =	sadd.s32 $0x88, s3;
	s6 =	simm.s32 @!p1 $0x1082;
	[sflag:s4] =	ssyncset.s32 $0xFFFFF086  }
0x25: {  	[simem:s6], [sflag:s4] =	dma.local [hbm:s3], $0xF7A  }
0x26: {  	[smem:$0x3F92] =	sst s1;
	(tag) =	ssettag s2;
	_ =	strace s9  }
0x27: {  	s1 =	sld [smem:$0x3FA2]  }
0x28: {  	s2 =	sld [smem:$0x3FA3]  }
0x29: {  	s4 =	sld [smem:$0x3FA5]  }
0x2a: {  	p0 =	seq.s32 s5, $0x0;
	s5 =	sld [smem:$0x3FA6]  }
0x2b: {  	s6 =	sld [smem:$0x3FA7]  }
0x2c: {  	s7 =	sld [smem:$0x3FA8]  }
0x2d: {  	s3 =	simm.s32 $0x108;
	s8 =	sld [smem:$0x3FA9]  }
0x2e: {  	s3 =	simm.s32 @!p0 $0x1082;
	s9 =	sld [smem:$0x3FAA]  }
0x2f: {  	lr =	sadd.s32 s0, s3;
	s0 =	sld [smem:$0x3FA1]  }
0x30: {  	s3 =	sld [smem:$0x3FA4]  }
0x31: {  	[smem:$0x3FAD] =	sst s10  }
0x32: {  	s10 =	sld [smem:$0x3FAB];
	_ =	sdelay $0x3  }
0x33: {  	p0 =	seq.s32 s10, $0x1;
	s10 =	sld [smem:$0x3FAD];
	_ =	sdelay $0x3  }
0x34: {  	[smem:$0x3FAD] =	sst s10  }
0x35: {  	s10 =	sld [smem:$0x3FAC];
	_ =	sdelay $0x3  }
0x36: {  	p1 =	seq.s32 s10, $0x1;
	s10 =	sld [smem:$0x3FAD];
	_ =	sdelay $0x3  }
0x37: {  	[smem:$0x3FAD] =	sst s10  }
0x38: {  	s10 =	sld [smem:$0x3FAE]  }
0x39: {  	_ = 	snop;
	(pc) =	sbr.ind lr, $3  }
0x3a: {  	_ = 	snop  }
0x3b: {  	_ = 	snop  }
0x3c: {  	p2 =	seq.s32 s10, $0x1;
	s10 =	sld [smem:$0x3FAD]  }
0x3d: {  	_ =	shalt  }
0x3e: {  	_ =	shalt  }
0x3f: {  	_ =	shalt  }
0x40: {  	_ =	shalt  }
0x41: {  	_ =	shalt  }
0x42: {  	_ =	shalt  }
0x43: {  	_ =	shalt  }
0x44: {  	_ =	shalt  }
0x45: {  	_ =	shalt  }
0x46: {  	_ =	shalt  }
0x47: {  	_ =	shalt  }
0x48: {  	_ =	shalt  }
0x49: {  	_ =	shalt  }
0x4a: {  	_ =	shalt  }
0x4b: {  	_ =	shalt  }
0x4c: {  	_ =	shalt  }
0x4d: {  	_ =	shalt  }
0x4e: {  	_ =	shalt  }
0x4f: {  	_ =	shalt  }
0x50: {  	_ =	shalt  }
0x51: {  	_ =	shalt  }
0x52: {  	_ =	shalt  }
0x53: {  	_ =	shalt  }
0x54: {  	_ =	shalt  }
0x55: {  	_ =	shalt  }
0x56: {  	_ =	shalt  }
0x57: {  	_ =	shalt  }
0x58: {  	_ =	shalt  }
0x59: {  	_ =	shalt  }
0x5a: {  	_ =	shalt  }
0x5b: {  	_ =	shalt  }
0x5c: {  	_ =	shalt  }
0x5d: {  	_ =	shalt  }
0x5e: {  	_ =	shalt  }
0x5f: {  	_ =	shalt  }
0x60: {  	_ =	shalt  }
0x61: {  	_ =	shalt  }
0x62: {  	_ =	shalt  }
0x63: {  	_ =	shalt  }
0x64: {  	_ =	shalt  }
0x65: {  	_ =	shalt  }
0x66: {  	_ =	shalt  }
0x67: {  	_ =	shalt  }
0x68: {  	_ =	shalt  }
0x69: {  	_ =	shalt  }
0x6a: {  	_ =	shalt  }
0x6b: {  	_ =	shalt  }
0x6c: {  	_ =	shalt  }
0x6d: {  	_ =	shalt  }
0x6e: {  	_ =	shalt  }
0x6f: {  	_ =	shalt  }
0x70: {  	_ =	shalt  }
0x71: {  	_ =	shalt  }
0x72: {  	_ =	shalt  }
0x73: {  	_ =	shalt  }
0x74: {  	_ =	shalt  }
0x75: {  	_ =	shalt  }
0x76: {  	_ =	shalt  }
0x77: {  	_ =	shalt  }
0x78: {  	_ =	shalt  }
0x79: {  	_ =	shalt  }
0x7a: {  	_ =	shalt  }
0x7b: {  	_ =	shalt  }
0x7c: {  	_ =	shalt  }
0x7d: {  	_ =	shalt  }
0x7e: {  	_ =	shalt  }
0x7f: {  	_ =	shalt  }
0x80: {  	_ =	shalt  }
0x81: {  	_ =	shalt  }
0x82: {  	_ =	shalt  }
0x83: {  	_ =	shalt  }
0x84: {  	_ =	shalt  }
0x85: {  	_ =	shalt  }
0x86: {  	_ =	shalt  }
0x87: {  	_ =	shalt  }
.Lfunc_end0:
.L_simem_size_0:
called_computation.2_lowered:
.L_overlay_start_0:
0x88: {  	s2 =	sld [smem:$0x3FD9]  }
0x89: {  	s3 =	sld [smem:$0x3FFE];
	_ =	sdelay $0x1  }
0x8a: {  	s1 =	srdreg.scid  }
0x8b: {  	s0 =	sand.u32 $0x1, s1  }
0x8c: {  	s16 =	sshll.u32 s0, $0xA;
	s2 =	sadd.s32 s3, s2  }
0x8d: {  	s2 =	sadd.s32 s2, s16  }
0x8e: {  	[smem:$0x3FB9] =	sst s2  }
0x8f: {  	_ = 	snop  }
0x90: {  	(tm) =	ssettm $0x1  }
0x91: {  	s17 =	sld [smem:$0x3FFB];
	_ =	sdelay $0x3  }
0x92: {  	_ =	strace s17  }
0x93: {  	s2 =	sld [smem:$0x3FFC];
	_ =	sdelay $0x3  }
0x94: {  	_ =	strace s2  }
0x95: {  	s2 =	sld [smem:$0x3FFD];
	_ =	sdelay $0x3  }
0x96: {  	_ =	strace s2  }
0x97: {  	_ =	strace $0x8FFFFFFF  }
0x98: {  	s18 =	sld [smem:$0x3FDB];
	_ =	sdelay $0x1  }
0x99: {  	s19 =	simm.s32 $_scs_section_size  }
0x9a: {  	s4 =	simm.s32 $_size__tile_overlayer_lowered;
	s5 =	simm.s32 $_tile_overlayer_lowered  }
0x9b: {  	s22 =	simm.s32 $0x1BFF;
	s21 =	sshll.u32 s5, $0x1;
	s2 =	sadd.s32 s19, s18  }
0x9c: {  	s6 =	simm.s32 $0x0;
	s20 =	sshll.u32 s4, $0x1;
	s4 =	sadd.s32 s21, s2  }
0x9d: {  	[timem:s6], [sflag:s22] =	dma.local [hbm:s4], s20  }
0x9e: {  	_ =	swait.ge [sflag:s22], s20  }
0x9f: {  	s3 =	ssub.s32 $0x0, s20;
	[sflag:s22] =	ssyncset.done $0x0  }
0xa0: {  	[sflag:s22] =	ssyncadd.s32 s3;
	_ =	sdelay $0x1  }
0xa1: {  	s23 =	simm.s32 $0x1B8B  }
0xa2: {  	_ =	swait.ge [sflag:s23], $0x1  }
0xa3: {  	[sflag:s23] =	ssyncset.done $0x0  }
0xa4: {  	s25 =	simm.s32 $0x1B8E;
	s24 =	sld [smem:$0x3FFE];
	[sflag:s23] =	ssyncadd.s32 $0xFFFFFFFF  }
0xa5: {  	s26 =	simm.s32 $execute0_lowered;
	[smem:$0x3FD2] =	sst s25  }
0xa6: {  	s4 =	sshll.u32 s26, $0x1;
	_ =	strace $0x8000004C;
	[dreg:$0x1] =	wrdreg $0xFFFFFFFF  }
0xa7: {  	s28 =	simm.s32 $_size_execute0_lowered;
	s2 =	sadd.s32 s2, s4;
	[dreg:$0x0] =	wrdreg $0x0  }
0xa8: {  	s4 =	sshll.u32 s28, $0x1;
	[dreg:$0x2] =	wrdreg s2  }
0xa9: {  	[dreg:$0x3] =	wrdreg s4  }
0xaa: {  	[dreg:$0x4] =	wrdreg $0xC0  }
0xab: {  	_ =	task [dreg:s6], $0x5FFFF  }
0xac: {  	[dreg:$0x1] =	wrdreg $0xFFFFFFFF  }
0xad: {  	[dreg:$0x0] =	wrdreg $0x60  }
0xae: {  	[dreg:$0x2] =	wrdreg s24  }
0xaf: {  	[dreg:$0x3] =	wrdreg $0xAA000  }
0xb0: {  	[dreg:$0x4] =	wrdreg $0x9  }
0xb1: {  	_ =	task.clear_ibuf [dreg:s6], $0x5FFFF;
	_ =	strace $0x9000004C  }
0xb2: {  	s29 =	simm.s32 $0x9;
	_ =	strace $0x8000004E  }
0xb3: {  	_ =	swait.ge [sflag:s29], $0x1  }
0xb4: {  	[sflag:s29] =	ssyncadd.s32 $0xFFFFFFFF  }
0xb5: {  	_ =	strace $0x9000004E  }
0xb6: {  	_ =	sfence  }
0xb7: {  	s30 =	sld [smem:$0x0];
	_ =	sdelay $0x2  }
0xb8: {  	s31 =	sshll.u32 s1, $0xD;
	s1 =	sshrl.u32 s1, $0x2  }
0xb9: {  	s3 =	sand.u32 $0x4000, s31;
	s1 =	sadd.s32 s1, s30  }
0xba: {  	s0 =	sor.u32 s3, s0;
	s1 =	sshll.u32 s1, $0x11  }
0xbb: {  	s0 =	sor.u32 s1, s0  }
0xbc: {  	s0 =	sadd.s32 $0x8F2B, s0  }
0xbd: {  	[sflag:s0] =	ssyncadd.remote.s32 $0x1  }
0xbe: {  	_ =	sfence.sel $0xFFFF  }
0xbf: {  	[dreg:$0x0] =	wrdreg $0xFFFFFFFF;
	(pc) =	sbr.abs _section_cstart, $3  }
0xc0: {  	[dreg:$0x1] =	wrdreg $0xFFFFFFFF  }
0xc1: {  	_ =	task.clear_ibuf [dreg:s6], $0x2FFFF;
	_ =	strace $0x9FFFFFFF  }
0xc2: {  	(tm) =	ssettm $0x7FFFFFFF  }
0xc3: {  	_ =	shalt  }
tec
execute0_lowered:
.L_overlay_start_1:
0x0: {  	(tag) =	ssettag $0x1  }
0x1: {  	s0 =	rddreg [dreg:$0x0]  }
0x2: {  	s1 =	rddreg [dreg:$0x1];
	s2 =	srdreg.scid;
	s3 =	simm.s32 $0x0  }
0x3: {  	s12 =	stileid.u32;
	s19 =	simm.s32 $0x40;
	s20 =	simm.s32 $0x6A00  }
0x4: {  	s28 =	simm.s32 $0x2980;
	s29 =	simm.s32 $0x8A00;
	s30 =	simm.s32 $0x2  }
0x5: {  	s31 =	simm.s32 $0xA;
	s13 =	simm.s32 $0x0;
	s6 =	smul.u32 $0x2800, s12  }
0x6: {  	s2 =	sand.u32 $0x1, s2;
	[smem:$0x7FF] =	sst s3;
	s7 =	smul.u32 $0x280, s12  }
0x7: {  	s4 =	sadd.s32 $0x12CA00, s0;
	s10 =	sadd.s32 $0x57A00, s0;
	s21 =	smul.u32 $0x50000, s12  }
0x8: {  	s26 =	sshll.u32 s12, $0x6;
	s5 =	smul.u32 $0x28000, s2;
	_ =	strace $0x8000004D  }
0x9: {  	s8 =	smul.u32 $0x2800, s2;
	[dreg:$0x3] =	wrdreg s10;
	s2 =	ssub.s32 $0x2, s2  }
0xa: {  	s10 =	simm.s32 $0xD;
	s11 =	sshrl.u32 s2, $0x1;
	s22 =	sshrl.u32 s21, $0x2  }
0xb: {  	s6 =	sadd.s32 s6, s5;
	s5 =	sadd.s32 $0x186A00, s0;
	s7 =	sadd.s32 s7, s8  }
0xc: {  	s8 =	smul.u32 $0xA00, s12;
	s2 =	ssub.s32 s2, s11;
	s11 =	sor.u32 $0x1C0D, s26  }
0xd: {  	s26 =	simm.s32 $0x9;
	s6 =	sshrl.u32 s6, $0x3;
	s7 =	sshll.u32 s7, $0x4  }
0xe: {  	s25 =	smax.u32 s2, $0x1;
	[dreg:$0xa] =	wrdreg s11;
	s9 =	sadd.s32 s6, s0  }
0xf: {  	s6 =	sadd.s32 $0x122A00, s0;
	[dreg:$0x9] =	wrdreg s25;
	s9 =	sadd.s32 $0x17CA00, s9  }
0x10: {  	s0 =	sadd.s32 s7, s0;
	s23 =	sadd.s32 s6, s8;
	[dreg:$0x4] =	wrdreg s9  }
0x11: {  	s2 =	simm.s32 $0x4;
	s24 =	sadd.s32 $0x3A00, s0;
	[dreg:$0x5] =	wrdreg s23  }
0x12: {  	s7 =	sadd.s32 s22, s1;
	s0 =	sadd.s32 $0x5A200, s0;
	[dreg:$0x7] =	wrdreg s24  }
0x13: {  	s25 =	simm.s32 $0x1;
	s12 =	sshrl.u32 s7, $0x3;
	[dreg:$0x8] =	wrdreg s0  }
0x14: {  	s9 =	sadd.s32 $0x10, s23;
	s24 =	simm.s32 $0x2900;
	[dreg:$0xb] =	wrdreg s12  }
0x15: {  	s0 =	simm.s32 $0x5;
	[dreg:$0x6] =	wrdreg s9;
	s9 =	simm.s32 $0xC  }
.LBB2_1:
0x16: {  	[dreg:$0xc] =	wrdreg s13  }
0x17: {  	s7 =	rddreg [dreg:$0x4]  }
0x18: {  	[tilespmem:s3], [sflag:$0xD] =	stream.linear.gather [hbm4b:s7+s3], $0x2800, $0x38;
	[tilespmem:$0x1EA00] =	vst v63  }
0x19: {  	_ =	swait.ge [sflag:s10], $0x2800  }
0x1a: {  	[sflag:s10] =	ssyncset.done $0x0  }
0x1b: {  	s17 =	rddreg [dreg:$0x3];
	[sflag:s10] =	ssyncadd.s32 $0xFFFFD800  }
0x1c: {  	[spmem:s12], [sflag:s11] =	dma.local [hbm:s17], $0x2800  }
0x1d: {  	_ =	swait.ge [sflag:s10], $0x2800  }
0x1e: {  	[sflag:s10] =	ssyncset.done $0x0  }
0x1f: {  	s12 =	simm.s32 $0x2800;
	s18 =	rddreg [dreg:$0x5];
	[sflag:s10] =	ssyncadd.s32 $0xFFFFD800  }
0x20: {  	[tilespmem:s12], [sflag:$0x9] =	stream.linear.gather [hbm4b:s18+s3], $0x80, $0x38;
	[tilespmem:$0x1EA00] =	vst v63  }
0x21: {  	s13 =	simm.s32 $0x2A00  }
0x22: {  	[tilespmem:s13], [sflag:$0x1] =	stream.indirect.gather [hbm4b:s4+s19], $0x80, s3, s19, $0xb8;
	[tilespmem:$0x1EA00] =	vst v63  }
0x23: {  	s14 =	simm.s32 $0x2880;
	s21 =	rddreg [dreg:$0x6]  }
0x24: {  	[tilespmem:s14], [sflag:$0xA] =	stream.linear.gather [hbm4b:s21+s3], $0x80, $0x38;
	[tilespmem:$0x1EA00] =	vst v63  }
0x25: {  	s15 =	simm.s32 $0x4A00;
	p0 =	por $0x1, $0x1  }
0x26: {  	[tilespmem:s15], [sflag:$0x2] =	stream.indirect.gather [hbm4b:s4+s19], $0x80, s19, s19, $0xb8;
	[tilespmem:$0x1EA00] =	vst v63  }
0x27: {  	s22 =	simm.s32 $0x20;
	s7 =	simm.s32 @!p0 $0x7;
	[bflag:$0x0] =	sbarrier.arrive $0xFFFF  }
0x28: {  	s23 =	sadd.s32 $0x0, s8;
	s10 =	sand.u32 $0x60, s22;
	_ =	swait.ge @!p0 [sflag:s7], $0x2000  }
0x29: {  	s11 =	sand.u32 $0x1FF80, s23;
	s10 =	sadd.s32 s6, s10;
	[sflag:s7] =	ssyncset.done @!p0 $0x0  }
0x2a: {  	s16 =	sadd.s32 s11, s10;
	[sflag:s7] =	ssyncadd.s32 @!p0 $0xFFFFE000  }
0x2b: {  	[tilespmem:s24], [sflag:$0xB] =	stream.linear.gather [hbm4b:s16+s3], $0x80, $0x38;
	[tilespmem:$0x1EA00] =	vst v63  }
0x2c: {  	s17 =	simm.s32 $0x80  }
0x2d: {  	[tilespmem:s20], [sflag:$0x3] =	stream.indirect.gather [hbm4b:s4+s19], $0x80, s17, s19, $0xb8;
	[tilespmem:$0x1EA00] =	vst v63  }
0x2e: {  	_ =	swait.ge [sflag:s25], $0x2000  }
0x2f: {  	[sflag:s25] =	ssyncset.done $0x0  }
0x30: {  	[sflag:s25] =	ssyncadd.s32 $0xFFFFE000  }
0x31: {  	_ =	swait.ge [sflag:s26], $0x80  }
0x32: {  	[sflag:s26] =	ssyncset.done $0x0  }
0x33: {  	s18 =	simm.s32 $0x30;
	s7 =	simm.s32 @!p0 $0x8;
	[sflag:s26] =	ssyncadd.s32 $0xFFFFFF80  }
0x34: {  	[spmem:s1] =	stream.indirect.scatter.add.f32 [tilespmem:s13], [sflag:$0x5], $0x80, s12, s19, $0xb8;
	[tilespmem:$0x1EA00] =	vst v63  }
0x35: {  	s10 =	sand.u32 $0x70, s18;
	_ =	swait.ge @!p0 [sflag:s7], $0x2000  }
0x36: {  	s10 =	sadd.s32 s6, s10;
	[sflag:s7] =	ssyncset.done @!p0 $0x0  }
0x37: {  	s22 =	sadd.s32 s11, s10;
	[sflag:s7] =	ssyncadd.s32 @!p0 $0xFFFFE000  }
0x38: {  	[tilespmem:s28], [sflag:$0xC] =	stream.linear.gather [hbm4b:s22+s3], $0x80, $0x38;
	[tilespmem:$0x1EA00] =	vst v63  }
0x39: {  	s23 =	simm.s32 $0xC0  }
0x3a: {  	[tilespmem:s29], [sflag:$0x4] =	stream.indirect.gather [hbm4b:s4+s19], $0x80, s23, s19, $0xb8;
	[tilespmem:$0x1EA00] =	vst v63  }
0x3b: {  	_ =	swait.ge [sflag:s30], $0x2000  }
0x3c: {  	[sflag:s30] =	ssyncset.done $0x0  }
0x3d: {  	[sflag:s30] =	ssyncadd.s32 $0xFFFFE000  }
0x3e: {  	_ =	swait.ge [sflag:s31], $0x80  }
0x3f: {  	[sflag:s31] =	ssyncset.done $0x0  }
0x40: {  	[sflag:s31] =	ssyncadd.s32 $0xFFFFFF80  }
0x41: {  	[spmem:s1] =	stream.indirect.scatter.add.f32 [tilespmem:s15], [sflag:$0x6], $0x80, s14, s19, $0xb8;
	[tilespmem:$0x1EA00] =	vst v63  }
0x42: {  	_ =	swait.ge [sflag:s0], $0x2000  }
0x43: {  	p0 =	por $0x0, $0x0;
	[sflag:s0] =	ssyncset.done $0x0  }
0x44: {  	s7 =	simm.s32 @p0 $0x3;
	[sflag:s0] =	ssyncadd.s32 $0xFFFFE000  }
0x45: {  	_ =	swait.ge @p0 [sflag:s7], $0x2000  }
0x46: {  	[sflag:s7] =	ssyncset.done @p0 $0x0  }
0x47: {  	[sflag:s7] =	ssyncadd.s32 @p0 $0xFFFFE000;
	s7 =	simm.s32 @p0 $0xB  }
0x48: {  	s10 =	sadd.s32 @!p0 $0x0, s8;
	_ =	swait.ge @p0 [sflag:s7], $0x80  }
0x49: {  	s11 =	sxor.u32 @!p0 $0xFFFFFFFF, s3;
	s12 =	simm.s32 @p0 $0x6A00;
	[sflag:s7] =	ssyncset.done @p0 $0x0  }
0x4a: {  	s13 =	simm.s32 @p0 $0x2900;
	[sflag:s7] =	ssyncadd.s32 @p0 $0xFFFFFF80;
	s7 =	simm.s32 @p0 $0x40  }
0x4b: {  	[spmem:s1] =	stream.indirect.scatter.add.f32 @p0 [tilespmem:s12], [sflag:$0x7], $0x80, s13, s7, $0xb8;
	[tilespmem:$0x1EA00] =	vst v63  }
0x4c: {  	s11 =	sand.u32 @!p0 $0x40, s11;
	s7 =	sadd.s32 @!p0 $0x40, s10;
	s12 =	simm.s32 @p0 $0x6  }
0x4d: {  	s11 =	sadd.s32 @!p0 s6, s11;
	s7 =	sand.u32 @!p0 $0x1FF80, s7;
	_ =	swait.ge @p0 [sflag:s12], $0x2000  }
0x4e: {  	s7 =	sadd.s32 @!p0 s7, s11;
	[sflag:s12] =	ssyncset.done @p0 $0x0  }
0x4f: {  	s11 =	simm.s32 @!p0 $0x0;
	[sflag:s12] =	ssyncadd.s32 @p0 $0xFFFFE000;
	s12 =	simm.s32 @!p0 $0x2800  }
0x50: {  	[tilespmem:s12], [sflag:$0x9] =	stream.linear.gather @!p0 [hbm4b:s7+s11], $0x80, $0x38;
	[tilespmem:$0x1EA00] =	vst v63  }
0x51: {  	s13 =	simm.s32 @!p0 $0x2A00;
	s7 =	simm.s32 @!p0 $0x100;
	s12 =	simm.s32 @!p0 $0x40  }
0x52: {  	[tilespmem:s13], [sflag:$0x1] =	stream.indirect.gather @!p0 [hbm4b:s4+s12], $0x80, s7, s12, $0xb8;
	[tilespmem:$0x1EA00] =	vst v63  }
0x53: {  	s7 =	simm.s32 @!p0 $0x3  }
0x54: {  	_ =	swait.ge @!p0 [sflag:s7], $0x2000  }
0x55: {  	[sflag:s7] =	ssyncset.done @!p0 $0x0  }
0x56: {  	[sflag:s7] =	ssyncadd.s32 @!p0 $0xFFFFE000;
	s7 =	simm.s32 @!p0 $0xB  }
0x57: {  	_ =	swait.ge @!p0 [sflag:s7], $0x80  }
0x58: {  	[sflag:s7] =	ssyncset.done @!p0 $0x0  }
0x59: {  	s13 =	simm.s32 @!p0 $0x6A00;
	[sflag:s7] =	ssyncadd.s32 @!p0 $0xFFFFFF80;
	s7 =	simm.s32 @!p0 $0x2900  }
0x5a: {  	[spmem:s1] =	stream.indirect.scatter.add.f32 @!p0 [tilespmem:s13], [sflag:$0x7], $0x80, s7, s12, $0xb8;
	[tilespmem:$0x1EA00] =	vst v63  }
0x5b: {  	s7 =	simm.s32 @!p0 $0x50;
	s13 =	simm.s32 @!p0 $0x6  }
0x5c: {  	s10 =	sadd.s32 @!p0 $0x50, s10;
	s7 =	sand.u32 @!p0 $0x50, s7;
	_ =	swait.ge @!p0 [sflag:s13], $0x2000  }
0x5d: {  	s10 =	sand.u32 @!p0 $0x1FF80, s10;
	s7 =	sadd.s32 @!p0 s6, s7;
	[sflag:s13] =	ssyncset.done @!p0 $0x0  }
0x5e: {  	s7 =	sadd.s32 @!p0 s10, s7;
	[sflag:s13] =	ssyncadd.s32 @!p0 $0xFFFFE000;
	s10 =	simm.s32 @!p0 $0x2880  }
0x5f: {  	[tilespmem:s10], [sflag:$0xA] =	stream.linear.gather @!p0 [hbm4b:s7+s11], $0x80, $0x38;
	[tilespmem:$0x1EA00] =	vst v63  }
0x60: {  	s7 =	simm.s32 @!p0 $0x140;
	s10 =	simm.s32 @!p0 $0x4A00  }
0x61: {  	[tilespmem:s10], [sflag:$0x2] =	stream.indirect.gather @!p0 [hbm4b:s4+s12], $0x80, s7, s12, $0xb8;
	[tilespmem:$0x1EA00] =	vst v63  }
0x62: {  	_ =	swait.ge [sflag:s2], $0x2000  }
0x63: {  	p1 =	por $0x0, $0x0;
	[sflag:s2] =	ssyncset.done $0x0  }
0x64: {  	s21 =	simm.s32 $0x2A00;
	s22 =	simm.s32 $0x2880;
	[sflag:s2] =	ssyncadd.s32 $0xFFFFE000  }
0x65: {  	s23 =	simm.s32 $0x4A00;
	s11 =	simm.s32 $0x40;
	_ =	swait.ge [sflag:s9], $0x80  }
0x66: {  	s10 =	simm.s32 $0x80;
	s7 =	simm.s32 $0x1C0;
	[sflag:s9] =	ssyncset.done $0x0  }
.LBB2_2:
0x67: {  	s13 =	simm.s32 @!p1 $0x7  }
0x68: {  	s16 =	sadd.s32 $0x20, s11;
	[sflag:s9] =	ssyncadd.s32 $0xFFFFFF80;
	s12 =	smov.u32 s10  }
0x69: {  	[spmem:s1] =	stream.indirect.scatter.add.f32 [tilespmem:s29], [sflag:$0x8], $0x80, s28, s19, $0xb8;
	[tilespmem:$0x1EA00] =	vst v63  }
0x6a: {  	s17 =	sadd.s32 s11, s8;
	s16 =	sand.u32 $0x60, s16;
	_ =	swait.ge @!p1 [sflag:s13], $0x2000  }
0x6b: {  	s17 =	sand.u32 $0x1FF80, s17;
	s16 =	sadd.s32 s6, s16;
	[sflag:s13] =	ssyncset.done @!p1 $0x0  }
0x6c: {  	s10 =	sadd.s32 $0x40, s10;
	[sflag:s13] =	ssyncadd.s32 @!p1 $0xFFFFE000;
	s13 =	sadd.s32 s17, s16  }
0x6d: {  	[tilespmem:s24], [sflag:$0xB] =	stream.linear.gather [hbm4b:s13+s3], $0x80, $0x38;
	[tilespmem:$0x1EA00] =	vst v63  }
0x6e: {  	p0 =	sne.s32 s10, $0xA00;
	s13 =	sadd.s32 $0xFFFFFFC0, s7  }
0x6f: {  	[tilespmem:s20], [sflag:$0x3] =	stream.indirect.gather [hbm4b:s4+s19], $0x80, s13, s19, $0xb8;
	[tilespmem:$0x1EA00] =	vst v63  }
0x70: {  	_ =	swait.ge [sflag:s25], $0x2000  }
0x71: {  	[sflag:s25] =	ssyncset.done $0x0  }
0x72: {  	[sflag:s25] =	ssyncadd.s32 $0xFFFFE000  }
0x73: {  	_ =	swait.ge [sflag:s26], $0x80  }
0x74: {  	s14 =	simm.s32 $0x2800;
	[sflag:s26] =	ssyncset.done $0x0  }
0x75: {  	s16 =	sadd.s32 $0x30, s11;
	s13 =	simm.s32 @!p1 $0x8;
	[sflag:s26] =	ssyncadd.s32 $0xFFFFFF80  }
0x76: {  	[spmem:s1] =	stream.indirect.scatter.add.f32 [tilespmem:s21], [sflag:$0x5], $0x80, s14, s19, $0xb8;
	[tilespmem:$0x1EA00] =	vst v63  }
0x77: {  	s16 =	sand.u32 $0x70, s16;
	_ =	swait.ge @!p1 [sflag:s13], $0x2000  }
0x78: {  	s16 =	sadd.s32 s6, s16;
	[sflag:s13] =	ssyncset.done @!p1 $0x0  }
0x79: {  	[sflag:s13] =	ssyncadd.s32 @!p1 $0xFFFFE000;
	s13 =	sadd.s32 s17, s16  }
0x7a: {  	[tilespmem:s28], [sflag:$0xC] =	stream.linear.gather [hbm4b:s13+s3], $0x80, $0x38;
	[tilespmem:$0x1EA00] =	vst v63  }
0x7b: {  	_ = 	snop  }
0x7c: {  	[tilespmem:s29], [sflag:$0x4] =	stream.indirect.gather [hbm4b:s4+s19], $0x80, s7, s19, $0xb8;
	[tilespmem:$0x1EA00] =	vst v63  }
0x7d: {  	_ =	swait.ge [sflag:s30], $0x2000  }
0x7e: {  	[sflag:s30] =	ssyncset.done $0x0  }
0x7f: {  	[sflag:s30] =	ssyncadd.s32 $0xFFFFE000  }
0x80: {  	_ =	swait.ge [sflag:s31], $0x80  }
0x81: {  	[sflag:s31] =	ssyncset.done $0x0  }
0x82: {  	[sflag:s31] =	ssyncadd.s32 $0xFFFFFF80  }
0x83: {  	[spmem:s1] =	stream.indirect.scatter.add.f32 [tilespmem:s23], [sflag:$0x6], $0x80, s22, s19, $0xb8;
	[tilespmem:$0x1EA00] =	vst v63  }
0x84: {  	_ =	swait.ge [sflag:s0], $0x2000  }
0x85: {  	p1 =	seq.s32 s11, $0x9C0;
	[sflag:s0] =	ssyncset.done $0x0  }
0x86: {  	s13 =	simm.s32 @p1 $0x3;
	s16 =	sadd.s32 @!p1 s11, s8;
	[sflag:s0] =	ssyncadd.s32 $0xFFFFE000  }
0x87: {  	s14 =	sxor.u32 @!p1 $0xFFFFFFFF, s11;
	s17 =	sadd.s32 @!p1 $0x40, s16;
	_ =	swait.ge @p1 [sflag:s13], $0x2000  }
0x88: {  	s14 =	sand.u32 @!p1 $0x40, s14;
	s17 =	sand.u32 @!p1 $0x1FF80, s17;
	[sflag:s13] =	ssyncset.done @p1 $0x0  }
0x89: {  	s14 =	sadd.s32 @!p1 s6, s14;
	[sflag:s13] =	ssyncadd.s32 @p1 $0xFFFFE000;
	s13 =	simm.s32 @p1 $0xB  }
0x8a: {  	s11 =	sadd.s32 @!p1 $0x50, s11;
	s14 =	sadd.s32 @!p1 s17, s14;
	_ =	swait.ge @p1 [sflag:s13], $0x80  }
0x8b: {  	s15 =	simm.s32 @p1 $0x6;
	s17 =	simm.s32 @p1 $0x6A00;
	[sflag:s13] =	ssyncset.done @p1 $0x0  }
0x8c: {  	s18 =	simm.s32 @p1 $0x2900;
	[sflag:s13] =	ssyncadd.s32 @p1 $0xFFFFFF80;
	s13 =	simm.s32 @p1 $0x40  }
0x8d: {  	[spmem:s1] =	stream.indirect.scatter.add.f32 @p1 [tilespmem:s17], [sflag:$0x7], $0x80, s18, s13, $0xb8;
	[tilespmem:$0x1EA00] =	vst v63  }
0x8e: {  	s11 =	sand.u32 @!p1 $0x50, s11;
	s13 =	sadd.s32 @!p1 $0x50, s16;
	_ =	swait.ge @p1 [sflag:s15], $0x2000  }
0x8f: {  	s16 =	simm.s32 @!p1 $0x3;
	s17 =	sadd.s32 @!p1 s6, s11;
	[sflag:s15] =	ssyncset.done @p1 $0x0  }
0x90: {  	s11 =	simm.s32 @!p1 $0x2800;
	[sflag:s15] =	ssyncadd.s32 @p1 $0xFFFFE000;
	s15 =	simm.s32 @!p1 $0x0  }
0x91: {  	[tilespmem:s11], [sflag:$0x9] =	stream.linear.gather @!p1 [hbm4b:s14+s15], $0x80, $0x38;
	[tilespmem:$0x1EA00] =	vst v63  }
0x92: {  	s18 =	simm.s32 @!p1 $0x2A00;
	s11 =	sadd.s32 @!p1 $0x40, s7;
	s14 =	simm.s32 @!p1 $0x40  }
0x93: {  	[tilespmem:s18], [sflag:$0x1] =	stream.indirect.gather @!p1 [hbm4b:s4+s14], $0x80, s11, s14, $0xb8;
	[tilespmem:$0x1EA00] =	vst v63  }
0x94: {  	s13 =	sand.u32 @!p1 $0x1FF80, s13;
	s11 =	smov.u32 s12;
	_ =	swait.ge @!p1 [sflag:s16], $0x2000  }
0x95: {  	s12 =	sadd.s32 @!p1 s13, s17;
	[sflag:s16] =	ssyncset.done @!p1 $0x0  }
0x96: {  	s13 =	simm.s32 @!p1 $0xB;
	[sflag:s16] =	ssyncadd.s32 @!p1 $0xFFFFE000  }
0x97: {  	_ =	swait.ge @!p1 [sflag:s13], $0x80  }
0x98: {  	s16 =	simm.s32 @!p1 $0x6;
	[sflag:s13] =	ssyncset.done @!p1 $0x0  }
0x99: {  	s17 =	simm.s32 @!p1 $0x6A00;
	[sflag:s13] =	ssyncadd.s32 @!p1 $0xFFFFFF80;
	s13 =	simm.s32 @!p1 $0x2900  }
0x9a: {  	[spmem:s1] =	stream.indirect.scatter.add.f32 @!p1 [tilespmem:s17], [sflag:$0x7], $0x80, s13, s14, $0xb8;
	[tilespmem:$0x1EA00] =	vst v63  }
0x9b: {  	_ =	swait.ge @!p1 [sflag:s16], $0x2000  }
0x9c: {  	[sflag:s16] =	ssyncset.done @!p1 $0x0  }
0x9d: {  	s13 =	simm.s32 @!p1 $0x2880;
	[sflag:s16] =	ssyncadd.s32 @!p1 $0xFFFFE000  }
0x9e: {  	[tilespmem:s13], [sflag:$0xA] =	stream.linear.gather @!p1 [hbm4b:s12+s15], $0x80, $0x38;
	[tilespmem:$0x1EA00] =	vst v63  }
0x9f: {  	s12 =	sadd.s32 @!p1 $0x80, s7;
	s13 =	simm.s32 @!p1 $0x4A00  }
0xa0: {  	[tilespmem:s13], [sflag:$0x2] =	stream.indirect.gather @!p1 [hbm4b:s4+s14], $0x80, s12, s14, $0xb8;
	[tilespmem:$0x1EA00] =	vst v63  }
.Ltmp0:
0xa1: {  	_ =	swait.ge [sflag:s2], $0x2000;
	(pc) =	sbr.rel @p0 .LBB2_2-.Ltmp0, $4  }
0xa2: {  	[sflag:s2] =	ssyncset.done $0x0  }
0xa3: {  	[sflag:s2] =	ssyncadd.s32 $0xFFFFE000  }
0xa4: {  	_ =	swait.ge [sflag:s9], $0x80  }
0xa5: {  	s7 =	sadd.s32 $0x100, s7;
	p1 =	seq.s32 s11, $0x0;
	[sflag:s9] =	ssyncset.done $0x0  }
0xa6: {  	s10 =	simm.s32 @!p1 $0x7;
	s12 =	sadd.s32 $0x20, s11;
	[sflag:s9] =	ssyncadd.s32 $0xFFFFFF80  }
0xa7: {  	[spmem:s1] =	stream.indirect.scatter.add.f32 [tilespmem:s29], [sflag:$0x8], $0x80, s28, s19, $0xb8;
	[tilespmem:$0x1EA00] =	vst v63  }
0xa8: {  	s13 =	sadd.s32 s11, s8;
	s12 =	sand.u32 $0x60, s12;
	_ =	swait.ge @!p1 [sflag:s10], $0x2000  }
0xa9: {  	s13 =	sand.u32 $0x1FF80, s13;
	s12 =	sadd.s32 s6, s12;
	[sflag:s10] =	ssyncset.done @!p1 $0x0  }
0xaa: {  	s20 =	simm.s32 $0x2900;
	s22 =	sadd.s32 s13, s12;
	[sflag:s10] =	ssyncadd.s32 @!p1 $0xFFFFE000  }
0xab: {  	[tilespmem:s20], [sflag:$0xB] =	stream.linear.gather [hbm4b:s22+s3], $0x80, $0x38;
	[tilespmem:$0x1EA00] =	vst v63  }
0xac: {  	s23 =	sadd.s32 $0xFFFFFFC0, s7;
	s21 =	simm.s32 $0x6A00  }
0xad: {  	[tilespmem:s21], [sflag:$0x3] =	stream.indirect.gather [hbm4b:s4+s19], $0x80, s23, s19, $0xb8;
	[tilespmem:$0x1EA00] =	vst v63  }
0xae: {  	_ =	swait.ge [sflag:s25], $0x2000  }
0xaf: {  	[sflag:s25] =	ssyncset.done $0x0  }
0xb0: {  	[sflag:s25] =	ssyncadd.s32 $0xFFFFE000  }
0xb1: {  	_ =	swait.ge [sflag:s26], $0x80  }
0xb2: {  	s24 =	sadd.s32 $0x30, s11;
	s16 =	simm.s32 $0x2800;
	[sflag:s26] =	ssyncset.done $0x0  }
0xb3: {  	s17 =	simm.s32 $0x2A00;
	s10 =	simm.s32 @!p1 $0x8;
	[sflag:s26] =	ssyncadd.s32 $0xFFFFFF80  }
0xb4: {  	[spmem:s1] =	stream.indirect.scatter.add.f32 [tilespmem:s17], [sflag:$0x5], $0x80, s16, s19, $0xb8;
	[tilespmem:$0x1EA00] =	vst v63  }
0xb5: {  	s12 =	sand.u32 $0x70, s24;
	_ =	swait.ge @!p1 [sflag:s10], $0x2000  }
0xb6: {  	s12 =	sadd.s32 s6, s12;
	[sflag:s10] =	ssyncset.done @!p1 $0x0  }
0xb7: {  	s13 =	sadd.s32 s13, s12;
	[sflag:s10] =	ssyncadd.s32 @!p1 $0xFFFFE000  }
0xb8: {  	[tilespmem:s28], [sflag:$0xC] =	stream.linear.gather [hbm4b:s13+s3], $0x80, $0x38;
	[tilespmem:$0x1EA00] =	vst v63  }
0xb9: {  	_ = 	snop  }
0xba: {  	[tilespmem:s29], [sflag:$0x4] =	stream.indirect.gather [hbm4b:s4+s19], $0x80, s7, s19, $0xb8;
	[tilespmem:$0x1EA00] =	vst v63  }
0xbb: {  	_ =	swait.ge [sflag:s30], $0x2000  }
0xbc: {  	[sflag:s30] =	ssyncset.done $0x0  }
0xbd: {  	[sflag:s30] =	ssyncadd.s32 $0xFFFFE000  }
0xbe: {  	_ =	swait.ge [sflag:s31], $0x80  }
0xbf: {  	[sflag:s31] =	ssyncset.done $0x0  }
0xc0: {  	s14 =	simm.s32 $0x2880;
	s18 =	simm.s32 $0x4A00;
	[sflag:s31] =	ssyncadd.s32 $0xFFFFFF80  }
0xc1: {  	[spmem:s1] =	stream.indirect.scatter.add.f32 [tilespmem:s18], [sflag:$0x6], $0x80, s14, s19, $0xb8;
	[tilespmem:$0x1EA00] =	vst v63  }
0xc2: {  	_ =	swait.ge [sflag:s0], $0x2000  }
0xc3: {  	p0 =	seq.s32 s11, $0x9C0;
	[sflag:s0] =	ssyncset.done $0x0  }
0xc4: {  	s10 =	simm.s32 @p0 $0x3;
	[sflag:s0] =	ssyncadd.s32 $0xFFFFE000  }
0xc5: {  	_ =	swait.ge @p0 [sflag:s10], $0x2000  }
0xc6: {  	[sflag:s10] =	ssyncset.done @p0 $0x0  }
0xc7: {  	[sflag:s10] =	ssyncadd.s32 @p0 $0xFFFFE000;
	s10 =	simm.s32 @p0 $0xB  }
0xc8: {  	s15 =	simm.s32 @p0 $0x2900;
	_ =	swait.ge @p0 [sflag:s10], $0x80  }
0xc9: {  	s12 =	sadd.s32 @!p0 s11, s8;
	s13 =	sxor.u32 @!p0 $0xFFFFFFFF, s11;
	[sflag:s10] =	ssyncset.done @p0 $0x0  }
0xca: {  	s14 =	simm.s32 @p0 $0x6A00;
	[sflag:s10] =	ssyncadd.s32 @p0 $0xFFFFFF80;
	s10 =	simm.s32 @p0 $0x40  }
0xcb: {  	[spmem:s1] =	stream.indirect.scatter.add.f32 @p0 [tilespmem:s14], [sflag:$0x7], $0x80, s15, s10, $0xb8;
	[tilespmem:$0x1EA00] =	vst v63  }
0xcc: {  	s13 =	sand.u32 @!p0 $0x40, s13;
	s10 =	sadd.s32 @!p0 $0x40, s12;
	s14 =	simm.s32 @p0 $0x6  }
0xcd: {  	s13 =	sadd.s32 @!p0 s6, s13;
	s10 =	sand.u32 @!p0 $0x1FF80, s10;
	_ =	swait.ge @p0 [sflag:s14], $0x2000  }
0xce: {  	s10 =	sadd.s32 @!p0 s10, s13;
	[sflag:s14] =	ssyncset.done @p0 $0x0  }
0xcf: {  	s13 =	simm.s32 @!p0 $0x0;
	[sflag:s14] =	ssyncadd.s32 @p0 $0xFFFFE000;
	s14 =	simm.s32 @!p0 $0x2800  }
0xd0: {  	[tilespmem:s14], [sflag:$0x9] =	stream.linear.gather @!p0 [hbm4b:s10+s13], $0x80, $0x38;
	[tilespmem:$0x1EA00] =	vst v63  }
0xd1: {  	s15 =	simm.s32 @!p0 $0x2A00;
	s10 =	sadd.s32 @!p0 $0x40, s7;
	s14 =	simm.s32 @!p0 $0x40  }
0xd2: {  	[tilespmem:s15], [sflag:$0x1] =	stream.indirect.gather @!p0 [hbm4b:s4+s14], $0x80, s10, s14, $0xb8;
	[tilespmem:$0x1EA00] =	vst v63  }
0xd3: {  	s10 =	simm.s32 @!p0 $0x3  }
0xd4: {  	_ =	swait.ge @!p0 [sflag:s10], $0x2000  }
0xd5: {  	[sflag:s10] =	ssyncset.done @!p0 $0x0  }
0xd6: {  	[sflag:s10] =	ssyncadd.s32 @!p0 $0xFFFFE000;
	s10 =	simm.s32 @!p0 $0xB  }
0xd7: {  	_ =	swait.ge @!p0 [sflag:s10], $0x80  }
0xd8: {  	[sflag:s10] =	ssyncset.done @!p0 $0x0  }
0xd9: {  	s15 =	simm.s32 @!p0 $0x6A00;
	[sflag:s10] =	ssyncadd.s32 @!p0 $0xFFFFFF80;
	s10 =	simm.s32 @!p0 $0x2900  }
0xda: {  	[spmem:s1] =	stream.indirect.scatter.add.f32 @!p0 [tilespmem:s15], [sflag:$0x7], $0x80, s10, s14, $0xb8;
	[tilespmem:$0x1EA00] =	vst v63  }
0xdb: {  	s10 =	sadd.s32 @!p0 $0x50, s11;
	s11 =	simm.s32 @!p0 $0x6  }
0xdc: {  	s12 =	sadd.s32 @!p0 $0x50, s12;
	s10 =	sand.u32 @!p0 $0x50, s10;
	_ =	swait.ge @!p0 [sflag:s11], $0x2000  }
0xdd: {  	s12 =	sand.u32 @!p0 $0x1FF80, s12;
	s10 =	sadd.s32 @!p0 s6, s10;
	[sflag:s11] =	ssyncset.done @!p0 $0x0  }
0xde: {  	s10 =	sadd.s32 @!p0 s12, s10;
	[sflag:s11] =	ssyncadd.s32 @!p0 $0xFFFFE000;
	s11 =	simm.s32 @!p0 $0x2880  }
0xdf: {  	[tilespmem:s11], [sflag:$0xA] =	stream.linear.gather @!p0 [hbm4b:s10+s13], $0x80, $0x38;
	[tilespmem:$0x1EA00] =	vst v63  }
0xe0: {  	s7 =	sadd.s32 @!p0 $0x80, s7;
	s10 =	simm.s32 @!p0 $0x4A00  }
0xe1: {  	[tilespmem:s10], [sflag:$0x2] =	stream.indirect.gather @!p0 [hbm4b:s4+s14], $0x80, s7, s14, $0xb8;
	[tilespmem:$0x1EA00] =	vst v63  }
0xe2: {  	_ =	swait.ge [sflag:s2], $0x2000  }
0xe3: {  	[sflag:s2] =	ssyncset.done $0x0  }
0xe4: {  	[sflag:s2] =	ssyncadd.s32 $0xFFFFE000  }
0xe5: {  	_ =	swait.ge [sflag:s9], $0x80  }
0xe6: {  	[sflag:s9] =	ssyncset.done $0x0  }
0xe7: {  	s15 =	simm.s32 $0x7;
	[sflag:s9] =	ssyncadd.s32 $0xFFFFFF80  }
0xe8: {  	[spmem:s1] =	stream.indirect.scatter.add.f32 [tilespmem:s29], [sflag:$0x8], $0x80, s28, s19, $0xb8;
	[tilespmem:$0x1EA00] =	vst v63  }
0xe9: {  	_ =	swait.ge [sflag:s15], $0x2000  }
0xea: {  	[sflag:s15] =	ssyncset.done $0x0  }
0xeb: {  	s22 =	simm.s32 $0x8;
	[sflag:s15] =	ssyncadd.s32 $0xFFFFE000  }
0xec: {  	_ =	swait.ge [sflag:s22], $0x2000  }
0xed: {  	[sflag:s22] =	ssyncset.done $0x0  }
0xee: {  	[sflag:s22] =	ssyncadd.s32 $0xFFFFE000  }
0xef: {  	[bflag:$0x0] =	sbarrier.arrive $0xFFFF  }
0xf0: {  	s23 =	rddreg [dreg:$0x7]  }
0xf1: {  	s24 =	rddreg [dreg:$0xa]  }
0xf2: {  	s13 =	simm.s32 $0xD;
	s10 =	rddreg [dreg:$0xb]  }
0xf3: {  	[hbm:s23], [sflag:s24] =	dma.local [spmem:s10], $0x2800  }
0xf4: {  	_ =	swait.ge [sflag:s13], $0x2800  }
0xf5: {  	[sflag:s13] =	ssyncset.done $0x0  }
0xf6: {  	s14 =	rddreg [dreg:$0x3];
	[sflag:s13] =	ssyncadd.s32 $0xFFFFD800  }
0xf7: {  	[spmem:s10], [sflag:s24] =	dma.local [hbm:s14], $0x2800  }
0xf8: {  	_ =	swait.ge [sflag:s13], $0x2800  }
0xf9: {  	[sflag:s13] =	ssyncset.done $0x0  }
0xfa: {  	s7 =	simm.s32 $0x0;
	s15 =	rddreg [dreg:$0x5];
	[sflag:s13] =	ssyncadd.s32 $0xFFFFD800  }
0xfb: {  	[tilespmem:s16], [sflag:$0x9] =	stream.linear.gather [hbm4b:s15+s7], $0x80, $0x38;
	[tilespmem:$0x1EA00] =	vst v63  }
0xfc: {  	_ = 	snop  }
0xfd: {  	[tilespmem:s17], [sflag:$0x1] =	stream.indirect.gather [hbm4b:s5+s19], $0x80, s7, s19, $0xb8;
	[tilespmem:$0x1EA00] =	vst v63  }
0xfe: {  	s22 =	rddreg [dreg:$0x6];
	s13 =	simm.s32 $0x2880  }
0xff: {  	[tilespmem:s13], [sflag:$0xA] =	stream.linear.gather [hbm4b:s22+s7], $0x80, $0x38;
	[tilespmem:$0x1EA00] =	vst v63  }
0x100: {  	p0 =	por $0x1, $0x1  }
0x101: {  	[tilespmem:s18], [sflag:$0x2] =	stream.indirect.gather [hbm4b:s5+s19], $0x80, s19, s19, $0xb8;
	[tilespmem:$0x1EA00] =	vst v63  }
0x102: {  	s23 =	simm.s32 $0x20;
	s10 =	simm.s32 @!p0 $0x7;
	[bflag:$0x0] =	sbarrier.arrive $0xFFFF  }
0x103: {  	s11 =	sand.u32 $0x60, s23;
	s24 =	sadd.s32 $0x0, s8;
	_ =	swait.ge @!p0 [sflag:s10], $0x2000  }
0x104: {  	s11 =	sadd.s32 s6, s11;
	s12 =	sand.u32 $0x1FF80, s24;
	[sflag:s10] =	ssyncset.done @!p0 $0x0  }
0x105: {  	s11 =	sadd.s32 s12, s11;
	[sflag:s10] =	ssyncadd.s32 @!p0 $0xFFFFE000  }
0x106: {  	[tilespmem:s20], [sflag:$0xB] =	stream.linear.gather [hbm4b:s11+s3], $0x80, $0x38;
	[tilespmem:$0x1EA00] =	vst v63  }
0x107: {  	s14 =	simm.s32 $0x80  }
0x108: {  	[tilespmem:s21], [sflag:$0x3] =	stream.indirect.gather [hbm4b:s5+s19], $0x80, s14, s19, $0xb8;
	[tilespmem:$0x1EA00] =	vst v63  }
0x109: {  	_ =	swait.ge [sflag:s25], $0x2000  }
0x10a: {  	[sflag:s25] =	ssyncset.done $0x0  }
0x10b: {  	[sflag:s25] =	ssyncadd.s32 $0xFFFFE000  }
0x10c: {  	_ =	swait.ge [sflag:s26], $0x80  }
0x10d: {  	[sflag:s26] =	ssyncset.done $0x0  }
0x10e: {  	s15 =	simm.s32 $0x30;
	s10 =	simm.s32 @!p0 $0x8;
	[sflag:s26] =	ssyncadd.s32 $0xFFFFFF80  }
0x10f: {  	[spmem:s1] =	stream.indirect.scatter.add.f32 [tilespmem:s17], [sflag:$0x5], $0x80, s16, s19, $0xb8;
	[tilespmem:$0x1EA00] =	vst v63  }
0x110: {  	s11 =	sand.u32 $0x70, s15;
	_ =	swait.ge @!p0 [sflag:s10], $0x2000  }
0x111: {  	s11 =	sadd.s32 s6, s11;
	[sflag:s10] =	ssyncset.done @!p0 $0x0  }
0x112: {  	s22 =	sadd.s32 s12, s11;
	[sflag:s10] =	ssyncadd.s32 @!p0 $0xFFFFE000  }
0x113: {  	[tilespmem:s28], [sflag:$0xC] =	stream.linear.gather [hbm4b:s22+s3], $0x80, $0x38;
	[tilespmem:$0x1EA00] =	vst v63  }
0x114: {  	s23 =	simm.s32 $0xC0  }
0x115: {  	[tilespmem:s29], [sflag:$0x4] =	stream.indirect.gather [hbm4b:s5+s19], $0x80, s23, s19, $0xb8;
	[tilespmem:$0x1EA00] =	vst v63  }
0x116: {  	_ =	swait.ge [sflag:s30], $0x2000  }
0x117: {  	[sflag:s30] =	ssyncset.done $0x0  }
0x118: {  	[sflag:s30] =	ssyncadd.s32 $0xFFFFE000  }
0x119: {  	_ =	swait.ge [sflag:s31], $0x80  }
0x11a: {  	[sflag:s31] =	ssyncset.done $0x0  }
0x11b: {  	[sflag:s31] =	ssyncadd.s32 $0xFFFFFF80  }
0x11c: {  	[spmem:s1] =	stream.indirect.scatter.add.f32 [tilespmem:s18], [sflag:$0x6], $0x80, s13, s19, $0xb8;
	[tilespmem:$0x1EA00] =	vst v63  }
0x11d: {  	_ =	swait.ge [sflag:s0], $0x2000  }
0x11e: {  	p0 =	por $0x0, $0x0;
	[sflag:s0] =	ssyncset.done $0x0  }
0x11f: {  	s10 =	simm.s32 @p0 $0x3;
	[sflag:s0] =	ssyncadd.s32 $0xFFFFE000  }
0x120: {  	_ =	swait.ge @p0 [sflag:s10], $0x2000  }
0x121: {  	[sflag:s10] =	ssyncset.done @p0 $0x0  }
0x122: {  	[sflag:s10] =	ssyncadd.s32 @p0 $0xFFFFE000;
	s10 =	simm.s32 @p0 $0xB  }
0x123: {  	s11 =	sadd.s32 @!p0 $0x0, s8;
	_ =	swait.ge @p0 [sflag:s10], $0x80  }
0x124: {  	s7 =	sxor.u32 @!p0 $0xFFFFFFFF, s7;
	s12 =	simm.s32 @p0 $0x6A00;
	[sflag:s10] =	ssyncset.done @p0 $0x0  }
0x125: {  	s13 =	simm.s32 @p0 $0x2900;
	[sflag:s10] =	ssyncadd.s32 @p0 $0xFFFFFF80;
	s10 =	simm.s32 @p0 $0x40  }
0x126: {  	[spmem:s1] =	stream.indirect.scatter.add.f32 @p0 [tilespmem:s12], [sflag:$0x7], $0x80, s13, s10, $0xb8;
	[tilespmem:$0x1EA00] =	vst v63  }
0x127: {  	s7 =	sand.u32 @!p0 $0x40, s7;
	s10 =	sadd.s32 @!p0 $0x40, s11;
	s12 =	simm.s32 @p0 $0x6  }
0x128: {  	s7 =	sadd.s32 @!p0 s6, s7;
	s10 =	sand.u32 @!p0 $0x1FF80, s10;
	_ =	swait.ge @p0 [sflag:s12], $0x2000  }
0x129: {  	s7 =	sadd.s32 @!p0 s10, s7;
	[sflag:s12] =	ssyncset.done @p0 $0x0  }
0x12a: {  	s10 =	simm.s32 @!p0 $0x0;
	[sflag:s12] =	ssyncadd.s32 @p0 $0xFFFFE000;
	s12 =	simm.s32 @!p0 $0x2800  }
0x12b: {  	[tilespmem:s12], [sflag:$0x9] =	stream.linear.gather @!p0 [hbm4b:s7+s10], $0x80, $0x38;
	[tilespmem:$0x1EA00] =	vst v63  }
0x12c: {  	s13 =	simm.s32 @!p0 $0x2A00;
	s7 =	simm.s32 @!p0 $0x100;
	s12 =	simm.s32 @!p0 $0x40  }
0x12d: {  	[tilespmem:s13], [sflag:$0x1] =	stream.indirect.gather @!p0 [hbm4b:s5+s12], $0x80, s7, s12, $0xb8;
	[tilespmem:$0x1EA00] =	vst v63  }
0x12e: {  	s7 =	simm.s32 @!p0 $0x3  }
0x12f: {  	_ =	swait.ge @!p0 [sflag:s7], $0x2000  }
0x130: {  	[sflag:s7] =	ssyncset.done @!p0 $0x0  }
0x131: {  	[sflag:s7] =	ssyncadd.s32 @!p0 $0xFFFFE000;
	s7 =	simm.s32 @!p0 $0xB  }
0x132: {  	_ =	swait.ge @!p0 [sflag:s7], $0x80  }
0x133: {  	[sflag:s7] =	ssyncset.done @!p0 $0x0  }
0x134: {  	s13 =	simm.s32 @!p0 $0x6A00;
	[sflag:s7] =	ssyncadd.s32 @!p0 $0xFFFFFF80;
	s7 =	simm.s32 @!p0 $0x2900  }
0x135: {  	[spmem:s1] =	stream.indirect.scatter.add.f32 @!p0 [tilespmem:s13], [sflag:$0x7], $0x80, s7, s12, $0xb8;
	[tilespmem:$0x1EA00] =	vst v63  }
0x136: {  	s7 =	simm.s32 @!p0 $0x50;
	s13 =	simm.s32 @!p0 $0x6  }
0x137: {  	s11 =	sadd.s32 @!p0 $0x50, s11;
	s7 =	sand.u32 @!p0 $0x50, s7;
	_ =	swait.ge @!p0 [sflag:s13], $0x2000  }
0x138: {  	s11 =	sand.u32 @!p0 $0x1FF80, s11;
	s7 =	sadd.s32 @!p0 s6, s7;
	[sflag:s13] =	ssyncset.done @!p0 $0x0  }
0x139: {  	s7 =	sadd.s32 @!p0 s11, s7;
	[sflag:s13] =	ssyncadd.s32 @!p0 $0xFFFFE000;
	s11 =	simm.s32 @!p0 $0x2880  }
0x13a: {  	[tilespmem:s11], [sflag:$0xA] =	stream.linear.gather @!p0 [hbm4b:s7+s10], $0x80, $0x38;
	[tilespmem:$0x1EA00] =	vst v63  }
0x13b: {  	s7 =	simm.s32 @!p0 $0x140;
	s10 =	simm.s32 @!p0 $0x4A00  }
0x13c: {  	[tilespmem:s10], [sflag:$0x2] =	stream.indirect.gather @!p0 [hbm4b:s5+s12], $0x80, s7, s12, $0xb8;
	[tilespmem:$0x1EA00] =	vst v63  }
0x13d: {  	p1 =	por $0x0, $0x0;
	_ =	swait.ge [sflag:s2], $0x2000  }
0x13e: {  	s24 =	simm.s32 $0x2900;
	s20 =	simm.s32 $0x6A00;
	[sflag:s2] =	ssyncset.done $0x0  }
0x13f: {  	s21 =	simm.s32 $0x2A00;
	s22 =	simm.s32 $0x2880;
	[sflag:s2] =	ssyncadd.s32 $0xFFFFE000  }
0x140: {  	s23 =	simm.s32 $0x4A00;
	s11 =	simm.s32 $0x40;
	_ =	swait.ge [sflag:s9], $0x80  }
0x141: {  	s10 =	simm.s32 $0x80;
	s7 =	simm.s32 $0x1C0;
	[sflag:s9] =	ssyncset.done $0x0  }
.LBB2_4:
0x142: {  	s13 =	simm.s32 @!p1 $0x7  }
0x143: {  	s14 =	sadd.s32 $0x20, s11;
	[sflag:s9] =	ssyncadd.s32 $0xFFFFFF80;
	s12 =	smov.u32 s10  }
0x144: {  	[spmem:s1] =	stream.indirect.scatter.add.f32 [tilespmem:s29], [sflag:$0x8], $0x80, s28, s19, $0xb8;
	[tilespmem:$0x1EA00] =	vst v63  }
0x145: {  	s15 =	sadd.s32 s11, s8;
	s14 =	sand.u32 $0x60, s14;
	_ =	swait.ge @!p1 [sflag:s13], $0x2000  }
0x146: {  	s15 =	sand.u32 $0x1FF80, s15;
	s14 =	sadd.s32 s6, s14;
	[sflag:s13] =	ssyncset.done @!p1 $0x0  }
0x147: {  	s10 =	sadd.s32 $0x40, s10;
	[sflag:s13] =	ssyncadd.s32 @!p1 $0xFFFFE000;
	s13 =	sadd.s32 s15, s14  }
0x148: {  	[tilespmem:s24], [sflag:$0xB] =	stream.linear.gather [hbm4b:s13+s3], $0x80, $0x38;
	[tilespmem:$0x1EA00] =	vst v63  }
0x149: {  	p0 =	sne.s32 s10, $0xA00;
	s13 =	sadd.s32 $0xFFFFFFC0, s7  }
0x14a: {  	[tilespmem:s20], [sflag:$0x3] =	stream.indirect.gather [hbm4b:s5+s19], $0x80, s13, s19, $0xb8;
	[tilespmem:$0x1EA00] =	vst v63  }
0x14b: {  	_ =	swait.ge [sflag:s25], $0x2000  }
0x14c: {  	[sflag:s25] =	ssyncset.done $0x0  }
0x14d: {  	[sflag:s25] =	ssyncadd.s32 $0xFFFFE000  }
0x14e: {  	_ =	swait.ge [sflag:s26], $0x80  }
0x14f: {  	s16 =	simm.s32 $0x2800;
	[sflag:s26] =	ssyncset.done $0x0  }
0x150: {  	s14 =	sadd.s32 $0x30, s11;
	s13 =	simm.s32 @!p1 $0x8;
	[sflag:s26] =	ssyncadd.s32 $0xFFFFFF80  }
0x151: {  	[spmem:s1] =	stream.indirect.scatter.add.f32 [tilespmem:s21], [sflag:$0x5], $0x80, s16, s19, $0xb8;
	[tilespmem:$0x1EA00] =	vst v63  }
0x152: {  	s14 =	sand.u32 $0x70, s14;
	_ =	swait.ge @!p1 [sflag:s13], $0x2000  }
0x153: {  	s14 =	sadd.s32 s6, s14;
	[sflag:s13] =	ssyncset.done @!p1 $0x0  }
0x154: {  	[sflag:s13] =	ssyncadd.s32 @!p1 $0xFFFFE000;
	s13 =	sadd.s32 s15, s14  }
0x155: {  	[tilespmem:s28], [sflag:$0xC] =	stream.linear.gather [hbm4b:s13+s3], $0x80, $0x38;
	[tilespmem:$0x1EA00] =	vst v63  }
0x156: {  	_ = 	snop  }
0x157: {  	[tilespmem:s29], [sflag:$0x4] =	stream.indirect.gather [hbm4b:s5+s19], $0x80, s7, s19, $0xb8;
	[tilespmem:$0x1EA00] =	vst v63  }
0x158: {  	_ =	swait.ge [sflag:s30], $0x2000  }
0x159: {  	[sflag:s30] =	ssyncset.done $0x0  }
0x15a: {  	[sflag:s30] =	ssyncadd.s32 $0xFFFFE000  }
0x15b: {  	_ =	swait.ge [sflag:s31], $0x80  }
0x15c: {  	[sflag:s31] =	ssyncset.done $0x0  }
0x15d: {  	[sflag:s31] =	ssyncadd.s32 $0xFFFFFF80  }
0x15e: {  	[spmem:s1] =	stream.indirect.scatter.add.f32 [tilespmem:s23], [sflag:$0x6], $0x80, s22, s19, $0xb8;
	[tilespmem:$0x1EA00] =	vst v63  }
0x15f: {  	_ =	swait.ge [sflag:s0], $0x2000  }
0x160: {  	p1 =	seq.s32 s11, $0x9C0;
	[sflag:s0] =	ssyncset.done $0x0  }
0x161: {  	s13 =	simm.s32 @p1 $0x3;
	s14 =	sadd.s32 @!p1 s11, s8;
	[sflag:s0] =	ssyncadd.s32 $0xFFFFE000  }
0x162: {  	s16 =	sxor.u32 @!p1 $0xFFFFFFFF, s11;
	s15 =	sadd.s32 @!p1 $0x40, s14;
	_ =	swait.ge @p1 [sflag:s13], $0x2000  }
0x163: {  	s16 =	sand.u32 @!p1 $0x40, s16;
	s15 =	sand.u32 @!p1 $0x1FF80, s15;
	[sflag:s13] =	ssyncset.done @p1 $0x0  }
0x164: {  	s16 =	sadd.s32 @!p1 s6, s16;
	[sflag:s13] =	ssyncadd.s32 @p1 $0xFFFFE000;
	s13 =	simm.s32 @p1 $0xB  }
0x165: {  	s11 =	sadd.s32 @!p1 $0x50, s11;
	s15 =	sadd.s32 @!p1 s15, s16;
	_ =	swait.ge @p1 [sflag:s13], $0x80  }
0x166: {  	s17 =	simm.s32 @p1 $0x6;
	s16 =	simm.s32 @p1 $0x6A00;
	[sflag:s13] =	ssyncset.done @p1 $0x0  }
0x167: {  	s18 =	simm.s32 @p1 $0x2900;
	[sflag:s13] =	ssyncadd.s32 @p1 $0xFFFFFF80;
	s13 =	simm.s32 @p1 $0x40  }
0x168: {  	[spmem:s1] =	stream.indirect.scatter.add.f32 @p1 [tilespmem:s16], [sflag:$0x7], $0x80, s18, s13, $0xb8;
	[tilespmem:$0x1EA00] =	vst v63  }
0x169: {  	s11 =	sand.u32 @!p1 $0x50, s11;
	s13 =	sadd.s32 @!p1 $0x50, s14;
	_ =	swait.ge @p1 [sflag:s17], $0x2000  }
0x16a: {  	s14 =	simm.s32 @!p1 $0x3;
	s16 =	sadd.s32 @!p1 s6, s11;
	[sflag:s17] =	ssyncset.done @p1 $0x0  }
0x16b: {  	s11 =	simm.s32 @!p1 $0x2800;
	[sflag:s17] =	ssyncadd.s32 @p1 $0xFFFFE000;
	s17 =	simm.s32 @!p1 $0x0  }
0x16c: {  	[tilespmem:s11], [sflag:$0x9] =	stream.linear.gather @!p1 [hbm4b:s15+s17], $0x80, $0x38;
	[tilespmem:$0x1EA00] =	vst v63  }
0x16d: {  	s18 =	simm.s32 @!p1 $0x2A00;
	s11 =	sadd.s32 @!p1 $0x40, s7;
	s15 =	simm.s32 @!p1 $0x40  }
0x16e: {  	[tilespmem:s18], [sflag:$0x1] =	stream.indirect.gather @!p1 [hbm4b:s5+s15], $0x80, s11, s15, $0xb8;
	[tilespmem:$0x1EA00] =	vst v63  }
0x16f: {  	s13 =	sand.u32 @!p1 $0x1FF80, s13;
	s11 =	smov.u32 s12;
	_ =	swait.ge @!p1 [sflag:s14], $0x2000  }
0x170: {  	s12 =	sadd.s32 @!p1 s13, s16;
	[sflag:s14] =	ssyncset.done @!p1 $0x0  }
0x171: {  	s13 =	simm.s32 @!p1 $0xB;
	[sflag:s14] =	ssyncadd.s32 @!p1 $0xFFFFE000  }
0x172: {  	_ =	swait.ge @!p1 [sflag:s13], $0x80  }
0x173: {  	s14 =	simm.s32 @!p1 $0x6;
	[sflag:s13] =	ssyncset.done @!p1 $0x0  }
0x174: {  	s16 =	simm.s32 @!p1 $0x6A00;
	[sflag:s13] =	ssyncadd.s32 @!p1 $0xFFFFFF80;
	s13 =	simm.s32 @!p1 $0x2900  }
0x175: {  	[spmem:s1] =	stream.indirect.scatter.add.f32 @!p1 [tilespmem:s16], [sflag:$0x7], $0x80, s13, s15, $0xb8;
	[tilespmem:$0x1EA00] =	vst v63  }
0x176: {  	_ =	swait.ge @!p1 [sflag:s14], $0x2000  }
0x177: {  	[sflag:s14] =	ssyncset.done @!p1 $0x0  }
0x178: {  	s13 =	simm.s32 @!p1 $0x2880;
	[sflag:s14] =	ssyncadd.s32 @!p1 $0xFFFFE000  }
0x179: {  	[tilespmem:s13], [sflag:$0xA] =	stream.linear.gather @!p1 [hbm4b:s12+s17], $0x80, $0x38;
	[tilespmem:$0x1EA00] =	vst v63  }
0x17a: {  	s12 =	sadd.s32 @!p1 $0x80, s7;
	s13 =	simm.s32 @!p1 $0x4A00  }
0x17b: {  	[tilespmem:s13], [sflag:$0x2] =	stream.indirect.gather @!p1 [hbm4b:s5+s15], $0x80, s12, s15, $0xb8;
	[tilespmem:$0x1EA00] =	vst v63  }
.Ltmp1:
0x17c: {  	_ =	swait.ge [sflag:s2], $0x2000;
	(pc) =	sbr.rel @p0 .LBB2_4-.Ltmp1, $4  }
0x17d: {  	[sflag:s2] =	ssyncset.done $0x0  }
0x17e: {  	[sflag:s2] =	ssyncadd.s32 $0xFFFFE000  }
0x17f: {  	_ =	swait.ge [sflag:s9], $0x80  }
0x180: {  	s7 =	sadd.s32 $0x100, s7;
	p1 =	seq.s32 s11, $0x0;
	[sflag:s9] =	ssyncset.done $0x0  }
0x181: {  	s10 =	simm.s32 @!p1 $0x7;
	s12 =	sadd.s32 $0x20, s11;
	[sflag:s9] =	ssyncadd.s32 $0xFFFFFF80  }
0x182: {  	[spmem:s1] =	stream.indirect.scatter.add.f32 [tilespmem:s29], [sflag:$0x8], $0x80, s28, s19, $0xb8;
	[tilespmem:$0x1EA00] =	vst v63  }
0x183: {  	s13 =	sadd.s32 s11, s8;
	s12 =	sand.u32 $0x60, s12;
	_ =	swait.ge @!p1 [sflag:s10], $0x2000  }
0x184: {  	s13 =	sand.u32 $0x1FF80, s13;
	s12 =	sadd.s32 s6, s12;
	[sflag:s10] =	ssyncset.done @!p1 $0x0  }
0x185: {  	s12 =	sadd.s32 s13, s12;
	[sflag:s10] =	ssyncadd.s32 @!p1 $0xFFFFE000  }
0x186: {  	[tilespmem:s24], [sflag:$0xB] =	stream.linear.gather [hbm4b:s12+s3], $0x80, $0x38;
	[tilespmem:$0x1EA00] =	vst v63  }
0x187: {  	s14 =	sadd.s32 $0xFFFFFFC0, s7  }
0x188: {  	[tilespmem:s20], [sflag:$0x3] =	stream.indirect.gather [hbm4b:s5+s19], $0x80, s14, s19, $0xb8;
	[tilespmem:$0x1EA00] =	vst v63  }
0x189: {  	_ =	swait.ge [sflag:s25], $0x2000  }
0x18a: {  	[sflag:s25] =	ssyncset.done $0x0  }
0x18b: {  	[sflag:s25] =	ssyncadd.s32 $0xFFFFE000  }
0x18c: {  	_ =	swait.ge [sflag:s26], $0x80  }
0x18d: {  	s15 =	sadd.s32 $0x30, s11;
	[sflag:s26] =	ssyncset.done $0x0  }
0x18e: {  	s10 =	simm.s32 @!p1 $0x8;
	s14 =	simm.s32 $0x2800;
	[sflag:s26] =	ssyncadd.s32 $0xFFFFFF80  }
0x18f: {  	[spmem:s1] =	stream.indirect.scatter.add.f32 [tilespmem:s21], [sflag:$0x5], $0x80, s14, s19, $0xb8;
	[tilespmem:$0x1EA00] =	vst v63  }
0x190: {  	s12 =	sand.u32 $0x70, s15;
	_ =	swait.ge @!p1 [sflag:s10], $0x2000  }
0x191: {  	s12 =	sadd.s32 s6, s12;
	[sflag:s10] =	ssyncset.done @!p1 $0x0  }
0x192: {  	s16 =	sadd.s32 s13, s12;
	[sflag:s10] =	ssyncadd.s32 @!p1 $0xFFFFE000  }
0x193: {  	[tilespmem:s28], [sflag:$0xC] =	stream.linear.gather [hbm4b:s16+s3], $0x80, $0x38;
	[tilespmem:$0x1EA00] =	vst v63  }
0x194: {  	_ = 	snop  }
0x195: {  	[tilespmem:s29], [sflag:$0x4] =	stream.indirect.gather [hbm4b:s5+s19], $0x80, s7, s19, $0xb8;
	[tilespmem:$0x1EA00] =	vst v63  }
0x196: {  	_ =	swait.ge [sflag:s30], $0x2000  }
0x197: {  	[sflag:s30] =	ssyncset.done $0x0  }
0x198: {  	[sflag:s30] =	ssyncadd.s32 $0xFFFFE000  }
0x199: {  	_ =	swait.ge [sflag:s31], $0x80  }
0x19a: {  	[sflag:s31] =	ssyncset.done $0x0  }
0x19b: {  	[sflag:s31] =	ssyncadd.s32 $0xFFFFFF80  }
0x19c: {  	[spmem:s1] =	stream.indirect.scatter.add.f32 [tilespmem:s23], [sflag:$0x6], $0x80, s22, s19, $0xb8;
	[tilespmem:$0x1EA00] =	vst v63  }
0x19d: {  	_ =	swait.ge [sflag:s0], $0x2000  }
0x19e: {  	p0 =	seq.s32 s11, $0x9C0;
	[sflag:s0] =	ssyncset.done $0x0  }
0x19f: {  	s10 =	simm.s32 @p0 $0x3;
	[sflag:s0] =	ssyncadd.s32 $0xFFFFE000  }
0x1a0: {  	_ =	swait.ge @p0 [sflag:s10], $0x2000  }
0x1a1: {  	[sflag:s10] =	ssyncset.done @p0 $0x0  }
0x1a2: {  	[sflag:s10] =	ssyncadd.s32 @p0 $0xFFFFE000;
	s10 =	simm.s32 @p0 $0xB  }
0x1a3: {  	s15 =	simm.s32 @p0 $0x2900;
	_ =	swait.ge @p0 [sflag:s10], $0x80  }
0x1a4: {  	s12 =	sadd.s32 @!p0 s11, s8;
	s13 =	sxor.u32 @!p0 $0xFFFFFFFF, s11;
	[sflag:s10] =	ssyncset.done @p0 $0x0  }
0x1a5: {  	s14 =	simm.s32 @p0 $0x6A00;
	[sflag:s10] =	ssyncadd.s32 @p0 $0xFFFFFF80;
	s10 =	simm.s32 @p0 $0x40  }
0x1a6: {  	[spmem:s1] =	stream.indirect.scatter.add.f32 @p0 [tilespmem:s14], [sflag:$0x7], $0x80, s15, s10, $0xb8;
	[tilespmem:$0x1EA00] =	vst v63  }
0x1a7: {  	s13 =	sand.u32 @!p0 $0x40, s13;
	s10 =	sadd.s32 @!p0 $0x40, s12;
	s14 =	simm.s32 @p0 $0x6  }
0x1a8: {  	s13 =	sadd.s32 @!p0 s6, s13;
	s10 =	sand.u32 @!p0 $0x1FF80, s10;
	_ =	swait.ge @p0 [sflag:s14], $0x2000  }
0x1a9: {  	s10 =	sadd.s32 @!p0 s10, s13;
	[sflag:s14] =	ssyncset.done @p0 $0x0  }
0x1aa: {  	s13 =	simm.s32 @!p0 $0x0;
	[sflag:s14] =	ssyncadd.s32 @p0 $0xFFFFE000;
	s14 =	simm.s32 @!p0 $0x2800  }
0x1ab: {  	[tilespmem:s14], [sflag:$0x9] =	stream.linear.gather @!p0 [hbm4b:s10+s13], $0x80, $0x38;
	[tilespmem:$0x1EA00] =	vst v63  }
0x1ac: {  	s15 =	simm.s32 @!p0 $0x2A00;
	s10 =	sadd.s32 @!p0 $0x40, s7;
	s14 =	simm.s32 @!p0 $0x40  }
0x1ad: {  	[tilespmem:s15], [sflag:$0x1] =	stream.indirect.gather @!p0 [hbm4b:s5+s14], $0x80, s10, s14, $0xb8;
	[tilespmem:$0x1EA00] =	vst v63  }
0x1ae: {  	s10 =	simm.s32 @!p0 $0x3  }
0x1af: {  	_ =	swait.ge @!p0 [sflag:s10], $0x2000  }
0x1b0: {  	[sflag:s10] =	ssyncset.done @!p0 $0x0  }
0x1b1: {  	[sflag:s10] =	ssyncadd.s32 @!p0 $0xFFFFE000;
	s10 =	simm.s32 @!p0 $0xB  }
0x1b2: {  	_ =	swait.ge @!p0 [sflag:s10], $0x80  }
0x1b3: {  	[sflag:s10] =	ssyncset.done @!p0 $0x0  }
0x1b4: {  	s15 =	simm.s32 @!p0 $0x6A00;
	[sflag:s10] =	ssyncadd.s32 @!p0 $0xFFFFFF80;
	s10 =	simm.s32 @!p0 $0x2900  }
0x1b5: {  	[spmem:s1] =	stream.indirect.scatter.add.f32 @!p0 [tilespmem:s15], [sflag:$0x7], $0x80, s10, s14, $0xb8;
	[tilespmem:$0x1EA00] =	vst v63  }
0x1b6: {  	s10 =	sadd.s32 @!p0 $0x50, s11;
	s11 =	simm.s32 @!p0 $0x6  }
0x1b7: {  	s12 =	sadd.s32 @!p0 $0x50, s12;
	s10 =	sand.u32 @!p0 $0x50, s10;
	_ =	swait.ge @!p0 [sflag:s11], $0x2000  }
0x1b8: {  	s12 =	sand.u32 @!p0 $0x1FF80, s12;
	s10 =	sadd.s32 @!p0 s6, s10;
	[sflag:s11] =	ssyncset.done @!p0 $0x0  }
0x1b9: {  	s10 =	sadd.s32 @!p0 s12, s10;
	[sflag:s11] =	ssyncadd.s32 @!p0 $0xFFFFE000;
	s11 =	simm.s32 @!p0 $0x2880  }
0x1ba: {  	[tilespmem:s11], [sflag:$0xA] =	stream.linear.gather @!p0 [hbm4b:s10+s13], $0x80, $0x38;
	[tilespmem:$0x1EA00] =	vst v63  }
0x1bb: {  	s7 =	sadd.s32 @!p0 $0x80, s7;
	s10 =	simm.s32 @!p0 $0x4A00  }
0x1bc: {  	[tilespmem:s10], [sflag:$0x2] =	stream.indirect.gather @!p0 [hbm4b:s5+s14], $0x80, s7, s14, $0xb8;
	[tilespmem:$0x1EA00] =	vst v63  }
0x1bd: {  	_ =	swait.ge [sflag:s2], $0x2000  }
0x1be: {  	[sflag:s2] =	ssyncset.done $0x0  }
0x1bf: {  	[sflag:s2] =	ssyncadd.s32 $0xFFFFE000  }
0x1c0: {  	_ =	swait.ge [sflag:s9], $0x80  }
0x1c1: {  	[sflag:s9] =	ssyncset.done $0x0  }
0x1c2: {  	s17 =	simm.s32 $0x7;
	[sflag:s9] =	ssyncadd.s32 $0xFFFFFF80  }
0x1c3: {  	[spmem:s1] =	stream.indirect.scatter.add.f32 [tilespmem:s29], [sflag:$0x8], $0x80, s28, s19, $0xb8;
	[tilespmem:$0x1EA00] =	vst v63  }
0x1c4: {  	_ =	swait.ge [sflag:s17], $0x2000  }
0x1c5: {  	[sflag:s17] =	ssyncset.done $0x0  }
0x1c6: {  	s18 =	simm.s32 $0x8;
	[sflag:s17] =	ssyncadd.s32 $0xFFFFE000  }
0x1c7: {  	_ =	swait.ge [sflag:s18], $0x2000  }
0x1c8: {  	[sflag:s18] =	ssyncset.done $0x0  }
0x1c9: {  	[sflag:s18] =	ssyncadd.s32 $0xFFFFE000  }
0x1ca: {  	[bflag:$0x0] =	sbarrier.arrive $0xFFFF  }
0x1cb: {  	s21 =	rddreg [dreg:$0x8]  }
0x1cc: {  	s11 =	rddreg [dreg:$0xa]  }
0x1cd: {  	s10 =	simm.s32 $0xD;
	s12 =	rddreg [dreg:$0xb]  }
0x1ce: {  	[hbm:s21], [sflag:s11] =	dma.local [spmem:s12], $0x2800  }
0x1cf: {  	_ =	swait.ge [sflag:s10], $0x2800  }
0x1d0: {  	s22 =	rddreg [dreg:$0xc]  }
0x1d1: {  	s23 =	rddreg [dreg:$0x9];
	s13 =	sadd.s32 $0x1, s22  }
0x1d2: {  	p0 =	sne.s32 s13, s23  }
.Ltmp2:
0x1d3: {  	_ = 	snop;
	(pc) =	sbr.rel @p0 .LBB2_1-.Ltmp2, $3  }
0x1d4: {  	_ =	sdelay $0x1  }
0x1d5: {  	[sflag:s10] =	ssyncset.done $0x0  }
0x1d6: {  	[sflag:s10] =	ssyncadd.s32 $0xFFFFD800  }
0x1d7: {  	_ =	sfence.sel $0x180000  }
0x1d8: {  	[bflag:$0x0] =	sbarrier.arrive $0xFFFF  }
0x1d9: {  	_ =	strace $0x9000004D  }
0x1da: {  	s0 =	stileid.u32;
	[bflag:$0x2] =	sbarrier.arrive $0xFFFF  }
0x1db: {  	p0 =	sne.s32 s0, $0x0;
	s0 =	rddreg [dreg:$0x2]  }
0x1dc: {  	s0 =	sadd.s32 @!p0 $0x100000, s0  }
0x1dd: {  	[sflag:s0] =	ssyncadd.tile.s32 @!p0 $0x1;
	_ =	shalt  }
.Lfunc_end2:
_tile_overlayer_lowered:
.L_overlay_start_2:
0x1de: {  	(tag) =	ssettag $0x2  }
0x1df: {  	s0 =	rddreg [dreg:$0x0];
	s2 =	stileid.u32  }
0x1e0: {  	s1 =	rddreg [dreg:$0x1];
	p0 =	sne.s32 s2, $0x0  }
0x1e1: {  	s3 =	rddreg [dreg:$0x2];
	[bflag:$0x3] =	sbarrier.arrive $0xFFFF;
	s2 =	simm.s32 @!p0 $0x1C0D  }
0x1e2: {  	[timem:s3], [sflag:s2] =	dma.local @!p0 [hbm:s0], s1  }
0x1e3: {  	s0 =	simm.s32 @!p0 $0xD  }
0x1e4: {  	_ =	swait.ge @!p0 [sflag:s0], s1  }
0x1e5: {  	s1 =	ssub.s32 @!p0 $0x0, s1;
	[sflag:s0] =	ssyncset.done @!p0 $0x0  }
0x1e6: {  	[sflag:s0] =	ssyncadd.s32 @!p0 s1  }
0x1e7: {  	[bflag:$0x3] =	sbarrier.arrive $0xFFFF  }
0x1e8: {  	_ =	shalt  }

// kernel: kernel.9.cloned.1.call-start
scs
__scs_entry_jumppad:
0x0: {  	(pc) =	sbr.rel $0x88, $3  }
0x1: {  	(tag) =	ssettag $0x0;
	lr =	simm.s32 $0x1  }
0x2: {  	[smem:$0x3F92] =	sst lr;
	_ =	strace $0xD0000000  }
0x3: {  	_ = 	snop  }
0x4: {  	_ = 	snop  }
0x5: {  	_ = 	snop  }
0x6: {  	_ = 	snop  }
0x7: {  	_ = 	snop  }
__scs_overlays_trampoline_lowered:
0x8: {  	[smem:$0x3FA1] =	sst s0  }
0x9: {  	[smem:$0x3FA2] =	sst s1  }
0xa: {  	[smem:$0x3FA3] =	sst s2  }
0xb: {  	[smem:$0x3FA4] =	sst s3  }
0xc: {  	[smem:$0x3FA5] =	sst s4  }
0xd: {  	[smem:$0x3FA6] =	sst s5  }
0xe: {  	[smem:$0x3FA7] =	sst s6  }
0xf: {  	[smem:$0x3FA8] =	sst s7  }
0x10: {  	[smem:$0x3FA9] =	sst s8  }
0x11: {  	[smem:$0x3FAA] =	sst s9;
	s0 =	simm.s32 @!p0 $0x0  }
0x12: {  	s1 =	sld [smem:$0x3F90];
	s0 =	simm.s32 @p0 $0x1  }
0x13: {  	[smem:$0x3FAB] =	sst s0;
	s0 =	simm.s32 @!p1 $0x0  }
0x14: {  	s2 =	sld [smem:$0x3F8F];
	s0 =	simm.s32 @p1 $0x1  }
0x15: {  	[smem:$0x3FAC] =	sst s0;
	s0 =	simm.s32 @!p2 $0x0  }
0x16: {  	s3 =	sld [smem:$0x3FDB];
	s0 =	simm.s32 @p2 $0x1  }
0x17: {  	s4 =	simm.s32 $0x1BF5;
	[smem:$0x3FAE] =	sst s0  }
0x18: {  	s0 =	sld [smem:$0x3F91];
	_ =	swait.ge [sflag:s4], $0x0  }
0x19: {  	s7 =	sld [smem:$0x3F92]  }
0x1a: {  	s8 =	sadd.s32 $0xFFFFE003, lr  }
0x1b: {  	s9 =	sadd.s32 $0xFFFFFEF7, lr;
	s5 =	simm.s32 $0xFFFFFFFF;
	p2 =	slt.u32 s8, $0xFFFFF086  }
0x1c: {  	p1 =	slt.u32 s9, $0xF7A;
	s5 =	simm.s32 @!p2 $0x0  }
0x1d: {  	s5 =	simm.s32 @p1 $0x1;
	p0 =	seq.s32 s7, s2  }
0x1e: {  	s7 =	smul.u32 @!p0 $0xF7A, s2;
	p2 =	seq.s32 @!p0 s5, $0x0  }
0x1f: {  	s9 =	smul.u32 $0xF7A, s1;
	s8 =	simm.s32 @!p0 $0x1BF5;
	p2 =	por !p2, p0  }
0x20: {  	[sflag:s8] =	ssyncset.s32 @!p0 $0xFFFFF086;
	s6 =	sadd.s32 @!p0 s3, s7;
	s7 =	simm.s32 @!p0 $0x108  }
0x21: {  	s3 =	sadd.s32 s3, s9;
	s6 =	sadd.s32 @!p0 $0x88, s6;
	s7 =	simm.s32 @p2 $0x1082  }
0x22: {  	[simem:s7], [sflag:s8] =	dma.local @!p0 [hbm:s6], $0xF7A  }
0x23: {  	s9 =	sor.u32 $0xD0000000, s2;
	s6 =	simm.s32 $0x108;
	_ =	swait.ge @!p0 [sflag:s8], $0x0  }
0x24: {  	s3 =	sadd.s32 $0x88, s3;
	s6 =	simm.s32 @!p1 $0x1082;
	[sflag:s4] =	ssyncset.s32 $0xFFFFF086  }
0x25: {  	[simem:s6], [sflag:s4] =	dma.local [hbm:s3], $0xF7A  }
0x26: {  	[smem:$0x3F92] =	sst s1;
	(tag) =	ssettag s2;
	_ =	strace s9  }
0x27: {  	s1 =	sld [smem:$0x3FA2]  }
0x28: {  	s2 =	sld [smem:$0x3FA3]  }
0x29: {  	s4 =	sld [smem:$0x3FA5]  }
0x2a: {  	p0 =	seq.s32 s5, $0x0;
	s5 =	sld [smem:$0x3FA6]  }
0x2b: {  	s6 =	sld [smem:$0x3FA7]  }
0x2c: {  	s7 =	sld [smem:$0x3FA8]  }
0x2d: {  	s3 =	simm.s32 $0x108;
	s8 =	sld [smem:$0x3FA9]  }
0x2e: {  	s3 =	simm.s32 @!p0 $0x1082;
	s9 =	sld [smem:$0x3FAA]  }
0x2f: {  	lr =	sadd.s32 s0, s3;
	s0 =	sld [smem:$0x3FA1]  }
0x30: {  	s3 =	sld [smem:$0x3FA4]  }
0x31: {  	[smem:$0x3FAD] =	sst s10  }
0x32: {  	s10 =	sld [smem:$0x3FAB];
	_ =	sdelay $0x3  }
0x33: {  	p0 =	seq.s32 s10, $0x1;
	s10 =	sld [smem:$0x3FAD];
	_ =	sdelay $0x3  }
0x34: {  	[smem:$0x3FAD] =	sst s10  }
0x35: {  	s10 =	sld [smem:$0x3FAC];
	_ =	sdelay $0x3  }
0x36: {  	p1 =	seq.s32 s10, $0x1;
	s10 =	sld [smem:$0x3FAD];
	_ =	sdelay $0x3  }
0x37: {  	[smem:$0x3FAD] =	sst s10  }
0x38: {  	s10 =	sld [smem:$0x3FAE]  }
0x39: {  	_ = 	snop;
	(pc) =	sbr.ind lr, $3  }
0x3a: {  	_ = 	snop  }
0x3b: {  	_ = 	snop  }
0x3c: {  	p2 =	seq.s32 s10, $0x1;
	s10 =	sld [smem:$0x3FAD]  }
0x3d: {  	_ =	shalt  }
0x3e: {  	_ =	shalt  }
0x3f: {  	_ =	shalt  }
0x40: {  	_ =	shalt  }
0x41: {  	_ =	shalt  }
0x42: {  	_ =	shalt  }
0x43: {  	_ =	shalt  }
0x44: {  	_ =	shalt  }
0x45: {  	_ =	shalt  }
0x46: {  	_ =	shalt  }
0x47: {  	_ =	shalt  }
0x48: {  	_ =	shalt  }
0x49: {  	_ =	shalt  }
0x4a: {  	_ =	shalt  }
0x4b: {  	_ =	shalt  }
0x4c: {  	_ =	shalt  }
0x4d: {  	_ =	shalt  }
0x4e: {  	_ =	shalt  }
0x4f: {  	_ =	shalt  }
0x50: {  	_ =	shalt  }
0x51: {  	_ =	shalt  }
0x52: {  	_ =	shalt  }
0x53: {  	_ =	shalt  }
0x54: {  	_ =	shalt  }
0x55: {  	_ =	shalt  }
0x56: {  	_ =	shalt  }
0x57: {  	_ =	shalt  }
0x58: {  	_ =	shalt  }
0x59: {  	_ =	shalt  }
0x5a: {  	_ =	shalt  }
0x5b: {  	_ =	shalt  }
0x5c: {  	_ =	shalt  }
0x5d: {  	_ =	shalt  }
0x5e: {  	_ =	shalt  }
0x5f: {  	_ =	shalt  }
0x60: {  	_ =	shalt  }
0x61: {  	_ =	shalt  }
0x62: {  	_ =	shalt  }
0x63: {  	_ =	shalt  }
0x64: {  	_ =	shalt  }
0x65: {  	_ =	shalt  }
0x66: {  	_ =	shalt  }
0x67: {  	_ =	shalt  }
0x68: {  	_ =	shalt  }
0x69: {  	_ =	shalt  }
0x6a: {  	_ =	shalt  }
0x6b: {  	_ =	shalt  }
0x6c: {  	_ =	shalt  }
0x6d: {  	_ =	shalt  }
0x6e: {  	_ =	shalt  }
0x6f: {  	_ =	shalt  }
0x70: {  	_ =	shalt  }
0x71: {  	_ =	shalt  }
0x72: {  	_ =	shalt  }
0x73: {  	_ =	shalt  }
0x74: {  	_ =	shalt  }
0x75: {  	_ =	shalt  }
0x76: {  	_ =	shalt  }
0x77: {  	_ =	shalt  }
0x78: {  	_ =	shalt  }
0x79: {  	_ =	shalt  }
0x7a: {  	_ =	shalt  }
0x7b: {  	_ =	shalt  }
0x7c: {  	_ =	shalt  }
0x7d: {  	_ =	shalt  }
0x7e: {  	_ =	shalt  }
0x7f: {  	_ =	shalt  }
0x80: {  	_ =	shalt  }
0x81: {  	_ =	shalt  }
0x82: {  	_ =	shalt  }
0x83: {  	_ =	shalt  }
0x84: {  	_ =	shalt  }
0x85: {  	_ =	shalt  }
0x86: {  	_ =	shalt  }
0x87: {  	_ =	shalt  }
.Lfunc_end0:
.L_simem_size_0:
called_computation_lowered:
.L_overlay_start_0:
0x88: {  	s2 =	sld [smem:$0x3FD9]  }
0x89: {  	s3 =	sld [smem:$0x3FFE];
	_ =	sdelay $0x1  }
0x8a: {  	s1 =	srdreg.scid  }
0x8b: {  	s0 =	sand.u32 $0x1, s1  }
0x8c: {  	s17 =	sshll.u32 s0, $0xA;
	s2 =	sadd.s32 s3, s2  }
0x8d: {  	s2 =	sadd.s32 s2, s17  }
0x8e: {  	[smem:$0x3FB9] =	sst s2  }
0x8f: {  	_ = 	snop  }
0x90: {  	s2 =	sld [smem:$0x3FD0];
	(tm) =	ssettm $0x1  }
0x91: {  	s18 =	sld [smem:$0x3FFB];
	_ =	sdelay $0x3  }
0x92: {  	_ =	strace s18  }
0x93: {  	s3 =	sld [smem:$0x3FFC];
	_ =	sdelay $0x3  }
0x94: {  	_ =	strace s3  }
0x95: {  	s3 =	sld [smem:$0x3FFD];
	_ =	sdelay $0x3  }
0x96: {  	_ =	strace s3  }
0x97: {  	_ =	strace $0x8FFFFFFF  }
0x98: {  	s19 =	sld [smem:$0x3FDB];
	_ =	sdelay $0x1  }
0x99: {  	s4 =	simm.s32 $_scs_section_size  }
0x9a: {  	s5 =	simm.s32 $_size__tile_overlayer_lowered;
	s6 =	simm.s32 $_tile_overlayer_lowered  }
0x9b: {  	s22 =	simm.s32 $0x1BFF;
	s21 =	sshll.u32 s6, $0x1;
	s3 =	sadd.s32 s4, s19  }
0x9c: {  	s7 =	simm.s32 $0x0;
	s20 =	sshll.u32 s5, $0x1;
	s5 =	sadd.s32 s21, s3  }
0x9d: {  	[timem:s7], [sflag:s22] =	dma.local [hbm:s5], s20  }
0x9e: {  	_ =	swait.ge [sflag:s22], s20  }
0x9f: {  	s4 =	ssub.s32 $0x0, s20;
	[sflag:s22] =	ssyncset.done $0x0  }
0xa0: {  	[sflag:s22] =	ssyncadd.s32 s4;
	_ =	sdelay $0x1  }
0xa1: {  	s23 =	simm.s32 $0x1B8B  }
0xa2: {  	_ =	swait.ge [sflag:s23], $0x1  }
0xa3: {  	[sflag:s23] =	ssyncset.done $0x0  }
0xa4: {  	s25 =	simm.s32 $0x1B8E;
	s24 =	sld [smem:$0x3FFE];
	[sflag:s23] =	ssyncadd.s32 $0xFFFFFFFF  }
0xa5: {  	s26 =	simm.s32 $execute0_lowered;
	[smem:$0x3FD2] =	sst s25  }
0xa6: {  	s5 =	sshll.u32 s26, $0x1;
	_ =	strace $0x80000046;
	[dreg:$0x1] =	wrdreg $0xFFFFFFFF  }
0xa7: {  	s28 =	simm.s32 $_size_execute0_lowered;
	s3 =	sadd.s32 s3, s5;
	[dreg:$0x0] =	wrdreg $0x0  }
0xa8: {  	s5 =	sshll.u32 s28, $0x1;
	[dreg:$0x2] =	wrdreg s3  }
0xa9: {  	[dreg:$0x3] =	wrdreg s5  }
0xaa: {  	[dreg:$0x4] =	wrdreg $0xC0  }
0xab: {  	_ =	task [dreg:s7], $0x5FFFF  }
0xac: {  	[dreg:$0x1] =	wrdreg $0xFFFFFFFF  }
0xad: {  	[dreg:$0x0] =	wrdreg $0x60  }
0xae: {  	[dreg:$0x2] =	wrdreg s24  }
0xaf: {  	[dreg:$0x3] =	wrdreg s2  }
0xb0: {  	[dreg:$0x4] =	wrdreg $0x80800  }
0xb1: {  	[dreg:$0x5] =	wrdreg $0x9  }
0xb2: {  	_ =	task.clear_ibuf [dreg:s7], $0x6FFFF;
	_ =	strace $0x90000046  }
0xb3: {  	s29 =	simm.s32 $0x9;
	_ =	strace $0x80000048  }
0xb4: {  	_ =	swait.ge [sflag:s29], $0x1  }
0xb5: {  	[sflag:s29] =	ssyncadd.s32 $0xFFFFFFFF  }
0xb6: {  	_ =	strace $0x90000048  }
0xb7: {  	_ =	sfence  }
0xb8: {  	s30 =	sld [smem:$0x0];
	_ =	sdelay $0x2  }
0xb9: {  	s31 =	sshll.u32 s1, $0xD;
	s1 =	sshrl.u32 s1, $0x2  }
0xba: {  	s3 =	sand.u32 $0x4000, s31;
	s1 =	sadd.s32 s1, s30  }
0xbb: {  	s0 =	sor.u32 s3, s0;
	s1 =	sshll.u32 s1, $0x11  }
0xbc: {  	s0 =	sor.u32 s1, s0  }
0xbd: {  	s0 =	sadd.s32 $0x8F2B, s0  }
0xbe: {  	[sflag:s0] =	ssyncadd.remote.s32 $0x1  }
0xbf: {  	_ =	sfence.sel $0xFFFF  }
0xc0: {  	[dreg:$0x0] =	wrdreg $0xFFFFFFFF;
	(pc) =	sbr.abs _section_cstart, $3  }
0xc1: {  	[dreg:$0x1] =	wrdreg $0xFFFFFFFF  }
0xc2: {  	_ =	task.clear_ibuf [dreg:s7], $0x2FFFF;
	_ =	strace $0x9FFFFFFF  }
0xc3: {  	(tm) =	ssettm $0x7FFFFFFF  }
tec
execute0_lowered:
.L_overlay_start_1:
0x0: {  	(tag) =	ssettag $0x1  }
0x1: {  	s0 =	srdreg.scid  }
0x2: {  	s16 =	stileid.u32;
	s15 =	rddreg [dreg:$0x0]  }
0x3: {  	s2 =	rddreg [dreg:$0x1];
	s0 =	sand.u32 $0x1, s0;
	s12 =	smul.u32 $0x500, s16  }
0x4: {  	s3 =	sadd.s32 $0x57000, s15;
	s1 =	ssub.s32 $0x2, s0;
	p0 =	seq.s32 s0, $0x1  }
0x5: {  	s4 =	sshrl.u32 s1, $0x1;
	s30 =	sshrl.u32 s12, $0x3;
	s31 =	sor.u32 $0x80, s12  }
0x6: {  	s5 =	sadd.s32 $0x180, s12;
	s7 =	sadd.s32 $0x200, s12;
	s8 =	sadd.s32 $0x300, s12  }
0x7: {  	s18 =	ssub.s32 s1, s4;
	s10 =	sadd.s32 s2, s30;
	s11 =	sshrl.u32 s31, $0x3  }
0x8: {  	s1 =	sadd.s32 s3, s30;
	s17 =	sshrl.u32 s5, $0x3;
	[dreg:$0x4] =	wrdreg s10  }
0x9: {  	s20 =	sshrl.u32 s7, $0x3;
	[dreg:$0x5] =	wrdreg s1;
	s13 =	sadd.s32 s2, s11  }
0xa: {  	s23 =	sshrl.u32 s8, $0x3;
	s0 =	sadd.s32 s3, s11;
	[dreg:$0x6] =	wrdreg s13  }
0xb: {  	s30 =	smul.u32 $0x5000, s16;
	s19 =	sadd.s32 s2, s17;
	[dreg:$0x7] =	wrdreg s0  }
0xc: {  	s1 =	sadd.s32 $0x100, s12;
	s21 =	sadd.s32 s2, s20;
	[dreg:$0xa] =	wrdreg s19  }
0xd: {  	s24 =	sadd.s32 s2, s23;
	s14 =	sshrl.u32 s1, $0x3;
	[dreg:$0xc] =	wrdreg s21  }
0xe: {  	s10 =	sadd.s32 $0x380, s12;
	[dreg:$0x10] =	wrdreg s24;
	s6 =	sadd.s32 s2, s14  }
0xf: {  	s25 =	sshrl.u32 s10, $0x3;
	s0 =	sadd.s32 s3, s14;
	[dreg:$0x8] =	wrdreg s6  }
0x10: {  	s31 =	sshll.u32 s31, $0x4;
	s26 =	sadd.s32 s2, s25;
	[dreg:$0x9] =	wrdreg s0  }
0x11: {  	s11 =	sadd.s32 $0x480, s12;
	s6 =	sadd.s32 s3, s17;
	[dreg:$0x12] =	wrdreg s26  }
0x12: {  	s0 =	sadd.s32 s3, s20;
	[dreg:$0xb] =	wrdreg s6;
	s6 =	sadd.s32 $0x280, s12  }
0x13: {  	s20 =	simm.s32 $0x0;
	[dreg:$0xd] =	wrdreg s0;
	s22 =	sshrl.u32 s6, $0x3  }
0x14: {  	s18 =	smax.u32 s18, $0x1;
	[smem:$0x7FF] =	sst s20;
	s9 =	sadd.s32 s2, s22  }
0x15: {  	s14 =	sadd.s32 $0xD2A00, s15;
	s0 =	sadd.s32 s3, s22;
	[dreg:$0xe] =	wrdreg s9  }
0x16: {  	s22 =	sshll.u32 s7, $0x4;
	[dreg:$0xf] =	wrdreg s0;
	s9 =	sadd.s32 s3, s23  }
0x17: {  	s0 =	sadd.s32 s3, s25;
	[dreg:$0x11] =	wrdreg s9;
	s9 =	sadd.s32 $0x400, s12  }
0x18: {  	s26 =	sadd.s32 s14, s22;
	[dreg:$0x13] =	wrdreg s0;
	s28 =	sshrl.u32 s9, $0x3  }
0x19: {  	s29 =	sshrl.u32 s11, $0x3;
	[smem:$0x7FD] =	sst s26;
	s13 =	sadd.s32 s2, s28  }
0x1a: {  	s1 =	sshll.u32 s1, $0x4;
	s0 =	sadd.s32 s3, s28;
	[dreg:$0x14] =	wrdreg s13  }
0x1b: {  	s19 =	sshll.u32 s5, $0x4;
	s2 =	sadd.s32 s2, s29;
	[dreg:$0x15] =	wrdreg s0  }
0x1c: {  	s11 =	sshll.u32 s11, $0x4;
	s24 =	sshll.u32 s6, $0x4;
	[dreg:$0x16] =	wrdreg s2  }
0x1d: {  	s0 =	sadd.s32 s3, s29;
	s29 =	sshll.u32 s10, $0x4;
	s10 =	rddreg [dreg:$0x2]  }
0x1e: {  	s13 =	sadd.s32 $0x82A00, s15;
	s2 =	sadd.s32 s14, s30;
	[dreg:$0x17] =	wrdreg s0  }
0x1f: {  	s28 =	sshll.u32 s8, $0x4;
	s4 =	sadd.s32 s13, s30;
	[dreg:$0x19] =	wrdreg s2  }
0x20: {  	s17 =	sadd.s32 s13, s31;
	s0 =	sadd.s32 s14, s31;
	s21 =	sadd.s32 s13, s1  }
0x21: {  	s1 =	sadd.s32 s14, s1;
	s23 =	sadd.s32 s13, s19;
	[dreg:$0x18] =	wrdreg s4  }
0x22: {  	s25 =	sadd.s32 s13, s22;
	s2 =	sadd.s32 s14, s24;
	[dreg:$0x1a] =	wrdreg s17  }
0x23: {  	s3 =	sadd.s32 s13, s28;
	s30 =	sshll.u32 s9, $0x4;
	[dreg:$0x1b] =	wrdreg s0  }
0x24: {  	s5 =	sadd.s32 s13, s29;
	s6 =	sadd.s32 s14, s29;
	[dreg:$0x1c] =	wrdreg s21  }
0x25: {  	s9 =	sadd.s32 s13, s11;
	s31 =	smul.u32 $0x2800, s16;
	[dreg:$0x1d] =	wrdreg s1  }
0x26: {  	s11 =	sadd.s32 s14, s11;
	s16 =	smul.u32 $0x50000, s16;
	[dreg:$0x1e] =	wrdreg s23  }
0x27: {  	s22 =	simm.s32 $0x80;
	s0 =	sadd.s32 s14, s19;
	[smem:$0x7FC] =	sst s25  }
0x28: {  	s1 =	sadd.s32 s13, s24;
	s4 =	sadd.s32 s14, s28;
	s7 =	sadd.s32 s13, s30  }
0x29: {  	s8 =	sadd.s32 s14, s30;
	s19 =	sadd.s32 s12, s15;
	s12 =	sadd.s32 $0x3A00, s15  }
.Ltmp0:
0x2a: {  	s13 =	sadd.s32 $0x51C00, s15;
	s14 =	sadd.s32 $0x5A200, s15;
	(pc) =	sbr.rel .LBB2_1-.Ltmp0, $4  }
0x2b: {  	s21 =	simm.s32 $0x2;
	s23 =	simm.s32 $0x1;
	s24 =	simm.s32 $0x4080  }
0x2c: {  	s25 =	simm.s32 $0x0;
	[dreg:$0x1f] =	wrdreg s0;
	s17 =	sadd.s32 s31, s15  }
0x2d: {  	s15 =	sadd.s32 $0x57A00, s15;
	s16 =	sshrl.u32 s16, $0x2;
	s19 =	sadd.s32 $0x52000, s19  }
0x2e: {  	_ =	strace $0x80000047;
	s16 =	sadd.s32 s16, s10;
	s17 =	sadd.s32 $0x5AA00, s17  }
.LBB2_2:
0x2f: {  	s0 =	rddreg [dreg:$0x4]  }
0x30: {  	[tilespmem:s20], [sflag:$0x2] =	stream.linear.gather [hbm4b:s0+s20], $0x80, $0x38;
	[tilespmem:$0x1C080] =	vst v63  }
0x31: {  	_ =	swait.ge [sflag:s21], $0x80  }
0x32: {  	[sflag:s21] =	ssyncset.done $0x0  }
0x33: {  	[sflag:s21] =	ssyncadd.s32 $0xFFFFFF80  }
0x34: {  	[tilespmem:s22], [sflag:$0x1] =	stream.indirect.gather [hbm4b:s12+s22], $0x80, s20, s22, $0xb8;
	[tilespmem:$0x1C080] =	vst v63  }
0x35: {  	_ =	swait.ge [sflag:s23], $0x4000  }
0x36: {  	[sflag:s23] =	ssyncset.done $0x0  }
0x37: {  	s28 =	rddreg [dreg:$0x18];
	[sflag:s23] =	ssyncadd.s32 $0xFFFFC000  }
0x38: {  	[hbm4b:s28+s20] =	stream.linear.scatter [tilespmem:s22], [sflag:$0x2], $0x4000, $0x38;
	[tilespmem:$0x1C080] =	vst v63  }
0x39: {  	_ =	swait.ge [sflag:s21], $0x4000  }
0x3a: {  	[sflag:s21] =	ssyncset.done $0x0  }
0x3b: {  	s29 =	rddreg [dreg:$0x5];
	[sflag:s21] =	ssyncadd.s32 $0xFFFFC000  }
0x3c: {  	[tilespmem:s20], [sflag:$0x2] =	stream.linear.gather [hbm4b:s29+s20], $0x80, $0x38;
	[tilespmem:$0x1C080] =	vst v63  }
0x3d: {  	_ =	swait.ge [sflag:s21], $0x80  }
0x3e: {  	[sflag:s21] =	ssyncset.done $0x0  }
0x3f: {  	[sflag:s21] =	ssyncadd.s32 $0xFFFFFF80  }
0x40: {  	[tilespmem:s22], [sflag:$0x1] =	stream.indirect.gather [hbm4b:s13+s22], $0x80, s20, s22, $0xb8;
	[tilespmem:$0x1C080] =	vst v63  }
0x41: {  	_ =	swait.ge [sflag:s23], $0x4000  }
0x42: {  	[sflag:s23] =	ssyncset.done $0x0  }
0x43: {  	s30 =	rddreg [dreg:$0x19];
	[sflag:s23] =	ssyncadd.s32 $0xFFFFC000  }
0x44: {  	[hbm4b:s30+s20] =	stream.linear.scatter [tilespmem:s22], [sflag:$0x2], $0x4000, $0x38;
	[tilespmem:$0x1C080] =	vst v63  }
0x45: {  	_ =	swait.ge [sflag:s21], $0x4000  }
0x46: {  	[sflag:s21] =	ssyncset.done $0x0  }
0x47: {  	s31 =	rddreg [dreg:$0x6];
	[sflag:s21] =	ssyncadd.s32 $0xFFFFC000  }
0x48: {  	[tilespmem:s20], [sflag:$0x2] =	stream.linear.gather [hbm4b:s31+s20], $0x80, $0x38;
	[tilespmem:$0x1C080] =	vst v63  }
0x49: {  	_ =	swait.ge [sflag:s21], $0x80  }
0x4a: {  	[sflag:s21] =	ssyncset.done $0x0  }
0x4b: {  	[sflag:s21] =	ssyncadd.s32 $0xFFFFFF80  }
0x4c: {  	[tilespmem:s22], [sflag:$0x1] =	stream.indirect.gather [hbm4b:s12+s22], $0x80, s20, s22, $0xb8;
	[tilespmem:$0x1C080] =	vst v63  }
0x4d: {  	_ =	swait.ge [sflag:s23], $0x4000  }
0x4e: {  	[sflag:s23] =	ssyncset.done $0x0  }
0x4f: {  	s26 =	rddreg [dreg:$0x1a];
	[sflag:s23] =	ssyncadd.s32 $0xFFFFC000  }
0x50: {  	[hbm4b:s26+s20] =	stream.linear.scatter [tilespmem:s22], [sflag:$0x2], $0x4000, $0x38;
	[tilespmem:$0x1C080] =	vst v63  }
0x51: {  	_ =	swait.ge [sflag:s21], $0x4000  }
0x52: {  	[sflag:s21] =	ssyncset.done $0x0  }
0x53: {  	s28 =	rddreg [dreg:$0x7];
	[sflag:s21] =	ssyncadd.s32 $0xFFFFC000  }
0x54: {  	[tilespmem:s20], [sflag:$0x2] =	stream.linear.gather [hbm4b:s28+s20], $0x80, $0x38;
	[tilespmem:$0x1C080] =	vst v63  }
0x55: {  	_ =	swait.ge [sflag:s21], $0x80  }
0x56: {  	[sflag:s21] =	ssyncset.done $0x0  }
0x57: {  	[sflag:s21] =	ssyncadd.s32 $0xFFFFFF80  }
0x58: {  	[tilespmem:s22], [sflag:$0x1] =	stream.indirect.gather [hbm4b:s13+s22], $0x80, s20, s22, $0xb8;
	[tilespmem:$0x1C080] =	vst v63  }
0x59: {  	_ =	swait.ge [sflag:s23], $0x4000  }
0x5a: {  	[sflag:s23] =	ssyncset.done $0x0  }
0x5b: {  	s29 =	rddreg [dreg:$0x1b];
	[sflag:s23] =	ssyncadd.s32 $0xFFFFC000  }
0x5c: {  	[hbm4b:s29+s20] =	stream.linear.scatter [tilespmem:s22], [sflag:$0x2], $0x4000, $0x38;
	[tilespmem:$0x1C080] =	vst v63  }
0x5d: {  	_ =	swait.ge [sflag:s21], $0x4000  }
0x5e: {  	[sflag:s21] =	ssyncset.done $0x0  }
0x5f: {  	s30 =	rddreg [dreg:$0x8];
	[sflag:s21] =	ssyncadd.s32 $0xFFFFC000  }
0x60: {  	[tilespmem:s20], [sflag:$0x2] =	stream.linear.gather [hbm4b:s30+s20], $0x80, $0x38;
	[tilespmem:$0x1C080] =	vst v63  }
0x61: {  	_ =	swait.ge [sflag:s21], $0x80  }
0x62: {  	[sflag:s21] =	ssyncset.done $0x0  }
0x63: {  	[sflag:s21] =	ssyncadd.s32 $0xFFFFFF80  }
0x64: {  	[tilespmem:s22], [sflag:$0x1] =	stream.indirect.gather [hbm4b:s12+s22], $0x80, s20, s22, $0xb8;
	[tilespmem:$0x1C080] =	vst v63  }
0x65: {  	_ =	swait.ge [sflag:s23], $0x4000  }
0x66: {  	[sflag:s23] =	ssyncset.done $0x0  }
0x67: {  	s31 =	rddreg [dreg:$0x1c];
	[sflag:s23] =	ssyncadd.s32 $0xFFFFC000  }
0x68: {  	[hbm4b:s31+s20] =	stream.linear.scatter [tilespmem:s22], [sflag:$0x2], $0x4000, $0x38;
	[tilespmem:$0x1C080] =	vst v63  }
0x69: {  	_ =	swait.ge [sflag:s21], $0x4000  }
0x6a: {  	[sflag:s21] =	ssyncset.done $0x0  }
0x6b: {  	s26 =	rddreg [dreg:$0x9];
	[sflag:s21] =	ssyncadd.s32 $0xFFFFC000  }
0x6c: {  	[tilespmem:s20], [sflag:$0x2] =	stream.linear.gather [hbm4b:s26+s20], $0x80, $0x38;
	[tilespmem:$0x1C080] =	vst v63  }
0x6d: {  	_ =	swait.ge [sflag:s21], $0x80  }
0x6e: {  	[sflag:s21] =	ssyncset.done $0x0  }
0x6f: {  	[sflag:s21] =	ssyncadd.s32 $0xFFFFFF80  }
0x70: {  	[tilespmem:s22], [sflag:$0x1] =	stream.indirect.gather [hbm4b:s13+s22], $0x80, s20, s22, $0xb8;
	[tilespmem:$0x1C080] =	vst v63  }
0x71: {  	_ =	swait.ge [sflag:s23], $0x4000  }
0x72: {  	[sflag:s23] =	ssyncset.done $0x0  }
0x73: {  	s28 =	rddreg [dreg:$0x1d];
	[sflag:s23] =	ssyncadd.s32 $0xFFFFC000  }
0x74: {  	[hbm4b:s28+s20] =	stream.linear.scatter [tilespmem:s22], [sflag:$0x2], $0x4000, $0x38;
	[tilespmem:$0x1C080] =	vst v63  }
0x75: {  	_ =	swait.ge [sflag:s21], $0x4000  }
0x76: {  	[sflag:s21] =	ssyncset.done $0x0  }
0x77: {  	s29 =	rddreg [dreg:$0xa];
	[sflag:s21] =	ssyncadd.s32 $0xFFFFC000  }
0x78: {  	[tilespmem:s20], [sflag:$0x2] =	stream.linear.gather [hbm4b:s29+s20], $0x80, $0x38;
	[tilespmem:$0x1C080] =	vst v63  }
0x79: {  	_ =	swait.ge [sflag:s21], $0x80  }
0x7a: {  	[sflag:s21] =	ssyncset.done $0x0  }
0x7b: {  	[sflag:s21] =	ssyncadd.s32 $0xFFFFFF80  }
0x7c: {  	[tilespmem:s22], [sflag:$0x1] =	stream.indirect.gather [hbm4b:s12+s22], $0x80, s20, s22, $0xb8;
	[tilespmem:$0x1C080] =	vst v63  }
0x7d: {  	_ =	swait.ge [sflag:s23], $0x4000  }
0x7e: {  	[sflag:s23] =	ssyncset.done $0x0  }
0x7f: {  	s30 =	rddreg [dreg:$0x1e];
	[sflag:s23] =	ssyncadd.s32 $0xFFFFC000  }
0x80: {  	[hbm4b:s30+s20] =	stream.linear.scatter [tilespmem:s22], [sflag:$0x2], $0x4000, $0x38;
	[tilespmem:$0x1C080] =	vst v63  }
0x81: {  	_ =	swait.ge [sflag:s21], $0x4000  }
0x82: {  	[sflag:s21] =	ssyncset.done $0x0  }
0x83: {  	s31 =	rddreg [dreg:$0xb];
	[sflag:s21] =	ssyncadd.s32 $0xFFFFC000  }
0x84: {  	[tilespmem:s20], [sflag:$0x2] =	stream.linear.gather [hbm4b:s31+s20], $0x80, $0x38;
	[tilespmem:$0x1C080] =	vst v63  }
0x85: {  	_ =	swait.ge [sflag:s21], $0x80  }
0x86: {  	[sflag:s21] =	ssyncset.done $0x0  }
0x87: {  	[sflag:s21] =	ssyncadd.s32 $0xFFFFFF80  }
0x88: {  	[tilespmem:s22], [sflag:$0x1] =	stream.indirect.gather [hbm4b:s13+s22], $0x80, s20, s22, $0xb8;
	[tilespmem:$0x1C080] =	vst v63  }
0x89: {  	_ =	swait.ge [sflag:s23], $0x4000  }
0x8a: {  	[sflag:s23] =	ssyncset.done $0x0  }
0x8b: {  	s26 =	rddreg [dreg:$0x1f];
	[sflag:s23] =	ssyncadd.s32 $0xFFFFC000  }
0x8c: {  	[hbm4b:s26+s20] =	stream.linear.scatter [tilespmem:s22], [sflag:$0x2], $0x4000, $0x38;
	[tilespmem:$0x1C080] =	vst v63  }
0x8d: {  	_ =	swait.ge [sflag:s21], $0x4000  }
0x8e: {  	[sflag:s21] =	ssyncset.done $0x0  }
0x8f: {  	s28 =	rddreg [dreg:$0xc];
	[sflag:s21] =	ssyncadd.s32 $0xFFFFC000  }
0x90: {  	[tilespmem:s20], [sflag:$0x2] =	stream.linear.gather [hbm4b:s28+s20], $0x80, $0x38;
	[tilespmem:$0x1C080] =	vst v63  }
0x91: {  	_ =	swait.ge [sflag:s21], $0x80  }
0x92: {  	[sflag:s21] =	ssyncset.done $0x0  }
0x93: {  	[sflag:s21] =	ssyncadd.s32 $0xFFFFFF80  }
0x94: {  	[tilespmem:s22], [sflag:$0x1] =	stream.indirect.gather [hbm4b:s12+s22], $0x80, s20, s22, $0xb8;
	[tilespmem:$0x1C080] =	vst v63  }
0x95: {  	_ =	swait.ge [sflag:s23], $0x4000  }
0x96: {  	s29 =	sld [smem:$0x7FC]  }
0x97: {  	[sflag:s23] =	ssyncset.done $0x0  }
0x98: {  	[sflag:s23] =	ssyncadd.s32 $0xFFFFC000  }
0x99: {  	[hbm4b:s29+s20] =	stream.linear.scatter [tilespmem:s22], [sflag:$0x2], $0x4000, $0x38;
	[tilespmem:$0x1C080] =	vst v63  }
0x9a: {  	_ =	swait.ge [sflag:s21], $0x4000  }
0x9b: {  	[sflag:s21] =	ssyncset.done $0x0  }
0x9c: {  	s30 =	rddreg [dreg:$0xd];
	[sflag:s21] =	ssyncadd.s32 $0xFFFFC000  }
0x9d: {  	[tilespmem:s20], [sflag:$0x2] =	stream.linear.gather [hbm4b:s30+s20], $0x80, $0x38;
	[tilespmem:$0x1C080] =	vst v63  }
0x9e: {  	_ =	swait.ge [sflag:s21], $0x80  }
0x9f: {  	[sflag:s21] =	ssyncset.done $0x0  }
0xa0: {  	[sflag:s21] =	ssyncadd.s32 $0xFFFFFF80  }
0xa1: {  	[tilespmem:s22], [sflag:$0x1] =	stream.indirect.gather [hbm4b:s13+s22], $0x80, s20, s22, $0xb8;
	[tilespmem:$0x1C080] =	vst v63  }
0xa2: {  	_ =	swait.ge [sflag:s23], $0x4000  }
0xa3: {  	s31 =	sld [smem:$0x7FD]  }
0xa4: {  	[sflag:s23] =	ssyncset.done $0x0  }
0xa5: {  	[sflag:s23] =	ssyncadd.s32 $0xFFFFC000  }
0xa6: {  	[hbm4b:s31+s20] =	stream.linear.scatter [tilespmem:s22], [sflag:$0x2], $0x4000, $0x38;
	[tilespmem:$0x1C080] =	vst v63  }
0xa7: {  	_ =	swait.ge [sflag:s21], $0x4000  }
0xa8: {  	[sflag:s21] =	ssyncset.done $0x0  }
0xa9: {  	s26 =	rddreg [dreg:$0xe];
	[sflag:s21] =	ssyncadd.s32 $0xFFFFC000  }
0xaa: {  	[tilespmem:s20], [sflag:$0x2] =	stream.linear.gather [hbm4b:s26+s20], $0x80, $0x38;
	[tilespmem:$0x1C080] =	vst v63  }
0xab: {  	_ =	swait.ge [sflag:s21], $0x80  }
0xac: {  	[sflag:s21] =	ssyncset.done $0x0  }
0xad: {  	[sflag:s21] =	ssyncadd.s32 $0xFFFFFF80  }
0xae: {  	[tilespmem:s22], [sflag:$0x1] =	stream.indirect.gather [hbm4b:s12+s22], $0x80, s20, s22, $0xb8;
	[tilespmem:$0x1C080] =	vst v63  }
0xaf: {  	_ =	swait.ge [sflag:s23], $0x4000  }
0xb0: {  	[sflag:s23] =	ssyncset.done $0x0  }
0xb1: {  	[sflag:s23] =	ssyncadd.s32 $0xFFFFC000  }
0xb2: {  	[hbm4b:s1+s20] =	stream.linear.scatter [tilespmem:s22], [sflag:$0x2], $0x4000, $0x38;
	[tilespmem:$0x1C080] =	vst v63  }
0xb3: {  	_ =	swait.ge [sflag:s21], $0x4000  }
0xb4: {  	[sflag:s21] =	ssyncset.done $0x0  }
0xb5: {  	s28 =	rddreg [dreg:$0xf];
	[sflag:s21] =	ssyncadd.s32 $0xFFFFC000  }
0xb6: {  	[tilespmem:s20], [sflag:$0x2] =	stream.linear.gather [hbm4b:s28+s20], $0x80, $0x38;
	[tilespmem:$0x1C080] =	vst v63  }
0xb7: {  	_ =	swait.ge [sflag:s21], $0x80  }
0xb8: {  	[sflag:s21] =	ssyncset.done $0x0  }
0xb9: {  	[sflag:s21] =	ssyncadd.s32 $0xFFFFFF80  }
0xba: {  	[tilespmem:s22], [sflag:$0x1] =	stream.indirect.gather [hbm4b:s13+s22], $0x80, s20, s22, $0xb8;
	[tilespmem:$0x1C080] =	vst v63  }
0xbb: {  	_ =	swait.ge [sflag:s23], $0x4000  }
0xbc: {  	[sflag:s23] =	ssyncset.done $0x0  }
0xbd: {  	[sflag:s23] =	ssyncadd.s32 $0xFFFFC000  }
0xbe: {  	[hbm4b:s2+s20] =	stream.linear.scatter [tilespmem:s22], [sflag:$0x2], $0x4000, $0x38;
	[tilespmem:$0x1C080] =	vst v63  }
0xbf: {  	_ =	swait.ge [sflag:s21], $0x4000  }
0xc0: {  	[sflag:s21] =	ssyncset.done $0x0  }
0xc1: {  	s29 =	rddreg [dreg:$0x10];
	[sflag:s21] =	ssyncadd.s32 $0xFFFFC000  }
0xc2: {  	[tilespmem:s20], [sflag:$0x2] =	stream.linear.gather [hbm4b:s29+s20], $0x80, $0x38;
	[tilespmem:$0x1C080] =	vst v63  }
0xc3: {  	_ =	swait.ge [sflag:s21], $0x80  }
0xc4: {  	[sflag:s21] =	ssyncset.done $0x0  }
0xc5: {  	[sflag:s21] =	ssyncadd.s32 $0xFFFFFF80  }
0xc6: {  	[tilespmem:s22], [sflag:$0x1] =	stream.indirect.gather [hbm4b:s12+s22], $0x80, s20, s22, $0xb8;
	[tilespmem:$0x1C080] =	vst v63  }
0xc7: {  	_ =	swait.ge [sflag:s23], $0x4000  }
0xc8: {  	[sflag:s23] =	ssyncset.done $0x0  }
0xc9: {  	[sflag:s23] =	ssyncadd.s32 $0xFFFFC000  }
0xca: {  	[hbm4b:s3+s20] =	stream.linear.scatter [tilespmem:s22], [sflag:$0x2], $0x4000, $0x38;
	[tilespmem:$0x1C080] =	vst v63  }
0xcb: {  	_ =	swait.ge [sflag:s21], $0x4000  }
0xcc: {  	[sflag:s21] =	ssyncset.done $0x0  }
0xcd: {  	s30 =	rddreg [dreg:$0x11];
	[sflag:s21] =	ssyncadd.s32 $0xFFFFC000  }
0xce: {  	[tilespmem:s20], [sflag:$0x2] =	stream.linear.gather [hbm4b:s30+s20], $0x80, $0x38;
	[tilespmem:$0x1C080] =	vst v63  }
0xcf: {  	_ =	swait.ge [sflag:s21], $0x80  }
0xd0: {  	[sflag:s21] =	ssyncset.done $0x0  }
0xd1: {  	[sflag:s21] =	ssyncadd.s32 $0xFFFFFF80  }
0xd2: {  	[tilespmem:s22], [sflag:$0x1] =	stream.indirect.gather [hbm4b:s13+s22], $0x80, s20, s22, $0xb8;
	[tilespmem:$0x1C080] =	vst v63  }
0xd3: {  	_ =	swait.ge [sflag:s23], $0x4000  }
0xd4: {  	[sflag:s23] =	ssyncset.done $0x0  }
0xd5: {  	[sflag:s23] =	ssyncadd.s32 $0xFFFFC000  }
0xd6: {  	[hbm4b:s4+s20] =	stream.linear.scatter [tilespmem:s22], [sflag:$0x2], $0x4000, $0x38;
	[tilespmem:$0x1C080] =	vst v63  }
0xd7: {  	_ =	swait.ge [sflag:s21], $0x4000  }
0xd8: {  	[sflag:s21] =	ssyncset.done $0x0  }
0xd9: {  	s31 =	rddreg [dreg:$0x12];
	[sflag:s21] =	ssyncadd.s32 $0xFFFFC000  }
0xda: {  	[tilespmem:s20], [sflag:$0x2] =	stream.linear.gather [hbm4b:s31+s20], $0x80, $0x38;
	[tilespmem:$0x1C080] =	vst v63  }
0xdb: {  	_ =	swait.ge [sflag:s21], $0x80  }
0xdc: {  	[sflag:s21] =	ssyncset.done $0x0  }
0xdd: {  	[sflag:s21] =	ssyncadd.s32 $0xFFFFFF80  }
0xde: {  	[tilespmem:s22], [sflag:$0x1] =	stream.indirect.gather [hbm4b:s12+s22], $0x80, s20, s22, $0xb8;
	[tilespmem:$0x1C080] =	vst v63  }
0xdf: {  	_ =	swait.ge [sflag:s23], $0x4000  }
0xe0: {  	[sflag:s23] =	ssyncset.done $0x0  }
0xe1: {  	[sflag:s23] =	ssyncadd.s32 $0xFFFFC000  }
0xe2: {  	[hbm4b:s5+s20] =	stream.linear.scatter [tilespmem:s22], [sflag:$0x2], $0x4000, $0x38;
	[tilespmem:$0x1C080] =	vst v63  }
0xe3: {  	_ =	swait.ge [sflag:s21], $0x4000  }
0xe4: {  	[sflag:s21] =	ssyncset.done $0x0  }
0xe5: {  	s26 =	rddreg [dreg:$0x13];
	[sflag:s21] =	ssyncadd.s32 $0xFFFFC000  }
0xe6: {  	[tilespmem:s20], [sflag:$0x2] =	stream.linear.gather [hbm4b:s26+s20], $0x80, $0x38;
	[tilespmem:$0x1C080] =	vst v63  }
0xe7: {  	_ =	swait.ge [sflag:s21], $0x80  }
0xe8: {  	[sflag:s21] =	ssyncset.done $0x0  }
0xe9: {  	[sflag:s21] =	ssyncadd.s32 $0xFFFFFF80  }
0xea: {  	[tilespmem:s22], [sflag:$0x1] =	stream.indirect.gather [hbm4b:s13+s22], $0x80, s20, s22, $0xb8;
	[tilespmem:$0x1C080] =	vst v63  }
0xeb: {  	_ =	swait.ge [sflag:s23], $0x4000  }
0xec: {  	[sflag:s23] =	ssyncset.done $0x0  }
0xed: {  	[sflag:s23] =	ssyncadd.s32 $0xFFFFC000  }
0xee: {  	[hbm4b:s6+s20] =	stream.linear.scatter [tilespmem:s22], [sflag:$0x2], $0x4000, $0x38;
	[tilespmem:$0x1C080] =	vst v63  }
0xef: {  	_ =	swait.ge [sflag:s21], $0x4000  }
0xf0: {  	[sflag:s21] =	ssyncset.done $0x0  }
0xf1: {  	s28 =	rddreg [dreg:$0x14];
	[sflag:s21] =	ssyncadd.s32 $0xFFFFC000  }
0xf2: {  	[tilespmem:s20], [sflag:$0x2] =	stream.linear.gather [hbm4b:s28+s20], $0x80, $0x38;
	[tilespmem:$0x1C080] =	vst v63  }
0xf3: {  	_ =	swait.ge [sflag:s21], $0x80  }
0xf4: {  	[sflag:s21] =	ssyncset.done $0x0  }
0xf5: {  	[sflag:s21] =	ssyncadd.s32 $0xFFFFFF80  }
0xf6: {  	[tilespmem:s22], [sflag:$0x1] =	stream.indirect.gather [hbm4b:s12+s22], $0x80, s20, s22, $0xb8;
	[tilespmem:$0x1C080] =	vst v63  }
0xf7: {  	_ =	swait.ge [sflag:s23], $0x4000  }
0xf8: {  	[sflag:s23] =	ssyncset.done $0x0  }
0xf9: {  	[sflag:s23] =	ssyncadd.s32 $0xFFFFC000  }
0xfa: {  	[hbm4b:s7+s20] =	stream.linear.scatter [tilespmem:s22], [sflag:$0x2], $0x4000, $0x38;
	[tilespmem:$0x1C080] =	vst v63  }
0xfb: {  	_ =	swait.ge [sflag:s21], $0x4000  }
0xfc: {  	[sflag:s21] =	ssyncset.done $0x0  }
0xfd: {  	s29 =	rddreg [dreg:$0x15];
	[sflag:s21] =	ssyncadd.s32 $0xFFFFC000  }
0xfe: {  	[tilespmem:s20], [sflag:$0x2] =	stream.linear.gather [hbm4b:s29+s20], $0x80, $0x38;
	[tilespmem:$0x1C080] =	vst v63  }
0xff: {  	_ =	swait.ge [sflag:s21], $0x80  }
0x100: {  	[sflag:s21] =	ssyncset.done $0x0  }
0x101: {  	[sflag:s21] =	ssyncadd.s32 $0xFFFFFF80  }
0x102: {  	[tilespmem:s22], [sflag:$0x1] =	stream.indirect.gather [hbm4b:s13+s22], $0x80, s20, s22, $0xb8;
	[tilespmem:$0x1C080] =	vst v63  }
0x103: {  	_ =	swait.ge [sflag:s23], $0x4000  }
0x104: {  	[sflag:s23] =	ssyncset.done $0x0  }
0x105: {  	[sflag:s23] =	ssyncadd.s32 $0xFFFFC000  }
0x106: {  	[hbm4b:s8+s20] =	stream.linear.scatter [tilespmem:s22], [sflag:$0x2], $0x4000, $0x38;
	[tilespmem:$0x1C080] =	vst v63  }
0x107: {  	_ =	swait.ge [sflag:s21], $0x4000  }
0x108: {  	[sflag:s21] =	ssyncset.done $0x0  }
0x109: {  	s30 =	rddreg [dreg:$0x16];
	[sflag:s21] =	ssyncadd.s32 $0xFFFFC000  }
0x10a: {  	[tilespmem:s20], [sflag:$0x2] =	stream.linear.gather [hbm4b:s30+s20], $0x80, $0x38;
	[tilespmem:$0x1C080] =	vst v63  }
0x10b: {  	_ =	swait.ge [sflag:s21], $0x80  }
0x10c: {  	[sflag:s21] =	ssyncset.done $0x0  }
0x10d: {  	[sflag:s21] =	ssyncadd.s32 $0xFFFFFF80  }
0x10e: {  	[tilespmem:s22], [sflag:$0x1] =	stream.indirect.gather [hbm4b:s12+s22], $0x80, s20, s22, $0xb8;
	[tilespmem:$0x1C080] =	vst v63  }
0x10f: {  	_ =	swait.ge [sflag:s23], $0x4000  }
0x110: {  	[sflag:s23] =	ssyncset.done $0x0  }
0x111: {  	[sflag:s23] =	ssyncadd.s32 $0xFFFFC000  }
0x112: {  	[hbm4b:s9+s20] =	stream.linear.scatter [tilespmem:s22], [sflag:$0x2], $0x4000, $0x38;
	[tilespmem:$0x1C080] =	vst v63  }
0x113: {  	_ =	swait.ge [sflag:s21], $0x4000  }
0x114: {  	[sflag:s21] =	ssyncset.done $0x0  }
0x115: {  	s31 =	rddreg [dreg:$0x17];
	[sflag:s21] =	ssyncadd.s32 $0xFFFFC000  }
0x116: {  	[tilespmem:s20], [sflag:$0x2] =	stream.linear.gather [hbm4b:s31+s20], $0x80, $0x38;
	[tilespmem:$0x1C080] =	vst v63  }
0x117: {  	_ =	swait.ge [sflag:s21], $0x80  }
0x118: {  	[sflag:s21] =	ssyncset.done $0x0  }
0x119: {  	[sflag:s21] =	ssyncadd.s32 $0xFFFFFF80  }
0x11a: {  	[tilespmem:s22], [sflag:$0x1] =	stream.indirect.gather [hbm4b:s13+s22], $0x80, s20, s22, $0xb8;
	[tilespmem:$0x1C080] =	vst v63  }
0x11b: {  	_ =	swait.ge [sflag:s23], $0x4000  }
0x11c: {  	[sflag:s23] =	ssyncset.done $0x0  }
0x11d: {  	[sflag:s23] =	ssyncadd.s32 $0xFFFFC000  }
0x11e: {  	[hbm4b:s11+s20] =	stream.linear.scatter [tilespmem:s22], [sflag:$0x2], $0x4000, $0x38;
	[tilespmem:$0x1C080] =	vst v63  }
0x11f: {  	_ =	swait.ge [sflag:s21], $0x4000  }
0x120: {  	[sflag:s21] =	ssyncset.done $0x0  }
0x121: {  	[sflag:s21] =	ssyncadd.s32 $0xFFFFC000  }
.LBB2_6:
0x122: {  	s25 =	sadd.s32 $0x1, s25  }
0x123: {  	p1 =	sne.s32 s25, s18  }
.Ltmp1:
0x124: {  	_ = 	snop;
	(pc) =	sbr.rel @!p1 .LBB2_7-.Ltmp1, $1  }
0x125: {  	_ =	sdelay $0x3  }
.LBB2_1:
.Ltmp2:
0x126: {  	(pc) =	sbr.rel @p0 .LBB2_2-.Ltmp2, $1  }
0x127: {  	_ =	sdelay $0x3  }
0x128: {  	s0 =	stileid.u32  }
0x129: {  	s26 =	sshll.u32 s0, $0x6  }
0x12a: {  	s28 =	sshrl.u32 s16, $0x3;
	s26 =	sor.u32 $0x1C02, s26  }
0x12b: {  	[spmem:s28], [sflag:s26] =	dma.local [hbm:s15], $0x2800  }
0x12c: {  	_ =	swait.ge [sflag:s21], $0x2800  }
0x12d: {  	[sflag:s21] =	ssyncset.done $0x0  }
0x12e: {  	s29 =	simm.s32 $0x0;
	[sflag:s21] =	ssyncadd.s32 $0xFFFFD800  }
0x12f: {  	[tilespmem:s24], [sflag:$0x2] =	stream.linear.gather [hbm4b:s14+s29], $0x4000, $0x38;
	[tilespmem:$0x1C080] =	vst v63  }
0x130: {  	_ =	swait.ge [sflag:s21], $0x4000  }
0x131: {  	[sflag:s21] =	ssyncset.done $0x0  }
0x132: {  	[sflag:s21] =	ssyncadd.s32 $0xFFFFC000  }
0x133: {  	s29 =	sadd.s32 $0x0, s19;
	[bflag:$0x0] =	sbarrier.arrive $0xFFFF  }
0x134: {  	[tilespmem:s20], [sflag:$0x2] =	stream.linear.gather [hbm4b:s29+s20], $0x80, $0x38;
	[tilespmem:$0x1C080] =	vst v63  }
0x135: {  	_ =	swait.ge [sflag:s21], $0x80  }
0x136: {  	[sflag:s21] =	ssyncset.done $0x0  }
0x137: {  	[sflag:s21] =	ssyncadd.s32 $0xFFFFFF80  }
0x138: {  	[spmem:s10] =	stream.indirect.scatter.add.f32 [tilespmem:s24], [sflag:$0x2], $0x80, s20, s22, $0xb8;
	[tilespmem:$0x1C080] =	vst v63  }
0x139: {  	_ =	swait.ge [sflag:s21], $0x4000  }
0x13a: {  	s30 =	simm.s32 $0x20;
	s29 =	simm.s32 $0x10;
	[sflag:s21] =	ssyncset.done $0x0  }
.LBB2_4:
0x13b: {  	s31 =	sadd.s32 s29, s19  }
0x13c: {  	[sflag:s21] =	ssyncadd.s32 $0xFFFFC000;
	s29 =	smov.u32 s30;
	s0 =	sadd.s32 $0x10, s30  }
0x13d: {  	[tilespmem:s20], [sflag:$0x2] =	stream.linear.gather [hbm4b:s31+s20], $0x80, $0x38;
	[tilespmem:$0x1C080] =	vst v63  }
0x13e: {  	p1 =	sne.s32 s30, $0x4F0;
	_ =	swait.ge [sflag:s21], $0x80  }
.Ltmp3:
0x13f: {  	[sflag:s21] =	ssyncset.done $0x0;
	(pc) =	sbr.rel @p1 .LBB2_4-.Ltmp3, $4  }
0x140: {  	[sflag:s21] =	ssyncadd.s32 $0xFFFFFF80  }
0x141: {  	[spmem:s10] =	stream.indirect.scatter.add.f32 [tilespmem:s24], [sflag:$0x2], $0x80, s20, s22, $0xb8;
	[tilespmem:$0x1C080] =	vst v63  }
0x142: {  	_ =	swait.ge [sflag:s21], $0x4000  }
0x143: {  	s30 =	smov.u32 s0;
	[sflag:s21] =	ssyncset.done $0x0  }
0x144: {  	s0 =	sadd.s32 s29, s19;
	[sflag:s21] =	ssyncadd.s32 $0xFFFFC000  }
0x145: {  	[tilespmem:s20], [sflag:$0x2] =	stream.linear.gather [hbm4b:s0+s20], $0x80, $0x38;
	[tilespmem:$0x1C080] =	vst v63  }
0x146: {  	_ =	swait.ge [sflag:s21], $0x80  }
0x147: {  	[sflag:s21] =	ssyncset.done $0x0  }
0x148: {  	[sflag:s21] =	ssyncadd.s32 $0xFFFFFF80  }
0x149: {  	[spmem:s10] =	stream.indirect.scatter.add.f32 [tilespmem:s24], [sflag:$0x2], $0x80, s20, s22, $0xb8;
	[tilespmem:$0x1C080] =	vst v63  }
0x14a: {  	_ =	swait.ge [sflag:s21], $0x4000  }
0x14b: {  	[sflag:s21] =	ssyncset.done $0x0  }
0x14c: {  	[sflag:s21] =	ssyncadd.s32 $0xFFFFC000  }
.Ltmp4:
0x14d: {  	[bflag:$0x0] =	sbarrier.arrive $0xFFFF;
	(pc) =	sbr.rel .LBB2_6-.Ltmp4, $4  }
0x14e: {  	[hbm:s17], [sflag:s26] =	dma.local [spmem:s28], $0x2800  }
0x14f: {  	_ =	swait.ge [sflag:s21], $0x2800  }
0x150: {  	[sflag:s21] =	ssyncset.done $0x0  }
0x151: {  	[sflag:s21] =	ssyncadd.s32 $0xFFFFD800  }
.LBB2_7:
0x152: {  	_ =	sfence.sel $0x180000  }
0x153: {  	[bflag:$0x0] =	sbarrier.arrive $0xFFFF  }
0x154: {  	_ =	strace $0x90000047  }
0x155: {  	s0 =	stileid.u32;
	[bflag:$0x2] =	sbarrier.arrive $0xFFFF  }
0x156: {  	p0 =	sne.s32 s0, $0x0;
	s0 =	rddreg [dreg:$0x3]  }
0x157: {  	s0 =	sadd.s32 @!p0 $0x100000, s0  }
0x158: {  	[sflag:s0] =	ssyncadd.tile.s32 @!p0 $0x1;
	_ =	shalt  }
.Lfunc_end2:
_tile_overlayer_lowered:
.L_overlay_start_2:
0x159: {  	(tag) =	ssettag $0x2  }
0x15a: {  	s0 =	rddreg [dreg:$0x0];
	s2 =	stileid.u32  }
0x15b: {  	s1 =	rddreg [dreg:$0x1];
	p0 =	sne.s32 s2, $0x0  }
0x15c: {  	s3 =	rddreg [dreg:$0x2];
	[bflag:$0x3] =	sbarrier.arrive $0xFFFF;
	s2 =	simm.s32 @!p0 $0x1C02  }
0x15d: {  	[timem:s3], [sflag:s2] =	dma.local @!p0 [hbm:s0], s1  }
0x15e: {  	s0 =	simm.s32 @!p0 $0x2  }
0x15f: {  	_ =	swait.ge @!p0 [sflag:s0], s1  }
0x160: {  	s1 =	ssub.s32 @!p0 $0x0, s1;
	[sflag:s0] =	ssyncset.done @!p0 $0x0  }
0x161: {  	[sflag:s0] =	ssyncadd.s32 @!p0 s1  }
0x162: {  	[bflag:$0x3] =	sbarrier.arrive $0xFFFF  }
0x163: {  	_ =	shalt  }

</sc_bundles>
